<compile_context>
chip_gen: v7x
topology: tpu7x:2x2x1
jax: 0.10.2.dev20260603
libtpu: 0.0.44.dev20260713+nightly
codegen_flags: <defaults>
</compile_context>

<pallas_src>
import functools

import jax
import jax.numpy as jnp
from jax import lax
from jax.experimental import pallas as pl
from jax.experimental.pallas import tpu as pltpu
from jax.experimental.pallas import tpu_sc as plsc

N, E, D, DE, H = 10000, 320000, 128, 16, 8
NC, NS = 2, 16
NW = NC * NS
EPW = E // NW
BCH = 200
NBCH = EPW // BCH
DCH = 40
NDCH = EPW // DCH
EBLK = 12800
NEBLK = E // EBLK
RBLK = 400
NRBLK = N // RBLK
NPAD = 10240
NPT = NPAD // NS
ZROWS = 16

_HI = jax.lax.Precision.HIGHEST


def _dot(a, b, dims):
    return lax.dot_general(a, b, (dims, ((), ())), precision=_HI,
                           preferred_element_type=jnp.float32)


def _lrelu(x):
    return jnp.maximum(x, 0.2 * x)



def _node_tables_body(x_ref, wq_ref, wk_ref, wv_ref, bv_ref,
                      xs_ref, xt_ref, v_ref):
    x = x_ref[...]
    xs_ref[...] = _dot(x, wq_ref[...], ((1,), (0,)))
    xt_ref[...] = _dot(x, wk_ref[...], ((1,), (0,)))
    v_ref[...] = _dot(x, wv_ref[...], ((1,), (0,))) + bv_ref[...]


def _node_tables(x, wq, wk, wv, bv):
    blk = lambda i: (i, 0)
    full = lambda i: (0, 0)
    return pl.pallas_call(
        _node_tables_body,
        grid=(NRBLK,),
        in_specs=[
            pl.BlockSpec((RBLK, D), blk),
            pl.BlockSpec((D, D), full),
            pl.BlockSpec((D, D), full),
            pl.BlockSpec((D, D), full),
            pl.BlockSpec((1, D), full),
        ],
        out_specs=[
            pl.BlockSpec((RBLK, D), blk),
            pl.BlockSpec((RBLK, D), blk),
            pl.BlockSpec((RBLK, D), blk),
        ],
        out_shape=[jax.ShapeDtypeStruct((N, D), jnp.float32)] * 3,
    )(x, wq, wk, wv, bv)



@functools.cache
def _sc_mesh():
    return plsc.VectorSubcoreMesh(core_axis_name="c", subcore_axis_name="s",
                                  num_cores=NC, num_subcores=NS)


def _edge_gather(src, tgt, xs, xt):
    k = pl.kernel(
        _edge_gather_body,
        mesh=_sc_mesh(),
        out_type=jax.ShapeDtypeStruct((E, D), jnp.float32),
        scratch_types=[
            pltpu.VMEM((EPW,), jnp.int32),
            pltpu.VMEM((EPW,), jnp.int32),
            pltpu.VMEM((BCH, D), jnp.float32),
            pltpu.VMEM((BCH, D), jnp.float32),
            pltpu.VMEM((BCH, D), jnp.float32),
            pltpu.VMEM((BCH, D), jnp.float32),
            pltpu.SemaphoreType.DMA,
            pltpu.SemaphoreType.DMA,
            pltpu.SemaphoreType.DMA,
            pltpu.SemaphoreType.DMA,
        ],
    )
    return k(src, tgt, xs, xt)


def _edge_gather_body(src_hbm, tgt_hbm, xs_hbm, xt_hbm, g_hbm,
                      idx_s, idx_t, ra0, rb0, ra1, rb1,
                      s0, s1, s2, s3):
    wid = lax.axis_index("s") * NC + lax.axis_index("c")
    base0 = wid * EPW
    abuf = (ra0, ra1)
    bbuf = (rb0, rb1)
    asem = (s0, s1)
    bsem = (s2, s3)

    pltpu.sync_copy(src_hbm.at[pl.ds(base0, EPW)], idx_s)
    pltpu.sync_copy(tgt_hbm.at[pl.ds(base0, EPW)], idx_t)

    def issue(ci, b):
        sl = pl.ds(ci * BCH, BCH)
        pltpu.async_copy(xs_hbm.at[idx_s.at[sl]], abuf[b], asem[b])
        pltpu.async_copy(xt_hbm.at[idx_t.at[sl]], bbuf[b], bsem[b])

    def wait(b):
        pltpu.make_async_copy(xs_hbm.at[idx_s.at[pl.ds(0, BCH)]],
                              abuf[b], asem[b]).wait()
        pltpu.make_async_copy(xt_hbm.at[idx_t.at[pl.ds(0, BCH)]],
                              bbuf[b], bsem[b]).wait()

    issue(0, 0)

    def step(i, carry):
        for b in range(2):
            ci = 2 * i + b

            @pl.when(ci + 1 < NBCH)
            def _():
                issue(ci + 1, (b + 1) % 2)

            wait(b)

            def add_row(e, c2):
                for g in range(D // 16):
                    sl = pl.ds(g * 16, 16)
                    abuf[b][e, sl] = abuf[b][e, sl] + bbuf[b][e, sl]
                return c2

            lax.fori_loop(0, BCH, add_row, 0)
            pltpu.sync_copy(abuf[b], g_hbm.at[pl.ds(base0 + ci * BCH, BCH)])
        return carry

    lax.fori_loop(0, NBCH // 2, step, 0)



def _sdot(a, b, dims):
    return lax.dot_general(a, b, (dims, ((), ())),
                           preferred_element_type=jnp.float32)


def _scores_body(g_ref, ef_ref, we_ref, bias_ref, a2w_ref, b2_ref,
                 score_ref, c_ref, mz_ref):
    i = pl.program_id(0)
    t = (g_ref[...] + _sdot(ef_ref[...], we_ref[...], ((1,), (0,)))
         + bias_ref[...])
    a = _lrelu(t)
    st = _sdot(a2w_ref[...], a, ((1,), (1,)))
    st = _lrelu(st + jnp.broadcast_to(b2_ref[:, 0:1], (H, EBLK)))
    srow = jnp.mean(st, axis=0, keepdims=True)
    score_ref[...] = srow[None]

    m_old = jnp.where(i == 0, -1e30, mz_ref[0])
    z_old = jnp.where(i == 0, 0.0, mz_ref[1])
    m_blk = jnp.max(srow)
    m_new = jnp.maximum(m_old, m_blk)
    z_new = z_old * jnp.exp(m_old - m_new) + jnp.sum(jnp.exp(srow - m_new))
    mz_ref[0] = m_new
    mz_ref[1] = z_new

    @pl.when(i == NEBLK - 1)
    def _():
        c_ref[0, 0] = m_new + jnp.log(z_new)


def _scores(g, ef, we, bias, a2w, b2f):
    blk = lambda i: (i, 0)
    full = lambda i: (0, 0)
    return pl.pallas_call(
        _scores_body,
        grid=(NEBLK,),
        in_specs=[
            pl.BlockSpec((EBLK, D), blk),
            pl.BlockSpec((EBLK, DE), blk),
            pl.BlockSpec((DE, D), full),
            pl.BlockSpec((1, D), full),
            pl.BlockSpec((H, D), full),
            pl.BlockSpec((H, D), full),
        ],
        out_specs=[
            pl.BlockSpec((1, 1, EBLK), lambda i: (i, 0, 0)),
            pl.BlockSpec(memory_space=pltpu.SMEM, block_shape=(1, 1),
                         index_map=full),
        ],
        out_shape=[jax.ShapeDtypeStruct((NEBLK, 1, EBLK), jnp.float32),
                   jax.ShapeDtypeStruct((1, 1), jnp.float32)],
        scratch_shapes=[pltpu.SMEM((2,), jnp.float32)],
        compiler_params=pltpu.CompilerParams(
            dimension_semantics=("arbitrary",)),
    )(g, ef, we, bias, a2w, b2f)



def _weights_body(score_ref, c_ref, w_ref):
    p = jnp.exp(score_ref[0] - c_ref[0, 0])
    p8 = jnp.broadcast_to(p, (8, EBLK))
    pt = jnp.transpose(p8, (1, 0))
    w_ref[...] = jnp.concatenate([pt, pt], axis=1)


def _weights(score3, c):
    return pl.pallas_call(
        _weights_body,
        grid=(NEBLK,),
        in_specs=[
            pl.BlockSpec((1, 1, EBLK), lambda i: (i, 0, 0)),
            pl.BlockSpec(memory_space=pltpu.SMEM, block_shape=(1, 1),
                         index_map=lambda i: (0, 0)),
        ],
        out_specs=pl.BlockSpec((EBLK, 16), lambda i: (i, 0)),
        out_shape=jax.ShapeDtypeStruct((E, 16), jnp.float32),
    )(score3, c)



def _scatter(src, wrep, v):
    k = pl.kernel(
        _scatter_body,
        mesh=_sc_mesh(),
        out_type=jax.ShapeDtypeStruct((NC, NPAD, D), jnp.float32),
        scratch_types=(
            [pltpu.VMEM((DCH,), jnp.int32)] * 4
            + [pltpu.VMEM((DCH, 16), jnp.float32)] * 4
            + [pltpu.VMEM((DCH, D), jnp.float32)] * 4
            + [pltpu.VMEM((ZROWS, D), jnp.float32),
               pltpu.VMEM_SHARED((NPAD, D), jnp.float32)]
            + [pltpu.SemaphoreType.DMA] * 8
        ),
    )
    return k(src, wrep, v)


def _scatter_body(src_hbm, wrep_hbm, v_hbm, out_hbm,
                  ib0, ib1, ib2, ib3, wb0, wb1, wb2, wb3,
                  rb0, rb1, rb2, rb3, zbuf, acc,
                  is0, is1, is2, is3, g0, g1, g2, g3):
    cid = lax.axis_index("c")
    sid = lax.axis_index("s")
    wid = sid * NC + cid
    base0 = wid * EPW
    ibuf = (ib0, ib1, ib2, ib3)
    wbuf = (wb0, wb1, wb2, wb3)
    rbuf = (rb0, rb1, rb2, rb3)
    isem = (is0, is1, is2, is3)
    gsem = (g0, g1, g2, g3)

    def zrow(r, carry):
        for g in range(D // 16):
            zbuf[r, pl.ds(g * 16, 16)] = jnp.zeros((16,), jnp.float32)
        return carry

    lax.fori_loop(0, ZROWS, zrow, 0)
    for j in range(NPT // ZROWS):
        pltpu.sync_copy(zbuf, acc.at[pl.ds(sid * NPT + j * ZROWS, ZROWS)])
    plsc.subcore_barrier()

    def issue_is(ci, b):
        sl = pl.ds(base0 + ci * DCH, DCH)
        pltpu.async_copy(src_hbm.at[sl], ibuf[b], isem[b])
        pltpu.async_copy(wrep_hbm.at[sl], wbuf[b], isem[b])

    def wait_is(b):
        pltpu.make_async_copy(src_hbm.at[pl.ds(0, DCH)], ibuf[b],
                              isem[b]).wait()
        pltpu.make_async_copy(wrep_hbm.at[pl.ds(0, DCH)], wbuf[b],
                              isem[b]).wait()

    def issue_g(b):
        pltpu.async_copy(v_hbm.at[ibuf[b]], rbuf[b], gsem[b])

    def wait_g(b):
        pltpu.make_async_copy(v_hbm.at[ibuf[b]], rbuf[b], gsem[b]).wait()

    def work(ci, b):
        @pl.when(ci + 2 < NDCH)
        def _():
            wait_is((b + 2) % 4)
            issue_g((b + 2) % 4)

        def scale_e(e, c2):
            wj = wbuf[b][e, pl.ds(0, 16)]
            for r in range(D // 16):
                sl = pl.ds(r * 16, 16)
                rbuf[b][e, sl] = rbuf[b][e, sl] * wj
            return c2

        lax.fori_loop(0, DCH, scale_e, 0)
        pltpu.sync_copy(rbuf[b], acc.at[ibuf[b]], add=True)

        @pl.when(ci + 4 < NDCH)
        def _():
            issue_is(ci + 4, b)

    issue_is(0, 0)
    issue_is(1, 1)
    wait_is(0)
    issue_g(0)
    issue_is(2, 2)
    wait_is(1)
    issue_g(1)
    issue_is(3, 3)

    def step(i, carry):
        for b in range(4):
            ci = 4 * i + b
            wait_g(b)
            work(ci, b)
        return carry

    main = (NDCH // 4) * 4
    lax.fori_loop(0, NDCH // 4, step, 0)
    for ci in range(main, NDCH):
        wait_g(ci % 4)
        work(ci, ci % 4)

    plsc.subcore_barrier()
    pltpu.sync_copy(acc.at[pl.ds(sid * NPT, NPT)],
                    out_hbm.at[cid, pl.ds(sid * NPT, NPT)])



def _final_body(x_ref, part_ref, wn_ref, bn_ref, gam_ref, bet_ref, out_ref):
    x = _dot(x_ref[...], wn_ref[...], ((1,), (0,))) + bn_ref[...]
    x = (x + part_ref[0].astype(jnp.float32)
         + part_ref[1].astype(jnp.float32))
    mu = jnp.mean(x, axis=1, keepdims=True)
    xc = x - mu
    var = jnp.mean(xc * xc, axis=1, keepdims=True)
    xn = xc * lax.rsqrt(var + 1e-5)
    out_ref[...] = xn * gam_ref[...] + bet_ref[...]


def _final(x, part, wn, bn, gam, bet):
    blk = lambda i: (i, 0)
    full = lambda i: (0, 0)
    return pl.pallas_call(
        _final_body,
        grid=(NRBLK,),
        in_specs=[
            pl.BlockSpec((RBLK, D), blk),
            pl.BlockSpec((NC, RBLK, D), lambda i: (0, i, 0)),
            pl.BlockSpec((D, D), full),
            pl.BlockSpec((1, D), full),
            pl.BlockSpec((1, D), full),
            pl.BlockSpec((1, D), full),
        ],
        out_specs=pl.BlockSpec((RBLK, D), blk),
        out_shape=jax.ShapeDtypeStruct((N, D), jnp.float32),
    )(x, part, wn, bn, gam, bet)



def kernel(node_features, edge_index, edge_features, W_node_w, W_node_b,
           W_query_w, W_query_b, W_key_w, W_key_b, W_value_w, W_value_b,
           W_edge_w, W_edge_b, attn1_w, attn1_b, attn2_w, attn2_b,
           ln_gamma, ln_beta):
    src = edge_index[0]
    tgt = edge_index[1]

    a1t = attn1_w.T
    aq, ak, ae = a1t[:D], a1t[D:2 * D], a1t[2 * D:]
    wq = W_query_w.T @ aq
    wk = W_key_w.T @ ak
    we = W_edge_w.T @ ae
    bias_tot = (attn1_b + W_query_b @ aq + W_key_b @ ak + W_edge_b @ ae)
    b2f = jnp.broadcast_to(attn2_b[:, None], (H, D))

    xs, xt, v = _node_tables(node_features, wq, wk, W_value_w.T,
                             W_value_b.reshape(1, D))
    g = _edge_gather(src, tgt, xs, xt)
    score3, c = _scores(g, edge_features, we, bias_tot.reshape(1, D),
                        attn2_w, b2f)
    wrep = _weights(score3, c)
    part = _scatter(src, wrep, v)
    return _final(node_features, part, W_node_w.T, W_node_b.reshape(1, D),
                  ln_gamma.reshape(1, D), ln_beta.reshape(1, D))

# --- scband reference (transcript-rebuilt; emitter-appended) ---
"""Pipeline reference for scband-graph-attention-layer-55722905699137 (READ-ONLY COPY).

The authoritative reference and input builder live on the scoring server;
editing this copy changes nothing except your own understanding.
"""

import jax, jax.numpy as jnp
import numpy as np

N, E, D, DE, H = 10000, 320000, 128, 16, 8


def _lin_params(k, out_d, in_d):
    k1, k2 = jax.random.split(k)
    bound = 1.0 / np.sqrt(in_d)
    W = jax.random.uniform(k1, (out_d, in_d), minval=-bound, maxval=bound, dtype=jnp.float32)
    b = jax.random.uniform(k2, (out_d,), minval=-bound, maxval=bound, dtype=jnp.float32)
    return W, b


def setup_inputs(seed: int = 0):
    key = jax.random.key(seed)
    ks = jax.random.split(key, 12)
    W_node_w, W_node_b = _lin_params(ks[2], D, D)
    W_query_w, W_query_b = _lin_params(ks[3], D, D)
    W_key_w, W_key_b = _lin_params(ks[4], D, D)
    W_value_w, W_value_b = _lin_params(ks[5], D, D)
    W_edge_w, W_edge_b = _lin_params(ks[6], D, DE)
    attn1_w, attn1_b = _lin_params(ks[7], D, 3 * D)
    attn2_w, attn2_b = _lin_params(ks[8], H, D)
    return {
        'node_features': jax.random.normal(ks[0], (N, D), dtype=jnp.float32),
        'edge_index': jax.random.randint(ks[1], (2, E), 0, N, dtype=jnp.int32),
        'edge_features': jax.random.normal(ks[9], (E, DE), dtype=jnp.float32),
        'W_node_w': W_node_w, 'W_node_b': W_node_b,
        'W_query_w': W_query_w, 'W_query_b': W_query_b,
        'W_key_w': W_key_w, 'W_key_b': W_key_b,
        'W_value_w': W_value_w, 'W_value_b': W_value_b,
        'W_edge_w': W_edge_w, 'W_edge_b': W_edge_b,
        'attn1_w': attn1_w, 'attn1_b': attn1_b,
        'attn2_w': attn2_w, 'attn2_b': attn2_b,
        'ln_gamma': jnp.ones((D,), dtype=jnp.float32),
        'ln_beta': jnp.zeros((D,), dtype=jnp.float32),
    }


def _leaky_relu(x, slope=0.2):
    return jnp.where(x >= 0, x, slope * x)


def reference(node_features, edge_index, edge_features, W_node_w, W_node_b, W_query_w, W_query_b, W_key_w, W_key_b, W_value_w, W_value_b, W_edge_w, W_edge_b, attn1_w, attn1_b, attn2_w, attn2_b, ln_gamma, ln_beta):
    h = node_features @ W_node_w.T + W_node_b
    query = node_features @ W_query_w.T + W_query_b
    key_ = node_features @ W_key_w.T + W_key_b
    value = node_features @ W_value_w.T + W_value_b
    edge_h = edge_features @ W_edge_w.T + W_edge_b
    src_nodes = edge_index[0]
    tgt_nodes = edge_index[1]
    src_f = jnp.take(query, src_nodes, axis=0)
    tgt_f = jnp.take(key_, tgt_nodes, axis=0)
    attn_in = jnp.concatenate([src_f, tgt_f, edge_h], axis=-1)
    a = _leaky_relu(attn_in @ attn1_w.T + attn1_b)
    attn_scores = a @ attn2_w.T + attn2_b
    attn_scores = _leaky_relu(attn_scores)
    attn_weights = jax.nn.softmax(attn_scores.mean(axis=-1), axis=0)
    tgt_values = jnp.take(value, tgt_nodes, axis=0)
    output = jnp.zeros_like(node_features).at[src_nodes].add(attn_weights[:, None] * tgt_values)
    x = h + output  # dropout is identity in eval mode
    mu = jnp.mean(x, axis=-1, keepdims=True)
    var = jnp.var(x, axis=-1, keepdims=True)
    xn = (x - mu) / jnp.sqrt(var + 1e-5)
    return xn * ln_gamma + ln_beta

if __name__ == "__main__":
    import jax
    _d = setup_inputs()
    print(jax.jit(kernel)(*tuple(_d.values())))

</pallas_src>

<mosaic_0001>
#map = affine_map<(d0, d1) -> (0)>
#map1 = affine_map<(d0, d1) -> (0, 0)>
#map2 = affine_map<(d0, d1) -> (0, 0, 0)>
module attributes {stable_mosaic.version = 14 : i64} {
  func.func @_scatter_body(%arg0: i32, %arg1: i32, %arg2: memref<320000xi32, #tpu.memory_space<hbm>>, %arg3: memref<320000x16xf32, #tpu.memory_space<hbm>>, %arg4: memref<10000x128xf32, #tpu.memory_space<hbm>>, %arg5: memref<2x10240x128xf32, #tpu.memory_space<hbm>>, %arg6: memref<40xi32, #tpu.memory_space<vmem>>, %arg7: memref<40xi32, #tpu.memory_space<vmem>>, %arg8: memref<40xi32, #tpu.memory_space<vmem>>, %arg9: memref<40xi32, #tpu.memory_space<vmem>>, %arg10: memref<40x16xf32, #tpu.memory_space<vmem>>, %arg11: memref<40x16xf32, #tpu.memory_space<vmem>>, %arg12: memref<40x16xf32, #tpu.memory_space<vmem>>, %arg13: memref<40x16xf32, #tpu.memory_space<vmem>>, %arg14: memref<40x128xf32, #tpu.memory_space<vmem>>, %arg15: memref<40x128xf32, #tpu.memory_space<vmem>>, %arg16: memref<40x128xf32, #tpu.memory_space<vmem>>, %arg17: memref<40x128xf32, #tpu.memory_space<vmem>>, %arg18: memref<16x128xf32, #tpu.memory_space<vmem>>, %arg19: memref<10240x128xf32, #tpu.memory_space<vmem_shared>>, %arg20: memref<!tpu.dma_semaphore, #tpu.memory_space<semaphore_mem>>, %arg21: memref<!tpu.dma_semaphore, #tpu.memory_space<semaphore_mem>>, %arg22: memref<!tpu.dma_semaphore, #tpu.memory_space<semaphore_mem>>, %arg23: memref<!tpu.dma_semaphore, #tpu.memory_space<semaphore_mem>>, %arg24: memref<!tpu.dma_semaphore, #tpu.memory_space<semaphore_mem>>, %arg25: memref<!tpu.dma_semaphore, #tpu.memory_space<semaphore_mem>>, %arg26: memref<!tpu.dma_semaphore, #tpu.memory_space<semaphore_mem>>, %arg27: memref<!tpu.dma_semaphore, #tpu.memory_space<semaphore_mem>>) attributes {dimension_semantics = [#tpu.dimension_semantics<core_parallel>, #tpu.dimension_semantics<subcore_parallel>], iteration_bounds = array<i64: 2, 16>, scalar_prefetch = 0 : i64, scratch_operands = 22 : i64, tpu.core_type = #tpu.core_type<sc_vector_subcore>, window_params = [{transform_indices = #map}, {transform_indices = #map1}, {transform_indices = #map1}, {transform_indices = #map2}]} {
    %mul3A = arith.constant 2 : i32
    %mul3A_0 = arith.muli %arg1, %mul3A : i32
    %add3A = arith.addi %mul3A_0, %arg0 : i32
    %mul3A_1 = arith.constant 10000 : i32
    %mul3A_2 = arith.muli %add3A, %mul3A_1 : i32
    %scan3A = arith.constant 0 : i32
    %scan3A_3 = arith.constant 0 : i32
    %scan3A_4 = arith.constant 16 : i32
    %scan3A_5 = arith.addi %scan3A_3, %scan3A_4 : i32
    %scan3A_6 = arith.constant 1 : i32
    scf.for %scan3A_253 = %scan3A_3 to %scan3A_5 step %scan3A_6  : i32 {
      %broadcast_in_dim3A = arith.constant 0.000000e+00 : f32
      %broadcast_in_dim3A_254 = vector.broadcast %broadcast_in_dim3A : f32 to vector<16xf32>
      %swap3A = arith.index_cast %scan3A_253 : i32 to index
      %swap3A_255 = arith.constant 0 : index
      %swap3A_256 = tpu.vector_load %arg18[%swap3A, %swap3A_255] {strides = array<i32>} : memref<16x128xf32, #tpu.memory_space<vmem>>, vector<1x16xf32>,
      %swap3A_257 = vector.shape_cast %swap3A_256 : vector<1x16xf32> to vector<16xf32>
      %swap3A_258 = vector.shape_cast %broadcast_in_dim3A_254 : vector<16xf32> to vector<1x16xf32>
      tpu.vector_store %arg18[%swap3A, %swap3A_255], %swap3A_258 {strides = array<i32>} : memref<16x128xf32, #tpu.memory_space<vmem>>, vector<1x16xf32>,
      %broadcast_in_dim3A_259 = arith.constant 0.000000e+00 : f32
      %broadcast_in_dim3A_260 = vector.broadcast %broadcast_in_dim3A_259 : f32 to vector<16xf32>
      %swap3A_261 = arith.index_cast %scan3A_253 : i32 to index
      %swap3A_262 = arith.constant 16 : index
      %swap3A_263 = tpu.vector_load %arg18[%swap3A_261, %swap3A_262] {strides = array<i32>} : memref<16x128xf32, #tpu.memory_space<vmem>>, vector<1x16xf32>,
      %swap3A_264 = vector.shape_cast %swap3A_263 : vector<1x16xf32> to vector<16xf32>
      %swap3A_265 = vector.shape_cast %broadcast_in_dim3A_260 : vector<16xf32> to vector<1x16xf32>
      tpu.vector_store %arg18[%swap3A_261, %swap3A_262], %swap3A_265 {strides = array<i32>} : memref<16x128xf32, #tpu.memory_space<vmem>>, vector<1x16xf32>,
      %broadcast_in_dim3A_266 = arith.constant 0.000000e+00 : f32
      %broadcast_in_dim3A_267 = vector.broadcast %broadcast_in_dim3A_266 : f32 to vector<16xf32>
      %swap3A_268 = arith.index_cast %scan3A_253 : i32 to index
      %swap3A_269 = arith.constant 32 : index
      %swap3A_270 = tpu.vector_load %arg18[%swap3A_268, %swap3A_269] {strides = array<i32>} : memref<16x128xf32, #tpu.memory_space<vmem>>, vector<1x16xf32>,
      %swap3A_271 = vector.shape_cast %swap3A_270 : vector<1x16xf32> to vector<16xf32>
      %swap3A_272 = vector.shape_cast %broadcast_in_dim3A_267 : vector<16xf32> to vector<1x16xf32>
      tpu.vector_store %arg18[%swap3A_268, %swap3A_269], %swap3A_272 {strides = array<i32>} : memref<16x128xf32, #tpu.memory_space<vmem>>, vector<1x16xf32>,
      %broadcast_in_dim3A_273 = arith.constant 0.000000e+00 : f32
      %broadcast_in_dim3A_274 = vector.broadcast %broadcast_in_dim3A_273 : f32 to vector<16xf32>
      %swap3A_275 = arith.index_cast %scan3A_253 : i32 to index
      %swap3A_276 = arith.constant 48 : index
      %swap3A_277 = tpu.vector_load %arg18[%swap3A_275, %swap3A_276] {strides = array<i32>} : memref<16x128xf32, #tpu.memory_space<vmem>>, vector<1x16xf32>,
      %swap3A_278 = vector.shape_cast %swap3A_277 : vector<1x16xf32> to vector<16xf32>
      %swap3A_279 = vector.shape_cast %broadcast_in_dim3A_274 : vector<16xf32> to vector<1x16xf32>
      tpu.vector_store %arg18[%swap3A_275, %swap3A_276], %swap3A_279 {strides = array<i32>} : memref<16x128xf32, #tpu.memory_space<vmem>>, vector<1x16xf32>,
      %broadcast_in_dim3A_280 = arith.constant 0.000000e+00 : f32
      %broadcast_in_dim3A_281 = vector.broadcast %broadcast_in_dim3A_280 : f32 to vector<16xf32>
      %swap3A_282 = arith.index_cast %scan3A_253 : i32 to index
      %swap3A_283 = arith.constant 64 : index
      %swap3A_284 = tpu.vector_load %arg18[%swap3A_282, %swap3A_283] {strides = array<i32>} : memref<16x128xf32, #tpu.memory_space<vmem>>, vector<1x16xf32>,
      %swap3A_285 = vector.shape_cast %swap3A_284 : vector<1x16xf32> to vector<16xf32>
      %swap3A_286 = vector.shape_cast %broadcast_in_dim3A_281 : vector<16xf32> to vector<1x16xf32>
      tpu.vector_store %arg18[%swap3A_282, %swap3A_283], %swap3A_286 {strides = array<i32>} : memref<16x128xf32, #tpu.memory_space<vmem>>, vector<1x16xf32>,
      %broadcast_in_dim3A_287 = arith.constant 0.000000e+00 : f32
      %broadcast_in_dim3A_288 = vector.broadcast %broadcast_in_dim3A_287 : f32 to vector<16xf32>
      %swap3A_289 = arith.index_cast %scan3A_253 : i32 to index
      %swap3A_290 = arith.constant 80 : index
      %swap3A_291 = tpu.vector_load %arg18[%swap3A_289, %swap3A_290] {strides = array<i32>} : memref<16x128xf32, #tpu.memory_space<vmem>>, vector<1x16xf32>,
      %swap3A_292 = vector.shape_cast %swap3A_291 : vector<1x16xf32> to vector<16xf32>
      %swap3A_293 = vector.shape_cast %broadcast_in_dim3A_288 : vector<16xf32> to vector<1x16xf32>
      tpu.vector_store %arg18[%swap3A_289, %swap3A_290], %swap3A_293 {strides = array<i32>} : memref<16x128xf32, #tpu.memory_space<vmem>>, vector<1x16xf32>,
      %broadcast_in_dim3A_294 = arith.constant 0.000000e+00 : f32
      %broadcast_in_dim3A_295 = vector.broadcast %broadcast_in_dim3A_294 : f32 to vector<16xf32>
      %swap3A_296 = arith.index_cast %scan3A_253 : i32 to index
      %swap3A_297 = arith.constant 96 : index
      %swap3A_298 = tpu.vector_load %arg18[%swap3A_296, %swap3A_297] {strides = array<i32>} : memref<16x128xf32, #tpu.memory_space<vmem>>, vector<1x16xf32>,
      %swap3A_299 = vector.shape_cast %swap3A_298 : vector<1x16xf32> to vector<16xf32>
      %swap3A_300 = vector.shape_cast %broadcast_in_dim3A_295 : vector<16xf32> to vector<1x16xf32>
      tpu.vector_store %arg18[%swap3A_296, %swap3A_297], %swap3A_300 {strides = array<i32>} : memref<16x128xf32, #tpu.memory_space<vmem>>, vector<1x16xf32>,
      %broadcast_in_dim3A_301 = arith.constant 0.000000e+00 : f32
      %broadcast_in_dim3A_302 = vector.broadcast %broadcast_in_dim3A_301 : f32 to vector<16xf32>
      %swap3A_303 = arith.index_cast %scan3A_253 : i32 to index
      %swap3A_304 = arith.constant 112 : index
      %swap3A_305 = tpu.vector_load %arg18[%swap3A_303, %swap3A_304] {strides = array<i32>} : memref<16x128xf32, #tpu.memory_space<vmem>>, vector<1x16xf32>,
      %swap3A_306 = vector.shape_cast %swap3A_305 : vector<1x16xf32> to vector<16xf32>
      %swap3A_307 = vector.shape_cast %broadcast_in_dim3A_302 : vector<16xf32> to vector<1x16xf32>
      tpu.vector_store %arg18[%swap3A_303, %swap3A_304], %swap3A_307 {strides = array<i32>} : memref<16x128xf32, #tpu.memory_space<vmem>>, vector<1x16xf32>,
    }
    %scan3A_7 = arith.constant 16 : i32
    %mul3A_8 = arith.constant 640 : i32
    %mul3A_9 = arith.muli %arg1, %mul3A_8 : i32
    %add3A_10 = arith.constant 0 : i32
    %add3A_11 = arith.addi %mul3A_9, %add3A_10 : i32
    "tpu.region"() ({
      %run_scoped3A = tpu.sem_alloc : memref<!tpu.dma_semaphore, #tpu.memory_space<semaphore_mem>>
      %dma_start3A_253 = arith.constant 0 : i32
      %dma_start3A_254 = tpu.memref_slice %arg19[%add3A_11, %dma_start3A_253] : memref<10240x128xf32, #tpu.memory_space<vmem_shared>> -> memref<16x128xf32, #tpu.memory_space<vmem_shared>>
      %dma_start3A_255 = arith.constant 0 : i32
      %dma_start3A_256 = tpu.memref_slice %arg19[%add3A_11, %dma_start3A_255] : memref<10240x128xf32, #tpu.memory_space<vmem_shared>> -> memref<16x128xf32, #tpu.memory_space<vmem_shared>>
      tpu.enqueue_dma source(%arg18 : memref<16x128xf32, #tpu.memory_space<vmem>>) target(%dma_start3A_256 : memref<16x128xf32, #tpu.memory_space<vmem_shared>>) target_semaphore(%run_scoped3A : memref<!tpu.dma_semaphore, #tpu.memory_space<semaphore_mem>>)
      %dma_wait3A_257 = arith.constant 0 : i32
      %dma_wait3A_258 = tpu.memref_slice %arg19[%add3A_11, %dma_wait3A_257] : memref<10240x128xf32, #tpu.memory_space<vmem_shared>> -> memref<16x128xf32, #tpu.memory_space<vmem_shared>>
      %dma_wait3A_259 = arith.constant 0 : i32
      %dma_wait3A_260 = tpu.memref_slice %arg19[%add3A_11, %dma_wait3A_259] : memref<10240x128xf32, #tpu.memory_space<vmem_shared>> -> memref<16x128xf32, #tpu.memory_space<vmem_shared>>
      tpu.wait_dma2 semaphore(%run_scoped3A : memref<!tpu.dma_semaphore, #tpu.memory_space<semaphore_mem>>) src(%arg18 : memref<16x128xf32, #tpu.memory_space<vmem>>) dst(%dma_wait3A_260 : memref<16x128xf32, #tpu.memory_space<vmem_shared>>)
      tpu.yield
    }) : () -> ()
    %mul3A_12 = arith.constant 640 : i32
    %mul3A_13 = arith.muli %arg1, %mul3A_12 : i32
    %add3A_14 = arith.constant 16 : i32
    %add3A_15 = arith.addi %mul3A_13, %add3A_14 : i32
    "tpu.region"() ({
      %run_scoped3A = tpu.sem_alloc : memref<!tpu.dma_semaphore, #tpu.memory_space<semaphore_mem>>
      %dma_start3A_253 = arith.constant 0 : i32
      %dma_start3A_254 = tpu.memref_slice %arg19[%add3A_15, %dma_start3A_253] : memref<10240x128xf32, #tpu.memory_space<vmem_shared>> -> memref<16x128xf32, #tpu.memory_space<vmem_shared>>
      %dma_start3A_255 = arith.constant 0 : i32
      %dma_start3A_256 = tpu.memref_slice %arg19[%add3A_15, %dma_start3A_255] : memref<10240x128xf32, #tpu.memory_space<vmem_shared>> -> memref<16x128xf32, #tpu.memory_space<vmem_shared>>
      tpu.enqueue_dma source(%arg18 : memref<16x128xf32, #tpu.memory_space<vmem>>) target(%dma_start3A_256 : memref<16x128xf32, #tpu.memory_space<vmem_shared>>) target_semaphore(%run_scoped3A : memref<!tpu.dma_semaphore, #tpu.memory_space<semaphore_mem>>)
      %dma_wait3A_257 = arith.constant 0 : i32
      %dma_wait3A_258 = tpu.memref_slice %arg19[%add3A_15, %dma_wait3A_257] : memref<10240x128xf32, #tpu.memory_space<vmem_shared>> -> memref<16x128xf32, #tpu.memory_space<vmem_shared>>
      %dma_wait3A_259 = arith.constant 0 : i32
      %dma_wait3A_260 = tpu.memref_slice %arg19[%add3A_15, %dma_wait3A_259] : memref<10240x128xf32, #tpu.memory_space<vmem_shared>> -> memref<16x128xf32, #tpu.memory_space<vmem_shared>>
      tpu.wait_dma2 semaphore(%run_scoped3A : memref<!tpu.dma_semaphore, #tpu.memory_space<semaphore_mem>>) src(%arg18 : memref<16x128xf32, #tpu.memory_space<vmem>>) dst(%dma_wait3A_260 : memref<16x128xf32, #tpu.memory_space<vmem_shared>>)
      tpu.yield
    }) : () -> ()
    %mul3A_16 = arith.constant 640 : i32
    %mul3A_17 = arith.muli %arg1, %mul3A_16 : i32
    %add3A_18 = arith.constant 32 : i32
    %add3A_19 = arith.addi %mul3A_17, %add3A_18 : i32
    "tpu.region"() ({
      %run_scoped3A = tpu.sem_alloc : memref<!tpu.dma_semaphore, #tpu.memory_space<semaphore_mem>>
      %dma_start3A_253 = arith.constant 0 : i32
      %dma_start3A_254 = tpu.memref_slice %arg19[%add3A_19, %dma_start3A_253] : memref<10240x128xf32, #tpu.memory_space<vmem_shared>> -> memref<16x128xf32, #tpu.memory_space<vmem_shared>>
      %dma_start3A_255 = arith.constant 0 : i32
      %dma_start3A_256 = tpu.memref_slice %arg19[%add3A_19, %dma_start3A_255] : memref<10240x128xf32, #tpu.memory_space<vmem_shared>> -> memref<16x128xf32, #tpu.memory_space<vmem_shared>>
      tpu.enqueue_dma source(%arg18 : memref<16x128xf32, #tpu.memory_space<vmem>>) target(%dma_start3A_256 : memref<16x128xf32, #tpu.memory_space<vmem_shared>>) target_semaphore(%run_scoped3A : memref<!tpu.dma_semaphore, #tpu.memory_space<semaphore_mem>>)
      %dma_wait3A_257 = arith.constant 0 : i32
      %dma_wait3A_258 = tpu.memref_slice %arg19[%add3A_19, %dma_wait3A_257] : memref<10240x128xf32, #tpu.memory_space<vmem_shared>> -> memref<16x128xf32, #tpu.memory_space<vmem_shared>>
      %dma_wait3A_259 = arith.constant 0 : i32
      %dma_wait3A_260 = tpu.memref_slice %arg19[%add3A_19, %dma_wait3A_259] : memref<10240x128xf32, #tpu.memory_space<vmem_shared>> -> memref<16x128xf32, #tpu.memory_space<vmem_shared>>
      tpu.wait_dma2 semaphore(%run_scoped3A : memref<!tpu.dma_semaphore, #tpu.memory_space<semaphore_mem>>) src(%arg18 : memref<16x128xf32, #tpu.memory_space<vmem>>) dst(%dma_wait3A_260 : memref<16x128xf32, #tpu.memory_space<vmem_shared>>)
      tpu.yield
    }) : () -> ()
    %mul3A_20 = arith.constant 640 : i32
    %mul3A_21 = arith.muli %arg1, %mul3A_20 : i32
    %add3A_22 = arith.constant 48 : i32
    %add3A_23 = arith.addi %mul3A_21, %add3A_22 : i32
    "tpu.region"() ({
      %run_scoped3A = tpu.sem_alloc : memref<!tpu.dma_semaphore, #tpu.memory_space<semaphore_mem>>
      %dma_start3A_253 = arith.constant 0 : i32
      %dma_start3A_254 = tpu.memref_slice %arg19[%add3A_23, %dma_start3A_253] : memref<10240x128xf32, #tpu.memory_space<vmem_shared>> -> memref<16x128xf32, #tpu.memory_space<vmem_shared>>
      %dma_start3A_255 = arith.constant 0 : i32
      %dma_start3A_256 = tpu.memref_slice %arg19[%add3A_23, %dma_start3A_255] : memref<10240x128xf32, #tpu.memory_space<vmem_shared>> -> memref<16x128xf32, #tpu.memory_space<vmem_shared>>
      tpu.enqueue_dma source(%arg18 : memref<16x128xf32, #tpu.memory_space<vmem>>) target(%dma_start3A_256 : memref<16x128xf32, #tpu.memory_space<vmem_shared>>) target_semaphore(%run_scoped3A : memref<!tpu.dma_semaphore, #tpu.memory_space<semaphore_mem>>)
      %dma_wait3A_257 = arith.constant 0 : i32
      %dma_wait3A_258 = tpu.memref_slice %arg19[%add3A_23, %dma_wait3A_257] : memref<10240x128xf32, #tpu.memory_space<vmem_shared>> -> memref<16x128xf32, #tpu.memory_space<vmem_shared>>
      %dma_wait3A_259 = arith.constant 0 : i32
      %dma_wait3A_260 = tpu.memref_slice %arg19[%add3A_23, %dma_wait3A_259] : memref<10240x128xf32, #tpu.memory_space<vmem_shared>> -> memref<16x128xf32, #tpu.memory_space<vmem_shared>>
      tpu.wait_dma2 semaphore(%run_scoped3A : memref<!tpu.dma_semaphore, #tpu.memory_space<semaphore_mem>>) src(%arg18 : memref<16x128xf32, #tpu.memory_space<vmem>>) dst(%dma_wait3A_260 : memref<16x128xf32, #tpu.memory_space<vmem_shared>>)
      tpu.yield
    }) : () -> ()
    %mul3A_24 = arith.constant 640 : i32
    %mul3A_25 = arith.muli %arg1, %mul3A_24 : i32
    %add3A_26 = arith.constant 64 : i32
    %add3A_27 = arith.addi %mul3A_25, %add3A_26 : i32
    "tpu.region"() ({
      %run_scoped3A = tpu.sem_alloc : memref<!tpu.dma_semaphore, #tpu.memory_space<semaphore_mem>>
      %dma_start3A_253 = arith.constant 0 : i32
      %dma_start3A_254 = tpu.memref_slice %arg19[%add3A_27, %dma_start3A_253] : memref<10240x128xf32, #tpu.memory_space<vmem_shared>> -> memref<16x128xf32, #tpu.memory_space<vmem_shared>>
      %dma_start3A_255 = arith.constant 0 : i32
      %dma_start3A_256 = tpu.memref_slice %arg19[%add3A_27, %dma_start3A_255] : memref<10240x128xf32, #tpu.memory_space<vmem_shared>> -> memref<16x128xf32, #tpu.memory_space<vmem_shared>>
      tpu.enqueue_dma source(%arg18 : memref<16x128xf32, #tpu.memory_space<vmem>>) target(%dma_start3A_256 : memref<16x128xf32, #tpu.memory_space<vmem_shared>>) target_semaphore(%run_scoped3A : memref<!tpu.dma_semaphore, #tpu.memory_space<semaphore_mem>>)
      %dma_wait3A_257 = arith.constant 0 : i32
      %dma_wait3A_258 = tpu.memref_slice %arg19[%add3A_27, %dma_wait3A_257] : memref<10240x128xf32, #tpu.memory_space<vmem_shared>> -> memref<16x128xf32, #tpu.memory_space<vmem_shared>>
      %dma_wait3A_259 = arith.constant 0 : i32
      %dma_wait3A_260 = tpu.memref_slice %arg19[%add3A_27, %dma_wait3A_259] : memref<10240x128xf32, #tpu.memory_space<vmem_shared>> -> memref<16x128xf32, #tpu.memory_space<vmem_shared>>
      tpu.wait_dma2 semaphore(%run_scoped3A : memref<!tpu.dma_semaphore, #tpu.memory_space<semaphore_mem>>) src(%arg18 : memref<16x128xf32, #tpu.memory_space<vmem>>) dst(%dma_wait3A_260 : memref<16x128xf32, #tpu.memory_space<vmem_shared>>)
      tpu.yield
    }) : () -> ()
    %mul3A_28 = arith.constant 640 : i32
    %mul3A_29 = arith.muli %arg1, %mul3A_28 : i32
    %add3A_30 = arith.constant 80 : i32
    %add3A_31 = arith.addi %mul3A_29, %add3A_30 : i32
    "tpu.region"() ({
      %run_scoped3A = tpu.sem_alloc : memref<!tpu.dma_semaphore, #tpu.memory_space<semaphore_mem>>
      %dma_start3A_253 = arith.constant 0 : i32
      %dma_start3A_254 = tpu.memref_slice %arg19[%add3A_31, %dma_start3A_253] : memref<10240x128xf32, #tpu.memory_space<vmem_shared>> -> memref<16x128xf32, #tpu.memory_space<vmem_shared>>
      %dma_start3A_255 = arith.constant 0 : i32
      %dma_start3A_256 = tpu.memref_slice %arg19[%add3A_31, %dma_start3A_255] : memref<10240x128xf32, #tpu.memory_space<vmem_shared>> -> memref<16x128xf32, #tpu.memory_space<vmem_shared>>
      tpu.enqueue_dma source(%arg18 : memref<16x128xf32, #tpu.memory_space<vmem>>) target(%dma_start3A_256 : memref<16x128xf32, #tpu.memory_space<vmem_shared>>) target_semaphore(%run_scoped3A : memref<!tpu.dma_semaphore, #tpu.memory_space<semaphore_mem>>)
      %dma_wait3A_257 = arith.constant 0 : i32
      %dma_wait3A_258 = tpu.memref_slice %arg19[%add3A_31, %dma_wait3A_257] : memref<10240x128xf32, #tpu.memory_space<vmem_shared>> -> memref<16x128xf32, #tpu.memory_space<vmem_shared>>
      %dma_wait3A_259 = arith.constant 0 : i32
      %dma_wait3A_260 = tpu.memref_slice %arg19[%add3A_31, %dma_wait3A_259] : memref<10240x128xf32, #tpu.memory_space<vmem_shared>> -> memref<16x128xf32, #tpu.memory_space<vmem_shared>>
      tpu.wait_dma2 semaphore(%run_scoped3A : memref<!tpu.dma_semaphore, #tpu.memory_space<semaphore_mem>>) src(%arg18 : memref<16x128xf32, #tpu.memory_space<vmem>>) dst(%dma_wait3A_260 : memref<16x128xf32, #tpu.memory_space<vmem_shared>>)
      tpu.yield
    }) : () -> ()
    %mul3A_32 = arith.constant 640 : i32
    %mul3A_33 = arith.muli %arg1, %mul3A_32 : i32
    %add3A_34 = arith.constant 96 : i32
    %add3A_35 = arith.addi %mul3A_33, %add3A_34 : i32
    "tpu.region"() ({
      %run_scoped3A = tpu.sem_alloc : memref<!tpu.dma_semaphore, #tpu.memory_space<semaphore_mem>>
      %dma_start3A_253 = arith.constant 0 : i32
      %dma_start3A_254 = tpu.memref_slice %arg19[%add3A_35, %dma_start3A_253] : memref<10240x128xf32, #tpu.memory_space<vmem_shared>> -> memref<16x128xf32, #tpu.memory_space<vmem_shared>>
      %dma_start3A_255 = arith.constant 0 : i32
      %dma_start3A_256 = tpu.memref_slice %arg19[%add3A_35, %dma_start3A_255] : memref<10240x128xf32, #tpu.memory_space<vmem_shared>> -> memref<16x128xf32, #tpu.memory_space<vmem_shared>>
      tpu.enqueue_dma source(%arg18 : memref<16x128xf32, #tpu.memory_space<vmem>>) target(%dma_start3A_256 : memref<16x128xf32, #tpu.memory_space<vmem_shared>>) target_semaphore(%run_scoped3A : memref<!tpu.dma_semaphore, #tpu.memory_space<semaphore_mem>>)
      %dma_wait3A_257 = arith.constant 0 : i32
      %dma_wait3A_258 = tpu.memref_slice %arg19[%add3A_35, %dma_wait3A_257] : memref<10240x128xf32, #tpu.memory_space<vmem_shared>> -> memref<16x128xf32, #tpu.memory_space<vmem_shared>>
      %dma_wait3A_259 = arith.constant 0 : i32
      %dma_wait3A_260 = tpu.memref_slice %arg19[%add3A_35, %dma_wait3A_259] : memref<10240x128xf32, #tpu.memory_space<vmem_shared>> -> memref<16x128xf32, #tpu.memory_space<vmem_shared>>
      tpu.wait_dma2 semaphore(%run_scoped3A : memref<!tpu.dma_semaphore, #tpu.memory_space<semaphore_mem>>) src(%arg18 : memref<16x128xf32, #tpu.memory_space<vmem>>) dst(%dma_wait3A_260 : memref<16x128xf32, #tpu.memory_space<vmem_shared>>)
      tpu.yield
    }) : () -> ()
    %mul3A_36 = arith.constant 640 : i32
    %mul3A_37 = arith.muli %arg1, %mul3A_36 : i32
    %add3A_38 = arith.constant 112 : i32
    %add3A_39 = arith.addi %mul3A_37, %add3A_38 : i32
    "tpu.region"() ({
      %run_scoped3A = tpu.sem_alloc : memref<!tpu.dma_semaphore, #tpu.memory_space<semaphore_mem>>
      %dma_start3A_253 = arith.constant 0 : i32
      %dma_start3A_254 = tpu.memref_slice %arg19[%add3A_39, %dma_start3A_253] : memref<10240x128xf32, #tpu.memory_space<vmem_shared>> -> memref<16x128xf32, #tpu.memory_space<vmem_shared>>
      %dma_start3A_255 = arith.constant 0 : i32
      %dma_start3A_256 = tpu.memref_slice %arg19[%add3A_39, %dma_start3A_255] : memref<10240x128xf32, #tpu.memory_space<vmem_shared>> -> memref<16x128xf32, #tpu.memory_space<vmem_shared>>
      tpu.enqueue_dma source(%arg18 : memref<16x128xf32, #tpu.memory_space<vmem>>) target(%dma_start3A_256 : memref<16x128xf32, #tpu.memory_space<vmem_shared>>) target_semaphore(%run_scoped3A : memref<!tpu.dma_semaphore, #tpu.memory_space<semaphore_mem>>)
      %dma_wait3A_257 = arith.constant 0 : i32
      %dma_wait3A_258 = tpu.memref_slice %arg19[%add3A_39, %dma_wait3A_257] : memref<10240x128xf32, #tpu.memory_space<vmem_shared>> -> memref<16x128xf32, #tpu.memory_space<vmem_shared>>
      %dma_wait3A_259 = arith.constant 0 : i32
      %dma_wait3A_260 = tpu.memref_slice %arg19[%add3A_39, %dma_wait3A_259] : memref<10240x128xf32, #tpu.memory_space<vmem_shared>> -> memref<16x128xf32, #tpu.memory_space<vmem_shared>>
      tpu.wait_dma2 semaphore(%run_scoped3A : memref<!tpu.dma_semaphore, #tpu.memory_space<semaphore_mem>>) src(%arg18 : memref<16x128xf32, #tpu.memory_space<vmem>>) dst(%dma_wait3A_260 : memref<16x128xf32, #tpu.memory_space<vmem_shared>>)
      tpu.yield
    }) : () -> ()
    %mul3A_40 = arith.constant 640 : i32
    %mul3A_41 = arith.muli %arg1, %mul3A_40 : i32
    %add3A_42 = arith.constant 128 : i32
    %add3A_43 = arith.addi %mul3A_41, %add3A_42 : i32
    "tpu.region"() ({
      %run_scoped3A = tpu.sem_alloc : memref<!tpu.dma_semaphore, #tpu.memory_space<semaphore_mem>>
      %dma_start3A_253 = arith.constant 0 : i32
      %dma_start3A_254 = tpu.memref_slice %arg19[%add3A_43, %dma_start3A_253] : memref<10240x128xf32, #tpu.memory_space<vmem_shared>> -> memref<16x128xf32, #tpu.memory_space<vmem_shared>>
      %dma_start3A_255 = arith.constant 0 : i32
      %dma_start3A_256 = tpu.memref_slice %arg19[%add3A_43, %dma_start3A_255] : memref<10240x128xf32, #tpu.memory_space<vmem_shared>> -> memref<16x128xf32, #tpu.memory_space<vmem_shared>>
      tpu.enqueue_dma source(%arg18 : memref<16x128xf32, #tpu.memory_space<vmem>>) target(%dma_start3A_256 : memref<16x128xf32, #tpu.memory_space<vmem_shared>>) target_semaphore(%run_scoped3A : memref<!tpu.dma_semaphore, #tpu.memory_space<semaphore_mem>>)
      %dma_wait3A_257 = arith.constant 0 : i32
      %dma_wait3A_258 = tpu.memref_slice %arg19[%add3A_43, %dma_wait3A_257] : memref<10240x128xf32, #tpu.memory_space<vmem_shared>> -> memref<16x128xf32, #tpu.memory_space<vmem_shared>>
      %dma_wait3A_259 = arith.constant 0 : i32
      %dma_wait3A_260 = tpu.memref_slice %arg19[%add3A_43, %dma_wait3A_259] : memref<10240x128xf32, #tpu.memory_space<vmem_shared>> -> memref<16x128xf32, #tpu.memory_space<vmem_shared>>
      tpu.wait_dma2 semaphore(%run_scoped3A : memref<!tpu.dma_semaphore, #tpu.memory_space<semaphore_mem>>) src(%arg18 : memref<16x128xf32, #tpu.memory_space<vmem>>) dst(%dma_wait3A_260 : memref<16x128xf32, #tpu.memory_space<vmem_shared>>)
      tpu.yield
    }) : () -> ()
    %mul3A_44 = arith.constant 640 : i32
    %mul3A_45 = arith.muli %arg1, %mul3A_44 : i32
    %add3A_46 = arith.constant 144 : i32
    %add3A_47 = arith.addi %mul3A_45, %add3A_46 : i32
    "tpu.region"() ({
      %run_scoped3A = tpu.sem_alloc : memref<!tpu.dma_semaphore, #tpu.memory_space<semaphore_mem>>
      %dma_start3A_253 = arith.constant 0 : i32
      %dma_start3A_254 = tpu.memref_slice %arg19[%add3A_47, %dma_start3A_253] : memref<10240x128xf32, #tpu.memory_space<vmem_shared>> -> memref<16x128xf32, #tpu.memory_space<vmem_shared>>
      %dma_start3A_255 = arith.constant 0 : i32
      %dma_start3A_256 = tpu.memref_slice %arg19[%add3A_47, %dma_start3A_255] : memref<10240x128xf32, #tpu.memory_space<vmem_shared>> -> memref<16x128xf32, #tpu.memory_space<vmem_shared>>
      tpu.enqueue_dma source(%arg18 : memref<16x128xf32, #tpu.memory_space<vmem>>) target(%dma_start3A_256 : memref<16x128xf32, #tpu.memory_space<vmem_shared>>) target_semaphore(%run_scoped3A : memref<!tpu.dma_semaphore, #tpu.memory_space<semaphore_mem>>)
      %dma_wait3A_257 = arith.constant 0 : i32
      %dma_wait3A_258 = tpu.memref_slice %arg19[%add3A_47, %dma_wait3A_257] : memref<10240x128xf32, #tpu.memory_space<vmem_shared>> -> memref<16x128xf32, #tpu.memory_space<vmem_shared>>
      %dma_wait3A_259 = arith.constant 0 : i32
      %dma_wait3A_260 = tpu.memref_slice %arg19[%add3A_47, %dma_wait3A_259] : memref<10240x128xf32, #tpu.memory_space<vmem_shared>> -> memref<16x128xf32, #tpu.memory_space<vmem_shared>>
      tpu.wait_dma2 semaphore(%run_scoped3A : memref<!tpu.dma_semaphore, #tpu.memory_space<semaphore_mem>>) src(%arg18 : memref<16x128xf32, #tpu.memory_space<vmem>>) dst(%dma_wait3A_260 : memref<16x128xf32, #tpu.memory_space<vmem_shared>>)
      tpu.yield
    }) : () -> ()
    %mul3A_48 = arith.constant 640 : i32
    %mul3A_49 = arith.muli %arg1, %mul3A_48 : i32
    %add3A_50 = arith.constant 160 : i32
    %add3A_51 = arith.addi %mul3A_49, %add3A_50 : i32
    "tpu.region"() ({
      %run_scoped3A = tpu.sem_alloc : memref<!tpu.dma_semaphore, #tpu.memory_space<semaphore_mem>>
      %dma_start3A_253 = arith.constant 0 : i32
      %dma_start3A_254 = tpu.memref_slice %arg19[%add3A_51, %dma_start3A_253] : memref<10240x128xf32, #tpu.memory_space<vmem_shared>> -> memref<16x128xf32, #tpu.memory_space<vmem_shared>>
      %dma_start3A_255 = arith.constant 0 : i32
      %dma_start3A_256 = tpu.memref_slice %arg19[%add3A_51, %dma_start3A_255] : memref<10240x128xf32, #tpu.memory_space<vmem_shared>> -> memref<16x128xf32, #tpu.memory_space<vmem_shared>>
      tpu.enqueue_dma source(%arg18 : memref<16x128xf32, #tpu.memory_space<vmem>>) target(%dma_start3A_256 : memref<16x128xf32, #tpu.memory_space<vmem_shared>>) target_semaphore(%run_scoped3A : memref<!tpu.dma_semaphore, #tpu.memory_space<semaphore_mem>>)
      %dma_wait3A_257 = arith.constant 0 : i32
      %dma_wait3A_258 = tpu.memref_slice %arg19[%add3A_51, %dma_wait3A_257] : memref<10240x128xf32, #tpu.memory_space<vmem_shared>> -> memref<16x128xf32, #tpu.memory_space<vmem_shared>>
      %dma_wait3A_259 = arith.constant 0 : i32
      %dma_wait3A_260 = tpu.memref_slice %arg19[%add3A_51, %dma_wait3A_259] : memref<10240x128xf32, #tpu.memory_space<vmem_shared>> -> memref<16x128xf32, #tpu.memory_space<vmem_shared>>
      tpu.wait_dma2 semaphore(%run_scoped3A : memref<!tpu.dma_semaphore, #tpu.memory_space<semaphore_mem>>) src(%arg18 : memref<16x128xf32, #tpu.memory_space<vmem>>) dst(%dma_wait3A_260 : memref<16x128xf32, #tpu.memory_space<vmem_shared>>)
      tpu.yield
    }) : () -> ()
    %mul3A_52 = arith.constant 640 : i32
    %mul3A_53 = arith.muli %arg1, %mul3A_52 : i32
    %add3A_54 = arith.constant 176 : i32
    %add3A_55 = arith.addi %mul3A_53, %add3A_54 : i32
    "tpu.region"() ({
      %run_scoped3A = tpu.sem_alloc : memref<!tpu.dma_semaphore, #tpu.memory_space<semaphore_mem>>
      %dma_start3A_253 = arith.constant 0 : i32
      %dma_start3A_254 = tpu.memref_slice %arg19[%add3A_55, %dma_start3A_253] : memref<10240x128xf32, #tpu.memory_space<vmem_shared>> -> memref<16x128xf32, #tpu.memory_space<vmem_shared>>
      %dma_start3A_255 = arith.constant 0 : i32
      %dma_start3A_256 = tpu.memref_slice %arg19[%add3A_55, %dma_start3A_255] : memref<10240x128xf32, #tpu.memory_space<vmem_shared>> -> memref<16x128xf32, #tpu.memory_space<vmem_shared>>
      tpu.enqueue_dma source(%arg18 : memref<16x128xf32, #tpu.memory_space<vmem>>) target(%dma_start3A_256 : memref<16x128xf32, #tpu.memory_space<vmem_shared>>) target_semaphore(%run_scoped3A : memref<!tpu.dma_semaphore, #tpu.memory_space<semaphore_mem>>)
      %dma_wait3A_257 = arith.constant 0 : i32
      %dma_wait3A_258 = tpu.memref_slice %arg19[%add3A_55, %dma_wait3A_257] : memref<10240x128xf32, #tpu.memory_space<vmem_shared>> -> memref<16x128xf32, #tpu.memory_space<vmem_shared>>
      %dma_wait3A_259 = arith.constant 0 : i32
      %dma_wait3A_260 = tpu.memref_slice %arg19[%add3A_55, %dma_wait3A_259] : memref<10240x128xf32, #tpu.memory_space<vmem_shared>> -> memref<16x128xf32, #tpu.memory_space<vmem_shared>>
      tpu.wait_dma2 semaphore(%run_scoped3A : memref<!tpu.dma_semaphore, #tpu.memory_space<semaphore_mem>>) src(%arg18 : memref<16x128xf32, #tpu.memory_space<vmem>>) dst(%dma_wait3A_260 : memref<16x128xf32, #tpu.memory_space<vmem_shared>>)
      tpu.yield
    }) : () -> ()
    %mul3A_56 = arith.constant 640 : i32
    %mul3A_57 = arith.muli %arg1, %mul3A_56 : i32
    %add3A_58 = arith.constant 192 : i32
    %add3A_59 = arith.addi %mul3A_57, %add3A_58 : i32
    "tpu.region"() ({
      %run_scoped3A = tpu.sem_alloc : memref<!tpu.dma_semaphore, #tpu.memory_space<semaphore_mem>>
      %dma_start3A_253 = arith.constant 0 : i32
      %dma_start3A_254 = tpu.memref_slice %arg19[%add3A_59, %dma_start3A_253] : memref<10240x128xf32, #tpu.memory_space<vmem_shared>> -> memref<16x128xf32, #tpu.memory_space<vmem_shared>>
      %dma_start3A_255 = arith.constant 0 : i32
      %dma_start3A_256 = tpu.memref_slice %arg19[%add3A_59, %dma_start3A_255] : memref<10240x128xf32, #tpu.memory_space<vmem_shared>> -> memref<16x128xf32, #tpu.memory_space<vmem_shared>>
      tpu.enqueue_dma source(%arg18 : memref<16x128xf32, #tpu.memory_space<vmem>>) target(%dma_start3A_256 : memref<16x128xf32, #tpu.memory_space<vmem_shared>>) target_semaphore(%run_scoped3A : memref<!tpu.dma_semaphore, #tpu.memory_space<semaphore_mem>>)
      %dma_wait3A_257 = arith.constant 0 : i32
      %dma_wait3A_258 = tpu.memref_slice %arg19[%add3A_59, %dma_wait3A_257] : memref<10240x128xf32, #tpu.memory_space<vmem_shared>> -> memref<16x128xf32, #tpu.memory_space<vmem_shared>>
      %dma_wait3A_259 = arith.constant 0 : i32
      %dma_wait3A_260 = tpu.memref_slice %arg19[%add3A_59, %dma_wait3A_259] : memref<10240x128xf32, #tpu.memory_space<vmem_shared>> -> memref<16x128xf32, #tpu.memory_space<vmem_shared>>
      tpu.wait_dma2 semaphore(%run_scoped3A : memref<!tpu.dma_semaphore, #tpu.memory_space<semaphore_mem>>) src(%arg18 : memref<16x128xf32, #tpu.memory_space<vmem>>) dst(%dma_wait3A_260 : memref<16x128xf32, #tpu.memory_space<vmem_shared>>)
      tpu.yield
    }) : () -> ()
    %mul3A_60 = arith.constant 640 : i32
    %mul3A_61 = arith.muli %arg1, %mul3A_60 : i32
    %add3A_62 = arith.constant 208 : i32
    %add3A_63 = arith.addi %mul3A_61, %add3A_62 : i32
    "tpu.region"() ({
      %run_scoped3A = tpu.sem_alloc : memref<!tpu.dma_semaphore, #tpu.memory_space<semaphore_mem>>
      %dma_start3A_253 = arith.constant 0 : i32
      %dma_start3A_254 = tpu.memref_slice %arg19[%add3A_63, %dma_start3A_253] : memref<10240x128xf32, #tpu.memory_space<vmem_shared>> -> memref<16x128xf32, #tpu.memory_space<vmem_shared>>
      %dma_start3A_255 = arith.constant 0 : i32
      %dma_start3A_256 = tpu.memref_slice %arg19[%add3A_63, %dma_start3A_255] : memref<10240x128xf32, #tpu.memory_space<vmem_shared>> -> memref<16x128xf32, #tpu.memory_space<vmem_shared>>
      tpu.enqueue_dma source(%arg18 : memref<16x128xf32, #tpu.memory_space<vmem>>) target(%dma_start3A_256 : memref<16x128xf32, #tpu.memory_space<vmem_shared>>) target_semaphore(%run_scoped3A : memref<!tpu.dma_semaphore, #tpu.memory_space<semaphore_mem>>)
      %dma_wait3A_257 = arith.constant 0 : i32
      %dma_wait3A_258 = tpu.memref_slice %arg19[%add3A_63, %dma_wait3A_257] : memref<10240x128xf32, #tpu.memory_space<vmem_shared>> -> memref<16x128xf32, #tpu.memory_space<vmem_shared>>
      %dma_wait3A_259 = arith.constant 0 : i32
      %dma_wait3A_260 = tpu.memref_slice %arg19[%add3A_63, %dma_wait3A_259] : memref<10240x128xf32, #tpu.memory_space<vmem_shared>> -> memref<16x128xf32, #tpu.memory_space<vmem_shared>>
      tpu.wait_dma2 semaphore(%run_scoped3A : memref<!tpu.dma_semaphore, #tpu.memory_space<semaphore_mem>>) src(%arg18 : memref<16x128xf32, #tpu.memory_space<vmem>>) dst(%dma_wait3A_260 : memref<16x128xf32, #tpu.memory_space<vmem_shared>>)
      tpu.yield
    }) : () -> ()
    %mul3A_64 = arith.constant 640 : i32
    %mul3A_65 = arith.muli %arg1, %mul3A_64 : i32
    %add3A_66 = arith.constant 224 : i32
    %add3A_67 = arith.addi %mul3A_65, %add3A_66 : i32
    "tpu.region"() ({
      %run_scoped3A = tpu.sem_alloc : memref<!tpu.dma_semaphore, #tpu.memory_space<semaphore_mem>>
      %dma_start3A_253 = arith.constant 0 : i32
      %dma_start3A_254 = tpu.memref_slice %arg19[%add3A_67, %dma_start3A_253] : memref<10240x128xf32, #tpu.memory_space<vmem_shared>> -> memref<16x128xf32, #tpu.memory_space<vmem_shared>>
      %dma_start3A_255 = arith.constant 0 : i32
      %dma_start3A_256 = tpu.memref_slice %arg19[%add3A_67, %dma_start3A_255] : memref<10240x128xf32, #tpu.memory_space<vmem_shared>> -> memref<16x128xf32, #tpu.memory_space<vmem_shared>>
      tpu.enqueue_dma source(%arg18 : memref<16x128xf32, #tpu.memory_space<vmem>>) target(%dma_start3A_256 : memref<16x128xf32, #tpu.memory_space<vmem_shared>>) target_semaphore(%run_scoped3A : memref<!tpu.dma_semaphore, #tpu.memory_space<semaphore_mem>>)
      %dma_wait3A_257 = arith.constant 0 : i32
      %dma_wait3A_258 = tpu.memref_slice %arg19[%add3A_67, %dma_wait3A_257] : memref<10240x128xf32, #tpu.memory_space<vmem_shared>> -> memref<16x128xf32, #tpu.memory_space<vmem_shared>>
      %dma_wait3A_259 = arith.constant 0 : i32
      %dma_wait3A_260 = tpu.memref_slice %arg19[%add3A_67, %dma_wait3A_259] : memref<10240x128xf32, #tpu.memory_space<vmem_shared>> -> memref<16x128xf32, #tpu.memory_space<vmem_shared>>
      tpu.wait_dma2 semaphore(%run_scoped3A : memref<!tpu.dma_semaphore, #tpu.memory_space<semaphore_mem>>) src(%arg18 : memref<16x128xf32, #tpu.memory_space<vmem>>) dst(%dma_wait3A_260 : memref<16x128xf32, #tpu.memory_space<vmem_shared>>)
      tpu.yield
    }) : () -> ()
    %mul3A_68 = arith.constant 640 : i32
    %mul3A_69 = arith.muli %arg1, %mul3A_68 : i32
    %add3A_70 = arith.constant 240 : i32
    %add3A_71 = arith.addi %mul3A_69, %add3A_70 : i32
    "tpu.region"() ({
      %run_scoped3A = tpu.sem_alloc : memref<!tpu.dma_semaphore, #tpu.memory_space<semaphore_mem>>
      %dma_start3A_253 = arith.constant 0 : i32
      %dma_start3A_254 = tpu.memref_slice %arg19[%add3A_71, %dma_start3A_253] : memref<10240x128xf32, #tpu.memory_space<vmem_shared>> -> memref<16x128xf32, #tpu.memory_space<vmem_shared>>
      %dma_start3A_255 = arith.constant 0 : i32
      %dma_start3A_256 = tpu.memref_slice %arg19[%add3A_71, %dma_start3A_255] : memref<10240x128xf32, #tpu.memory_space<vmem_shared>> -> memref<16x128xf32, #tpu.memory_space<vmem_shared>>
      tpu.enqueue_dma source(%arg18 : memref<16x128xf32, #tpu.memory_space<vmem>>) target(%dma_start3A_256 : memref<16x128xf32, #tpu.memory_space<vmem_shared>>) target_semaphore(%run_scoped3A : memref<!tpu.dma_semaphore, #tpu.memory_space<semaphore_mem>>)
      %dma_wait3A_257 = arith.constant 0 : i32
      %dma_wait3A_258 = tpu.memref_slice %arg19[%add3A_71, %dma_wait3A_257] : memref<10240x128xf32, #tpu.memory_space<vmem_shared>> -> memref<16x128xf32, #tpu.memory_space<vmem_shared>>
      %dma_wait3A_259 = arith.constant 0 : i32
      %dma_wait3A_260 = tpu.memref_slice %arg19[%add3A_71, %dma_wait3A_259] : memref<10240x128xf32, #tpu.memory_space<vmem_shared>> -> memref<16x128xf32, #tpu.memory_space<vmem_shared>>
      tpu.wait_dma2 semaphore(%run_scoped3A : memref<!tpu.dma_semaphore, #tpu.memory_space<semaphore_mem>>) src(%arg18 : memref<16x128xf32, #tpu.memory_space<vmem>>) dst(%dma_wait3A_260 : memref<16x128xf32, #tpu.memory_space<vmem_shared>>)
      tpu.yield
    }) : () -> ()
    %mul3A_72 = arith.constant 640 : i32
    %mul3A_73 = arith.muli %arg1, %mul3A_72 : i32
    %add3A_74 = arith.constant 256 : i32
    %add3A_75 = arith.addi %mul3A_73, %add3A_74 : i32
    "tpu.region"() ({
      %run_scoped3A = tpu.sem_alloc : memref<!tpu.dma_semaphore, #tpu.memory_space<semaphore_mem>>
      %dma_start3A_253 = arith.constant 0 : i32
      %dma_start3A_254 = tpu.memref_slice %arg19[%add3A_75, %dma_start3A_253] : memref<10240x128xf32, #tpu.memory_space<vmem_shared>> -> memref<16x128xf32, #tpu.memory_space<vmem_shared>>
      %dma_start3A_255 = arith.constant 0 : i32
      %dma_start3A_256 = tpu.memref_slice %arg19[%add3A_75, %dma_start3A_255] : memref<10240x128xf32, #tpu.memory_space<vmem_shared>> -> memref<16x128xf32, #tpu.memory_space<vmem_shared>>
      tpu.enqueue_dma source(%arg18 : memref<16x128xf32, #tpu.memory_space<vmem>>) target(%dma_start3A_256 : memref<16x128xf32, #tpu.memory_space<vmem_shared>>) target_semaphore(%run_scoped3A : memref<!tpu.dma_semaphore, #tpu.memory_space<semaphore_mem>>)
      %dma_wait3A_257 = arith.constant 0 : i32
      %dma_wait3A_258 = tpu.memref_slice %arg19[%add3A_75, %dma_wait3A_257] : memref<10240x128xf32, #tpu.memory_space<vmem_shared>> -> memref<16x128xf32, #tpu.memory_space<vmem_shared>>
      %dma_wait3A_259 = arith.constant 0 : i32
      %dma_wait3A_260 = tpu.memref_slice %arg19[%add3A_75, %dma_wait3A_259] : memref<10240x128xf32, #tpu.memory_space<vmem_shared>> -> memref<16x128xf32, #tpu.memory_space<vmem_shared>>
      tpu.wait_dma2 semaphore(%run_scoped3A : memref<!tpu.dma_semaphore, #tpu.memory_space<semaphore_mem>>) src(%arg18 : memref<16x128xf32, #tpu.memory_space<vmem>>) dst(%dma_wait3A_260 : memref<16x128xf32, #tpu.memory_space<vmem_shared>>)
      tpu.yield
    }) : () -> ()
    %mul3A_76 = arith.constant 640 : i32
    %mul3A_77 = arith.muli %arg1, %mul3A_76 : i32
    %add3A_78 = arith.constant 272 : i32
    %add3A_79 = arith.addi %mul3A_77, %add3A_78 : i32
    "tpu.region"() ({
      %run_scoped3A = tpu.sem_alloc : memref<!tpu.dma_semaphore, #tpu.memory_space<semaphore_mem>>
      %dma_start3A_253 = arith.constant 0 : i32
      %dma_start3A_254 = tpu.memref_slice %arg19[%add3A_79, %dma_start3A_253] : memref<10240x128xf32, #tpu.memory_space<vmem_shared>> -> memref<16x128xf32, #tpu.memory_space<vmem_shared>>
      %dma_start3A_255 = arith.constant 0 : i32
      %dma_start3A_256 = tpu.memref_slice %arg19[%add3A_79, %dma_start3A_255] : memref<10240x128xf32, #tpu.memory_space<vmem_shared>> -> memref<16x128xf32, #tpu.memory_space<vmem_shared>>
      tpu.enqueue_dma source(%arg18 : memref<16x128xf32, #tpu.memory_space<vmem>>) target(%dma_start3A_256 : memref<16x128xf32, #tpu.memory_space<vmem_shared>>) target_semaphore(%run_scoped3A : memref<!tpu.dma_semaphore, #tpu.memory_space<semaphore_mem>>)
      %dma_wait3A_257 = arith.constant 0 : i32
      %dma_wait3A_258 = tpu.memref_slice %arg19[%add3A_79, %dma_wait3A_257] : memref<10240x128xf32, #tpu.memory_space<vmem_shared>> -> memref<16x128xf32, #tpu.memory_space<vmem_shared>>
      %dma_wait3A_259 = arith.constant 0 : i32
      %dma_wait3A_260 = tpu.memref_slice %arg19[%add3A_79, %dma_wait3A_259] : memref<10240x128xf32, #tpu.memory_space<vmem_shared>> -> memref<16x128xf32, #tpu.memory_space<vmem_shared>>
      tpu.wait_dma2 semaphore(%run_scoped3A : memref<!tpu.dma_semaphore, #tpu.memory_space<semaphore_mem>>) src(%arg18 : memref<16x128xf32, #tpu.memory_space<vmem>>) dst(%dma_wait3A_260 : memref<16x128xf32, #tpu.memory_space<vmem_shared>>)
      tpu.yield
    }) : () -> ()
    %mul3A_80 = arith.constant 640 : i32
    %mul3A_81 = arith.muli %arg1, %mul3A_80 : i32
    %add3A_82 = arith.constant 288 : i32
    %add3A_83 = arith.addi %mul3A_81, %add3A_82 : i32
    "tpu.region"() ({
      %run_scoped3A = tpu.sem_alloc : memref<!tpu.dma_semaphore, #tpu.memory_space<semaphore_mem>>
      %dma_start3A_253 = arith.constant 0 : i32
      %dma_start3A_254 = tpu.memref_slice %arg19[%add3A_83, %dma_start3A_253] : memref<10240x128xf32, #tpu.memory_space<vmem_shared>> -> memref<16x128xf32, #tpu.memory_space<vmem_shared>>
      %dma_start3A_255 = arith.constant 0 : i32
      %dma_start3A_256 = tpu.memref_slice %arg19[%add3A_83, %dma_start3A_255] : memref<10240x128xf32, #tpu.memory_space<vmem_shared>> -> memref<16x128xf32, #tpu.memory_space<vmem_shared>>
      tpu.enqueue_dma source(%arg18 : memref<16x128xf32, #tpu.memory_space<vmem>>) target(%dma_start3A_256 : memref<16x128xf32, #tpu.memory_space<vmem_shared>>) target_semaphore(%run_scoped3A : memref<!tpu.dma_semaphore, #tpu.memory_space<semaphore_mem>>)
      %dma_wait3A_257 = arith.constant 0 : i32
      %dma_wait3A_258 = tpu.memref_slice %arg19[%add3A_83, %dma_wait3A_257] : memref<10240x128xf32, #tpu.memory_space<vmem_shared>> -> memref<16x128xf32, #tpu.memory_space<vmem_shared>>
      %dma_wait3A_259 = arith.constant 0 : i32
      %dma_wait3A_260 = tpu.memref_slice %arg19[%add3A_83, %dma_wait3A_259] : memref<10240x128xf32, #tpu.memory_space<vmem_shared>> -> memref<16x128xf32, #tpu.memory_space<vmem_shared>>
      tpu.wait_dma2 semaphore(%run_scoped3A : memref<!tpu.dma_semaphore, #tpu.memory_space<semaphore_mem>>) src(%arg18 : memref<16x128xf32, #tpu.memory_space<vmem>>) dst(%dma_wait3A_260 : memref<16x128xf32, #tpu.memory_space<vmem_shared>>)
      tpu.yield
    }) : () -> ()
    %mul3A_84 = arith.constant 640 : i32
    %mul3A_85 = arith.muli %arg1, %mul3A_84 : i32
    %add3A_86 = arith.constant 304 : i32
    %add3A_87 = arith.addi %mul3A_85, %add3A_86 : i32
    "tpu.region"() ({
      %run_scoped3A = tpu.sem_alloc : memref<!tpu.dma_semaphore, #tpu.memory_space<semaphore_mem>>
      %dma_start3A_253 = arith.constant 0 : i32
      %dma_start3A_254 = tpu.memref_slice %arg19[%add3A_87, %dma_start3A_253] : memref<10240x128xf32, #tpu.memory_space<vmem_shared>> -> memref<16x128xf32, #tpu.memory_space<vmem_shared>>
      %dma_start3A_255 = arith.constant 0 : i32
      %dma_start3A_256 = tpu.memref_slice %arg19[%add3A_87, %dma_start3A_255] : memref<10240x128xf32, #tpu.memory_space<vmem_shared>> -> memref<16x128xf32, #tpu.memory_space<vmem_shared>>
      tpu.enqueue_dma source(%arg18 : memref<16x128xf32, #tpu.memory_space<vmem>>) target(%dma_start3A_256 : memref<16x128xf32, #tpu.memory_space<vmem_shared>>) target_semaphore(%run_scoped3A : memref<!tpu.dma_semaphore, #tpu.memory_space<semaphore_mem>>)
      %dma_wait3A_257 = arith.constant 0 : i32
      %dma_wait3A_258 = tpu.memref_slice %arg19[%add3A_87, %dma_wait3A_257] : memref<10240x128xf32, #tpu.memory_space<vmem_shared>> -> memref<16x128xf32, #tpu.memory_space<vmem_shared>>
      %dma_wait3A_259 = arith.constant 0 : i32
      %dma_wait3A_260 = tpu.memref_slice %arg19[%add3A_87, %dma_wait3A_259] : memref<10240x128xf32, #tpu.memory_space<vmem_shared>> -> memref<16x128xf32, #tpu.memory_space<vmem_shared>>
      tpu.wait_dma2 semaphore(%run_scoped3A : memref<!tpu.dma_semaphore, #tpu.memory_space<semaphore_mem>>) src(%arg18 : memref<16x128xf32, #tpu.memory_space<vmem>>) dst(%dma_wait3A_260 : memref<16x128xf32, #tpu.memory_space<vmem_shared>>)
      tpu.yield
    }) : () -> ()
    %mul3A_88 = arith.constant 640 : i32
    %mul3A_89 = arith.muli %arg1, %mul3A_88 : i32
    %add3A_90 = arith.constant 320 : i32
    %add3A_91 = arith.addi %mul3A_89, %add3A_90 : i32
    "tpu.region"() ({
      %run_scoped3A = tpu.sem_alloc : memref<!tpu.dma_semaphore, #tpu.memory_space<semaphore_mem>>
      %dma_start3A_253 = arith.constant 0 : i32
      %dma_start3A_254 = tpu.memref_slice %arg19[%add3A_91, %dma_start3A_253] : memref<10240x128xf32, #tpu.memory_space<vmem_shared>> -> memref<16x128xf32, #tpu.memory_space<vmem_shared>>
      %dma_start3A_255 = arith.constant 0 : i32
      %dma_start3A_256 = tpu.memref_slice %arg19[%add3A_91, %dma_start3A_255] : memref<10240x128xf32, #tpu.memory_space<vmem_shared>> -> memref<16x128xf32, #tpu.memory_space<vmem_shared>>
      tpu.enqueue_dma source(%arg18 : memref<16x128xf32, #tpu.memory_space<vmem>>) target(%dma_start3A_256 : memref<16x128xf32, #tpu.memory_space<vmem_shared>>) target_semaphore(%run_scoped3A : memref<!tpu.dma_semaphore, #tpu.memory_space<semaphore_mem>>)
      %dma_wait3A_257 = arith.constant 0 : i32
      %dma_wait3A_258 = tpu.memref_slice %arg19[%add3A_91, %dma_wait3A_257] : memref<10240x128xf32, #tpu.memory_space<vmem_shared>> -> memref<16x128xf32, #tpu.memory_space<vmem_shared>>
      %dma_wait3A_259 = arith.constant 0 : i32
      %dma_wait3A_260 = tpu.memref_slice %arg19[%add3A_91, %dma_wait3A_259] : memref<10240x128xf32, #tpu.memory_space<vmem_shared>> -> memref<16x128xf32, #tpu.memory_space<vmem_shared>>
      tpu.wait_dma2 semaphore(%run_scoped3A : memref<!tpu.dma_semaphore, #tpu.memory_space<semaphore_mem>>) src(%arg18 : memref<16x128xf32, #tpu.memory_space<vmem>>) dst(%dma_wait3A_260 : memref<16x128xf32, #tpu.memory_space<vmem_shared>>)
      tpu.yield
    }) : () -> ()
    %mul3A_92 = arith.constant 640 : i32
    %mul3A_93 = arith.muli %arg1, %mul3A_92 : i32
    %add3A_94 = arith.constant 336 : i32
    %add3A_95 = arith.addi %mul3A_93, %add3A_94 : i32
    "tpu.region"() ({
      %run_scoped3A = tpu.sem_alloc : memref<!tpu.dma_semaphore, #tpu.memory_space<semaphore_mem>>
      %dma_start3A_253 = arith.constant 0 : i32
      %dma_start3A_254 = tpu.memref_slice %arg19[%add3A_95, %dma_start3A_253] : memref<10240x128xf32, #tpu.memory_space<vmem_shared>> -> memref<16x128xf32, #tpu.memory_space<vmem_shared>>
      %dma_start3A_255 = arith.constant 0 : i32
      %dma_start3A_256 = tpu.memref_slice %arg19[%add3A_95, %dma_start3A_255] : memref<10240x128xf32, #tpu.memory_space<vmem_shared>> -> memref<16x128xf32, #tpu.memory_space<vmem_shared>>
      tpu.enqueue_dma source(%arg18 : memref<16x128xf32, #tpu.memory_space<vmem>>) target(%dma_start3A_256 : memref<16x128xf32, #tpu.memory_space<vmem_shared>>) target_semaphore(%run_scoped3A : memref<!tpu.dma_semaphore, #tpu.memory_space<semaphore_mem>>)
      %dma_wait3A_257 = arith.constant 0 : i32
      %dma_wait3A_258 = tpu.memref_slice %arg19[%add3A_95, %dma_wait3A_257] : memref<10240x128xf32, #tpu.memory_space<vmem_shared>> -> memref<16x128xf32, #tpu.memory_space<vmem_shared>>
      %dma_wait3A_259 = arith.constant 0 : i32
      %dma_wait3A_260 = tpu.memref_slice %arg19[%add3A_95, %dma_wait3A_259] : memref<10240x128xf32, #tpu.memory_space<vmem_shared>> -> memref<16x128xf32, #tpu.memory_space<vmem_shared>>
      tpu.wait_dma2 semaphore(%run_scoped3A : memref<!tpu.dma_semaphore, #tpu.memory_space<semaphore_mem>>) src(%arg18 : memref<16x128xf32, #tpu.memory_space<vmem>>) dst(%dma_wait3A_260 : memref<16x128xf32, #tpu.memory_space<vmem_shared>>)
      tpu.yield
    }) : () -> ()
    %mul3A_96 = arith.constant 640 : i32
    %mul3A_97 = arith.muli %arg1, %mul3A_96 : i32
    %add3A_98 = arith.constant 352 : i32
    %add3A_99 = arith.addi %mul3A_97, %add3A_98 : i32
    "tpu.region"() ({
      %run_scoped3A = tpu.sem_alloc : memref<!tpu.dma_semaphore, #tpu.memory_space<semaphore_mem>>
      %dma_start3A_253 = arith.constant 0 : i32
      %dma_start3A_254 = tpu.memref_slice %arg19[%add3A_99, %dma_start3A_253] : memref<10240x128xf32, #tpu.memory_space<vmem_shared>> -> memref<16x128xf32, #tpu.memory_space<vmem_shared>>
      %dma_start3A_255 = arith.constant 0 : i32
      %dma_start3A_256 = tpu.memref_slice %arg19[%add3A_99, %dma_start3A_255] : memref<10240x128xf32, #tpu.memory_space<vmem_shared>> -> memref<16x128xf32, #tpu.memory_space<vmem_shared>>
      tpu.enqueue_dma source(%arg18 : memref<16x128xf32, #tpu.memory_space<vmem>>) target(%dma_start3A_256 : memref<16x128xf32, #tpu.memory_space<vmem_shared>>) target_semaphore(%run_scoped3A : memref<!tpu.dma_semaphore, #tpu.memory_space<semaphore_mem>>)
      %dma_wait3A_257 = arith.constant 0 : i32
      %dma_wait3A_258 = tpu.memref_slice %arg19[%add3A_99, %dma_wait3A_257] : memref<10240x128xf32, #tpu.memory_space<vmem_shared>> -> memref<16x128xf32, #tpu.memory_space<vmem_shared>>
      %dma_wait3A_259 = arith.constant 0 : i32
      %dma_wait3A_260 = tpu.memref_slice %arg19[%add3A_99, %dma_wait3A_259] : memref<10240x128xf32, #tpu.memory_space<vmem_shared>> -> memref<16x128xf32, #tpu.memory_space<vmem_shared>>
      tpu.wait_dma2 semaphore(%run_scoped3A : memref<!tpu.dma_semaphore, #tpu.memory_space<semaphore_mem>>) src(%arg18 : memref<16x128xf32, #tpu.memory_space<vmem>>) dst(%dma_wait3A_260 : memref<16x128xf32, #tpu.memory_space<vmem_shared>>)
      tpu.yield
    }) : () -> ()
    %mul3A_100 = arith.constant 640 : i32
    %mul3A_101 = arith.muli %arg1, %mul3A_100 : i32
    %add3A_102 = arith.constant 368 : i32
    %add3A_103 = arith.addi %mul3A_101, %add3A_102 : i32
    "tpu.region"() ({
      %run_scoped3A = tpu.sem_alloc : memref<!tpu.dma_semaphore, #tpu.memory_space<semaphore_mem>>
      %dma_start3A_253 = arith.constant 0 : i32
      %dma_start3A_254 = tpu.memref_slice %arg19[%add3A_103, %dma_start3A_253] : memref<10240x128xf32, #tpu.memory_space<vmem_shared>> -> memref<16x128xf32, #tpu.memory_space<vmem_shared>>
      %dma_start3A_255 = arith.constant 0 : i32
      %dma_start3A_256 = tpu.memref_slice %arg19[%add3A_103, %dma_start3A_255] : memref<10240x128xf32, #tpu.memory_space<vmem_shared>> -> memref<16x128xf32, #tpu.memory_space<vmem_shared>>
      tpu.enqueue_dma source(%arg18 : memref<16x128xf32, #tpu.memory_space<vmem>>) target(%dma_start3A_256 : memref<16x128xf32, #tpu.memory_space<vmem_shared>>) target_semaphore(%run_scoped3A : memref<!tpu.dma_semaphore, #tpu.memory_space<semaphore_mem>>)
      %dma_wait3A_257 = arith.constant 0 : i32
      %dma_wait3A_258 = tpu.memref_slice %arg19[%add3A_103, %dma_wait3A_257] : memref<10240x128xf32, #tpu.memory_space<vmem_shared>> -> memref<16x128xf32, #tpu.memory_space<vmem_shared>>
      %dma_wait3A_259 = arith.constant 0 : i32
      %dma_wait3A_260 = tpu.memref_slice %arg19[%add3A_103, %dma_wait3A_259] : memref<10240x128xf32, #tpu.memory_space<vmem_shared>> -> memref<16x128xf32, #tpu.memory_space<vmem_shared>>
      tpu.wait_dma2 semaphore(%run_scoped3A : memref<!tpu.dma_semaphore, #tpu.memory_space<semaphore_mem>>) src(%arg18 : memref<16x128xf32, #tpu.memory_space<vmem>>) dst(%dma_wait3A_260 : memref<16x128xf32, #tpu.memory_space<vmem_shared>>)
      tpu.yield
    }) : () -> ()
    %mul3A_104 = arith.constant 640 : i32
    %mul3A_105 = arith.muli %arg1, %mul3A_104 : i32
    %add3A_106 = arith.constant 384 : i32
    %add3A_107 = arith.addi %mul3A_105, %add3A_106 : i32
    "tpu.region"() ({
      %run_scoped3A = tpu.sem_alloc : memref<!tpu.dma_semaphore, #tpu.memory_space<semaphore_mem>>
      %dma_start3A_253 = arith.constant 0 : i32
      %dma_start3A_254 = tpu.memref_slice %arg19[%add3A_107, %dma_start3A_253] : memref<10240x128xf32, #tpu.memory_space<vmem_shared>> -> memref<16x128xf32, #tpu.memory_space<vmem_shared>>
      %dma_start3A_255 = arith.constant 0 : i32
      %dma_start3A_256 = tpu.memref_slice %arg19[%add3A_107, %dma_start3A_255] : memref<10240x128xf32, #tpu.memory_space<vmem_shared>> -> memref<16x128xf32, #tpu.memory_space<vmem_shared>>
      tpu.enqueue_dma source(%arg18 : memref<16x128xf32, #tpu.memory_space<vmem>>) target(%dma_start3A_256 : memref<16x128xf32, #tpu.memory_space<vmem_shared>>) target_semaphore(%run_scoped3A : memref<!tpu.dma_semaphore, #tpu.memory_space<semaphore_mem>>)
      %dma_wait3A_257 = arith.constant 0 : i32
      %dma_wait3A_258 = tpu.memref_slice %arg19[%add3A_107, %dma_wait3A_257] : memref<10240x128xf32, #tpu.memory_space<vmem_shared>> -> memref<16x128xf32, #tpu.memory_space<vmem_shared>>
      %dma_wait3A_259 = arith.constant 0 : i32
      %dma_wait3A_260 = tpu.memref_slice %arg19[%add3A_107, %dma_wait3A_259] : memref<10240x128xf32, #tpu.memory_space<vmem_shared>> -> memref<16x128xf32, #tpu.memory_space<vmem_shared>>
      tpu.wait_dma2 semaphore(%run_scoped3A : memref<!tpu.dma_semaphore, #tpu.memory_space<semaphore_mem>>) src(%arg18 : memref<16x128xf32, #tpu.memory_space<vmem>>) dst(%dma_wait3A_260 : memref<16x128xf32, #tpu.memory_space<vmem_shared>>)
      tpu.yield
    }) : () -> ()
    %mul3A_108 = arith.constant 640 : i32
    %mul3A_109 = arith.muli %arg1, %mul3A_108 : i32
    %add3A_110 = arith.constant 400 : i32
    %add3A_111 = arith.addi %mul3A_109, %add3A_110 : i32
    "tpu.region"() ({
      %run_scoped3A = tpu.sem_alloc : memref<!tpu.dma_semaphore, #tpu.memory_space<semaphore_mem>>
      %dma_start3A_253 = arith.constant 0 : i32
      %dma_start3A_254 = tpu.memref_slice %arg19[%add3A_111, %dma_start3A_253] : memref<10240x128xf32, #tpu.memory_space<vmem_shared>> -> memref<16x128xf32, #tpu.memory_space<vmem_shared>>
      %dma_start3A_255 = arith.constant 0 : i32
      %dma_start3A_256 = tpu.memref_slice %arg19[%add3A_111, %dma_start3A_255] : memref<10240x128xf32, #tpu.memory_space<vmem_shared>> -> memref<16x128xf32, #tpu.memory_space<vmem_shared>>
      tpu.enqueue_dma source(%arg18 : memref<16x128xf32, #tpu.memory_space<vmem>>) target(%dma_start3A_256 : memref<16x128xf32, #tpu.memory_space<vmem_shared>>) target_semaphore(%run_scoped3A : memref<!tpu.dma_semaphore, #tpu.memory_space<semaphore_mem>>)
      %dma_wait3A_257 = arith.constant 0 : i32
      %dma_wait3A_258 = tpu.memref_slice %arg19[%add3A_111, %dma_wait3A_257] : memref<10240x128xf32, #tpu.memory_space<vmem_shared>> -> memref<16x128xf32, #tpu.memory_space<vmem_shared>>
      %dma_wait3A_259 = arith.constant 0 : i32
      %dma_wait3A_260 = tpu.memref_slice %arg19[%add3A_111, %dma_wait3A_259] : memref<10240x128xf32, #tpu.memory_space<vmem_shared>> -> memref<16x128xf32, #tpu.memory_space<vmem_shared>>
      tpu.wait_dma2 semaphore(%run_scoped3A : memref<!tpu.dma_semaphore, #tpu.memory_space<semaphore_mem>>) src(%arg18 : memref<16x128xf32, #tpu.memory_space<vmem>>) dst(%dma_wait3A_260 : memref<16x128xf32, #tpu.memory_space<vmem_shared>>)
      tpu.yield
    }) : () -> ()
    %mul3A_112 = arith.constant 640 : i32
    %mul3A_113 = arith.muli %arg1, %mul3A_112 : i32
    %add3A_114 = arith.constant 416 : i32
    %add3A_115 = arith.addi %mul3A_113, %add3A_114 : i32
    "tpu.region"() ({
      %run_scoped3A = tpu.sem_alloc : memref<!tpu.dma_semaphore, #tpu.memory_space<semaphore_mem>>
      %dma_start3A_253 = arith.constant 0 : i32
      %dma_start3A_254 = tpu.memref_slice %arg19[%add3A_115, %dma_start3A_253] : memref<10240x128xf32, #tpu.memory_space<vmem_shared>> -> memref<16x128xf32, #tpu.memory_space<vmem_shared>>
      %dma_start3A_255 = arith.constant 0 : i32
      %dma_start3A_256 = tpu.memref_slice %arg19[%add3A_115, %dma_start3A_255] : memref<10240x128xf32, #tpu.memory_space<vmem_shared>> -> memref<16x128xf32, #tpu.memory_space<vmem_shared>>
      tpu.enqueue_dma source(%arg18 : memref<16x128xf32, #tpu.memory_space<vmem>>) target(%dma_start3A_256 : memref<16x128xf32, #tpu.memory_space<vmem_shared>>) target_semaphore(%run_scoped3A : memref<!tpu.dma_semaphore, #tpu.memory_space<semaphore_mem>>)
      %dma_wait3A_257 = arith.constant 0 : i32
      %dma_wait3A_258 = tpu.memref_slice %arg19[%add3A_115, %dma_wait3A_257] : memref<10240x128xf32, #tpu.memory_space<vmem_shared>> -> memref<16x128xf32, #tpu.memory_space<vmem_shared>>
      %dma_wait3A_259 = arith.constant 0 : i32
      %dma_wait3A_260 = tpu.memref_slice %arg19[%add3A_115, %dma_wait3A_259] : memref<10240x128xf32, #tpu.memory_space<vmem_shared>> -> memref<16x128xf32, #tpu.memory_space<vmem_shared>>
      tpu.wait_dma2 semaphore(%run_scoped3A : memref<!tpu.dma_semaphore, #tpu.memory_space<semaphore_mem>>) src(%arg18 : memref<16x128xf32, #tpu.memory_space<vmem>>) dst(%dma_wait3A_260 : memref<16x128xf32, #tpu.memory_space<vmem_shared>>)
      tpu.yield
    }) : () -> ()
    %mul3A_116 = arith.constant 640 : i32
    %mul3A_117 = arith.muli %arg1, %mul3A_116 : i32
    %add3A_118 = arith.constant 432 : i32
    %add3A_119 = arith.addi %mul3A_117, %add3A_118 : i32
    "tpu.region"() ({
      %run_scoped3A = tpu.sem_alloc : memref<!tpu.dma_semaphore, #tpu.memory_space<semaphore_mem>>
      %dma_start3A_253 = arith.constant 0 : i32
      %dma_start3A_254 = tpu.memref_slice %arg19[%add3A_119, %dma_start3A_253] : memref<10240x128xf32, #tpu.memory_space<vmem_shared>> -> memref<16x128xf32, #tpu.memory_space<vmem_shared>>
      %dma_start3A_255 = arith.constant 0 : i32
      %dma_start3A_256 = tpu.memref_slice %arg19[%add3A_119, %dma_start3A_255] : memref<10240x128xf32, #tpu.memory_space<vmem_shared>> -> memref<16x128xf32, #tpu.memory_space<vmem_shared>>
      tpu.enqueue_dma source(%arg18 : memref<16x128xf32, #tpu.memory_space<vmem>>) target(%dma_start3A_256 : memref<16x128xf32, #tpu.memory_space<vmem_shared>>) target_semaphore(%run_scoped3A : memref<!tpu.dma_semaphore, #tpu.memory_space<semaphore_mem>>)
      %dma_wait3A_257 = arith.constant 0 : i32
      %dma_wait3A_258 = tpu.memref_slice %arg19[%add3A_119, %dma_wait3A_257] : memref<10240x128xf32, #tpu.memory_space<vmem_shared>> -> memref<16x128xf32, #tpu.memory_space<vmem_shared>>
      %dma_wait3A_259 = arith.constant 0 : i32
      %dma_wait3A_260 = tpu.memref_slice %arg19[%add3A_119, %dma_wait3A_259] : memref<10240x128xf32, #tpu.memory_space<vmem_shared>> -> memref<16x128xf32, #tpu.memory_space<vmem_shared>>
      tpu.wait_dma2 semaphore(%run_scoped3A : memref<!tpu.dma_semaphore, #tpu.memory_space<semaphore_mem>>) src(%arg18 : memref<16x128xf32, #tpu.memory_space<vmem>>) dst(%dma_wait3A_260 : memref<16x128xf32, #tpu.memory_space<vmem_shared>>)
      tpu.yield
    }) : () -> ()
    %mul3A_120 = arith.constant 640 : i32
    %mul3A_121 = arith.muli %arg1, %mul3A_120 : i32
    %add3A_122 = arith.constant 448 : i32
    %add3A_123 = arith.addi %mul3A_121, %add3A_122 : i32
    "tpu.region"() ({
      %run_scoped3A = tpu.sem_alloc : memref<!tpu.dma_semaphore, #tpu.memory_space<semaphore_mem>>
      %dma_start3A_253 = arith.constant 0 : i32
      %dma_start3A_254 = tpu.memref_slice %arg19[%add3A_123, %dma_start3A_253] : memref<10240x128xf32, #tpu.memory_space<vmem_shared>> -> memref<16x128xf32, #tpu.memory_space<vmem_shared>>
      %dma_start3A_255 = arith.constant 0 : i32
      %dma_start3A_256 = tpu.memref_slice %arg19[%add3A_123, %dma_start3A_255] : memref<10240x128xf32, #tpu.memory_space<vmem_shared>> -> memref<16x128xf32, #tpu.memory_space<vmem_shared>>
      tpu.enqueue_dma source(%arg18 : memref<16x128xf32, #tpu.memory_space<vmem>>) target(%dma_start3A_256 : memref<16x128xf32, #tpu.memory_space<vmem_shared>>) target_semaphore(%run_scoped3A : memref<!tpu.dma_semaphore, #tpu.memory_space<semaphore_mem>>)
      %dma_wait3A_257 = arith.constant 0 : i32
      %dma_wait3A_258 = tpu.memref_slice %arg19[%add3A_123, %dma_wait3A_257] : memref<10240x128xf32, #tpu.memory_space<vmem_shared>> -> memref<16x128xf32, #tpu.memory_space<vmem_shared>>
      %dma_wait3A_259 = arith.constant 0 : i32
      %dma_wait3A_260 = tpu.memref_slice %arg19[%add3A_123, %dma_wait3A_259] : memref<10240x128xf32, #tpu.memory_space<vmem_shared>> -> memref<16x128xf32, #tpu.memory_space<vmem_shared>>
      tpu.wait_dma2 semaphore(%run_scoped3A : memref<!tpu.dma_semaphore, #tpu.memory_space<semaphore_mem>>) src(%arg18 : memref<16x128xf32, #tpu.memory_space<vmem>>) dst(%dma_wait3A_260 : memref<16x128xf32, #tpu.memory_space<vmem_shared>>)
      tpu.yield
    }) : () -> ()
    %mul3A_124 = arith.constant 640 : i32
    %mul3A_125 = arith.muli %arg1, %mul3A_124 : i32
    %add3A_126 = arith.constant 464 : i32
    %add3A_127 = arith.addi %mul3A_125, %add3A_126 : i32
    "tpu.region"() ({
      %run_scoped3A = tpu.sem_alloc : memref<!tpu.dma_semaphore, #tpu.memory_space<semaphore_mem>>
      %dma_start3A_253 = arith.constant 0 : i32
      %dma_start3A_254 = tpu.memref_slice %arg19[%add3A_127, %dma_start3A_253] : memref<10240x128xf32, #tpu.memory_space<vmem_shared>> -> memref<16x128xf32, #tpu.memory_space<vmem_shared>>
      %dma_start3A_255 = arith.constant 0 : i32
      %dma_start3A_256 = tpu.memref_slice %arg19[%add3A_127, %dma_start3A_255] : memref<10240x128xf32, #tpu.memory_space<vmem_shared>> -> memref<16x128xf32, #tpu.memory_space<vmem_shared>>
      tpu.enqueue_dma source(%arg18 : memref<16x128xf32, #tpu.memory_space<vmem>>) target(%dma_start3A_256 : memref<16x128xf32, #tpu.memory_space<vmem_shared>>) target_semaphore(%run_scoped3A : memref<!tpu.dma_semaphore, #tpu.memory_space<semaphore_mem>>)
      %dma_wait3A_257 = arith.constant 0 : i32
      %dma_wait3A_258 = tpu.memref_slice %arg19[%add3A_127, %dma_wait3A_257] : memref<10240x128xf32, #tpu.memory_space<vmem_shared>> -> memref<16x128xf32, #tpu.memory_space<vmem_shared>>
      %dma_wait3A_259 = arith.constant 0 : i32
      %dma_wait3A_260 = tpu.memref_slice %arg19[%add3A_127, %dma_wait3A_259] : memref<10240x128xf32, #tpu.memory_space<vmem_shared>> -> memref<16x128xf32, #tpu.memory_space<vmem_shared>>
      tpu.wait_dma2 semaphore(%run_scoped3A : memref<!tpu.dma_semaphore, #tpu.memory_space<semaphore_mem>>) src(%arg18 : memref<16x128xf32, #tpu.memory_space<vmem>>) dst(%dma_wait3A_260 : memref<16x128xf32, #tpu.memory_space<vmem_shared>>)
      tpu.yield
    }) : () -> ()
    %mul3A_128 = arith.constant 640 : i32
    %mul3A_129 = arith.muli %arg1, %mul3A_128 : i32
    %add3A_130 = arith.constant 480 : i32
    %add3A_131 = arith.addi %mul3A_129, %add3A_130 : i32
    "tpu.region"() ({
      %run_scoped3A = tpu.sem_alloc : memref<!tpu.dma_semaphore, #tpu.memory_space<semaphore_mem>>
      %dma_start3A_253 = arith.constant 0 : i32
      %dma_start3A_254 = tpu.memref_slice %arg19[%add3A_131, %dma_start3A_253] : memref<10240x128xf32, #tpu.memory_space<vmem_shared>> -> memref<16x128xf32, #tpu.memory_space<vmem_shared>>
      %dma_start3A_255 = arith.constant 0 : i32
      %dma_start3A_256 = tpu.memref_slice %arg19[%add3A_131, %dma_start3A_255] : memref<10240x128xf32, #tpu.memory_space<vmem_shared>> -> memref<16x128xf32, #tpu.memory_space<vmem_shared>>
      tpu.enqueue_dma source(%arg18 : memref<16x128xf32, #tpu.memory_space<vmem>>) target(%dma_start3A_256 : memref<16x128xf32, #tpu.memory_space<vmem_shared>>) target_semaphore(%run_scoped3A : memref<!tpu.dma_semaphore, #tpu.memory_space<semaphore_mem>>)
      %dma_wait3A_257 = arith.constant 0 : i32
      %dma_wait3A_258 = tpu.memref_slice %arg19[%add3A_131, %dma_wait3A_257] : memref<10240x128xf32, #tpu.memory_space<vmem_shared>> -> memref<16x128xf32, #tpu.memory_space<vmem_shared>>
      %dma_wait3A_259 = arith.constant 0 : i32
      %dma_wait3A_260 = tpu.memref_slice %arg19[%add3A_131, %dma_wait3A_259] : memref<10240x128xf32, #tpu.memory_space<vmem_shared>> -> memref<16x128xf32, #tpu.memory_space<vmem_shared>>
      tpu.wait_dma2 semaphore(%run_scoped3A : memref<!tpu.dma_semaphore, #tpu.memory_space<semaphore_mem>>) src(%arg18 : memref<16x128xf32, #tpu.memory_space<vmem>>) dst(%dma_wait3A_260 : memref<16x128xf32, #tpu.memory_space<vmem_shared>>)
      tpu.yield
    }) : () -> ()
    %mul3A_132 = arith.constant 640 : i32
    %mul3A_133 = arith.muli %arg1, %mul3A_132 : i32
    %add3A_134 = arith.constant 496 : i32
    %add3A_135 = arith.addi %mul3A_133, %add3A_134 : i32
    "tpu.region"() ({
      %run_scoped3A = tpu.sem_alloc : memref<!tpu.dma_semaphore, #tpu.memory_space<semaphore_mem>>
      %dma_start3A_253 = arith.constant 0 : i32
      %dma_start3A_254 = tpu.memref_slice %arg19[%add3A_135, %dma_start3A_253] : memref<10240x128xf32, #tpu.memory_space<vmem_shared>> -> memref<16x128xf32, #tpu.memory_space<vmem_shared>>
      %dma_start3A_255 = arith.constant 0 : i32
      %dma_start3A_256 = tpu.memref_slice %arg19[%add3A_135, %dma_start3A_255] : memref<10240x128xf32, #tpu.memory_space<vmem_shared>> -> memref<16x128xf32, #tpu.memory_space<vmem_shared>>
      tpu.enqueue_dma source(%arg18 : memref<16x128xf32, #tpu.memory_space<vmem>>) target(%dma_start3A_256 : memref<16x128xf32, #tpu.memory_space<vmem_shared>>) target_semaphore(%run_scoped3A : memref<!tpu.dma_semaphore, #tpu.memory_space<semaphore_mem>>)
      %dma_wait3A_257 = arith.constant 0 : i32
      %dma_wait3A_258 = tpu.memref_slice %arg19[%add3A_135, %dma_wait3A_257] : memref<10240x128xf32, #tpu.memory_space<vmem_shared>> -> memref<16x128xf32, #tpu.memory_space<vmem_shared>>
      %dma_wait3A_259 = arith.constant 0 : i32
      %dma_wait3A_260 = tpu.memref_slice %arg19[%add3A_135, %dma_wait3A_259] : memref<10240x128xf32, #tpu.memory_space<vmem_shared>> -> memref<16x128xf32, #tpu.memory_space<vmem_shared>>
      tpu.wait_dma2 semaphore(%run_scoped3A : memref<!tpu.dma_semaphore, #tpu.memory_space<semaphore_mem>>) src(%arg18 : memref<16x128xf32, #tpu.memory_space<vmem>>) dst(%dma_wait3A_260 : memref<16x128xf32, #tpu.memory_space<vmem_shared>>)
      tpu.yield
    }) : () -> ()
    %mul3A_136 = arith.constant 640 : i32
    %mul3A_137 = arith.muli %arg1, %mul3A_136 : i32
    %add3A_138 = arith.constant 512 : i32
    %add3A_139 = arith.addi %mul3A_137, %add3A_138 : i32
    "tpu.region"() ({
      %run_scoped3A = tpu.sem_alloc : memref<!tpu.dma_semaphore, #tpu.memory_space<semaphore_mem>>
      %dma_start3A_253 = arith.constant 0 : i32
      %dma_start3A_254 = tpu.memref_slice %arg19[%add3A_139, %dma_start3A_253] : memref<10240x128xf32, #tpu.memory_space<vmem_shared>> -> memref<16x128xf32, #tpu.memory_space<vmem_shared>>
      %dma_start3A_255 = arith.constant 0 : i32
      %dma_start3A_256 = tpu.memref_slice %arg19[%add3A_139, %dma_start3A_255] : memref<10240x128xf32, #tpu.memory_space<vmem_shared>> -> memref<16x128xf32, #tpu.memory_space<vmem_shared>>
      tpu.enqueue_dma source(%arg18 : memref<16x128xf32, #tpu.memory_space<vmem>>) target(%dma_start3A_256 : memref<16x128xf32, #tpu.memory_space<vmem_shared>>) target_semaphore(%run_scoped3A : memref<!tpu.dma_semaphore, #tpu.memory_space<semaphore_mem>>)
      %dma_wait3A_257 = arith.constant 0 : i32
      %dma_wait3A_258 = tpu.memref_slice %arg19[%add3A_139, %dma_wait3A_257] : memref<10240x128xf32, #tpu.memory_space<vmem_shared>> -> memref<16x128xf32, #tpu.memory_space<vmem_shared>>
      %dma_wait3A_259 = arith.constant 0 : i32
      %dma_wait3A_260 = tpu.memref_slice %arg19[%add3A_139, %dma_wait3A_259] : memref<10240x128xf32, #tpu.memory_space<vmem_shared>> -> memref<16x128xf32, #tpu.memory_space<vmem_shared>>
      tpu.wait_dma2 semaphore(%run_scoped3A : memref<!tpu.dma_semaphore, #tpu.memory_space<semaphore_mem>>) src(%arg18 : memref<16x128xf32, #tpu.memory_space<vmem>>) dst(%dma_wait3A_260 : memref<16x128xf32, #tpu.memory_space<vmem_shared>>)
      tpu.yield
    }) : () -> ()
    %mul3A_140 = arith.constant 640 : i32
    %mul3A_141 = arith.muli %arg1, %mul3A_140 : i32
    %add3A_142 = arith.constant 528 : i32
    %add3A_143 = arith.addi %mul3A_141, %add3A_142 : i32
    "tpu.region"() ({
      %run_scoped3A = tpu.sem_alloc : memref<!tpu.dma_semaphore, #tpu.memory_space<semaphore_mem>>
      %dma_start3A_253 = arith.constant 0 : i32
      %dma_start3A_254 = tpu.memref_slice %arg19[%add3A_143, %dma_start3A_253] : memref<10240x128xf32, #tpu.memory_space<vmem_shared>> -> memref<16x128xf32, #tpu.memory_space<vmem_shared>>
      %dma_start3A_255 = arith.constant 0 : i32
      %dma_start3A_256 = tpu.memref_slice %arg19[%add3A_143, %dma_start3A_255] : memref<10240x128xf32, #tpu.memory_space<vmem_shared>> -> memref<16x128xf32, #tpu.memory_space<vmem_shared>>
      tpu.enqueue_dma source(%arg18 : memref<16x128xf32, #tpu.memory_space<vmem>>) target(%dma_start3A_256 : memref<16x128xf32, #tpu.memory_space<vmem_shared>>) target_semaphore(%run_scoped3A : memref<!tpu.dma_semaphore, #tpu.memory_space<semaphore_mem>>)
      %dma_wait3A_257 = arith.constant 0 : i32
      %dma_wait3A_258 = tpu.memref_slice %arg19[%add3A_143, %dma_wait3A_257] : memref<10240x128xf32, #tpu.memory_space<vmem_shared>> -> memref<16x128xf32, #tpu.memory_space<vmem_shared>>
      %dma_wait3A_259 = arith.constant 0 : i32
      %dma_wait3A_260 = tpu.memref_slice %arg19[%add3A_143, %dma_wait3A_259] : memref<10240x128xf32, #tpu.memory_space<vmem_shared>> -> memref<16x128xf32, #tpu.memory_space<vmem_shared>>
      tpu.wait_dma2 semaphore(%run_scoped3A : memref<!tpu.dma_semaphore, #tpu.memory_space<semaphore_mem>>) src(%arg18 : memref<16x128xf32, #tpu.memory_space<vmem>>) dst(%dma_wait3A_260 : memref<16x128xf32, #tpu.memory_space<vmem_shared>>)
      tpu.yield
    }) : () -> ()
    %mul3A_144 = arith.constant 640 : i32
    %mul3A_145 = arith.muli %arg1, %mul3A_144 : i32
    %add3A_146 = arith.constant 544 : i32
    %add3A_147 = arith.addi %mul3A_145, %add3A_146 : i32
    "tpu.region"() ({
      %run_scoped3A = tpu.sem_alloc : memref<!tpu.dma_semaphore, #tpu.memory_space<semaphore_mem>>
      %dma_start3A_253 = arith.constant 0 : i32
      %dma_start3A_254 = tpu.memref_slice %arg19[%add3A_147, %dma_start3A_253] : memref<10240x128xf32, #tpu.memory_space<vmem_shared>> -> memref<16x128xf32, #tpu.memory_space<vmem_shared>>
      %dma_start3A_255 = arith.constant 0 : i32
      %dma_start3A_256 = tpu.memref_slice %arg19[%add3A_147, %dma_start3A_255] : memref<10240x128xf32, #tpu.memory_space<vmem_shared>> -> memref<16x128xf32, #tpu.memory_space<vmem_shared>>
      tpu.enqueue_dma source(%arg18 : memref<16x128xf32, #tpu.memory_space<vmem>>) target(%dma_start3A_256 : memref<16x128xf32, #tpu.memory_space<vmem_shared>>) target_semaphore(%run_scoped3A : memref<!tpu.dma_semaphore, #tpu.memory_space<semaphore_mem>>)
      %dma_wait3A_257 = arith.constant 0 : i32
      %dma_wait3A_258 = tpu.memref_slice %arg19[%add3A_147, %dma_wait3A_257] : memref<10240x128xf32, #tpu.memory_space<vmem_shared>> -> memref<16x128xf32, #tpu.memory_space<vmem_shared>>
      %dma_wait3A_259 = arith.constant 0 : i32
      %dma_wait3A_260 = tpu.memref_slice %arg19[%add3A_147, %dma_wait3A_259] : memref<10240x128xf32, #tpu.memory_space<vmem_shared>> -> memref<16x128xf32, #tpu.memory_space<vmem_shared>>
      tpu.wait_dma2 semaphore(%run_scoped3A : memref<!tpu.dma_semaphore, #tpu.memory_space<semaphore_mem>>) src(%arg18 : memref<16x128xf32, #tpu.memory_space<vmem>>) dst(%dma_wait3A_260 : memref<16x128xf32, #tpu.memory_space<vmem_shared>>)
      tpu.yield
    }) : () -> ()
    %mul3A_148 = arith.constant 640 : i32
    %mul3A_149 = arith.muli %arg1, %mul3A_148 : i32
    %add3A_150 = arith.constant 560 : i32
    %add3A_151 = arith.addi %mul3A_149, %add3A_150 : i32
    "tpu.region"() ({
      %run_scoped3A = tpu.sem_alloc : memref<!tpu.dma_semaphore, #tpu.memory_space<semaphore_mem>>
      %dma_start3A_253 = arith.constant 0 : i32
      %dma_start3A_254 = tpu.memref_slice %arg19[%add3A_151, %dma_start3A_253] : memref<10240x128xf32, #tpu.memory_space<vmem_shared>> -> memref<16x128xf32, #tpu.memory_space<vmem_shared>>
      %dma_start3A_255 = arith.constant 0 : i32
      %dma_start3A_256 = tpu.memref_slice %arg19[%add3A_151, %dma_start3A_255] : memref<10240x128xf32, #tpu.memory_space<vmem_shared>> -> memref<16x128xf32, #tpu.memory_space<vmem_shared>>
      tpu.enqueue_dma source(%arg18 : memref<16x128xf32, #tpu.memory_space<vmem>>) target(%dma_start3A_256 : memref<16x128xf32, #tpu.memory_space<vmem_shared>>) target_semaphore(%run_scoped3A : memref<!tpu.dma_semaphore, #tpu.memory_space<semaphore_mem>>)
      %dma_wait3A_257 = arith.constant 0 : i32
      %dma_wait3A_258 = tpu.memref_slice %arg19[%add3A_151, %dma_wait3A_257] : memref<10240x128xf32, #tpu.memory_space<vmem_shared>> -> memref<16x128xf32, #tpu.memory_space<vmem_shared>>
      %dma_wait3A_259 = arith.constant 0 : i32
      %dma_wait3A_260 = tpu.memref_slice %arg19[%add3A_151, %dma_wait3A_259] : memref<10240x128xf32, #tpu.memory_space<vmem_shared>> -> memref<16x128xf32, #tpu.memory_space<vmem_shared>>
      tpu.wait_dma2 semaphore(%run_scoped3A : memref<!tpu.dma_semaphore, #tpu.memory_space<semaphore_mem>>) src(%arg18 : memref<16x128xf32, #tpu.memory_space<vmem>>) dst(%dma_wait3A_260 : memref<16x128xf32, #tpu.memory_space<vmem_shared>>)
      tpu.yield
    }) : () -> ()
    %mul3A_152 = arith.constant 640 : i32
    %mul3A_153 = arith.muli %arg1, %mul3A_152 : i32
    %add3A_154 = arith.constant 576 : i32
    %add3A_155 = arith.addi %mul3A_153, %add3A_154 : i32
    "tpu.region"() ({
      %run_scoped3A = tpu.sem_alloc : memref<!tpu.dma_semaphore, #tpu.memory_space<semaphore_mem>>
      %dma_start3A_253 = arith.constant 0 : i32
      %dma_start3A_254 = tpu.memref_slice %arg19[%add3A_155, %dma_start3A_253] : memref<10240x128xf32, #tpu.memory_space<vmem_shared>> -> memref<16x128xf32, #tpu.memory_space<vmem_shared>>
      %dma_start3A_255 = arith.constant 0 : i32
      %dma_start3A_256 = tpu.memref_slice %arg19[%add3A_155, %dma_start3A_255] : memref<10240x128xf32, #tpu.memory_space<vmem_shared>> -> memref<16x128xf32, #tpu.memory_space<vmem_shared>>
      tpu.enqueue_dma source(%arg18 : memref<16x128xf32, #tpu.memory_space<vmem>>) target(%dma_start3A_256 : memref<16x128xf32, #tpu.memory_space<vmem_shared>>) target_semaphore(%run_scoped3A : memref<!tpu.dma_semaphore, #tpu.memory_space<semaphore_mem>>)
      %dma_wait3A_257 = arith.constant 0 : i32
      %dma_wait3A_258 = tpu.memref_slice %arg19[%add3A_155, %dma_wait3A_257] : memref<10240x128xf32, #tpu.memory_space<vmem_shared>> -> memref<16x128xf32, #tpu.memory_space<vmem_shared>>
      %dma_wait3A_259 = arith.constant 0 : i32
      %dma_wait3A_260 = tpu.memref_slice %arg19[%add3A_155, %dma_wait3A_259] : memref<10240x128xf32, #tpu.memory_space<vmem_shared>> -> memref<16x128xf32, #tpu.memory_space<vmem_shared>>
      tpu.wait_dma2 semaphore(%run_scoped3A : memref<!tpu.dma_semaphore, #tpu.memory_space<semaphore_mem>>) src(%arg18 : memref<16x128xf32, #tpu.memory_space<vmem>>) dst(%dma_wait3A_260 : memref<16x128xf32, #tpu.memory_space<vmem_shared>>)
      tpu.yield
    }) : () -> ()
    %mul3A_156 = arith.constant 640 : i32
    %mul3A_157 = arith.muli %arg1, %mul3A_156 : i32
    %add3A_158 = arith.constant 592 : i32
    %add3A_159 = arith.addi %mul3A_157, %add3A_158 : i32
    "tpu.region"() ({
      %run_scoped3A = tpu.sem_alloc : memref<!tpu.dma_semaphore, #tpu.memory_space<semaphore_mem>>
      %dma_start3A_253 = arith.constant 0 : i32
      %dma_start3A_254 = tpu.memref_slice %arg19[%add3A_159, %dma_start3A_253] : memref<10240x128xf32, #tpu.memory_space<vmem_shared>> -> memref<16x128xf32, #tpu.memory_space<vmem_shared>>
      %dma_start3A_255 = arith.constant 0 : i32
      %dma_start3A_256 = tpu.memref_slice %arg19[%add3A_159, %dma_start3A_255] : memref<10240x128xf32, #tpu.memory_space<vmem_shared>> -> memref<16x128xf32, #tpu.memory_space<vmem_shared>>
      tpu.enqueue_dma source(%arg18 : memref<16x128xf32, #tpu.memory_space<vmem>>) target(%dma_start3A_256 : memref<16x128xf32, #tpu.memory_space<vmem_shared>>) target_semaphore(%run_scoped3A : memref<!tpu.dma_semaphore, #tpu.memory_space<semaphore_mem>>)
      %dma_wait3A_257 = arith.constant 0 : i32
      %dma_wait3A_258 = tpu.memref_slice %arg19[%add3A_159, %dma_wait3A_257] : memref<10240x128xf32, #tpu.memory_space<vmem_shared>> -> memref<16x128xf32, #tpu.memory_space<vmem_shared>>
      %dma_wait3A_259 = arith.constant 0 : i32
      %dma_wait3A_260 = tpu.memref_slice %arg19[%add3A_159, %dma_wait3A_259] : memref<10240x128xf32, #tpu.memory_space<vmem_shared>> -> memref<16x128xf32, #tpu.memory_space<vmem_shared>>
      tpu.wait_dma2 semaphore(%run_scoped3A : memref<!tpu.dma_semaphore, #tpu.memory_space<semaphore_mem>>) src(%arg18 : memref<16x128xf32, #tpu.memory_space<vmem>>) dst(%dma_wait3A_260 : memref<16x128xf32, #tpu.memory_space<vmem_shared>>)
      tpu.yield
    }) : () -> ()
    %mul3A_160 = arith.constant 640 : i32
    %mul3A_161 = arith.muli %arg1, %mul3A_160 : i32
    %add3A_162 = arith.constant 608 : i32
    %add3A_163 = arith.addi %mul3A_161, %add3A_162 : i32
    "tpu.region"() ({
      %run_scoped3A = tpu.sem_alloc : memref<!tpu.dma_semaphore, #tpu.memory_space<semaphore_mem>>
      %dma_start3A_253 = arith.constant 0 : i32
      %dma_start3A_254 = tpu.memref_slice %arg19[%add3A_163, %dma_start3A_253] : memref<10240x128xf32, #tpu.memory_space<vmem_shared>> -> memref<16x128xf32, #tpu.memory_space<vmem_shared>>
      %dma_start3A_255 = arith.constant 0 : i32
      %dma_start3A_256 = tpu.memref_slice %arg19[%add3A_163, %dma_start3A_255] : memref<10240x128xf32, #tpu.memory_space<vmem_shared>> -> memref<16x128xf32, #tpu.memory_space<vmem_shared>>
      tpu.enqueue_dma source(%arg18 : memref<16x128xf32, #tpu.memory_space<vmem>>) target(%dma_start3A_256 : memref<16x128xf32, #tpu.memory_space<vmem_shared>>) target_semaphore(%run_scoped3A : memref<!tpu.dma_semaphore, #tpu.memory_space<semaphore_mem>>)
      %dma_wait3A_257 = arith.constant 0 : i32
      %dma_wait3A_258 = tpu.memref_slice %arg19[%add3A_163, %dma_wait3A_257] : memref<10240x128xf32, #tpu.memory_space<vmem_shared>> -> memref<16x128xf32, #tpu.memory_space<vmem_shared>>
      %dma_wait3A_259 = arith.constant 0 : i32
      %dma_wait3A_260 = tpu.memref_slice %arg19[%add3A_163, %dma_wait3A_259] : memref<10240x128xf32, #tpu.memory_space<vmem_shared>> -> memref<16x128xf32, #tpu.memory_space<vmem_shared>>
      tpu.wait_dma2 semaphore(%run_scoped3A : memref<!tpu.dma_semaphore, #tpu.memory_space<semaphore_mem>>) src(%arg18 : memref<16x128xf32, #tpu.memory_space<vmem>>) dst(%dma_wait3A_260 : memref<16x128xf32, #tpu.memory_space<vmem_shared>>)
      tpu.yield
    }) : () -> ()
    %mul3A_164 = arith.constant 640 : i32
    %mul3A_165 = arith.muli %arg1, %mul3A_164 : i32
    %add3A_166 = arith.constant 624 : i32
    %add3A_167 = arith.addi %mul3A_165, %add3A_166 : i32
    "tpu.region"() ({
      %run_scoped3A = tpu.sem_alloc : memref<!tpu.dma_semaphore, #tpu.memory_space<semaphore_mem>>
      %dma_start3A_253 = arith.constant 0 : i32
      %dma_start3A_254 = tpu.memref_slice %arg19[%add3A_167, %dma_start3A_253] : memref<10240x128xf32, #tpu.memory_space<vmem_shared>> -> memref<16x128xf32, #tpu.memory_space<vmem_shared>>
      %dma_start3A_255 = arith.constant 0 : i32
      %dma_start3A_256 = tpu.memref_slice %arg19[%add3A_167, %dma_start3A_255] : memref<10240x128xf32, #tpu.memory_space<vmem_shared>> -> memref<16x128xf32, #tpu.memory_space<vmem_shared>>
      tpu.enqueue_dma source(%arg18 : memref<16x128xf32, #tpu.memory_space<vmem>>) target(%dma_start3A_256 : memref<16x128xf32, #tpu.memory_space<vmem_shared>>) target_semaphore(%run_scoped3A : memref<!tpu.dma_semaphore, #tpu.memory_space<semaphore_mem>>)
      %dma_wait3A_257 = arith.constant 0 : i32
      %dma_wait3A_258 = tpu.memref_slice %arg19[%add3A_167, %dma_wait3A_257] : memref<10240x128xf32, #tpu.memory_space<vmem_shared>> -> memref<16x128xf32, #tpu.memory_space<vmem_shared>>
      %dma_wait3A_259 = arith.constant 0 : i32
      %dma_wait3A_260 = tpu.memref_slice %arg19[%add3A_167, %dma_wait3A_259] : memref<10240x128xf32, #tpu.memory_space<vmem_shared>> -> memref<16x128xf32, #tpu.memory_space<vmem_shared>>
      tpu.wait_dma2 semaphore(%run_scoped3A : memref<!tpu.dma_semaphore, #tpu.memory_space<semaphore_mem>>) src(%arg18 : memref<16x128xf32, #tpu.memory_space<vmem>>) dst(%dma_wait3A_260 : memref<16x128xf32, #tpu.memory_space<vmem_shared>>)
      tpu.yield
    }) : () -> ()
    %barrier3A = arith.constant 0 : index
    tpu.barrier barrier_id(%barrier3A)
    %add3A_168 = arith.constant 0 : i32
    %add3A_169 = arith.addi %mul3A_2, %add3A_168 : i32
    %dma_start3A = tpu.memref_slice %arg2[%add3A_169] : memref<320000xi32, #tpu.memory_space<hbm>> -> memref<40xi32, #tpu.memory_space<hbm>>
    %dma_start3A_170 = tpu.memref_slice %arg2[%add3A_169] : memref<320000xi32, #tpu.memory_space<hbm>> -> memref<40xi32, #tpu.memory_space<hbm>>
    tpu.enqueue_dma source(%dma_start3A_170 : memref<40xi32, #tpu.memory_space<hbm>>) target(%arg6 : memref<40xi32, #tpu.memory_space<vmem>>) target_semaphore(%arg20 : memref<!tpu.dma_semaphore, #tpu.memory_space<semaphore_mem>>)
    %dma_start3A_171 = arith.constant 0 : i32
    %dma_start3A_172 = tpu.memref_slice %arg3[%add3A_169, %dma_start3A_171] : memref<320000x16xf32, #tpu.memory_space<hbm>> -> memref<40x16xf32, #tpu.memory_space<hbm>>
    %dma_start3A_173 = arith.constant 0 : i32
    %dma_start3A_174 = tpu.memref_slice %arg3[%add3A_169, %dma_start3A_173] : memref<320000x16xf32, #tpu.memory_space<hbm>> -> memref<40x16xf32, #tpu.memory_space<hbm>>
    tpu.enqueue_dma source(%dma_start3A_174 : memref<40x16xf32, #tpu.memory_space<hbm>>) target(%arg10 : memref<40x16xf32, #tpu.memory_space<vmem>>) target_semaphore(%arg20 : memref<!tpu.dma_semaphore, #tpu.memory_space<semaphore_mem>>)
    %add3A_175 = arith.constant 40 : i32
    %add3A_176 = arith.addi %mul3A_2, %add3A_175 : i32
    %dma_start3A_177 = tpu.memref_slice %arg2[%add3A_176] : memref<320000xi32, #tpu.memory_space<hbm>> -> memref<40xi32, #tpu.memory_space<hbm>>
    %dma_start3A_178 = tpu.memref_slice %arg2[%add3A_176] : memref<320000xi32, #tpu.memory_space<hbm>> -> memref<40xi32, #tpu.memory_space<hbm>>
    tpu.enqueue_dma source(%dma_start3A_178 : memref<40xi32, #tpu.memory_space<hbm>>) target(%arg7 : memref<40xi32, #tpu.memory_space<vmem>>) target_semaphore(%arg21 : memref<!tpu.dma_semaphore, #tpu.memory_space<semaphore_mem>>)
    %dma_start3A_179 = arith.constant 0 : i32
    %dma_start3A_180 = tpu.memref_slice %arg3[%add3A_176, %dma_start3A_179] : memref<320000x16xf32, #tpu.memory_space<hbm>> -> memref<40x16xf32, #tpu.memory_space<hbm>>
    %dma_start3A_181 = arith.constant 0 : i32
    %dma_start3A_182 = tpu.memref_slice %arg3[%add3A_176, %dma_start3A_181] : memref<320000x16xf32, #tpu.memory_space<hbm>> -> memref<40x16xf32, #tpu.memory_space<hbm>>
    tpu.enqueue_dma source(%dma_start3A_182 : memref<40x16xf32, #tpu.memory_space<hbm>>) target(%arg11 : memref<40x16xf32, #tpu.memory_space<vmem>>) target_semaphore(%arg21 : memref<!tpu.dma_semaphore, #tpu.memory_space<semaphore_mem>>)
    %dma_wait3A = arith.constant 0 : i32
    %dma_wait3A_183 = tpu.memref_slice %arg2[%dma_wait3A] : memref<320000xi32, #tpu.memory_space<hbm>> -> memref<40xi32, #tpu.memory_space<hbm>>
    %dma_wait3A_184 = arith.constant 0 : i32
    %dma_wait3A_185 = tpu.memref_slice %arg2[%dma_wait3A_184] : memref<320000xi32, #tpu.memory_space<hbm>> -> memref<40xi32, #tpu.memory_space<hbm>>
    tpu.wait_dma2 semaphore(%arg20 : memref<!tpu.dma_semaphore, #tpu.memory_space<semaphore_mem>>) src(%dma_wait3A_185 : memref<40xi32, #tpu.memory_space<hbm>>) dst(%arg6 : memref<40xi32, #tpu.memory_space<vmem>>)
    %dma_wait3A_186 = arith.constant 0 : i32
    %dma_wait3A_187 = arith.constant 0 : i32
    %dma_wait3A_188 = tpu.memref_slice %arg3[%dma_wait3A_186, %dma_wait3A_187] : memref<320000x16xf32, #tpu.memory_space<hbm>> -> memref<40x16xf32, #tpu.memory_space<hbm>>
    %dma_wait3A_189 = arith.constant 0 : i32
    %dma_wait3A_190 = arith.constant 0 : i32
    %dma_wait3A_191 = tpu.memref_slice %arg3[%dma_wait3A_189, %dma_wait3A_190] : memref<320000x16xf32, #tpu.memory_space<hbm>> -> memref<40x16xf32, #tpu.memory_space<hbm>>
    tpu.wait_dma2 semaphore(%arg20 : memref<!tpu.dma_semaphore, #tpu.memory_space<semaphore_mem>>) src(%dma_wait3A_191 : memref<40x16xf32, #tpu.memory_space<hbm>>) dst(%arg10 : memref<40x16xf32, #tpu.memory_space<vmem>>)
    %dma_start3A_192 = arith.constant 0 : i32
    %dma_start3A_193 = arith.constant 0 : i32
    %dma_start3A_194 = tpu.memref_slice %arg4[%dma_start3A_192, %dma_start3A_193] : memref<10000x128xf32, #tpu.memory_space<hbm>> -> memref<10000x128xf32, #tpu.memory_space<hbm>>
    tpu.enqueue_indirect_dma source(%dma_start3A_194 : memref<10000x128xf32, #tpu.memory_space<hbm>>) target(%arg14 : memref<40x128xf32, #tpu.memory_space<vmem>>) offsets(%arg6 : memref<40xi32, #tpu.memory_space<vmem>>) semaphore(%arg24 : memref<!tpu.dma_semaphore, #tpu.memory_space<semaphore_mem>>)
    %add3A_195 = arith.constant 80 : i32
    %add3A_196 = arith.addi %mul3A_2, %add3A_195 : i32
    %dma_start3A_197 = tpu.memref_slice %arg2[%add3A_196] : memref<320000xi32, #tpu.memory_space<hbm>> -> memref<40xi32, #tpu.memory_space<hbm>>
    %dma_start3A_198 = tpu.memref_slice %arg2[%add3A_196] : memref<320000xi32, #tpu.memory_space<hbm>> -> memref<40xi32, #tpu.memory_space<hbm>>
    tpu.enqueue_dma source(%dma_start3A_198 : memref<40xi32, #tpu.memory_space<hbm>>) target(%arg8 : memref<40xi32, #tpu.memory_space<vmem>>) target_semaphore(%arg22 : memref<!tpu.dma_semaphore, #tpu.memory_space<semaphore_mem>>)
    %dma_start3A_199 = arith.constant 0 : i32
    %dma_start3A_200 = tpu.memref_slice %arg3[%add3A_196, %dma_start3A_199] : memref<320000x16xf32, #tpu.memory_space<hbm>> -> memref<40x16xf32, #tpu.memory_space<hbm>>
    %dma_start3A_201 = arith.constant 0 : i32
    %dma_start3A_202 = tpu.memref_slice %arg3[%add3A_196, %dma_start3A_201] : memref<320000x16xf32, #tpu.memory_space<hbm>> -> memref<40x16xf32, #tpu.memory_space<hbm>>
    tpu.enqueue_dma source(%dma_start3A_202 : memref<40x16xf32, #tpu.memory_space<hbm>>) target(%arg12 : memref<40x16xf32, #tpu.memory_space<vmem>>) target_semaphore(%arg22 : memref<!tpu.dma_semaphore, #tpu.memory_space<semaphore_mem>>)
    %dma_wait3A_203 = arith.constant 0 : i32
    %dma_wait3A_204 = tpu.memref_slice %arg2[%dma_wait3A_203] : memref<320000xi32, #tpu.memory_space<hbm>> -> memref<40xi32, #tpu.memory_space<hbm>>
    %dma_wait3A_205 = arith.constant 0 : i32
    %dma_wait3A_206 = tpu.memref_slice %arg2[%dma_wait3A_205] : memref<320000xi32, #tpu.memory_space<hbm>> -> memref<40xi32, #tpu.memory_space<hbm>>
    tpu.wait_dma2 semaphore(%arg21 : memref<!tpu.dma_semaphore, #tpu.memory_space<semaphore_mem>>) src(%dma_wait3A_206 : memref<40xi32, #tpu.memory_space<hbm>>) dst(%arg7 : memref<40xi32, #tpu.memory_space<vmem>>)
    %dma_wait3A_207 = arith.constant 0 : i32
    %dma_wait3A_208 = arith.constant 0 : i32
    %dma_wait3A_209 = tpu.memref_slice %arg3[%dma_wait3A_207, %dma_wait3A_208] : memref<320000x16xf32, #tpu.memory_space<hbm>> -> memref<40x16xf32, #tpu.memory_space<hbm>>
    %dma_wait3A_210 = arith.constant 0 : i32
    %dma_wait3A_211 = arith.constant 0 : i32
    %dma_wait3A_212 = tpu.memref_slice %arg3[%dma_wait3A_210, %dma_wait3A_211] : memref<320000x16xf32, #tpu.memory_space<hbm>> -> memref<40x16xf32, #tpu.memory_space<hbm>>
    tpu.wait_dma2 semaphore(%arg21 : memref<!tpu.dma_semaphore, #tpu.memory_space<semaphore_mem>>) src(%dma_wait3A_212 : memref<40x16xf32, #tpu.memory_space<hbm>>) dst(%arg11 : memref<40x16xf32, #tpu.memory_space<vmem>>)
    %dma_start3A_213 = arith.constant 0 : i32
    %dma_start3A_214 = arith.constant 0 : i32
    %dma_start3A_215 = tpu.memref_slice %arg4[%dma_start3A_213, %dma_start3A_214] : memref<10000x128xf32, #tpu.memory_space<hbm>> -> memref<10000x128xf32, #tpu.memory_space<hbm>>
    tpu.enqueue_indirect_dma source(%dma_start3A_215 : memref<10000x128xf32, #tpu.memory_space<hbm>>) target(%arg15 : memref<40x128xf32, #tpu.memory_space<vmem>>) offsets(%arg7 : memref<40xi32, #tpu.memory_space<vmem>>) semaphore(%arg25 : memref<!tpu.dma_semaphore, #tpu.memory_space<semaphore_mem>>)
    %add3A_216 = arith.constant 120 : i32
    %add3A_217 = arith.addi %mul3A_2, %add3A_216 : i32
    %dma_start3A_218 = tpu.memref_slice %arg2[%add3A_217] : memref<320000xi32, #tpu.memory_space<hbm>> -> memref<40xi32, #tpu.memory_space<hbm>>
    %dma_start3A_219 = tpu.memref_slice %arg2[%add3A_217] : memref<320000xi32, #tpu.memory_space<hbm>> -> memref<40xi32, #tpu.memory_space<hbm>>
    tpu.enqueue_dma source(%dma_start3A_219 : memref<40xi32, #tpu.memory_space<hbm>>) target(%arg9 : memref<40xi32, #tpu.memory_space<vmem>>) target_semaphore(%arg23 : memref<!tpu.dma_semaphore, #tpu.memory_space<semaphore_mem>>)
    %dma_start3A_220 = arith.constant 0 : i32
    %dma_start3A_221 = tpu.memref_slice %arg3[%add3A_217, %dma_start3A_220] : memref<320000x16xf32, #tpu.memory_space<hbm>> -> memref<40x16xf32, #tpu.memory_space<hbm>>
    %dma_start3A_222 = arith.constant 0 : i32
    %dma_start3A_223 = tpu.memref_slice %arg3[%add3A_217, %dma_start3A_222] : memref<320000x16xf32, #tpu.memory_space<hbm>> -> memref<40x16xf32, #tpu.memory_space<hbm>>
    tpu.enqueue_dma source(%dma_start3A_223 : memref<40x16xf32, #tpu.memory_space<hbm>>) target(%arg13 : memref<40x16xf32, #tpu.memory_space<vmem>>) target_semaphore(%arg23 : memref<!tpu.dma_semaphore, #tpu.memory_space<semaphore_mem>>)
    %scan3A_224 = arith.constant 0 : i32
    %scan3A_225 = arith.constant 0 : i32
    %scan3A_226 = arith.constant 62 : i32
    %scan3A_227 = arith.addi %scan3A_225, %scan3A_226 : i32
    %scan3A_228 = arith.constant 1 : i32
    scf.for %scan3A_253 = %scan3A_225 to %scan3A_227 step %scan3A_228  : i32 {
      %mul3A_254 = arith.constant 4 : i32
      %mul3A_255 = arith.muli %mul3A_254, %scan3A_253 : i32
      %add3A_256 = arith.constant 0 : i32
      %add3A_257 = arith.addi %mul3A_255, %add3A_256 : i32
      %dma_wait3A_258 = arith.constant 0 : i32
      %dma_wait3A_259 = arith.constant 0 : i32
      %dma_wait3A_260 = tpu.memref_slice %arg4[%dma_wait3A_258, %dma_wait3A_259] : memref<10000x128xf32, #tpu.memory_space<hbm>> -> memref<10000x128xf32, #tpu.memory_space<hbm>>
      tpu.wait_indirect_dma semaphore(%arg24 : memref<!tpu.dma_semaphore, #tpu.memory_space<semaphore_mem>>) src(%dma_wait3A_260 : memref<10000x128xf32, #tpu.memory_space<hbm>>) dst(%arg14 : memref<40x128xf32, #tpu.memory_space<vmem>>)
      %add3A_261 = arith.constant 2 : i32
      %add3A_262 = arith.addi %add3A_257, %add3A_261 : i32
      %lt3A = arith.constant 250 : i32
      %lt3A_263 = arith.cmpi slt, %add3A_262, %lt3A : i32
      %convert_element_type3A = arith.extui %lt3A_263 : i1 to i32
      %cond3A = arith.constant 0 : i32
      %cond3A_264 = arith.cmpi ne, %convert_element_type3A, %cond3A : i32
      scf.if %cond3A_264 {
        %dma_wait3A_359 = arith.constant 0 : i32
        %dma_wait3A_360 = tpu.memref_slice %arg2[%dma_wait3A_359] : memref<320000xi32, #tpu.memory_space<hbm>> -> memref<40xi32, #tpu.memory_space<hbm>>
        %dma_wait3A_361 = arith.constant 0 : i32
        %dma_wait3A_362 = tpu.memref_slice %arg2[%dma_wait3A_361] : memref<320000xi32, #tpu.memory_space<hbm>> -> memref<40xi32, #tpu.memory_space<hbm>>
        tpu.wait_dma2 semaphore(%arg22 : memref<!tpu.dma_semaphore, #tpu.memory_space<semaphore_mem>>) src(%dma_wait3A_362 : memref<40xi32, #tpu.memory_space<hbm>>) dst(%arg8 : memref<40xi32, #tpu.memory_space<vmem>>)
        %dma_wait3A_363 = arith.constant 0 : i32
        %dma_wait3A_364 = arith.constant 0 : i32
        %dma_wait3A_365 = tpu.memref_slice %arg3[%dma_wait3A_363, %dma_wait3A_364] : memref<320000x16xf32, #tpu.memory_space<hbm>> -> memref<40x16xf32, #tpu.memory_space<hbm>>
        %dma_wait3A_366 = arith.constant 0 : i32
        %dma_wait3A_367 = arith.constant 0 : i32
        %dma_wait3A_368 = tpu.memref_slice %arg3[%dma_wait3A_366, %dma_wait3A_367] : memref<320000x16xf32, #tpu.memory_space<hbm>> -> memref<40x16xf32, #tpu.memory_space<hbm>>
        tpu.wait_dma2 semaphore(%arg22 : memref<!tpu.dma_semaphore, #tpu.memory_space<semaphore_mem>>) src(%dma_wait3A_368 : memref<40x16xf32, #tpu.memory_space<hbm>>) dst(%arg12 : memref<40x16xf32, #tpu.memory_space<vmem>>)
        %dma_start3A_369 = arith.constant 0 : i32
        %dma_start3A_370 = arith.constant 0 : i32
        %dma_start3A_371 = tpu.memref_slice %arg4[%dma_start3A_369, %dma_start3A_370] : memref<10000x128xf32, #tpu.memory_space<hbm>> -> memref<10000x128xf32, #tpu.memory_space<hbm>>
        tpu.enqueue_indirect_dma source(%dma_start3A_371 : memref<10000x128xf32, #tpu.memory_space<hbm>>) target(%arg16 : memref<40x128xf32, #tpu.memory_space<vmem>>) offsets(%arg8 : memref<40xi32, #tpu.memory_space<vmem>>) semaphore(%arg26 : memref<!tpu.dma_semaphore, #tpu.memory_space<semaphore_mem>>)
      } else {
      }
      %scan3A_265 = arith.constant 0 : i32
      %scan3A_266 = arith.constant 0 : i32
      %scan3A_267 = arith.constant 40 : i32
      %scan3A_268 = arith.addi %scan3A_266, %scan3A_267 : i32
      %scan3A_269 = arith.constant 1 : i32
      scf.for %scan3A_359 = %scan3A_266 to %scan3A_268 step %scan3A_269  : i32 {
        %get3A = arith.index_cast %scan3A_359 : i32 to index
        %get3A_360 = arith.constant 0 : index
        %get3A_361 = tpu.vector_load %arg10[%get3A, %get3A_360] {strides = array<i32>} : memref<40x16xf32, #tpu.memory_space<vmem>>, vector<1x16xf32>,
        %get3A_362 = vector.shape_cast %get3A_361 : vector<1x16xf32> to vector<16xf32>
        %get3A_363 = arith.index_cast %scan3A_359 : i32 to index
        %get3A_364 = arith.constant 0 : index
        %get3A_365 = tpu.vector_load %arg14[%get3A_363, %get3A_364] {strides = array<i32>} : memref<40x128xf32, #tpu.memory_space<vmem>>, vector<1x16xf32>,
        %get3A_366 = vector.shape_cast %get3A_365 : vector<1x16xf32> to vector<16xf32>
        %mul3A_367 = arith.mulf %get3A_366, %get3A_362 : vector<16xf32>
        %swap3A = arith.index_cast %scan3A_359 : i32 to index
        %swap3A_368 = arith.constant 0 : index
        %swap3A_369 = tpu.vector_load %arg14[%swap3A, %swap3A_368] {strides = array<i32>} : memref<40x128xf32, #tpu.memory_space<vmem>>, vector<1x16xf32>,
        %swap3A_370 = vector.shape_cast %swap3A_369 : vector<1x16xf32> to vector<16xf32>
        %swap3A_371 = vector.shape_cast %mul3A_367 : vector<16xf32> to vector<1x16xf32>
        tpu.vector_store %arg14[%swap3A, %swap3A_368], %swap3A_371 {strides = array<i32>} : memref<40x128xf32, #tpu.memory_space<vmem>>, vector<1x16xf32>,
        %get3A_372 = arith.index_cast %scan3A_359 : i32 to index
        %get3A_373 = arith.constant 16 : index
        %get3A_374 = tpu.vector_load %arg14[%get3A_372, %get3A_373] {strides = array<i32>} : memref<40x128xf32, #tpu.memory_space<vmem>>, vector<1x16xf32>,
        %get3A_375 = vector.shape_cast %get3A_374 : vector<1x16xf32> to vector<16xf32>
        %mul3A_376 = arith.mulf %get3A_375, %get3A_362 : vector<16xf32>
        %swap3A_377 = arith.index_cast %scan3A_359 : i32 to index
        %swap3A_378 = arith.constant 16 : index
        %swap3A_379 = tpu.vector_load %arg14[%swap3A_377, %swap3A_378] {strides = array<i32>} : memref<40x128xf32, #tpu.memory_space<vmem>>, vector<1x16xf32>,
        %swap3A_380 = vector.shape_cast %swap3A_379 : vector<1x16xf32> to vector<16xf32>
        %swap3A_381 = vector.shape_cast %mul3A_376 : vector<16xf32> to vector<1x16xf32>
        tpu.vector_store %arg14[%swap3A_377, %swap3A_378], %swap3A_381 {strides = array<i32>} : memref<40x128xf32, #tpu.memory_space<vmem>>, vector<1x16xf32>,
        %get3A_382 = arith.index_cast %scan3A_359 : i32 to index
        %get3A_383 = arith.constant 32 : index
        %get3A_384 = tpu.vector_load %arg14[%get3A_382, %get3A_383] {strides = array<i32>} : memref<40x128xf32, #tpu.memory_space<vmem>>, vector<1x16xf32>,
        %get3A_385 = vector.shape_cast %get3A_384 : vector<1x16xf32> to vector<16xf32>
        %mul3A_386 = arith.mulf %get3A_385, %get3A_362 : vector<16xf32>
        %swap3A_387 = arith.index_cast %scan3A_359 : i32 to index
        %swap3A_388 = arith.constant 32 : index
        %swap3A_389 = tpu.vector_load %arg14[%swap3A_387, %swap3A_388] {strides = array<i32>} : memref<40x128xf32, #tpu.memory_space<vmem>>, vector<1x16xf32>,
        %swap3A_390 = vector.shape_cast %swap3A_389 : vector<1x16xf32> to vector<16xf32>
        %swap3A_391 = vector.shape_cast %mul3A_386 : vector<16xf32> to vector<1x16xf32>
        tpu.vector_store %arg14[%swap3A_387, %swap3A_388], %swap3A_391 {strides = array<i32>} : memref<40x128xf32, #tpu.memory_space<vmem>>, vector<1x16xf32>,
        %get3A_392 = arith.index_cast %scan3A_359 : i32 to index
        %get3A_393 = arith.constant 48 : index
        %get3A_394 = tpu.vector_load %arg14[%get3A_392, %get3A_393] {strides = array<i32>} : memref<40x128xf32, #tpu.memory_space<vmem>>, vector<1x16xf32>,
        %get3A_395 = vector.shape_cast %get3A_394 : vector<1x16xf32> to vector<16xf32>
        %mul3A_396 = arith.mulf %get3A_395, %get3A_362 : vector<16xf32>
        %swap3A_397 = arith.index_cast %scan3A_359 : i32 to index
        %swap3A_398 = arith.constant 48 : index
        %swap3A_399 = tpu.vector_load %arg14[%swap3A_397, %swap3A_398] {strides = array<i32>} : memref<40x128xf32, #tpu.memory_space<vmem>>, vector<1x16xf32>,
        %swap3A_400 = vector.shape_cast %swap3A_399 : vector<1x16xf32> to vector<16xf32>
        %swap3A_401 = vector.shape_cast %mul3A_396 : vector<16xf32> to vector<1x16xf32>
        tpu.vector_store %arg14[%swap3A_397, %swap3A_398], %swap3A_401 {strides = array<i32>} : memref<40x128xf32, #tpu.memory_space<vmem>>, vector<1x16xf32>,
        %get3A_402 = arith.index_cast %scan3A_359 : i32 to index
        %get3A_403 = arith.constant 64 : index
        %get3A_404 = tpu.vector_load %arg14[%get3A_402, %get3A_403] {strides = array<i32>} : memref<40x128xf32, #tpu.memory_space<vmem>>, vector<1x16xf32>,
        %get3A_405 = vector.shape_cast %get3A_404 : vector<1x16xf32> to vector<16xf32>
        %mul3A_406 = arith.mulf %get3A_405, %get3A_362 : vector<16xf32>
        %swap3A_407 = arith.index_cast %scan3A_359 : i32 to index
        %swap3A_408 = arith.constant 64 : index
        %swap3A_409 = tpu.vector_load %arg14[%swap3A_407, %swap3A_408] {strides = array<i32>} : memref<40x128xf32, #tpu.memory_space<vmem>>, vector<1x16xf32>,
        %swap3A_410 = vector.shape_cast %swap3A_409 : vector<1x16xf32> to vector<16xf32>
        %swap3A_411 = vector.shape_cast %mul3A_406 : vector<16xf32> to vector<1x16xf32>
        tpu.vector_store %arg14[%swap3A_407, %swap3A_408], %swap3A_411 {strides = array<i32>} : memref<40x128xf32, #tpu.memory_space<vmem>>, vector<1x16xf32>,
        %get3A_412 = arith.index_cast %scan3A_359 : i32 to index
        %get3A_413 = arith.constant 80 : index
        %get3A_414 = tpu.vector_load %arg14[%get3A_412, %get3A_413] {strides = array<i32>} : memref<40x128xf32, #tpu.memory_space<vmem>>, vector<1x16xf32>,
        %get3A_415 = vector.shape_cast %get3A_414 : vector<1x16xf32> to vector<16xf32>
        %mul3A_416 = arith.mulf %get3A_415, %get3A_362 : vector<16xf32>
        %swap3A_417 = arith.index_cast %scan3A_359 : i32 to index
        %swap3A_418 = arith.constant 80 : index
        %swap3A_419 = tpu.vector_load %arg14[%swap3A_417, %swap3A_418] {strides = array<i32>} : memref<40x128xf32, #tpu.memory_space<vmem>>, vector<1x16xf32>,
        %swap3A_420 = vector.shape_cast %swap3A_419 : vector<1x16xf32> to vector<16xf32>
        %swap3A_421 = vector.shape_cast %mul3A_416 : vector<16xf32> to vector<1x16xf32>
        tpu.vector_store %arg14[%swap3A_417, %swap3A_418], %swap3A_421 {strides = array<i32>} : memref<40x128xf32, #tpu.memory_space<vmem>>, vector<1x16xf32>,
        %get3A_422 = arith.index_cast %scan3A_359 : i32 to index
        %get3A_423 = arith.constant 96 : index
        %get3A_424 = tpu.vector_load %arg14[%get3A_422, %get3A_423] {strides = array<i32>} : memref<40x128xf32, #tpu.memory_space<vmem>>, vector<1x16xf32>,
        %get3A_425 = vector.shape_cast %get3A_424 : vector<1x16xf32> to vector<16xf32>
        %mul3A_426 = arith.mulf %get3A_425, %get3A_362 : vector<16xf32>
        %swap3A_427 = arith.index_cast %scan3A_359 : i32 to index
        %swap3A_428 = arith.constant 96 : index
        %swap3A_429 = tpu.vector_load %arg14[%swap3A_427, %swap3A_428] {strides = array<i32>} : memref<40x128xf32, #tpu.memory_space<vmem>>, vector<1x16xf32>,
        %swap3A_430 = vector.shape_cast %swap3A_429 : vector<1x16xf32> to vector<16xf32>
        %swap3A_431 = vector.shape_cast %mul3A_426 : vector<16xf32> to vector<1x16xf32>
        tpu.vector_store %arg14[%swap3A_427, %swap3A_428], %swap3A_431 {strides = array<i32>} : memref<40x128xf32, #tpu.memory_space<vmem>>, vector<1x16xf32>,
        %get3A_432 = arith.index_cast %scan3A_359 : i32 to index
        %get3A_433 = arith.constant 112 : index
        %get3A_434 = tpu.vector_load %arg14[%get3A_432, %get3A_433] {strides = array<i32>} : memref<40x128xf32, #tpu.memory_space<vmem>>, vector<1x16xf32>,
        %get3A_435 = vector.shape_cast %get3A_434 : vector<1x16xf32> to vector<16xf32>
        %mul3A_436 = arith.mulf %get3A_435, %get3A_362 : vector<16xf32>
        %swap3A_437 = arith.index_cast %scan3A_359 : i32 to index
        %swap3A_438 = arith.constant 112 : index
        %swap3A_439 = tpu.vector_load %arg14[%swap3A_437, %swap3A_438] {strides = array<i32>} : memref<40x128xf32, #tpu.memory_space<vmem>>, vector<1x16xf32>,
        %swap3A_440 = vector.shape_cast %swap3A_439 : vector<1x16xf32> to vector<16xf32>
        %swap3A_441 = vector.shape_cast %mul3A_436 : vector<16xf32> to vector<1x16xf32>
        tpu.vector_store %arg14[%swap3A_437, %swap3A_438], %swap3A_441 {strides = array<i32>} : memref<40x128xf32, #tpu.memory_space<vmem>>, vector<1x16xf32>,
      }
      %scan3A_270 = arith.constant 40 : i32
      "tpu.region"() ({
        %run_scoped3A = tpu.sem_alloc : memref<!tpu.dma_semaphore, #tpu.memory_space<semaphore_mem>>
        %dma_start3A_359 = arith.constant 0 : i32
        %dma_start3A_360 = arith.constant 0 : i32
        %dma_start3A_361 = tpu.memref_slice %arg19[%dma_start3A_359, %dma_start3A_360] : memref<10240x128xf32, #tpu.memory_space<vmem_shared>> -> memref<10240x128xf32, #tpu.memory_space<vmem_shared>>
        tpu.enqueue_indirect_dma source(%arg14 : memref<40x128xf32, #tpu.memory_space<vmem>>) target(%dma_start3A_361 : memref<10240x128xf32, #tpu.memory_space<vmem_shared>>) offsets(%arg6 : memref<40xi32, #tpu.memory_space<vmem>>) semaphore(%run_scoped3A : memref<!tpu.dma_semaphore, #tpu.memory_space<semaphore_mem>>) {add = true}
        %dma_wait3A_362 = arith.constant 0 : i32
        %dma_wait3A_363 = arith.constant 0 : i32
        %dma_wait3A_364 = tpu.memref_slice %arg19[%dma_wait3A_362, %dma_wait3A_363] : memref<10240x128xf32, #tpu.memory_space<vmem_shared>> -> memref<10240x128xf32, #tpu.memory_space<vmem_shared>>
        tpu.wait_indirect_dma semaphore(%run_scoped3A : memref<!tpu.dma_semaphore, #tpu.memory_space<semaphore_mem>>) src(%arg14 : memref<40x128xf32, #tpu.memory_space<vmem>>) dst(%dma_wait3A_364 : memref<10240x128xf32, #tpu.memory_space<vmem_shared>>)
        tpu.yield
      }) : () -> ()
      %add3A_271 = arith.constant 4 : i32
      %add3A_272 = arith.addi %add3A_257, %add3A_271 : i32
      %lt3A_273 = arith.constant 250 : i32
      %lt3A_274 = arith.cmpi slt, %add3A_272, %lt3A_273 : i32
      %convert_element_type3A_275 = arith.extui %lt3A_274 : i1 to i32
      %cond3A_276 = arith.constant 0 : i32
      %cond3A_277 = arith.cmpi ne, %convert_element_type3A_275, %cond3A_276 : i32
      scf.if %cond3A_277 {
        %add3A_359 = arith.constant 4 : i32
        %add3A_360 = arith.addi %add3A_257, %add3A_359 : i32
        %mul3A_361 = arith.constant 40 : i32
        %mul3A_362 = arith.muli %add3A_360, %mul3A_361 : i32
        %add3A_363 = arith.addi %mul3A_2, %mul3A_362 : i32
        %dma_start3A_364 = tpu.memref_slice %arg2[%add3A_363] : memref<320000xi32, #tpu.memory_space<hbm>> -> memref<40xi32, #tpu.memory_space<hbm>>
        %dma_start3A_365 = tpu.memref_slice %arg2[%add3A_363] : memref<320000xi32, #tpu.memory_space<hbm>> -> memref<40xi32, #tpu.memory_space<hbm>>
        tpu.enqueue_dma source(%dma_start3A_365 : memref<40xi32, #tpu.memory_space<hbm>>) target(%arg6 : memref<40xi32, #tpu.memory_space<vmem>>) target_semaphore(%arg20 : memref<!tpu.dma_semaphore, #tpu.memory_space<semaphore_mem>>)
        %dma_start3A_366 = arith.constant 0 : i32
        %dma_start3A_367 = tpu.memref_slice %arg3[%add3A_363, %dma_start3A_366] : memref<320000x16xf32, #tpu.memory_space<hbm>> -> memref<40x16xf32, #tpu.memory_space<hbm>>
        %dma_start3A_368 = arith.constant 0 : i32
        %dma_start3A_369 = tpu.memref_slice %arg3[%add3A_363, %dma_start3A_368] : memref<320000x16xf32, #tpu.memory_space<hbm>> -> memref<40x16xf32, #tpu.memory_space<hbm>>
        tpu.enqueue_dma source(%dma_start3A_369 : memref<40x16xf32, #tpu.memory_space<hbm>>) target(%arg10 : memref<40x16xf32, #tpu.memory_space<vmem>>) target_semaphore(%arg20 : memref<!tpu.dma_semaphore, #tpu.memory_space<semaphore_mem>>)
      } else {
      }
      %mul3A_278 = arith.constant 4 : i32
      %mul3A_279 = arith.muli %mul3A_278, %scan3A_253 : i32
      %add3A_280 = arith.constant 1 : i32
      %add3A_281 = arith.addi %mul3A_279, %add3A_280 : i32
      %dma_wait3A_282 = arith.constant 0 : i32
      %dma_wait3A_283 = arith.constant 0 : i32
      %dma_wait3A_284 = tpu.memref_slice %arg4[%dma_wait3A_282, %dma_wait3A_283] : memref<10000x128xf32, #tpu.memory_space<hbm>> -> memref<10000x128xf32, #tpu.memory_space<hbm>>
      tpu.wait_indirect_dma semaphore(%arg25 : memref<!tpu.dma_semaphore, #tpu.memory_space<semaphore_mem>>) src(%dma_wait3A_284 : memref<10000x128xf32, #tpu.memory_space<hbm>>) dst(%arg15 : memref<40x128xf32, #tpu.memory_space<vmem>>)
      %add3A_285 = arith.constant 2 : i32
      %add3A_286 = arith.addi %add3A_281, %add3A_285 : i32
      %lt3A_287 = arith.constant 250 : i32
      %lt3A_288 = arith.cmpi slt, %add3A_286, %lt3A_287 : i32
      %convert_element_type3A_289 = arith.extui %lt3A_288 : i1 to i32
      %cond3A_290 = arith.constant 0 : i32
      %cond3A_291 = arith.cmpi ne, %convert_element_type3A_289, %cond3A_290 : i32
      scf.if %cond3A_291 {
        %dma_wait3A_359 = arith.constant 0 : i32
        %dma_wait3A_360 = tpu.memref_slice %arg2[%dma_wait3A_359] : memref<320000xi32, #tpu.memory_space<hbm>> -> memref<40xi32, #tpu.memory_space<hbm>>
        %dma_wait3A_361 = arith.constant 0 : i32
        %dma_wait3A_362 = tpu.memref_slice %arg2[%dma_wait3A_361] : memref<320000xi32, #tpu.memory_space<hbm>> -> memref<40xi32, #tpu.memory_space<hbm>>
        tpu.wait_dma2 semaphore(%arg23 : memref<!tpu.dma_semaphore, #tpu.memory_space<semaphore_mem>>) src(%dma_wait3A_362 : memref<40xi32, #tpu.memory_space<hbm>>) dst(%arg9 : memref<40xi32, #tpu.memory_space<vmem>>)
        %dma_wait3A_363 = arith.constant 0 : i32
        %dma_wait3A_364 = arith.constant 0 : i32
        %dma_wait3A_365 = tpu.memref_slice %arg3[%dma_wait3A_363, %dma_wait3A_364] : memref<320000x16xf32, #tpu.memory_space<hbm>> -> memref<40x16xf32, #tpu.memory_space<hbm>>
        %dma_wait3A_366 = arith.constant 0 : i32
        %dma_wait3A_367 = arith.constant 0 : i32
        %dma_wait3A_368 = tpu.memref_slice %arg3[%dma_wait3A_366, %dma_wait3A_367] : memref<320000x16xf32, #tpu.memory_space<hbm>> -> memref<40x16xf32, #tpu.memory_space<hbm>>
        tpu.wait_dma2 semaphore(%arg23 : memref<!tpu.dma_semaphore, #tpu.memory_space<semaphore_mem>>) src(%dma_wait3A_368 : memref<40x16xf32, #tpu.memory_space<hbm>>) dst(%arg13 : memref<40x16xf32, #tpu.memory_space<vmem>>)
        %dma_start3A_369 = arith.constant 0 : i32
        %dma_start3A_370 = arith.constant 0 : i32
        %dma_start3A_371 = tpu.memref_slice %arg4[%dma_start3A_369, %dma_start3A_370] : memref<10000x128xf32, #tpu.memory_space<hbm>> -> memref<10000x128xf32, #tpu.memory_space<hbm>>
        tpu.enqueue_indirect_dma source(%dma_start3A_371 : memref<10000x128xf32, #tpu.memory_space<hbm>>) target(%arg17 : memref<40x128xf32, #tpu.memory_space<vmem>>) offsets(%arg9 : memref<40xi32, #tpu.memory_space<vmem>>) semaphore(%arg27 : memref<!tpu.dma_semaphore, #tpu.memory_space<semaphore_mem>>)
      } else {
      }
      %scan3A_292 = arith.constant 0 : i32
      %scan3A_293 = arith.constant 0 : i32
      %scan3A_294 = arith.constant 40 : i32
      %scan3A_295 = arith.addi %scan3A_293, %scan3A_294 : i32
      %scan3A_296 = arith.constant 1 : i32
      scf.for %scan3A_359 = %scan3A_293 to %scan3A_295 step %scan3A_296  : i32 {
        %get3A = arith.index_cast %scan3A_359 : i32 to index
        %get3A_360 = arith.constant 0 : index
        %get3A_361 = tpu.vector_load %arg11[%get3A, %get3A_360] {strides = array<i32>} : memref<40x16xf32, #tpu.memory_space<vmem>>, vector<1x16xf32>,
        %get3A_362 = vector.shape_cast %get3A_361 : vector<1x16xf32> to vector<16xf32>
        %get3A_363 = arith.index_cast %scan3A_359 : i32 to index
        %get3A_364 = arith.constant 0 : index
        %get3A_365 = tpu.vector_load %arg15[%get3A_363, %get3A_364] {strides = array<i32>} : memref<40x128xf32, #tpu.memory_space<vmem>>, vector<1x16xf32>,
        %get3A_366 = vector.shape_cast %get3A_365 : vector<1x16xf32> to vector<16xf32>
        %mul3A_367 = arith.mulf %get3A_366, %get3A_362 : vector<16xf32>
        %swap3A = arith.index_cast %scan3A_359 : i32 to index
        %swap3A_368 = arith.constant 0 : index
        %swap3A_369 = tpu.vector_load %arg15[%swap3A, %swap3A_368] {strides = array<i32>} : memref<40x128xf32, #tpu.memory_space<vmem>>, vector<1x16xf32>,
        %swap3A_370 = vector.shape_cast %swap3A_369 : vector<1x16xf32> to vector<16xf32>
        %swap3A_371 = vector.shape_cast %mul3A_367 : vector<16xf32> to vector<1x16xf32>
        tpu.vector_store %arg15[%swap3A, %swap3A_368], %swap3A_371 {strides = array<i32>} : memref<40x128xf32, #tpu.memory_space<vmem>>, vector<1x16xf32>,
        %get3A_372 = arith.index_cast %scan3A_359 : i32 to index
        %get3A_373 = arith.constant 16 : index
        %get3A_374 = tpu.vector_load %arg15[%get3A_372, %get3A_373] {strides = array<i32>} : memref<40x128xf32, #tpu.memory_space<vmem>>, vector<1x16xf32>,
        %get3A_375 = vector.shape_cast %get3A_374 : vector<1x16xf32> to vector<16xf32>
        %mul3A_376 = arith.mulf %get3A_375, %get3A_362 : vector<16xf32>
        %swap3A_377 = arith.index_cast %scan3A_359 : i32 to index
        %swap3A_378 = arith.constant 16 : index
        %swap3A_379 = tpu.vector_load %arg15[%swap3A_377, %swap3A_378] {strides = array<i32>} : memref<40x128xf32, #tpu.memory_space<vmem>>, vector<1x16xf32>,
        %swap3A_380 = vector.shape_cast %swap3A_379 : vector<1x16xf32> to vector<16xf32>
        %swap3A_381 = vector.shape_cast %mul3A_376 : vector<16xf32> to vector<1x16xf32>
        tpu.vector_store %arg15[%swap3A_377, %swap3A_378], %swap3A_381 {strides = array<i32>} : memref<40x128xf32, #tpu.memory_space<vmem>>, vector<1x16xf32>,
        %get3A_382 = arith.index_cast %scan3A_359 : i32 to index
        %get3A_383 = arith.constant 32 : index
        %get3A_384 = tpu.vector_load %arg15[%get3A_382, %get3A_383] {strides = array<i32>} : memref<40x128xf32, #tpu.memory_space<vmem>>, vector<1x16xf32>,
        %get3A_385 = vector.shape_cast %get3A_384 : vector<1x16xf32> to vector<16xf32>
        %mul3A_386 = arith.mulf %get3A_385, %get3A_362 : vector<16xf32>
        %swap3A_387 = arith.index_cast %scan3A_359 : i32 to index
        %swap3A_388 = arith.constant 32 : index
        %swap3A_389 = tpu.vector_load %arg15[%swap3A_387, %swap3A_388] {strides = array<i32>} : memref<40x128xf32, #tpu.memory_space<vmem>>, vector<1x16xf32>,
        %swap3A_390 = vector.shape_cast %swap3A_389 : vector<1x16xf32> to vector<16xf32>
        %swap3A_391 = vector.shape_cast %mul3A_386 : vector<16xf32> to vector<1x16xf32>
        tpu.vector_store %arg15[%swap3A_387, %swap3A_388], %swap3A_391 {strides = array<i32>} : memref<40x128xf32, #tpu.memory_space<vmem>>, vector<1x16xf32>,
        %get3A_392 = arith.index_cast %scan3A_359 : i32 to index
        %get3A_393 = arith.constant 48 : index
        %get3A_394 = tpu.vector_load %arg15[%get3A_392, %get3A_393] {strides = array<i32>} : memref<40x128xf32, #tpu.memory_space<vmem>>, vector<1x16xf32>,
        %get3A_395 = vector.shape_cast %get3A_394 : vector<1x16xf32> to vector<16xf32>
        %mul3A_396 = arith.mulf %get3A_395, %get3A_362 : vector<16xf32>
        %swap3A_397 = arith.index_cast %scan3A_359 : i32 to index
        %swap3A_398 = arith.constant 48 : index
        %swap3A_399 = tpu.vector_load %arg15[%swap3A_397, %swap3A_398] {strides = array<i32>} : memref<40x128xf32, #tpu.memory_space<vmem>>, vector<1x16xf32>,
        %swap3A_400 = vector.shape_cast %swap3A_399 : vector<1x16xf32> to vector<16xf32>
        %swap3A_401 = vector.shape_cast %mul3A_396 : vector<16xf32> to vector<1x16xf32>
        tpu.vector_store %arg15[%swap3A_397, %swap3A_398], %swap3A_401 {strides = array<i32>} : memref<40x128xf32, #tpu.memory_space<vmem>>, vector<1x16xf32>,
        %get3A_402 = arith.index_cast %scan3A_359 : i32 to index
        %get3A_403 = arith.constant 64 : index
        %get3A_404 = tpu.vector_load %arg15[%get3A_402, %get3A_403] {strides = array<i32>} : memref<40x128xf32, #tpu.memory_space<vmem>>, vector<1x16xf32>,
        %get3A_405 = vector.shape_cast %get3A_404 : vector<1x16xf32> to vector<16xf32>
        %mul3A_406 = arith.mulf %get3A_405, %get3A_362 : vector<16xf32>
        %swap3A_407 = arith.index_cast %scan3A_359 : i32 to index
        %swap3A_408 = arith.constant 64 : index
        %swap3A_409 = tpu.vector_load %arg15[%swap3A_407, %swap3A_408] {strides = array<i32>} : memref<40x128xf32, #tpu.memory_space<vmem>>, vector<1x16xf32>,
        %swap3A_410 = vector.shape_cast %swap3A_409 : vector<1x16xf32> to vector<16xf32>
        %swap3A_411 = vector.shape_cast %mul3A_406 : vector<16xf32> to vector<1x16xf32>
        tpu.vector_store %arg15[%swap3A_407, %swap3A_408], %swap3A_411 {strides = array<i32>} : memref<40x128xf32, #tpu.memory_space<vmem>>, vector<1x16xf32>,
        %get3A_412 = arith.index_cast %scan3A_359 : i32 to index
        %get3A_413 = arith.constant 80 : index
        %get3A_414 = tpu.vector_load %arg15[%get3A_412, %get3A_413] {strides = array<i32>} : memref<40x128xf32, #tpu.memory_space<vmem>>, vector<1x16xf32>,
        %get3A_415 = vector.shape_cast %get3A_414 : vector<1x16xf32> to vector<16xf32>
        %mul3A_416 = arith.mulf %get3A_415, %get3A_362 : vector<16xf32>
        %swap3A_417 = arith.index_cast %scan3A_359 : i32 to index
        %swap3A_418 = arith.constant 80 : index
        %swap3A_419 = tpu.vector_load %arg15[%swap3A_417, %swap3A_418] {strides = array<i32>} : memref<40x128xf32, #tpu.memory_space<vmem>>, vector<1x16xf32>,
        %swap3A_420 = vector.shape_cast %swap3A_419 : vector<1x16xf32> to vector<16xf32>
        %swap3A_421 = vector.shape_cast %mul3A_416 : vector<16xf32> to vector<1x16xf32>
        tpu.vector_store %arg15[%swap3A_417, %swap3A_418], %swap3A_421 {strides = array<i32>} : memref<40x128xf32, #tpu.memory_space<vmem>>, vector<1x16xf32>,
        %get3A_422 = arith.index_cast %scan3A_359 : i32 to index
        %get3A_423 = arith.constant 96 : index
        %get3A_424 = tpu.vector_load %arg15[%get3A_422, %get3A_423] {strides = array<i32>} : memref<40x128xf32, #tpu.memory_space<vmem>>, vector<1x16xf32>,
        %get3A_425 = vector.shape_cast %get3A_424 : vector<1x16xf32> to vector<16xf32>
        %mul3A_426 = arith.mulf %get3A_425, %get3A_362 : vector<16xf32>
        %swap3A_427 = arith.index_cast %scan3A_359 : i32 to index
        %swap3A_428 = arith.constant 96 : index
        %swap3A_429 = tpu.vector_load %arg15[%swap3A_427, %swap3A_428] {strides = array<i32>} : memref<40x128xf32, #tpu.memory_space<vmem>>, vector<1x16xf32>,
        %swap3A_430 = vector.shape_cast %swap3A_429 : vector<1x16xf32> to vector<16xf32>
        %swap3A_431 = vector.shape_cast %mul3A_426 : vector<16xf32> to vector<1x16xf32>
        tpu.vector_store %arg15[%swap3A_427, %swap3A_428], %swap3A_431 {strides = array<i32>} : memref<40x128xf32, #tpu.memory_space<vmem>>, vector<1x16xf32>,
        %get3A_432 = arith.index_cast %scan3A_359 : i32 to index
        %get3A_433 = arith.constant 112 : index
        %get3A_434 = tpu.vector_load %arg15[%get3A_432, %get3A_433] {strides = array<i32>} : memref<40x128xf32, #tpu.memory_space<vmem>>, vector<1x16xf32>,
        %get3A_435 = vector.shape_cast %get3A_434 : vector<1x16xf32> to vector<16xf32>
        %mul3A_436 = arith.mulf %get3A_435, %get3A_362 : vector<16xf32>
        %swap3A_437 = arith.index_cast %scan3A_359 : i32 to index
        %swap3A_438 = arith.constant 112 : index
        %swap3A_439 = tpu.vector_load %arg15[%swap3A_437, %swap3A_438] {strides = array<i32>} : memref<40x128xf32, #tpu.memory_space<vmem>>, vector<1x16xf32>,
        %swap3A_440 = vector.shape_cast %swap3A_439 : vector<1x16xf32> to vector<16xf32>
        %swap3A_441 = vector.shape_cast %mul3A_436 : vector<16xf32> to vector<1x16xf32>
        tpu.vector_store %arg15[%swap3A_437, %swap3A_438], %swap3A_441 {strides = array<i32>} : memref<40x128xf32, #tpu.memory_space<vmem>>, vector<1x16xf32>,
      }
      %scan3A_297 = arith.constant 40 : i32
      "tpu.region"() ({
        %run_scoped3A = tpu.sem_alloc : memref<!tpu.dma_semaphore, #tpu.memory_space<semaphore_mem>>
        %dma_start3A_359 = arith.constant 0 : i32
        %dma_start3A_360 = arith.constant 0 : i32
        %dma_start3A_361 = tpu.memref_slice %arg19[%dma_start3A_359, %dma_start3A_360] : memref<10240x128xf32, #tpu.memory_space<vmem_shared>> -> memref<10240x128xf32, #tpu.memory_space<vmem_shared>>
        tpu.enqueue_indirect_dma source(%arg15 : memref<40x128xf32, #tpu.memory_space<vmem>>) target(%dma_start3A_361 : memref<10240x128xf32, #tpu.memory_space<vmem_shared>>) offsets(%arg7 : memref<40xi32, #tpu.memory_space<vmem>>) semaphore(%run_scoped3A : memref<!tpu.dma_semaphore, #tpu.memory_space<semaphore_mem>>) {add = true}
        %dma_wait3A_362 = arith.constant 0 : i32
        %dma_wait3A_363 = arith.constant 0 : i32
        %dma_wait3A_364 = tpu.memref_slice %arg19[%dma_wait3A_362, %dma_wait3A_363] : memref<10240x128xf32, #tpu.memory_space<vmem_shared>> -> memref<10240x128xf32, #tpu.memory_space<vmem_shared>>
        tpu.wait_indirect_dma semaphore(%run_scoped3A : memref<!tpu.dma_semaphore, #tpu.memory_space<semaphore_mem>>) src(%arg15 : memref<40x128xf32, #tpu.memory_space<vmem>>) dst(%dma_wait3A_364 : memref<10240x128xf32, #tpu.memory_space<vmem_shared>>)
        tpu.yield
      }) : () -> ()
      %add3A_298 = arith.constant 4 : i32
      %add3A_299 = arith.addi %add3A_281, %add3A_298 : i32
      %lt3A_300 = arith.constant 250 : i32
      %lt3A_301 = arith.cmpi slt, %add3A_299, %lt3A_300 : i32
      %convert_element_type3A_302 = arith.extui %lt3A_301 : i1 to i32
      %cond3A_303 = arith.constant 0 : i32
      %cond3A_304 = arith.cmpi ne, %convert_element_type3A_302, %cond3A_303 : i32
      scf.if %cond3A_304 {
        %add3A_359 = arith.constant 4 : i32
        %add3A_360 = arith.addi %add3A_281, %add3A_359 : i32
        %mul3A_361 = arith.constant 40 : i32
        %mul3A_362 = arith.muli %add3A_360, %mul3A_361 : i32
        %add3A_363 = arith.addi %mul3A_2, %mul3A_362 : i32
        %dma_start3A_364 = tpu.memref_slice %arg2[%add3A_363] : memref<320000xi32, #tpu.memory_space<hbm>> -> memref<40xi32, #tpu.memory_space<hbm>>
        %dma_start3A_365 = tpu.memref_slice %arg2[%add3A_363] : memref<320000xi32, #tpu.memory_space<hbm>> -> memref<40xi32, #tpu.memory_space<hbm>>
        tpu.enqueue_dma source(%dma_start3A_365 : memref<40xi32, #tpu.memory_space<hbm>>) target(%arg7 : memref<40xi32, #tpu.memory_space<vmem>>) target_semaphore(%arg21 : memref<!tpu.dma_semaphore, #tpu.memory_space<semaphore_mem>>)
        %dma_start3A_366 = arith.constant 0 : i32
        %dma_start3A_367 = tpu.memref_slice %arg3[%add3A_363, %dma_start3A_366] : memref<320000x16xf32, #tpu.memory_space<hbm>> -> memref<40x16xf32, #tpu.memory_space<hbm>>
        %dma_start3A_368 = arith.constant 0 : i32
        %dma_start3A_369 = tpu.memref_slice %arg3[%add3A_363, %dma_start3A_368] : memref<320000x16xf32, #tpu.memory_space<hbm>> -> memref<40x16xf32, #tpu.memory_space<hbm>>
        tpu.enqueue_dma source(%dma_start3A_369 : memref<40x16xf32, #tpu.memory_space<hbm>>) target(%arg11 : memref<40x16xf32, #tpu.memory_space<vmem>>) target_semaphore(%arg21 : memref<!tpu.dma_semaphore, #tpu.memory_space<semaphore_mem>>)
      } else {
      }
      %mul3A_305 = arith.constant 4 : i32
      %mul3A_306 = arith.muli %mul3A_305, %scan3A_253 : i32
      %add3A_307 = arith.constant 2 : i32
      %add3A_308 = arith.addi %mul3A_306, %add3A_307 : i32
      %dma_wait3A_309 = arith.constant 0 : i32
      %dma_wait3A_310 = arith.constant 0 : i32
      %dma_wait3A_311 = tpu.memref_slice %arg4[%dma_wait3A_309, %dma_wait3A_310] : memref<10000x128xf32, #tpu.memory_space<hbm>> -> memref<10000x128xf32, #tpu.memory_space<hbm>>
      tpu.wait_indirect_dma semaphore(%arg26 : memref<!tpu.dma_semaphore, #tpu.memory_space<semaphore_mem>>) src(%dma_wait3A_311 : memref<10000x128xf32, #tpu.memory_space<hbm>>) dst(%arg16 : memref<40x128xf32, #tpu.memory_space<vmem>>)
      %add3A_312 = arith.constant 2 : i32
      %add3A_313 = arith.addi %add3A_308, %add3A_312 : i32
      %lt3A_314 = arith.constant 250 : i32
      %lt3A_315 = arith.cmpi slt, %add3A_313, %lt3A_314 : i32
      %convert_element_type3A_316 = arith.extui %lt3A_315 : i1 to i32
      %cond3A_317 = arith.constant 0 : i32
      %cond3A_318 = arith.cmpi ne, %convert_element_type3A_316, %cond3A_317 : i32
      scf.if %cond3A_318 {
        %dma_wait3A_359 = arith.constant 0 : i32
        %dma_wait3A_360 = tpu.memref_slice %arg2[%dma_wait3A_359] : memref<320000xi32, #tpu.memory_space<hbm>> -> memref<40xi32, #tpu.memory_space<hbm>>
        %dma_wait3A_361 = arith.constant 0 : i32
        %dma_wait3A_362 = tpu.memref_slice %arg2[%dma_wait3A_361] : memref<320000xi32, #tpu.memory_space<hbm>> -> memref<40xi32, #tpu.memory_space<hbm>>
        tpu.wait_dma2 semaphore(%arg20 : memref<!tpu.dma_semaphore, #tpu.memory_space<semaphore_mem>>) src(%dma_wait3A_362 : memref<40xi32, #tpu.memory_space<hbm>>) dst(%arg6 : memref<40xi32, #tpu.memory_space<vmem>>)
        %dma_wait3A_363 = arith.constant 0 : i32
        %dma_wait3A_364 = arith.constant 0 : i32
        %dma_wait3A_365 = tpu.memref_slice %arg3[%dma_wait3A_363, %dma_wait3A_364] : memref<320000x16xf32, #tpu.memory_space<hbm>> -> memref<40x16xf32, #tpu.memory_space<hbm>>
        %dma_wait3A_366 = arith.constant 0 : i32
        %dma_wait3A_367 = arith.constant 0 : i32
        %dma_wait3A_368 = tpu.memref_slice %arg3[%dma_wait3A_366, %dma_wait3A_367] : memref<320000x16xf32, #tpu.memory_space<hbm>> -> memref<40x16xf32, #tpu.memory_space<hbm>>
        tpu.wait_dma2 semaphore(%arg20 : memref<!tpu.dma_semaphore, #tpu.memory_space<semaphore_mem>>) src(%dma_wait3A_368 : memref<40x16xf32, #tpu.memory_space<hbm>>) dst(%arg10 : memref<40x16xf32, #tpu.memory_space<vmem>>)
        %dma_start3A_369 = arith.constant 0 : i32
        %dma_start3A_370 = arith.constant 0 : i32
        %dma_start3A_371 = tpu.memref_slice %arg4[%dma_start3A_369, %dma_start3A_370] : memref<10000x128xf32, #tpu.memory_space<hbm>> -> memref<10000x128xf32, #tpu.memory_space<hbm>>
        tpu.enqueue_indirect_dma source(%dma_start3A_371 : memref<10000x128xf32, #tpu.memory_space<hbm>>) target(%arg14 : memref<40x128xf32, #tpu.memory_space<vmem>>) offsets(%arg6 : memref<40xi32, #tpu.memory_space<vmem>>) semaphore(%arg24 : memref<!tpu.dma_semaphore, #tpu.memory_space<semaphore_mem>>)
      } else {
      }
      %scan3A_319 = arith.constant 0 : i32
      %scan3A_320 = arith.constant 0 : i32
      %scan3A_321 = arith.constant 40 : i32
      %scan3A_322 = arith.addi %scan3A_320, %scan3A_321 : i32
      %scan3A_323 = arith.constant 1 : i32
      scf.for %scan3A_359 = %scan3A_320 to %scan3A_322 step %scan3A_323  : i32 {
        %get3A = arith.index_cast %scan3A_359 : i32 to index
        %get3A_360 = arith.constant 0 : index
        %get3A_361 = tpu.vector_load %arg12[%get3A, %get3A_360] {strides = array<i32>} : memref<40x16xf32, #tpu.memory_space<vmem>>, vector<1x16xf32>,
        %get3A_362 = vector.shape_cast %get3A_361 : vector<1x16xf32> to vector<16xf32>
        %get3A_363 = arith.index_cast %scan3A_359 : i32 to index
        %get3A_364 = arith.constant 0 : index
        %get3A_365 = tpu.vector_load %arg16[%get3A_363, %get3A_364] {strides = array<i32>} : memref<40x128xf32, #tpu.memory_space<vmem>>, vector<1x16xf32>,
        %get3A_366 = vector.shape_cast %get3A_365 : vector<1x16xf32> to vector<16xf32>
        %mul3A_367 = arith.mulf %get3A_366, %get3A_362 : vector<16xf32>
        %swap3A = arith.index_cast %scan3A_359 : i32 to index
        %swap3A_368 = arith.constant 0 : index
        %swap3A_369 = tpu.vector_load %arg16[%swap3A, %swap3A_368] {strides = array<i32>} : memref<40x128xf32, #tpu.memory_space<vmem>>, vector<1x16xf32>,
        %swap3A_370 = vector.shape_cast %swap3A_369 : vector<1x16xf32> to vector<16xf32>
        %swap3A_371 = vector.shape_cast %mul3A_367 : vector<16xf32> to vector<1x16xf32>
        tpu.vector_store %arg16[%swap3A, %swap3A_368], %swap3A_371 {strides = array<i32>} : memref<40x128xf32, #tpu.memory_space<vmem>>, vector<1x16xf32>,
        %get3A_372 = arith.index_cast %scan3A_359 : i32 to index
        %get3A_373 = arith.constant 16 : index
        %get3A_374 = tpu.vector_load %arg16[%get3A_372, %get3A_373] {strides = array<i32>} : memref<40x128xf32, #tpu.memory_space<vmem>>, vector<1x16xf32>,
        %get3A_375 = vector.shape_cast %get3A_374 : vector<1x16xf32> to vector<16xf32>
        %mul3A_376 = arith.mulf %get3A_375, %get3A_362 : vector<16xf32>
        %swap3A_377 = arith.index_cast %scan3A_359 : i32 to index
        %swap3A_378 = arith.constant 16 : index
        %swap3A_379 = tpu.vector_load %arg16[%swap3A_377, %swap3A_378] {strides = array<i32>} : memref<40x128xf32, #tpu.memory_space<vmem>>, vector<1x16xf32>,
        %swap3A_380 = vector.shape_cast %swap3A_379 : vector<1x16xf32> to vector<16xf32>
        %swap3A_381 = vector.shape_cast %mul3A_376 : vector<16xf32> to vector<1x16xf32>
        tpu.vector_store %arg16[%swap3A_377, %swap3A_378], %swap3A_381 {strides = array<i32>} : memref<40x128xf32, #tpu.memory_space<vmem>>, vector<1x16xf32>,
        %get3A_382 = arith.index_cast %scan3A_359 : i32 to index
        %get3A_383 = arith.constant 32 : index
        %get3A_384 = tpu.vector_load %arg16[%get3A_382, %get3A_383] {strides = array<i32>} : memref<40x128xf32, #tpu.memory_space<vmem>>, vector<1x16xf32>,
        %get3A_385 = vector.shape_cast %get3A_384 : vector<1x16xf32> to vector<16xf32>
        %mul3A_386 = arith.mulf %get3A_385, %get3A_362 : vector<16xf32>
        %swap3A_387 = arith.index_cast %scan3A_359 : i32 to index
        %swap3A_388 = arith.constant 32 : index
        %swap3A_389 = tpu.vector_load %arg16[%swap3A_387, %swap3A_388] {strides = array<i32>} : memref<40x128xf32, #tpu.memory_space<vmem>>, vector<1x16xf32>,
        %swap3A_390 = vector.shape_cast %swap3A_389 : vector<1x16xf32> to vector<16xf32>
        %swap3A_391 = vector.shape_cast %mul3A_386 : vector<16xf32> to vector<1x16xf32>
        tpu.vector_store %arg16[%swap3A_387, %swap3A_388], %swap3A_391 {strides = array<i32>} : memref<40x128xf32, #tpu.memory_space<vmem>>, vector<1x16xf32>,
        %get3A_392 = arith.index_cast %scan3A_359 : i32 to index
        %get3A_393 = arith.constant 48 : index
        %get3A_394 = tpu.vector_load %arg16[%get3A_392, %get3A_393] {strides = array<i32>} : memref<40x128xf32, #tpu.memory_space<vmem>>, vector<1x16xf32>,
        %get3A_395 = vector.shape_cast %get3A_394 : vector<1x16xf32> to vector<16xf32>
        %mul3A_396 = arith.mulf %get3A_395, %get3A_362 : vector<16xf32>
        %swap3A_397 = arith.index_cast %scan3A_359 : i32 to index
        %swap3A_398 = arith.constant 48 : index
        %swap3A_399 = tpu.vector_load %arg16[%swap3A_397, %swap3A_398] {strides = array<i32>} : memref<40x128xf32, #tpu.memory_space<vmem>>, vector<1x16xf32>,
        %swap3A_400 = vector.shape_cast %swap3A_399 : vector<1x16xf32> to vector<16xf32>
        %swap3A_401 = vector.shape_cast %mul3A_396 : vector<16xf32> to vector<1x16xf32>
        tpu.vector_store %arg16[%swap3A_397, %swap3A_398], %swap3A_401 {strides = array<i32>} : memref<40x128xf32, #tpu.memory_space<vmem>>, vector<1x16xf32>,
        %get3A_402 = arith.index_cast %scan3A_359 : i32 to index
        %get3A_403 = arith.constant 64 : index
        %get3A_404 = tpu.vector_load %arg16[%get3A_402, %get3A_403] {strides = array<i32>} : memref<40x128xf32, #tpu.memory_space<vmem>>, vector<1x16xf32>,
        %get3A_405 = vector.shape_cast %get3A_404 : vector<1x16xf32> to vector<16xf32>
        %mul3A_406 = arith.mulf %get3A_405, %get3A_362 : vector<16xf32>
        %swap3A_407 = arith.index_cast %scan3A_359 : i32 to index
        %swap3A_408 = arith.constant 64 : index
        %swap3A_409 = tpu.vector_load %arg16[%swap3A_407, %swap3A_408] {strides = array<i32>} : memref<40x128xf32, #tpu.memory_space<vmem>>, vector<1x16xf32>,
        %swap3A_410 = vector.shape_cast %swap3A_409 : vector<1x16xf32> to vector<16xf32>
        %swap3A_411 = vector.shape_cast %mul3A_406 : vector<16xf32> to vector<1x16xf32>
        tpu.vector_store %arg16[%swap3A_407, %swap3A_408], %swap3A_411 {strides = array<i32>} : memref<40x128xf32, #tpu.memory_space<vmem>>, vector<1x16xf32>,
        %get3A_412 = arith.index_cast %scan3A_359 : i32 to index
        %get3A_413 = arith.constant 80 : index
        %get3A_414 = tpu.vector_load %arg16[%get3A_412, %get3A_413] {strides = array<i32>} : memref<40x128xf32, #tpu.memory_space<vmem>>, vector<1x16xf32>,
        %get3A_415 = vector.shape_cast %get3A_414 : vector<1x16xf32> to vector<16xf32>
        %mul3A_416 = arith.mulf %get3A_415, %get3A_362 : vector<16xf32>
        %swap3A_417 = arith.index_cast %scan3A_359 : i32 to index
        %swap3A_418 = arith.constant 80 : index
        %swap3A_419 = tpu.vector_load %arg16[%swap3A_417, %swap3A_418] {strides = array<i32>} : memref<40x128xf32, #tpu.memory_space<vmem>>, vector<1x16xf32>,
        %swap3A_420 = vector.shape_cast %swap3A_419 : vector<1x16xf32> to vector<16xf32>
        %swap3A_421 = vector.shape_cast %mul3A_416 : vector<16xf32> to vector<1x16xf32>
        tpu.vector_store %arg16[%swap3A_417, %swap3A_418], %swap3A_421 {strides = array<i32>} : memref<40x128xf32, #tpu.memory_space<vmem>>, vector<1x16xf32>,
        %get3A_422 = arith.index_cast %scan3A_359 : i32 to index
        %get3A_423 = arith.constant 96 : index
        %get3A_424 = tpu.vector_load %arg16[%get3A_422, %get3A_423] {strides = array<i32>} : memref<40x128xf32, #tpu.memory_space<vmem>>, vector<1x16xf32>,
        %get3A_425 = vector.shape_cast %get3A_424 : vector<1x16xf32> to vector<16xf32>
        %mul3A_426 = arith.mulf %get3A_425, %get3A_362 : vector<16xf32>
        %swap3A_427 = arith.index_cast %scan3A_359 : i32 to index
        %swap3A_428 = arith.constant 96 : index
        %swap3A_429 = tpu.vector_load %arg16[%swap3A_427, %swap3A_428] {strides = array<i32>} : memref<40x128xf32, #tpu.memory_space<vmem>>, vector<1x16xf32>,
        %swap3A_430 = vector.shape_cast %swap3A_429 : vector<1x16xf32> to vector<16xf32>
        %swap3A_431 = vector.shape_cast %mul3A_426 : vector<16xf32> to vector<1x16xf32>
        tpu.vector_store %arg16[%swap3A_427, %swap3A_428], %swap3A_431 {strides = array<i32>} : memref<40x128xf32, #tpu.memory_space<vmem>>, vector<1x16xf32>,
        %get3A_432 = arith.index_cast %scan3A_359 : i32 to index
        %get3A_433 = arith.constant 112 : index
        %get3A_434 = tpu.vector_load %arg16[%get3A_432, %get3A_433] {strides = array<i32>} : memref<40x128xf32, #tpu.memory_space<vmem>>, vector<1x16xf32>,
        %get3A_435 = vector.shape_cast %get3A_434 : vector<1x16xf32> to vector<16xf32>
        %mul3A_436 = arith.mulf %get3A_435, %get3A_362 : vector<16xf32>
        %swap3A_437 = arith.index_cast %scan3A_359 : i32 to index
        %swap3A_438 = arith.constant 112 : index
        %swap3A_439 = tpu.vector_load %arg16[%swap3A_437, %swap3A_438] {strides = array<i32>} : memref<40x128xf32, #tpu.memory_space<vmem>>, vector<1x16xf32>,
        %swap3A_440 = vector.shape_cast %swap3A_439 : vector<1x16xf32> to vector<16xf32>
        %swap3A_441 = vector.shape_cast %mul3A_436 : vector<16xf32> to vector<1x16xf32>
        tpu.vector_store %arg16[%swap3A_437, %swap3A_438], %swap3A_441 {strides = array<i32>} : memref<40x128xf32, #tpu.memory_space<vmem>>, vector<1x16xf32>,
      }
      %scan3A_324 = arith.constant 40 : i32
      "tpu.region"() ({
        %run_scoped3A = tpu.sem_alloc : memref<!tpu.dma_semaphore, #tpu.memory_space<semaphore_mem>>
        %dma_start3A_359 = arith.constant 0 : i32
        %dma_start3A_360 = arith.constant 0 : i32
        %dma_start3A_361 = tpu.memref_slice %arg19[%dma_start3A_359, %dma_start3A_360] : memref<10240x128xf32, #tpu.memory_space<vmem_shared>> -> memref<10240x128xf32, #tpu.memory_space<vmem_shared>>
        tpu.enqueue_indirect_dma source(%arg16 : memref<40x128xf32, #tpu.memory_space<vmem>>) target(%dma_start3A_361 : memref<10240x128xf32, #tpu.memory_space<vmem_shared>>) offsets(%arg8 : memref<40xi32, #tpu.memory_space<vmem>>) semaphore(%run_scoped3A : memref<!tpu.dma_semaphore, #tpu.memory_space<semaphore_mem>>) {add = true}
        %dma_wait3A_362 = arith.constant 0 : i32
        %dma_wait3A_363 = arith.constant 0 : i32
        %dma_wait3A_364 = tpu.memref_slice %arg19[%dma_wait3A_362, %dma_wait3A_363] : memref<10240x128xf32, #tpu.memory_space<vmem_shared>> -> memref<10240x128xf32, #tpu.memory_space<vmem_shared>>
        tpu.wait_indirect_dma semaphore(%run_scoped3A : memref<!tpu.dma_semaphore, #tpu.memory_space<semaphore_mem>>) src(%arg16 : memref<40x128xf32, #tpu.memory_space<vmem>>) dst(%dma_wait3A_364 : memref<10240x128xf32, #tpu.memory_space<vmem_shared>>)
        tpu.yield
      }) : () -> ()
      %add3A_325 = arith.constant 4 : i32
      %add3A_326 = arith.addi %add3A_308, %add3A_325 : i32
      %lt3A_327 = arith.constant 250 : i32
      %lt3A_328 = arith.cmpi slt, %add3A_326, %lt3A_327 : i32
      %convert_element_type3A_329 = arith.extui %lt3A_328 : i1 to i32
      %cond3A_330 = arith.constant 0 : i32
      %cond3A_331 = arith.cmpi ne, %convert_element_type3A_329, %cond3A_330 : i32
      scf.if %cond3A_331 {
        %add3A_359 = arith.constant 4 : i32
        %add3A_360 = arith.addi %add3A_308, %add3A_359 : i32
        %mul3A_361 = arith.constant 40 : i32
        %mul3A_362 = arith.muli %add3A_360, %mul3A_361 : i32
        %add3A_363 = arith.addi %mul3A_2, %mul3A_362 : i32
        %dma_start3A_364 = tpu.memref_slice %arg2[%add3A_363] : memref<320000xi32, #tpu.memory_space<hbm>> -> memref<40xi32, #tpu.memory_space<hbm>>
        %dma_start3A_365 = tpu.memref_slice %arg2[%add3A_363] : memref<320000xi32, #tpu.memory_space<hbm>> -> memref<40xi32, #tpu.memory_space<hbm>>
        tpu.enqueue_dma source(%dma_start3A_365 : memref<40xi32, #tpu.memory_space<hbm>>) target(%arg8 : memref<40xi32, #tpu.memory_space<vmem>>) target_semaphore(%arg22 : memref<!tpu.dma_semaphore, #tpu.memory_space<semaphore_mem>>)
        %dma_start3A_366 = arith.constant 0 : i32
        %dma_start3A_367 = tpu.memref_slice %arg3[%add3A_363, %dma_start3A_366] : memref<320000x16xf32, #tpu.memory_space<hbm>> -> memref<40x16xf32, #tpu.memory_space<hbm>>
        %dma_start3A_368 = arith.constant 0 : i32
        %dma_start3A_369 = tpu.memref_slice %arg3[%add3A_363, %dma_start3A_368] : memref<320000x16xf32, #tpu.memory_space<hbm>> -> memref<40x16xf32, #tpu.memory_space<hbm>>
        tpu.enqueue_dma source(%dma_start3A_369 : memref<40x16xf32, #tpu.memory_space<hbm>>) target(%arg12 : memref<40x16xf32, #tpu.memory_space<vmem>>) target_semaphore(%arg22 : memref<!tpu.dma_semaphore, #tpu.memory_space<semaphore_mem>>)
      } else {
      }
      %mul3A_332 = arith.constant 4 : i32
      %mul3A_333 = arith.muli %mul3A_332, %scan3A_253 : i32
      %add3A_334 = arith.constant 3 : i32
      %add3A_335 = arith.addi %mul3A_333, %add3A_334 : i32
      %dma_wait3A_336 = arith.constant 0 : i32
      %dma_wait3A_337 = arith.constant 0 : i32
      %dma_wait3A_338 = tpu.memref_slice %arg4[%dma_wait3A_336, %dma_wait3A_337] : memref<10000x128xf32, #tpu.memory_space<hbm>> -> memref<10000x128xf32, #tpu.memory_space<hbm>>
      tpu.wait_indirect_dma semaphore(%arg27 : memref<!tpu.dma_semaphore, #tpu.memory_space<semaphore_mem>>) src(%dma_wait3A_338 : memref<10000x128xf32, #tpu.memory_space<hbm>>) dst(%arg17 : memref<40x128xf32, #tpu.memory_space<vmem>>)
      %add3A_339 = arith.constant 2 : i32
      %add3A_340 = arith.addi %add3A_335, %add3A_339 : i32
      %lt3A_341 = arith.constant 250 : i32
      %lt3A_342 = arith.cmpi slt, %add3A_340, %lt3A_341 : i32
      %convert_element_type3A_343 = arith.extui %lt3A_342 : i1 to i32
      %cond3A_344 = arith.constant 0 : i32
      %cond3A_345 = arith.cmpi ne, %convert_element_type3A_343, %cond3A_344 : i32
      scf.if %cond3A_345 {
        %dma_wait3A_359 = arith.constant 0 : i32
        %dma_wait3A_360 = tpu.memref_slice %arg2[%dma_wait3A_359] : memref<320000xi32, #tpu.memory_space<hbm>> -> memref<40xi32, #tpu.memory_space<hbm>>
        %dma_wait3A_361 = arith.constant 0 : i32
        %dma_wait3A_362 = tpu.memref_slice %arg2[%dma_wait3A_361] : memref<320000xi32, #tpu.memory_space<hbm>> -> memref<40xi32, #tpu.memory_space<hbm>>
        tpu.wait_dma2 semaphore(%arg21 : memref<!tpu.dma_semaphore, #tpu.memory_space<semaphore_mem>>) src(%dma_wait3A_362 : memref<40xi32, #tpu.memory_space<hbm>>) dst(%arg7 : memref<40xi32, #tpu.memory_space<vmem>>)
        %dma_wait3A_363 = arith.constant 0 : i32
        %dma_wait3A_364 = arith.constant 0 : i32
        %dma_wait3A_365 = tpu.memref_slice %arg3[%dma_wait3A_363, %dma_wait3A_364] : memref<320000x16xf32, #tpu.memory_space<hbm>> -> memref<40x16xf32, #tpu.memory_space<hbm>>
        %dma_wait3A_366 = arith.constant 0 : i32
        %dma_wait3A_367 = arith.constant 0 : i32
        %dma_wait3A_368 = tpu.memref_slice %arg3[%dma_wait3A_366, %dma_wait3A_367] : memref<320000x16xf32, #tpu.memory_space<hbm>> -> memref<40x16xf32, #tpu.memory_space<hbm>>
        tpu.wait_dma2 semaphore(%arg21 : memref<!tpu.dma_semaphore, #tpu.memory_space<semaphore_mem>>) src(%dma_wait3A_368 : memref<40x16xf32, #tpu.memory_space<hbm>>) dst(%arg11 : memref<40x16xf32, #tpu.memory_space<vmem>>)
        %dma_start3A_369 = arith.constant 0 : i32
        %dma_start3A_370 = arith.constant 0 : i32
        %dma_start3A_371 = tpu.memref_slice %arg4[%dma_start3A_369, %dma_start3A_370] : memref<10000x128xf32, #tpu.memory_space<hbm>> -> memref<10000x128xf32, #tpu.memory_space<hbm>>
        tpu.enqueue_indirect_dma source(%dma_start3A_371 : memref<10000x128xf32, #tpu.memory_space<hbm>>) target(%arg15 : memref<40x128xf32, #tpu.memory_space<vmem>>) offsets(%arg7 : memref<40xi32, #tpu.memory_space<vmem>>) semaphore(%arg25 : memref<!tpu.dma_semaphore, #tpu.memory_space<semaphore_mem>>)
      } else {
      }
      %scan3A_346 = arith.constant 0 : i32
      %scan3A_347 = arith.constant 0 : i32
      %scan3A_348 = arith.constant 40 : i32
      %scan3A_349 = arith.addi %scan3A_347, %scan3A_348 : i32
      %scan3A_350 = arith.constant 1 : i32
      scf.for %scan3A_359 = %scan3A_347 to %scan3A_349 step %scan3A_350  : i32 {
        %get3A = arith.index_cast %scan3A_359 : i32 to index
        %get3A_360 = arith.constant 0 : index
        %get3A_361 = tpu.vector_load %arg13[%get3A, %get3A_360] {strides = array<i32>} : memref<40x16xf32, #tpu.memory_space<vmem>>, vector<1x16xf32>,
        %get3A_362 = vector.shape_cast %get3A_361 : vector<1x16xf32> to vector<16xf32>
        %get3A_363 = arith.index_cast %scan3A_359 : i32 to index
        %get3A_364 = arith.constant 0 : index
        %get3A_365 = tpu.vector_load %arg17[%get3A_363, %get3A_364] {strides = array<i32>} : memref<40x128xf32, #tpu.memory_space<vmem>>, vector<1x16xf32>,
        %get3A_366 = vector.shape_cast %get3A_365 : vector<1x16xf32> to vector<16xf32>
        %mul3A_367 = arith.mulf %get3A_366, %get3A_362 : vector<16xf32>
        %swap3A = arith.index_cast %scan3A_359 : i32 to index
        %swap3A_368 = arith.constant 0 : index
        %swap3A_369 = tpu.vector_load %arg17[%swap3A, %swap3A_368] {strides = array<i32>} : memref<40x128xf32, #tpu.memory_space<vmem>>, vector<1x16xf32>,
        %swap3A_370 = vector.shape_cast %swap3A_369 : vector<1x16xf32> to vector<16xf32>
        %swap3A_371 = vector.shape_cast %mul3A_367 : vector<16xf32> to vector<1x16xf32>
        tpu.vector_store %arg17[%swap3A, %swap3A_368], %swap3A_371 {strides = array<i32>} : memref<40x128xf32, #tpu.memory_space<vmem>>, vector<1x16xf32>,
        %get3A_372 = arith.index_cast %scan3A_359 : i32 to index
        %get3A_373 = arith.constant 16 : index
        %get3A_374 = tpu.vector_load %arg17[%get3A_372, %get3A_373] {strides = array<i32>} : memref<40x128xf32, #tpu.memory_space<vmem>>, vector<1x16xf32>,
        %get3A_375 = vector.shape_cast %get3A_374 : vector<1x16xf32> to vector<16xf32>
        %mul3A_376 = arith.mulf %get3A_375, %get3A_362 : vector<16xf32>
        %swap3A_377 = arith.index_cast %scan3A_359 : i32 to index
        %swap3A_378 = arith.constant 16 : index
        %swap3A_379 = tpu.vector_load %arg17[%swap3A_377, %swap3A_378] {strides = array<i32>} : memref<40x128xf32, #tpu.memory_space<vmem>>, vector<1x16xf32>,
        %swap3A_380 = vector.shape_cast %swap3A_379 : vector<1x16xf32> to vector<16xf32>
        %swap3A_381 = vector.shape_cast %mul3A_376 : vector<16xf32> to vector<1x16xf32>
        tpu.vector_store %arg17[%swap3A_377, %swap3A_378], %swap3A_381 {strides = array<i32>} : memref<40x128xf32, #tpu.memory_space<vmem>>, vector<1x16xf32>,
        %get3A_382 = arith.index_cast %scan3A_359 : i32 to index
        %get3A_383 = arith.constant 32 : index
        %get3A_384 = tpu.vector_load %arg17[%get3A_382, %get3A_383] {strides = array<i32>} : memref<40x128xf32, #tpu.memory_space<vmem>>, vector<1x16xf32>,
        %get3A_385 = vector.shape_cast %get3A_384 : vector<1x16xf32> to vector<16xf32>
        %mul3A_386 = arith.mulf %get3A_385, %get3A_362 : vector<16xf32>
        %swap3A_387 = arith.index_cast %scan3A_359 : i32 to index
        %swap3A_388 = arith.constant 32 : index
        %swap3A_389 = tpu.vector_load %arg17[%swap3A_387, %swap3A_388] {strides = array<i32>} : memref<40x128xf32, #tpu.memory_space<vmem>>, vector<1x16xf32>,
        %swap3A_390 = vector.shape_cast %swap3A_389 : vector<1x16xf32> to vector<16xf32>
        %swap3A_391 = vector.shape_cast %mul3A_386 : vector<16xf32> to vector<1x16xf32>
        tpu.vector_store %arg17[%swap3A_387, %swap3A_388], %swap3A_391 {strides = array<i32>} : memref<40x128xf32, #tpu.memory_space<vmem>>, vector<1x16xf32>,
        %get3A_392 = arith.index_cast %scan3A_359 : i32 to index
        %get3A_393 = arith.constant 48 : index
        %get3A_394 = tpu.vector_load %arg17[%get3A_392, %get3A_393] {strides = array<i32>} : memref<40x128xf32, #tpu.memory_space<vmem>>, vector<1x16xf32>,
        %get3A_395 = vector.shape_cast %get3A_394 : vector<1x16xf32> to vector<16xf32>
        %mul3A_396 = arith.mulf %get3A_395, %get3A_362 : vector<16xf32>
        %swap3A_397 = arith.index_cast %scan3A_359 : i32 to index
        %swap3A_398 = arith.constant 48 : index
        %swap3A_399 = tpu.vector_load %arg17[%swap3A_397, %swap3A_398] {strides = array<i32>} : memref<40x128xf32, #tpu.memory_space<vmem>>, vector<1x16xf32>,
        %swap3A_400 = vector.shape_cast %swap3A_399 : vector<1x16xf32> to vector<16xf32>
        %swap3A_401 = vector.shape_cast %mul3A_396 : vector<16xf32> to vector<1x16xf32>
        tpu.vector_store %arg17[%swap3A_397, %swap3A_398], %swap3A_401 {strides = array<i32>} : memref<40x128xf32, #tpu.memory_space<vmem>>, vector<1x16xf32>,
        %get3A_402 = arith.index_cast %scan3A_359 : i32 to index
        %get3A_403 = arith.constant 64 : index
        %get3A_404 = tpu.vector_load %arg17[%get3A_402, %get3A_403] {strides = array<i32>} : memref<40x128xf32, #tpu.memory_space<vmem>>, vector<1x16xf32>,
        %get3A_405 = vector.shape_cast %get3A_404 : vector<1x16xf32> to vector<16xf32>
        %mul3A_406 = arith.mulf %get3A_405, %get3A_362 : vector<16xf32>
        %swap3A_407 = arith.index_cast %scan3A_359 : i32 to index
        %swap3A_408 = arith.constant 64 : index
        %swap3A_409 = tpu.vector_load %arg17[%swap3A_407, %swap3A_408] {strides = array<i32>} : memref<40x128xf32, #tpu.memory_space<vmem>>, vector<1x16xf32>,
        %swap3A_410 = vector.shape_cast %swap3A_409 : vector<1x16xf32> to vector<16xf32>
        %swap3A_411 = vector.shape_cast %mul3A_406 : vector<16xf32> to vector<1x16xf32>
        tpu.vector_store %arg17[%swap3A_407, %swap3A_408], %swap3A_411 {strides = array<i32>} : memref<40x128xf32, #tpu.memory_space<vmem>>, vector<1x16xf32>,
        %get3A_412 = arith.index_cast %scan3A_359 : i32 to index
        %get3A_413 = arith.constant 80 : index
        %get3A_414 = tpu.vector_load %arg17[%get3A_412, %get3A_413] {strides = array<i32>} : memref<40x128xf32, #tpu.memory_space<vmem>>, vector<1x16xf32>,
        %get3A_415 = vector.shape_cast %get3A_414 : vector<1x16xf32> to vector<16xf32>
        %mul3A_416 = arith.mulf %get3A_415, %get3A_362 : vector<16xf32>
        %swap3A_417 = arith.index_cast %scan3A_359 : i32 to index
        %swap3A_418 = arith.constant 80 : index
        %swap3A_419 = tpu.vector_load %arg17[%swap3A_417, %swap3A_418] {strides = array<i32>} : memref<40x128xf32, #tpu.memory_space<vmem>>, vector<1x16xf32>,
        %swap3A_420 = vector.shape_cast %swap3A_419 : vector<1x16xf32> to vector<16xf32>
        %swap3A_421 = vector.shape_cast %mul3A_416 : vector<16xf32> to vector<1x16xf32>
        tpu.vector_store %arg17[%swap3A_417, %swap3A_418], %swap3A_421 {strides = array<i32>} : memref<40x128xf32, #tpu.memory_space<vmem>>, vector<1x16xf32>,
        %get3A_422 = arith.index_cast %scan3A_359 : i32 to index
        %get3A_423 = arith.constant 96 : index
        %get3A_424 = tpu.vector_load %arg17[%get3A_422, %get3A_423] {strides = array<i32>} : memref<40x128xf32, #tpu.memory_space<vmem>>, vector<1x16xf32>,
        %get3A_425 = vector.shape_cast %get3A_424 : vector<1x16xf32> to vector<16xf32>
        %mul3A_426 = arith.mulf %get3A_425, %get3A_362 : vector<16xf32>
        %swap3A_427 = arith.index_cast %scan3A_359 : i32 to index
        %swap3A_428 = arith.constant 96 : index
        %swap3A_429 = tpu.vector_load %arg17[%swap3A_427, %swap3A_428] {strides = array<i32>} : memref<40x128xf32, #tpu.memory_space<vmem>>, vector<1x16xf32>,
        %swap3A_430 = vector.shape_cast %swap3A_429 : vector<1x16xf32> to vector<16xf32>
        %swap3A_431 = vector.shape_cast %mul3A_426 : vector<16xf32> to vector<1x16xf32>
        tpu.vector_store %arg17[%swap3A_427, %swap3A_428], %swap3A_431 {strides = array<i32>} : memref<40x128xf32, #tpu.memory_space<vmem>>, vector<1x16xf32>,
        %get3A_432 = arith.index_cast %scan3A_359 : i32 to index
        %get3A_433 = arith.constant 112 : index
        %get3A_434 = tpu.vector_load %arg17[%get3A_432, %get3A_433] {strides = array<i32>} : memref<40x128xf32, #tpu.memory_space<vmem>>, vector<1x16xf32>,
        %get3A_435 = vector.shape_cast %get3A_434 : vector<1x16xf32> to vector<16xf32>
        %mul3A_436 = arith.mulf %get3A_435, %get3A_362 : vector<16xf32>
        %swap3A_437 = arith.index_cast %scan3A_359 : i32 to index
        %swap3A_438 = arith.constant 112 : index
        %swap3A_439 = tpu.vector_load %arg17[%swap3A_437, %swap3A_438] {strides = array<i32>} : memref<40x128xf32, #tpu.memory_space<vmem>>, vector<1x16xf32>,
        %swap3A_440 = vector.shape_cast %swap3A_439 : vector<1x16xf32> to vector<16xf32>
        %swap3A_441 = vector.shape_cast %mul3A_436 : vector<16xf32> to vector<1x16xf32>
        tpu.vector_store %arg17[%swap3A_437, %swap3A_438], %swap3A_441 {strides = array<i32>} : memref<40x128xf32, #tpu.memory_space<vmem>>, vector<1x16xf32>,
      }
      %scan3A_351 = arith.constant 40 : i32
      "tpu.region"() ({
        %run_scoped3A = tpu.sem_alloc : memref<!tpu.dma_semaphore, #tpu.memory_space<semaphore_mem>>
        %dma_start3A_359 = arith.constant 0 : i32
        %dma_start3A_360 = arith.constant 0 : i32
        %dma_start3A_361 = tpu.memref_slice %arg19[%dma_start3A_359, %dma_start3A_360] : memref<10240x128xf32, #tpu.memory_space<vmem_shared>> -> memref<10240x128xf32, #tpu.memory_space<vmem_shared>>
        tpu.enqueue_indirect_dma source(%arg17 : memref<40x128xf32, #tpu.memory_space<vmem>>) target(%dma_start3A_361 : memref<10240x128xf32, #tpu.memory_space<vmem_shared>>) offsets(%arg9 : memref<40xi32, #tpu.memory_space<vmem>>) semaphore(%run_scoped3A : memref<!tpu.dma_semaphore, #tpu.memory_space<semaphore_mem>>) {add = true}
        %dma_wait3A_362 = arith.constant 0 : i32
        %dma_wait3A_363 = arith.constant 0 : i32
        %dma_wait3A_364 = tpu.memref_slice %arg19[%dma_wait3A_362, %dma_wait3A_363] : memref<10240x128xf32, #tpu.memory_space<vmem_shared>> -> memref<10240x128xf32, #tpu.memory_space<vmem_shared>>
        tpu.wait_indirect_dma semaphore(%run_scoped3A : memref<!tpu.dma_semaphore, #tpu.memory_space<semaphore_mem>>) src(%arg17 : memref<40x128xf32, #tpu.memory_space<vmem>>) dst(%dma_wait3A_364 : memref<10240x128xf32, #tpu.memory_space<vmem_shared>>)
        tpu.yield
      }) : () -> ()
      %add3A_352 = arith.constant 4 : i32
      %add3A_353 = arith.addi %add3A_335, %add3A_352 : i32
      %lt3A_354 = arith.constant 250 : i32
      %lt3A_355 = arith.cmpi slt, %add3A_353, %lt3A_354 : i32
      %convert_element_type3A_356 = arith.extui %lt3A_355 : i1 to i32
      %cond3A_357 = arith.constant 0 : i32
      %cond3A_358 = arith.cmpi ne, %convert_element_type3A_356, %cond3A_357 : i32
      scf.if %cond3A_358 {
        %add3A_359 = arith.constant 4 : i32
        %add3A_360 = arith.addi %add3A_335, %add3A_359 : i32
        %mul3A_361 = arith.constant 40 : i32
        %mul3A_362 = arith.muli %add3A_360, %mul3A_361 : i32
        %add3A_363 = arith.addi %mul3A_2, %mul3A_362 : i32
        %dma_start3A_364 = tpu.memref_slice %arg2[%add3A_363] : memref<320000xi32, #tpu.memory_space<hbm>> -> memref<40xi32, #tpu.memory_space<hbm>>
        %dma_start3A_365 = tpu.memref_slice %arg2[%add3A_363] : memref<320000xi32, #tpu.memory_space<hbm>> -> memref<40xi32, #tpu.memory_space<hbm>>
        tpu.enqueue_dma source(%dma_start3A_365 : memref<40xi32, #tpu.memory_space<hbm>>) target(%arg9 : memref<40xi32, #tpu.memory_space<vmem>>) target_semaphore(%arg23 : memref<!tpu.dma_semaphore, #tpu.memory_space<semaphore_mem>>)
        %dma_start3A_366 = arith.constant 0 : i32
        %dma_start3A_367 = tpu.memref_slice %arg3[%add3A_363, %dma_start3A_366] : memref<320000x16xf32, #tpu.memory_space<hbm>> -> memref<40x16xf32, #tpu.memory_space<hbm>>
        %dma_start3A_368 = arith.constant 0 : i32
        %dma_start3A_369 = tpu.memref_slice %arg3[%add3A_363, %dma_start3A_368] : memref<320000x16xf32, #tpu.memory_space<hbm>> -> memref<40x16xf32, #tpu.memory_space<hbm>>
        tpu.enqueue_dma source(%dma_start3A_369 : memref<40x16xf32, #tpu.memory_space<hbm>>) target(%arg13 : memref<40x16xf32, #tpu.memory_space<vmem>>) target_semaphore(%arg23 : memref<!tpu.dma_semaphore, #tpu.memory_space<semaphore_mem>>)
      } else {
      }
    }
    %scan3A_229 = arith.constant 62 : i32
    %dma_wait3A_230 = arith.constant 0 : i32
    %dma_wait3A_231 = arith.constant 0 : i32
    %dma_wait3A_232 = tpu.memref_slice %arg4[%dma_wait3A_230, %dma_wait3A_231] : memref<10000x128xf32, #tpu.memory_space<hbm>> -> memref<10000x128xf32, #tpu.memory_space<hbm>>
    tpu.wait_indirect_dma semaphore(%arg24 : memref<!tpu.dma_semaphore, #tpu.memory_space<semaphore_mem>>) src(%dma_wait3A_232 : memref<10000x128xf32, #tpu.memory_space<hbm>>) dst(%arg14 : memref<40x128xf32, #tpu.memory_space<vmem>>)
    %scan3A_233 = arith.constant 0 : i32
    %scan3A_234 = arith.constant 0 : i32
    %scan3A_235 = arith.constant 40 : i32
    %scan3A_236 = arith.addi %scan3A_234, %scan3A_235 : i32
    %scan3A_237 = arith.constant 1 : i32
    scf.for %scan3A_253 = %scan3A_234 to %scan3A_236 step %scan3A_237  : i32 {
      %get3A = arith.index_cast %scan3A_253 : i32 to index
      %get3A_254 = arith.constant 0 : index
      %get3A_255 = tpu.vector_load %arg10[%get3A, %get3A_254] {strides = array<i32>} : memref<40x16xf32, #tpu.memory_space<vmem>>, vector<1x16xf32>,
      %get3A_256 = vector.shape_cast %get3A_255 : vector<1x16xf32> to vector<16xf32>
      %get3A_257 = arith.index_cast %scan3A_253 : i32 to index
      %get3A_258 = arith.constant 0 : index
      %get3A_259 = tpu.vector_load %arg14[%get3A_257, %get3A_258] {strides = array<i32>} : memref<40x128xf32, #tpu.memory_space<vmem>>, vector<1x16xf32>,
      %get3A_260 = vector.shape_cast %get3A_259 : vector<1x16xf32> to vector<16xf32>
      %mul3A_261 = arith.mulf %get3A_260, %get3A_256 : vector<16xf32>
      %swap3A = arith.index_cast %scan3A_253 : i32 to index
      %swap3A_262 = arith.constant 0 : index
      %swap3A_263 = tpu.vector_load %arg14[%swap3A, %swap3A_262] {strides = array<i32>} : memref<40x128xf32, #tpu.memory_space<vmem>>, vector<1x16xf32>,
      %swap3A_264 = vector.shape_cast %swap3A_263 : vector<1x16xf32> to vector<16xf32>
      %swap3A_265 = vector.shape_cast %mul3A_261 : vector<16xf32> to vector<1x16xf32>
      tpu.vector_store %arg14[%swap3A, %swap3A_262], %swap3A_265 {strides = array<i32>} : memref<40x128xf32, #tpu.memory_space<vmem>>, vector<1x16xf32>,
      %get3A_266 = arith.index_cast %scan3A_253 : i32 to index
      %get3A_267 = arith.constant 16 : index
      %get3A_268 = tpu.vector_load %arg14[%get3A_266, %get3A_267] {strides = array<i32>} : memref<40x128xf32, #tpu.memory_space<vmem>>, vector<1x16xf32>,
      %get3A_269 = vector.shape_cast %get3A_268 : vector<1x16xf32> to vector<16xf32>
      %mul3A_270 = arith.mulf %get3A_269, %get3A_256 : vector<16xf32>
      %swap3A_271 = arith.index_cast %scan3A_253 : i32 to index
      %swap3A_272 = arith.constant 16 : index
      %swap3A_273 = tpu.vector_load %arg14[%swap3A_271, %swap3A_272] {strides = array<i32>} : memref<40x128xf32, #tpu.memory_space<vmem>>, vector<1x16xf32>,
      %swap3A_274 = vector.shape_cast %swap3A_273 : vector<1x16xf32> to vector<16xf32>
      %swap3A_275 = vector.shape_cast %mul3A_270 : vector<16xf32> to vector<1x16xf32>
      tpu.vector_store %arg14[%swap3A_271, %swap3A_272], %swap3A_275 {strides = array<i32>} : memref<40x128xf32, #tpu.memory_space<vmem>>, vector<1x16xf32>,
      %get3A_276 = arith.index_cast %scan3A_253 : i32 to index
      %get3A_277 = arith.constant 32 : index
      %get3A_278 = tpu.vector_load %arg14[%get3A_276, %get3A_277] {strides = array<i32>} : memref<40x128xf32, #tpu.memory_space<vmem>>, vector<1x16xf32>,
      %get3A_279 = vector.shape_cast %get3A_278 : vector<1x16xf32> to vector<16xf32>
      %mul3A_280 = arith.mulf %get3A_279, %get3A_256 : vector<16xf32>
      %swap3A_281 = arith.index_cast %scan3A_253 : i32 to index
      %swap3A_282 = arith.constant 32 : index
      %swap3A_283 = tpu.vector_load %arg14[%swap3A_281, %swap3A_282] {strides = array<i32>} : memref<40x128xf32, #tpu.memory_space<vmem>>, vector<1x16xf32>,
      %swap3A_284 = vector.shape_cast %swap3A_283 : vector<1x16xf32> to vector<16xf32>
      %swap3A_285 = vector.shape_cast %mul3A_280 : vector<16xf32> to vector<1x16xf32>
      tpu.vector_store %arg14[%swap3A_281, %swap3A_282], %swap3A_285 {strides = array<i32>} : memref<40x128xf32, #tpu.memory_space<vmem>>, vector<1x16xf32>,
      %get3A_286 = arith.index_cast %scan3A_253 : i32 to index
      %get3A_287 = arith.constant 48 : index
      %get3A_288 = tpu.vector_load %arg14[%get3A_286, %get3A_287] {strides = array<i32>} : memref<40x128xf32, #tpu.memory_space<vmem>>, vector<1x16xf32>,
      %get3A_289 = vector.shape_cast %get3A_288 : vector<1x16xf32> to vector<16xf32>
      %mul3A_290 = arith.mulf %get3A_289, %get3A_256 : vector<16xf32>
      %swap3A_291 = arith.index_cast %scan3A_253 : i32 to index
      %swap3A_292 = arith.constant 48 : index
      %swap3A_293 = tpu.vector_load %arg14[%swap3A_291, %swap3A_292] {strides = array<i32>} : memref<40x128xf32, #tpu.memory_space<vmem>>, vector<1x16xf32>,
      %swap3A_294 = vector.shape_cast %swap3A_293 : vector<1x16xf32> to vector<16xf32>
      %swap3A_295 = vector.shape_cast %mul3A_290 : vector<16xf32> to vector<1x16xf32>
      tpu.vector_store %arg14[%swap3A_291, %swap3A_292], %swap3A_295 {strides = array<i32>} : memref<40x128xf32, #tpu.memory_space<vmem>>, vector<1x16xf32>,
      %get3A_296 = arith.index_cast %scan3A_253 : i32 to index
      %get3A_297 = arith.constant 64 : index
      %get3A_298 = tpu.vector_load %arg14[%get3A_296, %get3A_297] {strides = array<i32>} : memref<40x128xf32, #tpu.memory_space<vmem>>, vector<1x16xf32>,
      %get3A_299 = vector.shape_cast %get3A_298 : vector<1x16xf32> to vector<16xf32>
      %mul3A_300 = arith.mulf %get3A_299, %get3A_256 : vector<16xf32>
      %swap3A_301 = arith.index_cast %scan3A_253 : i32 to index
      %swap3A_302 = arith.constant 64 : index
      %swap3A_303 = tpu.vector_load %arg14[%swap3A_301, %swap3A_302] {strides = array<i32>} : memref<40x128xf32, #tpu.memory_space<vmem>>, vector<1x16xf32>,
      %swap3A_304 = vector.shape_cast %swap3A_303 : vector<1x16xf32> to vector<16xf32>
      %swap3A_305 = vector.shape_cast %mul3A_300 : vector<16xf32> to vector<1x16xf32>
      tpu.vector_store %arg14[%swap3A_301, %swap3A_302], %swap3A_305 {strides = array<i32>} : memref<40x128xf32, #tpu.memory_space<vmem>>, vector<1x16xf32>,
      %get3A_306 = arith.index_cast %scan3A_253 : i32 to index
      %get3A_307 = arith.constant 80 : index
      %get3A_308 = tpu.vector_load %arg14[%get3A_306, %get3A_307] {strides = array<i32>} : memref<40x128xf32, #tpu.memory_space<vmem>>, vector<1x16xf32>,
      %get3A_309 = vector.shape_cast %get3A_308 : vector<1x16xf32> to vector<16xf32>
      %mul3A_310 = arith.mulf %get3A_309, %get3A_256 : vector<16xf32>
      %swap3A_311 = arith.index_cast %scan3A_253 : i32 to index
      %swap3A_312 = arith.constant 80 : index
      %swap3A_313 = tpu.vector_load %arg14[%swap3A_311, %swap3A_312] {strides = array<i32>} : memref<40x128xf32, #tpu.memory_space<vmem>>, vector<1x16xf32>,
      %swap3A_314 = vector.shape_cast %swap3A_313 : vector<1x16xf32> to vector<16xf32>
      %swap3A_315 = vector.shape_cast %mul3A_310 : vector<16xf32> to vector<1x16xf32>
      tpu.vector_store %arg14[%swap3A_311, %swap3A_312], %swap3A_315 {strides = array<i32>} : memref<40x128xf32, #tpu.memory_space<vmem>>, vector<1x16xf32>,
      %get3A_316 = arith.index_cast %scan3A_253 : i32 to index
      %get3A_317 = arith.constant 96 : index
      %get3A_318 = tpu.vector_load %arg14[%get3A_316, %get3A_317] {strides = array<i32>} : memref<40x128xf32, #tpu.memory_space<vmem>>, vector<1x16xf32>,
      %get3A_319 = vector.shape_cast %get3A_318 : vector<1x16xf32> to vector<16xf32>
      %mul3A_320 = arith.mulf %get3A_319, %get3A_256 : vector<16xf32>
      %swap3A_321 = arith.index_cast %scan3A_253 : i32 to index
      %swap3A_322 = arith.constant 96 : index
      %swap3A_323 = tpu.vector_load %arg14[%swap3A_321, %swap3A_322] {strides = array<i32>} : memref<40x128xf32, #tpu.memory_space<vmem>>, vector<1x16xf32>,
      %swap3A_324 = vector.shape_cast %swap3A_323 : vector<1x16xf32> to vector<16xf32>
      %swap3A_325 = vector.shape_cast %mul3A_320 : vector<16xf32> to vector<1x16xf32>
      tpu.vector_store %arg14[%swap3A_321, %swap3A_322], %swap3A_325 {strides = array<i32>} : memref<40x128xf32, #tpu.memory_space<vmem>>, vector<1x16xf32>,
      %get3A_326 = arith.index_cast %scan3A_253 : i32 to index
      %get3A_327 = arith.constant 112 : index
      %get3A_328 = tpu.vector_load %arg14[%get3A_326, %get3A_327] {strides = array<i32>} : memref<40x128xf32, #tpu.memory_space<vmem>>, vector<1x16xf32>,
      %get3A_329 = vector.shape_cast %get3A_328 : vector<1x16xf32> to vector<16xf32>
      %mul3A_330 = arith.mulf %get3A_329, %get3A_256 : vector<16xf32>
      %swap3A_331 = arith.index_cast %scan3A_253 : i32 to index
      %swap3A_332 = arith.constant 112 : index
      %swap3A_333 = tpu.vector_load %arg14[%swap3A_331, %swap3A_332] {strides = array<i32>} : memref<40x128xf32, #tpu.memory_space<vmem>>, vector<1x16xf32>,
      %swap3A_334 = vector.shape_cast %swap3A_333 : vector<1x16xf32> to vector<16xf32>
      %swap3A_335 = vector.shape_cast %mul3A_330 : vector<16xf32> to vector<1x16xf32>
      tpu.vector_store %arg14[%swap3A_331, %swap3A_332], %swap3A_335 {strides = array<i32>} : memref<40x128xf32, #tpu.memory_space<vmem>>, vector<1x16xf32>,
    }
    %scan3A_238 = arith.constant 40 : i32
    "tpu.region"() ({
      %run_scoped3A = tpu.sem_alloc : memref<!tpu.dma_semaphore, #tpu.memory_space<semaphore_mem>>
      %dma_start3A_253 = arith.constant 0 : i32
      %dma_start3A_254 = arith.constant 0 : i32
      %dma_start3A_255 = tpu.memref_slice %arg19[%dma_start3A_253, %dma_start3A_254] : memref<10240x128xf32, #tpu.memory_space<vmem_shared>> -> memref<10240x128xf32, #tpu.memory_space<vmem_shared>>
      tpu.enqueue_indirect_dma source(%arg14 : memref<40x128xf32, #tpu.memory_space<vmem>>) target(%dma_start3A_255 : memref<10240x128xf32, #tpu.memory_space<vmem_shared>>) offsets(%arg6 : memref<40xi32, #tpu.memory_space<vmem>>) semaphore(%run_scoped3A : memref<!tpu.dma_semaphore, #tpu.memory_space<semaphore_mem>>) {add = true}
      %dma_wait3A_256 = arith.constant 0 : i32
      %dma_wait3A_257 = arith.constant 0 : i32
      %dma_wait3A_258 = tpu.memref_slice %arg19[%dma_wait3A_256, %dma_wait3A_257] : memref<10240x128xf32, #tpu.memory_space<vmem_shared>> -> memref<10240x128xf32, #tpu.memory_space<vmem_shared>>
      tpu.wait_indirect_dma semaphore(%run_scoped3A : memref<!tpu.dma_semaphore, #tpu.memory_space<semaphore_mem>>) src(%arg14 : memref<40x128xf32, #tpu.memory_space<vmem>>) dst(%dma_wait3A_258 : memref<10240x128xf32, #tpu.memory_space<vmem_shared>>)
      tpu.yield
    }) : () -> ()
    %dma_wait3A_239 = arith.constant 0 : i32
    %dma_wait3A_240 = arith.constant 0 : i32
    %dma_wait3A_241 = tpu.memref_slice %arg4[%dma_wait3A_239, %dma_wait3A_240] : memref<10000x128xf32, #tpu.memory_space<hbm>> -> memref<10000x128xf32, #tpu.memory_space<hbm>>
    tpu.wait_indirect_dma semaphore(%arg25 : memref<!tpu.dma_semaphore, #tpu.memory_space<semaphore_mem>>) src(%dma_wait3A_241 : memref<10000x128xf32, #tpu.memory_space<hbm>>) dst(%arg15 : memref<40x128xf32, #tpu.memory_space<vmem>>)
    %scan3A_242 = arith.constant 0 : i32
    %scan3A_243 = arith.constant 0 : i32
    %scan3A_244 = arith.constant 40 : i32
    %scan3A_245 = arith.addi %scan3A_243, %scan3A_244 : i32
    %scan3A_246 = arith.constant 1 : i32
    scf.for %scan3A_253 = %scan3A_243 to %scan3A_245 step %scan3A_246  : i32 {
      %get3A = arith.index_cast %scan3A_253 : i32 to index
      %get3A_254 = arith.constant 0 : index
      %get3A_255 = tpu.vector_load %arg11[%get3A, %get3A_254] {strides = array<i32>} : memref<40x16xf32, #tpu.memory_space<vmem>>, vector<1x16xf32>,
      %get3A_256 = vector.shape_cast %get3A_255 : vector<1x16xf32> to vector<16xf32>
      %get3A_257 = arith.index_cast %scan3A_253 : i32 to index
      %get3A_258 = arith.constant 0 : index
      %get3A_259 = tpu.vector_load %arg15[%get3A_257, %get3A_258] {strides = array<i32>} : memref<40x128xf32, #tpu.memory_space<vmem>>, vector<1x16xf32>,
      %get3A_260 = vector.shape_cast %get3A_259 : vector<1x16xf32> to vector<16xf32>
      %mul3A_261 = arith.mulf %get3A_260, %get3A_256 : vector<16xf32>
      %swap3A = arith.index_cast %scan3A_253 : i32 to index
      %swap3A_262 = arith.constant 0 : index
      %swap3A_263 = tpu.vector_load %arg15[%swap3A, %swap3A_262] {strides = array<i32>} : memref<40x128xf32, #tpu.memory_space<vmem>>, vector<1x16xf32>,
      %swap3A_264 = vector.shape_cast %swap3A_263 : vector<1x16xf32> to vector<16xf32>
      %swap3A_265 = vector.shape_cast %mul3A_261 : vector<16xf32> to vector<1x16xf32>
      tpu.vector_store %arg15[%swap3A, %swap3A_262], %swap3A_265 {strides = array<i32>} : memref<40x128xf32, #tpu.memory_space<vmem>>, vector<1x16xf32>,
      %get3A_266 = arith.index_cast %scan3A_253 : i32 to index
      %get3A_267 = arith.constant 16 : index
      %get3A_268 = tpu.vector_load %arg15[%get3A_266, %get3A_267] {strides = array<i32>} : memref<40x128xf32, #tpu.memory_space<vmem>>, vector<1x16xf32>,
      %get3A_269 = vector.shape_cast %get3A_268 : vector<1x16xf32> to vector<16xf32>
      %mul3A_270 = arith.mulf %get3A_269, %get3A_256 : vector<16xf32>
      %swap3A_271 = arith.index_cast %scan3A_253 : i32 to index
      %swap3A_272 = arith.constant 16 : index
      %swap3A_273 = tpu.vector_load %arg15[%swap3A_271, %swap3A_272] {strides = array<i32>} : memref<40x128xf32, #tpu.memory_space<vmem>>, vector<1x16xf32>,
      %swap3A_274 = vector.shape_cast %swap3A_273 : vector<1x16xf32> to vector<16xf32>
      %swap3A_275 = vector.shape_cast %mul3A_270 : vector<16xf32> to vector<1x16xf32>
      tpu.vector_store %arg15[%swap3A_271, %swap3A_272], %swap3A_275 {strides = array<i32>} : memref<40x128xf32, #tpu.memory_space<vmem>>, vector<1x16xf32>,
      %get3A_276 = arith.index_cast %scan3A_253 : i32 to index
      %get3A_277 = arith.constant 32 : index
      %get3A_278 = tpu.vector_load %arg15[%get3A_276, %get3A_277] {strides = array<i32>} : memref<40x128xf32, #tpu.memory_space<vmem>>, vector<1x16xf32>,
      %get3A_279 = vector.shape_cast %get3A_278 : vector<1x16xf32> to vector<16xf32>
      %mul3A_280 = arith.mulf %get3A_279, %get3A_256 : vector<16xf32>
      %swap3A_281 = arith.index_cast %scan3A_253 : i32 to index
      %swap3A_282 = arith.constant 32 : index
      %swap3A_283 = tpu.vector_load %arg15[%swap3A_281, %swap3A_282] {strides = array<i32>} : memref<40x128xf32, #tpu.memory_space<vmem>>, vector<1x16xf32>,
      %swap3A_284 = vector.shape_cast %swap3A_283 : vector<1x16xf32> to vector<16xf32>
      %swap3A_285 = vector.shape_cast %mul3A_280 : vector<16xf32> to vector<1x16xf32>
      tpu.vector_store %arg15[%swap3A_281, %swap3A_282], %swap3A_285 {strides = array<i32>} : memref<40x128xf32, #tpu.memory_space<vmem>>, vector<1x16xf32>,
      %get3A_286 = arith.index_cast %scan3A_253 : i32 to index
      %get3A_287 = arith.constant 48 : index
      %get3A_288 = tpu.vector_load %arg15[%get3A_286, %get3A_287] {strides = array<i32>} : memref<40x128xf32, #tpu.memory_space<vmem>>, vector<1x16xf32>,
      %get3A_289 = vector.shape_cast %get3A_288 : vector<1x16xf32> to vector<16xf32>
      %mul3A_290 = arith.mulf %get3A_289, %get3A_256 : vector<16xf32>
      %swap3A_291 = arith.index_cast %scan3A_253 : i32 to index
      %swap3A_292 = arith.constant 48 : index
      %swap3A_293 = tpu.vector_load %arg15[%swap3A_291, %swap3A_292] {strides = array<i32>} : memref<40x128xf32, #tpu.memory_space<vmem>>, vector<1x16xf32>,
      %swap3A_294 = vector.shape_cast %swap3A_293 : vector<1x16xf32> to vector<16xf32>
      %swap3A_295 = vector.shape_cast %mul3A_290 : vector<16xf32> to vector<1x16xf32>
      tpu.vector_store %arg15[%swap3A_291, %swap3A_292], %swap3A_295 {strides = array<i32>} : memref<40x128xf32, #tpu.memory_space<vmem>>, vector<1x16xf32>,
      %get3A_296 = arith.index_cast %scan3A_253 : i32 to index
      %get3A_297 = arith.constant 64 : index
      %get3A_298 = tpu.vector_load %arg15[%get3A_296, %get3A_297] {strides = array<i32>} : memref<40x128xf32, #tpu.memory_space<vmem>>, vector<1x16xf32>,
      %get3A_299 = vector.shape_cast %get3A_298 : vector<1x16xf32> to vector<16xf32>
      %mul3A_300 = arith.mulf %get3A_299, %get3A_256 : vector<16xf32>
      %swap3A_301 = arith.index_cast %scan3A_253 : i32 to index
      %swap3A_302 = arith.constant 64 : index
      %swap3A_303 = tpu.vector_load %arg15[%swap3A_301, %swap3A_302] {strides = array<i32>} : memref<40x128xf32, #tpu.memory_space<vmem>>, vector<1x16xf32>,
      %swap3A_304 = vector.shape_cast %swap3A_303 : vector<1x16xf32> to vector<16xf32>
      %swap3A_305 = vector.shape_cast %mul3A_300 : vector<16xf32> to vector<1x16xf32>
      tpu.vector_store %arg15[%swap3A_301, %swap3A_302], %swap3A_305 {strides = array<i32>} : memref<40x128xf32, #tpu.memory_space<vmem>>, vector<1x16xf32>,
      %get3A_306 = arith.index_cast %scan3A_253 : i32 to index
      %get3A_307 = arith.constant 80 : index
      %get3A_308 = tpu.vector_load %arg15[%get3A_306, %get3A_307] {strides = array<i32>} : memref<40x128xf32, #tpu.memory_space<vmem>>, vector<1x16xf32>,
      %get3A_309 = vector.shape_cast %get3A_308 : vector<1x16xf32> to vector<16xf32>
      %mul3A_310 = arith.mulf %get3A_309, %get3A_256 : vector<16xf32>
      %swap3A_311 = arith.index_cast %scan3A_253 : i32 to index
      %swap3A_312 = arith.constant 80 : index
      %swap3A_313 = tpu.vector_load %arg15[%swap3A_311, %swap3A_312] {strides = array<i32>} : memref<40x128xf32, #tpu.memory_space<vmem>>, vector<1x16xf32>,
      %swap3A_314 = vector.shape_cast %swap3A_313 : vector<1x16xf32> to vector<16xf32>
      %swap3A_315 = vector.shape_cast %mul3A_310 : vector<16xf32> to vector<1x16xf32>
      tpu.vector_store %arg15[%swap3A_311, %swap3A_312], %swap3A_315 {strides = array<i32>} : memref<40x128xf32, #tpu.memory_space<vmem>>, vector<1x16xf32>,
      %get3A_316 = arith.index_cast %scan3A_253 : i32 to index
      %get3A_317 = arith.constant 96 : index
      %get3A_318 = tpu.vector_load %arg15[%get3A_316, %get3A_317] {strides = array<i32>} : memref<40x128xf32, #tpu.memory_space<vmem>>, vector<1x16xf32>,
      %get3A_319 = vector.shape_cast %get3A_318 : vector<1x16xf32> to vector<16xf32>
      %mul3A_320 = arith.mulf %get3A_319, %get3A_256 : vector<16xf32>
      %swap3A_321 = arith.index_cast %scan3A_253 : i32 to index
      %swap3A_322 = arith.constant 96 : index
      %swap3A_323 = tpu.vector_load %arg15[%swap3A_321, %swap3A_322] {strides = array<i32>} : memref<40x128xf32, #tpu.memory_space<vmem>>, vector<1x16xf32>,
      %swap3A_324 = vector.shape_cast %swap3A_323 : vector<1x16xf32> to vector<16xf32>
      %swap3A_325 = vector.shape_cast %mul3A_320 : vector<16xf32> to vector<1x16xf32>
      tpu.vector_store %arg15[%swap3A_321, %swap3A_322], %swap3A_325 {strides = array<i32>} : memref<40x128xf32, #tpu.memory_space<vmem>>, vector<1x16xf32>,
      %get3A_326 = arith.index_cast %scan3A_253 : i32 to index
      %get3A_327 = arith.constant 112 : index
      %get3A_328 = tpu.vector_load %arg15[%get3A_326, %get3A_327] {strides = array<i32>} : memref<40x128xf32, #tpu.memory_space<vmem>>, vector<1x16xf32>,
      %get3A_329 = vector.shape_cast %get3A_328 : vector<1x16xf32> to vector<16xf32>
      %mul3A_330 = arith.mulf %get3A_329, %get3A_256 : vector<16xf32>
      %swap3A_331 = arith.index_cast %scan3A_253 : i32 to index
      %swap3A_332 = arith.constant 112 : index
      %swap3A_333 = tpu.vector_load %arg15[%swap3A_331, %swap3A_332] {strides = array<i32>} : memref<40x128xf32, #tpu.memory_space<vmem>>, vector<1x16xf32>,
      %swap3A_334 = vector.shape_cast %swap3A_333 : vector<1x16xf32> to vector<16xf32>
      %swap3A_335 = vector.shape_cast %mul3A_330 : vector<16xf32> to vector<1x16xf32>
      tpu.vector_store %arg15[%swap3A_331, %swap3A_332], %swap3A_335 {strides = array<i32>} : memref<40x128xf32, #tpu.memory_space<vmem>>, vector<1x16xf32>,
    }
    %scan3A_247 = arith.constant 40 : i32
    "tpu.region"() ({
      %run_scoped3A = tpu.sem_alloc : memref<!tpu.dma_semaphore, #tpu.memory_space<semaphore_mem>>
      %dma_start3A_253 = arith.constant 0 : i32
      %dma_start3A_254 = arith.constant 0 : i32
      %dma_start3A_255 = tpu.memref_slice %arg19[%dma_start3A_253, %dma_start3A_254] : memref<10240x128xf32, #tpu.memory_space<vmem_shared>> -> memref<10240x128xf32, #tpu.memory_space<vmem_shared>>
      tpu.enqueue_indirect_dma source(%arg15 : memref<40x128xf32, #tpu.memory_space<vmem>>) target(%dma_start3A_255 : memref<10240x128xf32, #tpu.memory_space<vmem_shared>>) offsets(%arg7 : memref<40xi32, #tpu.memory_space<vmem>>) semaphore(%run_scoped3A : memref<!tpu.dma_semaphore, #tpu.memory_space<semaphore_mem>>) {add = true}
      %dma_wait3A_256 = arith.constant 0 : i32
      %dma_wait3A_257 = arith.constant 0 : i32
      %dma_wait3A_258 = tpu.memref_slice %arg19[%dma_wait3A_256, %dma_wait3A_257] : memref<10240x128xf32, #tpu.memory_space<vmem_shared>> -> memref<10240x128xf32, #tpu.memory_space<vmem_shared>>
      tpu.wait_indirect_dma semaphore(%run_scoped3A : memref<!tpu.dma_semaphore, #tpu.memory_space<semaphore_mem>>) src(%arg15 : memref<40x128xf32, #tpu.memory_space<vmem>>) dst(%dma_wait3A_258 : memref<10240x128xf32, #tpu.memory_space<vmem_shared>>)
      tpu.yield
    }) : () -> ()
    %barrier3A_248 = arith.constant 0 : index
    tpu.barrier barrier_id(%barrier3A_248)
    %mul3A_249 = arith.constant 640 : i32
    %mul3A_250 = arith.muli %arg1, %mul3A_249 : i32
    %mul3A_251 = arith.constant 640 : i32
    %mul3A_252 = arith.muli %arg1, %mul3A_251 : i32
    "tpu.region"() ({
      %run_scoped3A = tpu.sem_alloc : memref<!tpu.dma_semaphore, #tpu.memory_space<semaphore_mem>>
      %dma_start3A_253 = arith.constant 0 : i32
      %dma_start3A_254 = tpu.memref_slice %arg5[%arg0, %mul3A_252, %dma_start3A_253] : memref<2x10240x128xf32, #tpu.memory_space<hbm>> -> memref<1x640x128xf32, #tpu.memory_space<hbm>>
      %dma_start3A_255 = tpu.memref_squeeze %dma_start3A_254 : memref<1x640x128xf32, #tpu.memory_space<hbm>> -> memref<640x128xf32, #tpu.memory_space<hbm>>
      %dma_start3A_256 = arith.constant 0 : i32
      %dma_start3A_257 = tpu.memref_slice %arg19[%mul3A_250, %dma_start3A_256] : memref<10240x128xf32, #tpu.memory_space<vmem_shared>> -> memref<640x128xf32, #tpu.memory_space<vmem_shared>>
      tpu.enqueue_dma source(%dma_start3A_257 : memref<640x128xf32, #tpu.memory_space<vmem_shared>>) target(%dma_start3A_255 : memref<640x128xf32, #tpu.memory_space<hbm>>) target_semaphore(%run_scoped3A : memref<!tpu.dma_semaphore, #tpu.memory_space<semaphore_mem>>)
      %dma_wait3A_258 = arith.constant 0 : i32
      %dma_wait3A_259 = tpu.memref_slice %arg5[%arg0, %mul3A_252, %dma_wait3A_258] : memref<2x10240x128xf32, #tpu.memory_space<hbm>> -> memref<1x640x128xf32, #tpu.memory_space<hbm>>
      %dma_wait3A_260 = tpu.memref_squeeze %dma_wait3A_259 : memref<1x640x128xf32, #tpu.memory_space<hbm>> -> memref<640x128xf32, #tpu.memory_space<hbm>>
      %dma_wait3A_261 = arith.constant 0 : i32
      %dma_wait3A_262 = tpu.memref_slice %arg19[%mul3A_250, %dma_wait3A_261] : memref<10240x128xf32, #tpu.memory_space<vmem_shared>> -> memref<640x128xf32, #tpu.memory_space<vmem_shared>>
      tpu.wait_dma2 semaphore(%run_scoped3A : memref<!tpu.dma_semaphore, #tpu.memory_space<semaphore_mem>>) src(%dma_wait3A_262 : memref<640x128xf32, #tpu.memory_space<vmem_shared>>) dst(%dma_wait3A_260 : memref<640x128xf32, #tpu.memory_space<hbm>>)
      tpu.yield
    }) : () -> ()
    return
  }
}

#map = affine_map<(d0, d1) -> (0)>
#map1 = affine_map<(d0, d1) -> (0, 0)>
module attributes {stable_mosaic.version = 14 : i64} {
  func.func @_edge_gather_body(%arg0: i32, %arg1: i32, %arg2: memref<320000xi32, #tpu.memory_space<hbm>>, %arg3: memref<320000xi32, #tpu.memory_space<hbm>>, %arg4: memref<10000x128xf32, #tpu.memory_space<hbm>>, %arg5: memref<10000x128xf32, #tpu.memory_space<hbm>>, %arg6: memref<320000x128xf32, #tpu.memory_space<hbm>>, %arg7: memref<10000xi32, #tpu.memory_space<vmem>>, %arg8: memref<10000xi32, #tpu.memory_space<vmem>>, %arg9: memref<200x128xf32, #tpu.memory_space<vmem>>, %arg10: memref<200x128xf32, #tpu.memory_space<vmem>>, %arg11: memref<200x128xf32, #tpu.memory_space<vmem>>, %arg12: memref<200x128xf32, #tpu.memory_space<vmem>>, %arg13: memref<!tpu.dma_semaphore, #tpu.memory_space<semaphore_mem>>, %arg14: memref<!tpu.dma_semaphore, #tpu.memory_space<semaphore_mem>>, %arg15: memref<!tpu.dma_semaphore, #tpu.memory_space<semaphore_mem>>, %arg16: memref<!tpu.dma_semaphore, #tpu.memory_space<semaphore_mem>>) attributes {dimension_semantics = [#tpu.dimension_semantics<core_parallel>, #tpu.dimension_semantics<subcore_parallel>], iteration_bounds = array<i64: 2, 16>, scalar_prefetch = 0 : i64, scratch_operands = 10 : i64, tpu.core_type = #tpu.core_type<sc_vector_subcore>, window_params = [{transform_indices = #map}, {transform_indices = #map}, {transform_indices = #map1}, {transform_indices = #map1}, {transform_indices = #map1}]} {
    %mul3A = arith.constant 2 : i32
    %mul3A_0 = arith.muli %arg1, %mul3A : i32
    %add3A = arith.addi %mul3A_0, %arg0 : i32
    %mul3A_1 = arith.constant 10000 : i32
    %mul3A_2 = arith.muli %add3A, %mul3A_1 : i32
    "tpu.region"() ({
      %run_scoped3A = tpu.sem_alloc : memref<!tpu.dma_semaphore, #tpu.memory_space<semaphore_mem>>
      %dma_start3A_17 = tpu.memref_slice %arg2[%mul3A_2] : memref<320000xi32, #tpu.memory_space<hbm>> -> memref<10000xi32, #tpu.memory_space<hbm>>
      %dma_start3A_18 = tpu.memref_slice %arg2[%mul3A_2] : memref<320000xi32, #tpu.memory_space<hbm>> -> memref<10000xi32, #tpu.memory_space<hbm>>
      tpu.enqueue_dma source(%dma_start3A_18 : memref<10000xi32, #tpu.memory_space<hbm>>) target(%arg7 : memref<10000xi32, #tpu.memory_space<vmem>>) target_semaphore(%run_scoped3A : memref<!tpu.dma_semaphore, #tpu.memory_space<semaphore_mem>>)
      %dma_wait3A = tpu.memref_slice %arg2[%mul3A_2] : memref<320000xi32, #tpu.memory_space<hbm>> -> memref<10000xi32, #tpu.memory_space<hbm>>
      %dma_wait3A_19 = tpu.memref_slice %arg2[%mul3A_2] : memref<320000xi32, #tpu.memory_space<hbm>> -> memref<10000xi32, #tpu.memory_space<hbm>>
      tpu.wait_dma2 semaphore(%run_scoped3A : memref<!tpu.dma_semaphore, #tpu.memory_space<semaphore_mem>>) src(%dma_wait3A_19 : memref<10000xi32, #tpu.memory_space<hbm>>) dst(%arg7 : memref<10000xi32, #tpu.memory_space<vmem>>)
      tpu.yield
    }) : () -> ()
    "tpu.region"() ({
      %run_scoped3A = tpu.sem_alloc : memref<!tpu.dma_semaphore, #tpu.memory_space<semaphore_mem>>
      %dma_start3A_17 = tpu.memref_slice %arg3[%mul3A_2] : memref<320000xi32, #tpu.memory_space<hbm>> -> memref<10000xi32, #tpu.memory_space<hbm>>
      %dma_start3A_18 = tpu.memref_slice %arg3[%mul3A_2] : memref<320000xi32, #tpu.memory_space<hbm>> -> memref<10000xi32, #tpu.memory_space<hbm>>
      tpu.enqueue_dma source(%dma_start3A_18 : memref<10000xi32, #tpu.memory_space<hbm>>) target(%arg8 : memref<10000xi32, #tpu.memory_space<vmem>>) target_semaphore(%run_scoped3A : memref<!tpu.dma_semaphore, #tpu.memory_space<semaphore_mem>>)
      %dma_wait3A = tpu.memref_slice %arg3[%mul3A_2] : memref<320000xi32, #tpu.memory_space<hbm>> -> memref<10000xi32, #tpu.memory_space<hbm>>
      %dma_wait3A_19 = tpu.memref_slice %arg3[%mul3A_2] : memref<320000xi32, #tpu.memory_space<hbm>> -> memref<10000xi32, #tpu.memory_space<hbm>>
      tpu.wait_dma2 semaphore(%run_scoped3A : memref<!tpu.dma_semaphore, #tpu.memory_space<semaphore_mem>>) src(%dma_wait3A_19 : memref<10000xi32, #tpu.memory_space<hbm>>) dst(%arg8 : memref<10000xi32, #tpu.memory_space<vmem>>)
      tpu.yield
    }) : () -> ()
    %dma_start3A = arith.constant 0 : i32
    %dma_start3A_3 = tpu.memref_slice %arg7[%dma_start3A] : memref<10000xi32, #tpu.memory_space<vmem>> -> memref<200xi32, #tpu.memory_space<vmem>>
    %dma_start3A_4 = arith.constant 0 : i32
    %dma_start3A_5 = arith.constant 0 : i32
    %dma_start3A_6 = tpu.memref_slice %arg4[%dma_start3A_4, %dma_start3A_5] : memref<10000x128xf32, #tpu.memory_space<hbm>> -> memref<10000x128xf32, #tpu.memory_space<hbm>>
    tpu.enqueue_indirect_dma source(%dma_start3A_6 : memref<10000x128xf32, #tpu.memory_space<hbm>>) target(%arg9 : memref<200x128xf32, #tpu.memory_space<vmem>>) offsets(%dma_start3A_3 : memref<200xi32, #tpu.memory_space<vmem>>) semaphore(%arg13 : memref<!tpu.dma_semaphore, #tpu.memory_space<semaphore_mem>>)
    %dma_start3A_7 = arith.constant 0 : i32
    %dma_start3A_8 = tpu.memref_slice %arg8[%dma_start3A_7] : memref<10000xi32, #tpu.memory_space<vmem>> -> memref<200xi32, #tpu.memory_space<vmem>>
    %dma_start3A_9 = arith.constant 0 : i32
    %dma_start3A_10 = arith.constant 0 : i32
    %dma_start3A_11 = tpu.memref_slice %arg5[%dma_start3A_9, %dma_start3A_10] : memref<10000x128xf32, #tpu.memory_space<hbm>> -> memref<10000x128xf32, #tpu.memory_space<hbm>>
    tpu.enqueue_indirect_dma source(%dma_start3A_11 : memref<10000x128xf32, #tpu.memory_space<hbm>>) target(%arg10 : memref<200x128xf32, #tpu.memory_space<vmem>>) offsets(%dma_start3A_8 : memref<200xi32, #tpu.memory_space<vmem>>) semaphore(%arg15 : memref<!tpu.dma_semaphore, #tpu.memory_space<semaphore_mem>>)
    %scan3A = arith.constant 0 : i32
    %scan3A_12 = arith.constant 0 : i32
    %scan3A_13 = arith.constant 25 : i32
    %scan3A_14 = arith.addi %scan3A_12, %scan3A_13 : i32
    %scan3A_15 = arith.constant 1 : i32
    scf.for %scan3A_17 = %scan3A_12 to %scan3A_14 step %scan3A_15  : i32 {
      %mul3A_18 = arith.constant 2 : i32
      %mul3A_19 = arith.muli %mul3A_18, %scan3A_17 : i32
      %add3A_20 = arith.constant 0 : i32
      %add3A_21 = arith.addi %mul3A_19, %add3A_20 : i32
      %add3A_22 = arith.constant 1 : i32
      %add3A_23 = arith.addi %add3A_21, %add3A_22 : i32
      %lt3A = arith.constant 50 : i32
      %lt3A_24 = arith.cmpi slt, %add3A_23, %lt3A : i32
      %convert_element_type3A = arith.extui %lt3A_24 : i1 to i32
      %cond3A = arith.constant 0 : i32
      %cond3A_25 = arith.cmpi ne, %convert_element_type3A, %cond3A : i32
      scf.if %cond3A_25 {
        %add3A_74 = arith.constant 1 : i32
        %add3A_75 = arith.addi %add3A_21, %add3A_74 : i32
        %mul3A_76 = arith.constant 200 : i32
        %mul3A_77 = arith.muli %add3A_75, %mul3A_76 : i32
        %dma_start3A_78 = tpu.memref_slice %arg7[%mul3A_77] : memref<10000xi32, #tpu.memory_space<vmem>> -> memref<200xi32, #tpu.memory_space<vmem>>
        %dma_start3A_79 = arith.constant 0 : i32
        %dma_start3A_80 = arith.constant 0 : i32
        %dma_start3A_81 = tpu.memref_slice %arg4[%dma_start3A_79, %dma_start3A_80] : memref<10000x128xf32, #tpu.memory_space<hbm>> -> memref<10000x128xf32, #tpu.memory_space<hbm>>
        tpu.enqueue_indirect_dma source(%dma_start3A_81 : memref<10000x128xf32, #tpu.memory_space<hbm>>) target(%arg11 : memref<200x128xf32, #tpu.memory_space<vmem>>) offsets(%dma_start3A_78 : memref<200xi32, #tpu.memory_space<vmem>>) semaphore(%arg14 : memref<!tpu.dma_semaphore, #tpu.memory_space<semaphore_mem>>)
        %dma_start3A_82 = tpu.memref_slice %arg8[%mul3A_77] : memref<10000xi32, #tpu.memory_space<vmem>> -> memref<200xi32, #tpu.memory_space<vmem>>
        %dma_start3A_83 = arith.constant 0 : i32
        %dma_start3A_84 = arith.constant 0 : i32
        %dma_start3A_85 = tpu.memref_slice %arg5[%dma_start3A_83, %dma_start3A_84] : memref<10000x128xf32, #tpu.memory_space<hbm>> -> memref<10000x128xf32, #tpu.memory_space<hbm>>
        tpu.enqueue_indirect_dma source(%dma_start3A_85 : memref<10000x128xf32, #tpu.memory_space<hbm>>) target(%arg12 : memref<200x128xf32, #tpu.memory_space<vmem>>) offsets(%dma_start3A_82 : memref<200xi32, #tpu.memory_space<vmem>>) semaphore(%arg16 : memref<!tpu.dma_semaphore, #tpu.memory_space<semaphore_mem>>)
      } else {
      }
      %dma_wait3A = arith.constant 0 : i32
      %dma_wait3A_26 = tpu.memref_slice %arg7[%dma_wait3A] : memref<10000xi32, #tpu.memory_space<vmem>> -> memref<200xi32, #tpu.memory_space<vmem>>
      %dma_wait3A_27 = arith.constant 0 : i32
      %dma_wait3A_28 = arith.constant 0 : i32
      %dma_wait3A_29 = tpu.memref_slice %arg4[%dma_wait3A_27, %dma_wait3A_28] : memref<10000x128xf32, #tpu.memory_space<hbm>> -> memref<10000x128xf32, #tpu.memory_space<hbm>>
      tpu.wait_indirect_dma semaphore(%arg13 : memref<!tpu.dma_semaphore, #tpu.memory_space<semaphore_mem>>) src(%dma_wait3A_29 : memref<10000x128xf32, #tpu.memory_space<hbm>>) dst(%arg9 : memref<200x128xf32, #tpu.memory_space<vmem>>)
      %dma_wait3A_30 = arith.constant 0 : i32
      %dma_wait3A_31 = tpu.memref_slice %arg8[%dma_wait3A_30] : memref<10000xi32, #tpu.memory_space<vmem>> -> memref<200xi32, #tpu.memory_space<vmem>>
      %dma_wait3A_32 = arith.constant 0 : i32
      %dma_wait3A_33 = arith.constant 0 : i32
      %dma_wait3A_34 = tpu.memref_slice %arg5[%dma_wait3A_32, %dma_wait3A_33] : memref<10000x128xf32, #tpu.memory_space<hbm>> -> memref<10000x128xf32, #tpu.memory_space<hbm>>
      tpu.wait_indirect_dma semaphore(%arg15 : memref<!tpu.dma_semaphore, #tpu.memory_space<semaphore_mem>>) src(%dma_wait3A_34 : memref<10000x128xf32, #tpu.memory_space<hbm>>) dst(%arg10 : memref<200x128xf32, #tpu.memory_space<vmem>>)
      %scan3A_35 = arith.constant 0 : i32
      %scan3A_36 = arith.constant 0 : i32
      %scan3A_37 = arith.constant 200 : i32
      %scan3A_38 = arith.addi %scan3A_36, %scan3A_37 : i32
      %scan3A_39 = arith.constant 1 : i32
      scf.for %scan3A_74 = %scan3A_36 to %scan3A_38 step %scan3A_39  : i32 {
        %get3A = arith.index_cast %scan3A_74 : i32 to index
        %get3A_75 = arith.constant 0 : index
        %get3A_76 = tpu.vector_load %arg9[%get3A, %get3A_75] {strides = array<i32>} : memref<200x128xf32, #tpu.memory_space<vmem>>, vector<1x16xf32>,
        %get3A_77 = vector.shape_cast %get3A_76 : vector<1x16xf32> to vector<16xf32>
        %get3A_78 = arith.index_cast %scan3A_74 : i32 to index
        %get3A_79 = arith.constant 0 : index
        %get3A_80 = tpu.vector_load %arg10[%get3A_78, %get3A_79] {strides = array<i32>} : memref<200x128xf32, #tpu.memory_space<vmem>>, vector<1x16xf32>,
        %get3A_81 = vector.shape_cast %get3A_80 : vector<1x16xf32> to vector<16xf32>
        %add3A_82 = arith.addf %get3A_77, %get3A_81 : vector<16xf32>
        %swap3A = arith.index_cast %scan3A_74 : i32 to index
        %swap3A_83 = arith.constant 0 : index
        %swap3A_84 = tpu.vector_load %arg9[%swap3A, %swap3A_83] {strides = array<i32>} : memref<200x128xf32, #tpu.memory_space<vmem>>, vector<1x16xf32>,
        %swap3A_85 = vector.shape_cast %swap3A_84 : vector<1x16xf32> to vector<16xf32>
        %swap3A_86 = vector.shape_cast %add3A_82 : vector<16xf32> to vector<1x16xf32>
        tpu.vector_store %arg9[%swap3A, %swap3A_83], %swap3A_86 {strides = array<i32>} : memref<200x128xf32, #tpu.memory_space<vmem>>, vector<1x16xf32>,
        %get3A_87 = arith.index_cast %scan3A_74 : i32 to index
        %get3A_88 = arith.constant 16 : index
        %get3A_89 = tpu.vector_load %arg9[%get3A_87, %get3A_88] {strides = array<i32>} : memref<200x128xf32, #tpu.memory_space<vmem>>, vector<1x16xf32>,
        %get3A_90 = vector.shape_cast %get3A_89 : vector<1x16xf32> to vector<16xf32>
        %get3A_91 = arith.index_cast %scan3A_74 : i32 to index
        %get3A_92 = arith.constant 16 : index
        %get3A_93 = tpu.vector_load %arg10[%get3A_91, %get3A_92] {strides = array<i32>} : memref<200x128xf32, #tpu.memory_space<vmem>>, vector<1x16xf32>,
        %get3A_94 = vector.shape_cast %get3A_93 : vector<1x16xf32> to vector<16xf32>
        %add3A_95 = arith.addf %get3A_90, %get3A_94 : vector<16xf32>
        %swap3A_96 = arith.index_cast %scan3A_74 : i32 to index
        %swap3A_97 = arith.constant 16 : index
        %swap3A_98 = tpu.vector_load %arg9[%swap3A_96, %swap3A_97] {strides = array<i32>} : memref<200x128xf32, #tpu.memory_space<vmem>>, vector<1x16xf32>,
        %swap3A_99 = vector.shape_cast %swap3A_98 : vector<1x16xf32> to vector<16xf32>
        %swap3A_100 = vector.shape_cast %add3A_95 : vector<16xf32> to vector<1x16xf32>
        tpu.vector_store %arg9[%swap3A_96, %swap3A_97], %swap3A_100 {strides = array<i32>} : memref<200x128xf32, #tpu.memory_space<vmem>>, vector<1x16xf32>,
        %get3A_101 = arith.index_cast %scan3A_74 : i32 to index
        %get3A_102 = arith.constant 32 : index
        %get3A_103 = tpu.vector_load %arg9[%get3A_101, %get3A_102] {strides = array<i32>} : memref<200x128xf32, #tpu.memory_space<vmem>>, vector<1x16xf32>,
        %get3A_104 = vector.shape_cast %get3A_103 : vector<1x16xf32> to vector<16xf32>
        %get3A_105 = arith.index_cast %scan3A_74 : i32 to index
        %get3A_106 = arith.constant 32 : index
        %get3A_107 = tpu.vector_load %arg10[%get3A_105, %get3A_106] {strides = array<i32>} : memref<200x128xf32, #tpu.memory_space<vmem>>, vector<1x16xf32>,
        %get3A_108 = vector.shape_cast %get3A_107 : vector<1x16xf32> to vector<16xf32>
        %add3A_109 = arith.addf %get3A_104, %get3A_108 : vector<16xf32>
        %swap3A_110 = arith.index_cast %scan3A_74 : i32 to index
        %swap3A_111 = arith.constant 32 : index
        %swap3A_112 = tpu.vector_load %arg9[%swap3A_110, %swap3A_111] {strides = array<i32>} : memref<200x128xf32, #tpu.memory_space<vmem>>, vector<1x16xf32>,
        %swap3A_113 = vector.shape_cast %swap3A_112 : vector<1x16xf32> to vector<16xf32>
        %swap3A_114 = vector.shape_cast %add3A_109 : vector<16xf32> to vector<1x16xf32>
        tpu.vector_store %arg9[%swap3A_110, %swap3A_111], %swap3A_114 {strides = array<i32>} : memref<200x128xf32, #tpu.memory_space<vmem>>, vector<1x16xf32>,
        %get3A_115 = arith.index_cast %scan3A_74 : i32 to index
        %get3A_116 = arith.constant 48 : index
        %get3A_117 = tpu.vector_load %arg9[%get3A_115, %get3A_116] {strides = array<i32>} : memref<200x128xf32, #tpu.memory_space<vmem>>, vector<1x16xf32>,
        %get3A_118 = vector.shape_cast %get3A_117 : vector<1x16xf32> to vector<16xf32>
        %get3A_119 = arith.index_cast %scan3A_74 : i32 to index
        %get3A_120 = arith.constant 48 : index
        %get3A_121 = tpu.vector_load %arg10[%get3A_119, %get3A_120] {strides = array<i32>} : memref<200x128xf32, #tpu.memory_space<vmem>>, vector<1x16xf32>,
        %get3A_122 = vector.shape_cast %get3A_121 : vector<1x16xf32> to vector<16xf32>
        %add3A_123 = arith.addf %get3A_118, %get3A_122 : vector<16xf32>
        %swap3A_124 = arith.index_cast %scan3A_74 : i32 to index
        %swap3A_125 = arith.constant 48 : index
        %swap3A_126 = tpu.vector_load %arg9[%swap3A_124, %swap3A_125] {strides = array<i32>} : memref<200x128xf32, #tpu.memory_space<vmem>>, vector<1x16xf32>,
        %swap3A_127 = vector.shape_cast %swap3A_126 : vector<1x16xf32> to vector<16xf32>
        %swap3A_128 = vector.shape_cast %add3A_123 : vector<16xf32> to vector<1x16xf32>
        tpu.vector_store %arg9[%swap3A_124, %swap3A_125], %swap3A_128 {strides = array<i32>} : memref<200x128xf32, #tpu.memory_space<vmem>>, vector<1x16xf32>,
        %get3A_129 = arith.index_cast %scan3A_74 : i32 to index
        %get3A_130 = arith.constant 64 : index
        %get3A_131 = tpu.vector_load %arg9[%get3A_129, %get3A_130] {strides = array<i32>} : memref<200x128xf32, #tpu.memory_space<vmem>>, vector<1x16xf32>,
        %get3A_132 = vector.shape_cast %get3A_131 : vector<1x16xf32> to vector<16xf32>
        %get3A_133 = arith.index_cast %scan3A_74 : i32 to index
        %get3A_134 = arith.constant 64 : index
        %get3A_135 = tpu.vector_load %arg10[%get3A_133, %get3A_134] {strides = array<i32>} : memref<200x128xf32, #tpu.memory_space<vmem>>, vector<1x16xf32>,
        %get3A_136 = vector.shape_cast %get3A_135 : vector<1x16xf32> to vector<16xf32>
        %add3A_137 = arith.addf %get3A_132, %get3A_136 : vector<16xf32>
        %swap3A_138 = arith.index_cast %scan3A_74 : i32 to index
        %swap3A_139 = arith.constant 64 : index
        %swap3A_140 = tpu.vector_load %arg9[%swap3A_138, %swap3A_139] {strides = array<i32>} : memref<200x128xf32, #tpu.memory_space<vmem>>, vector<1x16xf32>,
        %swap3A_141 = vector.shape_cast %swap3A_140 : vector<1x16xf32> to vector<16xf32>
        %swap3A_142 = vector.shape_cast %add3A_137 : vector<16xf32> to vector<1x16xf32>
        tpu.vector_store %arg9[%swap3A_138, %swap3A_139], %swap3A_142 {strides = array<i32>} : memref<200x128xf32, #tpu.memory_space<vmem>>, vector<1x16xf32>,
        %get3A_143 = arith.index_cast %scan3A_74 : i32 to index
        %get3A_144 = arith.constant 80 : index
        %get3A_145 = tpu.vector_load %arg9[%get3A_143, %get3A_144] {strides = array<i32>} : memref<200x128xf32, #tpu.memory_space<vmem>>, vector<1x16xf32>,
        %get3A_146 = vector.shape_cast %get3A_145 : vector<1x16xf32> to vector<16xf32>
        %get3A_147 = arith.index_cast %scan3A_74 : i32 to index
        %get3A_148 = arith.constant 80 : index
        %get3A_149 = tpu.vector_load %arg10[%get3A_147, %get3A_148] {strides = array<i32>} : memref<200x128xf32, #tpu.memory_space<vmem>>, vector<1x16xf32>,
        %get3A_150 = vector.shape_cast %get3A_149 : vector<1x16xf32> to vector<16xf32>
        %add3A_151 = arith.addf %get3A_146, %get3A_150 : vector<16xf32>
        %swap3A_152 = arith.index_cast %scan3A_74 : i32 to index
        %swap3A_153 = arith.constant 80 : index
        %swap3A_154 = tpu.vector_load %arg9[%swap3A_152, %swap3A_153] {strides = array<i32>} : memref<200x128xf32, #tpu.memory_space<vmem>>, vector<1x16xf32>,
        %swap3A_155 = vector.shape_cast %swap3A_154 : vector<1x16xf32> to vector<16xf32>
        %swap3A_156 = vector.shape_cast %add3A_151 : vector<16xf32> to vector<1x16xf32>
        tpu.vector_store %arg9[%swap3A_152, %swap3A_153], %swap3A_156 {strides = array<i32>} : memref<200x128xf32, #tpu.memory_space<vmem>>, vector<1x16xf32>,
        %get3A_157 = arith.index_cast %scan3A_74 : i32 to index
        %get3A_158 = arith.constant 96 : index
        %get3A_159 = tpu.vector_load %arg9[%get3A_157, %get3A_158] {strides = array<i32>} : memref<200x128xf32, #tpu.memory_space<vmem>>, vector<1x16xf32>,
        %get3A_160 = vector.shape_cast %get3A_159 : vector<1x16xf32> to vector<16xf32>
        %get3A_161 = arith.index_cast %scan3A_74 : i32 to index
        %get3A_162 = arith.constant 96 : index
        %get3A_163 = tpu.vector_load %arg10[%get3A_161, %get3A_162] {strides = array<i32>} : memref<200x128xf32, #tpu.memory_space<vmem>>, vector<1x16xf32>,
        %get3A_164 = vector.shape_cast %get3A_163 : vector<1x16xf32> to vector<16xf32>
        %add3A_165 = arith.addf %get3A_160, %get3A_164 : vector<16xf32>
        %swap3A_166 = arith.index_cast %scan3A_74 : i32 to index
        %swap3A_167 = arith.constant 96 : index
        %swap3A_168 = tpu.vector_load %arg9[%swap3A_166, %swap3A_167] {strides = array<i32>} : memref<200x128xf32, #tpu.memory_space<vmem>>, vector<1x16xf32>,
        %swap3A_169 = vector.shape_cast %swap3A_168 : vector<1x16xf32> to vector<16xf32>
        %swap3A_170 = vector.shape_cast %add3A_165 : vector<16xf32> to vector<1x16xf32>
        tpu.vector_store %arg9[%swap3A_166, %swap3A_167], %swap3A_170 {strides = array<i32>} : memref<200x128xf32, #tpu.memory_space<vmem>>, vector<1x16xf32>,
        %get3A_171 = arith.index_cast %scan3A_74 : i32 to index
        %get3A_172 = arith.constant 112 : index
        %get3A_173 = tpu.vector_load %arg9[%get3A_171, %get3A_172] {strides = array<i32>} : memref<200x128xf32, #tpu.memory_space<vmem>>, vector<1x16xf32>,
        %get3A_174 = vector.shape_cast %get3A_173 : vector<1x16xf32> to vector<16xf32>
        %get3A_175 = arith.index_cast %scan3A_74 : i32 to index
        %get3A_176 = arith.constant 112 : index
        %get3A_177 = tpu.vector_load %arg10[%get3A_175, %get3A_176] {strides = array<i32>} : memref<200x128xf32, #tpu.memory_space<vmem>>, vector<1x16xf32>,
        %get3A_178 = vector.shape_cast %get3A_177 : vector<1x16xf32> to vector<16xf32>
        %add3A_179 = arith.addf %get3A_174, %get3A_178 : vector<16xf32>
        %swap3A_180 = arith.index_cast %scan3A_74 : i32 to index
        %swap3A_181 = arith.constant 112 : index
        %swap3A_182 = tpu.vector_load %arg9[%swap3A_180, %swap3A_181] {strides = array<i32>} : memref<200x128xf32, #tpu.memory_space<vmem>>, vector<1x16xf32>,
        %swap3A_183 = vector.shape_cast %swap3A_182 : vector<1x16xf32> to vector<16xf32>
        %swap3A_184 = vector.shape_cast %add3A_179 : vector<16xf32> to vector<1x16xf32>
        tpu.vector_store %arg9[%swap3A_180, %swap3A_181], %swap3A_184 {strides = array<i32>} : memref<200x128xf32, #tpu.memory_space<vmem>>, vector<1x16xf32>,
      }
      %scan3A_40 = arith.constant 200 : i32
      %mul3A_41 = arith.constant 200 : i32
      %mul3A_42 = arith.muli %add3A_21, %mul3A_41 : i32
      %add3A_43 = arith.addi %mul3A_2, %mul3A_42 : i32
      "tpu.region"() ({
        %run_scoped3A = tpu.sem_alloc : memref<!tpu.dma_semaphore, #tpu.memory_space<semaphore_mem>>
        %dma_start3A_74 = arith.constant 0 : i32
        %dma_start3A_75 = tpu.memref_slice %arg6[%add3A_43, %dma_start3A_74] : memref<320000x128xf32, #tpu.memory_space<hbm>> -> memref<200x128xf32, #tpu.memory_space<hbm>>
        %dma_start3A_76 = arith.constant 0 : i32
        %dma_start3A_77 = tpu.memref_slice %arg6[%add3A_43, %dma_start3A_76] : memref<320000x128xf32, #tpu.memory_space<hbm>> -> memref<200x128xf32, #tpu.memory_space<hbm>>
        tpu.enqueue_dma source(%arg9 : memref<200x128xf32, #tpu.memory_space<vmem>>) target(%dma_start3A_77 : memref<200x128xf32, #tpu.memory_space<hbm>>) target_semaphore(%run_scoped3A : memref<!tpu.dma_semaphore, #tpu.memory_space<semaphore_mem>>)
        %dma_wait3A_78 = arith.constant 0 : i32
        %dma_wait3A_79 = tpu.memref_slice %arg6[%add3A_43, %dma_wait3A_78] : memref<320000x128xf32, #tpu.memory_space<hbm>> -> memref<200x128xf32, #tpu.memory_space<hbm>>
        %dma_wait3A_80 = arith.constant 0 : i32
        %dma_wait3A_81 = tpu.memref_slice %arg6[%add3A_43, %dma_wait3A_80] : memref<320000x128xf32, #tpu.memory_space<hbm>> -> memref<200x128xf32, #tpu.memory_space<hbm>>
        tpu.wait_dma2 semaphore(%run_scoped3A : memref<!tpu.dma_semaphore, #tpu.memory_space<semaphore_mem>>) src(%arg9 : memref<200x128xf32, #tpu.memory_space<vmem>>) dst(%dma_wait3A_81 : memref<200x128xf32, #tpu.memory_space<hbm>>)
        tpu.yield
      }) : () -> ()
      %mul3A_44 = arith.constant 2 : i32
      %mul3A_45 = arith.muli %mul3A_44, %scan3A_17 : i32
      %add3A_46 = arith.constant 1 : i32
      %add3A_47 = arith.addi %mul3A_45, %add3A_46 : i32
      %add3A_48 = arith.constant 1 : i32
      %add3A_49 = arith.addi %add3A_47, %add3A_48 : i32
      %lt3A_50 = arith.constant 50 : i32
      %lt3A_51 = arith.cmpi slt, %add3A_49, %lt3A_50 : i32
      %convert_element_type3A_52 = arith.extui %lt3A_51 : i1 to i32
      %cond3A_53 = arith.constant 0 : i32
      %cond3A_54 = arith.cmpi ne, %convert_element_type3A_52, %cond3A_53 : i32
      scf.if %cond3A_54 {
        %add3A_74 = arith.constant 1 : i32
        %add3A_75 = arith.addi %add3A_47, %add3A_74 : i32
        %mul3A_76 = arith.constant 200 : i32
        %mul3A_77 = arith.muli %add3A_75, %mul3A_76 : i32
        %dma_start3A_78 = tpu.memref_slice %arg7[%mul3A_77] : memref<10000xi32, #tpu.memory_space<vmem>> -> memref<200xi32, #tpu.memory_space<vmem>>
        %dma_start3A_79 = arith.constant 0 : i32
        %dma_start3A_80 = arith.constant 0 : i32
        %dma_start3A_81 = tpu.memref_slice %arg4[%dma_start3A_79, %dma_start3A_80] : memref<10000x128xf32, #tpu.memory_space<hbm>> -> memref<10000x128xf32, #tpu.memory_space<hbm>>
        tpu.enqueue_indirect_dma source(%dma_start3A_81 : memref<10000x128xf32, #tpu.memory_space<hbm>>) target(%arg9 : memref<200x128xf32, #tpu.memory_space<vmem>>) offsets(%dma_start3A_78 : memref<200xi32, #tpu.memory_space<vmem>>) semaphore(%arg13 : memref<!tpu.dma_semaphore, #tpu.memory_space<semaphore_mem>>)
        %dma_start3A_82 = tpu.memref_slice %arg8[%mul3A_77] : memref<10000xi32, #tpu.memory_space<vmem>> -> memref<200xi32, #tpu.memory_space<vmem>>
        %dma_start3A_83 = arith.constant 0 : i32
        %dma_start3A_84 = arith.constant 0 : i32
        %dma_start3A_85 = tpu.memref_slice %arg5[%dma_start3A_83, %dma_start3A_84] : memref<10000x128xf32, #tpu.memory_space<hbm>> -> memref<10000x128xf32, #tpu.memory_space<hbm>>
        tpu.enqueue_indirect_dma source(%dma_start3A_85 : memref<10000x128xf32, #tpu.memory_space<hbm>>) target(%arg10 : memref<200x128xf32, #tpu.memory_space<vmem>>) offsets(%dma_start3A_82 : memref<200xi32, #tpu.memory_space<vmem>>) semaphore(%arg15 : memref<!tpu.dma_semaphore, #tpu.memory_space<semaphore_mem>>)
      } else {
      }
      %dma_wait3A_55 = arith.constant 0 : i32
      %dma_wait3A_56 = tpu.memref_slice %arg7[%dma_wait3A_55] : memref<10000xi32, #tpu.memory_space<vmem>> -> memref<200xi32, #tpu.memory_space<vmem>>
      %dma_wait3A_57 = arith.constant 0 : i32
      %dma_wait3A_58 = arith.constant 0 : i32
      %dma_wait3A_59 = tpu.memref_slice %arg4[%dma_wait3A_57, %dma_wait3A_58] : memref<10000x128xf32, #tpu.memory_space<hbm>> -> memref<10000x128xf32, #tpu.memory_space<hbm>>
      tpu.wait_indirect_dma semaphore(%arg14 : memref<!tpu.dma_semaphore, #tpu.memory_space<semaphore_mem>>) src(%dma_wait3A_59 : memref<10000x128xf32, #tpu.memory_space<hbm>>) dst(%arg11 : memref<200x128xf32, #tpu.memory_space<vmem>>)
      %dma_wait3A_60 = arith.constant 0 : i32
      %dma_wait3A_61 = tpu.memref_slice %arg8[%dma_wait3A_60] : memref<10000xi32, #tpu.memory_space<vmem>> -> memref<200xi32, #tpu.memory_space<vmem>>
      %dma_wait3A_62 = arith.constant 0 : i32
      %dma_wait3A_63 = arith.constant 0 : i32
      %dma_wait3A_64 = tpu.memref_slice %arg5[%dma_wait3A_62, %dma_wait3A_63] : memref<10000x128xf32, #tpu.memory_space<hbm>> -> memref<10000x128xf32, #tpu.memory_space<hbm>>
      tpu.wait_indirect_dma semaphore(%arg16 : memref<!tpu.dma_semaphore, #tpu.memory_space<semaphore_mem>>) src(%dma_wait3A_64 : memref<10000x128xf32, #tpu.memory_space<hbm>>) dst(%arg12 : memref<200x128xf32, #tpu.memory_space<vmem>>)
      %scan3A_65 = arith.constant 0 : i32
      %scan3A_66 = arith.constant 0 : i32
      %scan3A_67 = arith.constant 200 : i32
      %scan3A_68 = arith.addi %scan3A_66, %scan3A_67 : i32
      %scan3A_69 = arith.constant 1 : i32
      scf.for %scan3A_74 = %scan3A_66 to %scan3A_68 step %scan3A_69  : i32 {
        %get3A = arith.index_cast %scan3A_74 : i32 to index
        %get3A_75 = arith.constant 0 : index
        %get3A_76 = tpu.vector_load %arg11[%get3A, %get3A_75] {strides = array<i32>} : memref<200x128xf32, #tpu.memory_space<vmem>>, vector<1x16xf32>,
        %get3A_77 = vector.shape_cast %get3A_76 : vector<1x16xf32> to vector<16xf32>
        %get3A_78 = arith.index_cast %scan3A_74 : i32 to index
        %get3A_79 = arith.constant 0 : index
        %get3A_80 = tpu.vector_load %arg12[%get3A_78, %get3A_79] {strides = array<i32>} : memref<200x128xf32, #tpu.memory_space<vmem>>, vector<1x16xf32>,
        %get3A_81 = vector.shape_cast %get3A_80 : vector<1x16xf32> to vector<16xf32>
        %add3A_82 = arith.addf %get3A_77, %get3A_81 : vector<16xf32>
        %swap3A = arith.index_cast %scan3A_74 : i32 to index
        %swap3A_83 = arith.constant 0 : index
        %swap3A_84 = tpu.vector_load %arg11[%swap3A, %swap3A_83] {strides = array<i32>} : memref<200x128xf32, #tpu.memory_space<vmem>>, vector<1x16xf32>,
        %swap3A_85 = vector.shape_cast %swap3A_84 : vector<1x16xf32> to vector<16xf32>
        %swap3A_86 = vector.shape_cast %add3A_82 : vector<16xf32> to vector<1x16xf32>
        tpu.vector_store %arg11[%swap3A, %swap3A_83], %swap3A_86 {strides = array<i32>} : memref<200x128xf32, #tpu.memory_space<vmem>>, vector<1x16xf32>,
        %get3A_87 = arith.index_cast %scan3A_74 : i32 to index
        %get3A_88 = arith.constant 16 : index
        %get3A_89 = tpu.vector_load %arg11[%get3A_87, %get3A_88] {strides = array<i32>} : memref<200x128xf32, #tpu.memory_space<vmem>>, vector<1x16xf32>,
        %get3A_90 = vector.shape_cast %get3A_89 : vector<1x16xf32> to vector<16xf32>
        %get3A_91 = arith.index_cast %scan3A_74 : i32 to index
        %get3A_92 = arith.constant 16 : index
        %get3A_93 = tpu.vector_load %arg12[%get3A_91, %get3A_92] {strides = array<i32>} : memref<200x128xf32, #tpu.memory_space<vmem>>, vector<1x16xf32>,
        %get3A_94 = vector.shape_cast %get3A_93 : vector<1x16xf32> to vector<16xf32>
        %add3A_95 = arith.addf %get3A_90, %get3A_94 : vector<16xf32>
        %swap3A_96 = arith.index_cast %scan3A_74 : i32 to index
        %swap3A_97 = arith.constant 16 : index
        %swap3A_98 = tpu.vector_load %arg11[%swap3A_96, %swap3A_97] {strides = array<i32>} : memref<200x128xf32, #tpu.memory_space<vmem>>, vector<1x16xf32>,
        %swap3A_99 = vector.shape_cast %swap3A_98 : vector<1x16xf32> to vector<16xf32>
        %swap3A_100 = vector.shape_cast %add3A_95 : vector<16xf32> to vector<1x16xf32>
        tpu.vector_store %arg11[%swap3A_96, %swap3A_97], %swap3A_100 {strides = array<i32>} : memref<200x128xf32, #tpu.memory_space<vmem>>, vector<1x16xf32>,
        %get3A_101 = arith.index_cast %scan3A_74 : i32 to index
        %get3A_102 = arith.constant 32 : index
        %get3A_103 = tpu.vector_load %arg11[%get3A_101, %get3A_102] {strides = array<i32>} : memref<200x128xf32, #tpu.memory_space<vmem>>, vector<1x16xf32>,
        %get3A_104 = vector.shape_cast %get3A_103 : vector<1x16xf32> to vector<16xf32>
        %get3A_105 = arith.index_cast %scan3A_74 : i32 to index
        %get3A_106 = arith.constant 32 : index
        %get3A_107 = tpu.vector_load %arg12[%get3A_105, %get3A_106] {strides = array<i32>} : memref<200x128xf32, #tpu.memory_space<vmem>>, vector<1x16xf32>,
        %get3A_108 = vector.shape_cast %get3A_107 : vector<1x16xf32> to vector<16xf32>
        %add3A_109 = arith.addf %get3A_104, %get3A_108 : vector<16xf32>
        %swap3A_110 = arith.index_cast %scan3A_74 : i32 to index
        %swap3A_111 = arith.constant 32 : index
        %swap3A_112 = tpu.vector_load %arg11[%swap3A_110, %swap3A_111] {strides = array<i32>} : memref<200x128xf32, #tpu.memory_space<vmem>>, vector<1x16xf32>,
        %swap3A_113 = vector.shape_cast %swap3A_112 : vector<1x16xf32> to vector<16xf32>
        %swap3A_114 = vector.shape_cast %add3A_109 : vector<16xf32> to vector<1x16xf32>
        tpu.vector_store %arg11[%swap3A_110, %swap3A_111], %swap3A_114 {strides = array<i32>} : memref<200x128xf32, #tpu.memory_space<vmem>>, vector<1x16xf32>,
        %get3A_115 = arith.index_cast %scan3A_74 : i32 to index
        %get3A_116 = arith.constant 48 : index
        %get3A_117 = tpu.vector_load %arg11[%get3A_115, %get3A_116] {strides = array<i32>} : memref<200x128xf32, #tpu.memory_space<vmem>>, vector<1x16xf32>,
        %get3A_118 = vector.shape_cast %get3A_117 : vector<1x16xf32> to vector<16xf32>
        %get3A_119 = arith.index_cast %scan3A_74 : i32 to index
        %get3A_120 = arith.constant 48 : index
        %get3A_121 = tpu.vector_load %arg12[%get3A_119, %get3A_120] {strides = array<i32>} : memref<200x128xf32, #tpu.memory_space<vmem>>, vector<1x16xf32>,
        %get3A_122 = vector.shape_cast %get3A_121 : vector<1x16xf32> to vector<16xf32>
        %add3A_123 = arith.addf %get3A_118, %get3A_122 : vector<16xf32>
        %swap3A_124 = arith.index_cast %scan3A_74 : i32 to index
        %swap3A_125 = arith.constant 48 : index
        %swap3A_126 = tpu.vector_load %arg11[%swap3A_124, %swap3A_125] {strides = array<i32>} : memref<200x128xf32, #tpu.memory_space<vmem>>, vector<1x16xf32>,
        %swap3A_127 = vector.shape_cast %swap3A_126 : vector<1x16xf32> to vector<16xf32>
        %swap3A_128 = vector.shape_cast %add3A_123 : vector<16xf32> to vector<1x16xf32>
        tpu.vector_store %arg11[%swap3A_124, %swap3A_125], %swap3A_128 {strides = array<i32>} : memref<200x128xf32, #tpu.memory_space<vmem>>, vector<1x16xf32>,
        %get3A_129 = arith.index_cast %scan3A_74 : i32 to index
        %get3A_130 = arith.constant 64 : index
        %get3A_131 = tpu.vector_load %arg11[%get3A_129, %get3A_130] {strides = array<i32>} : memref<200x128xf32, #tpu.memory_space<vmem>>, vector<1x16xf32>,
        %get3A_132 = vector.shape_cast %get3A_131 : vector<1x16xf32> to vector<16xf32>
        %get3A_133 = arith.index_cast %scan3A_74 : i32 to index
        %get3A_134 = arith.constant 64 : index
        %get3A_135 = tpu.vector_load %arg12[%get3A_133, %get3A_134] {strides = array<i32>} : memref<200x128xf32, #tpu.memory_space<vmem>>, vector<1x16xf32>,
        %get3A_136 = vector.shape_cast %get3A_135 : vector<1x16xf32> to vector<16xf32>
        %add3A_137 = arith.addf %get3A_132, %get3A_136 : vector<16xf32>
        %swap3A_138 = arith.index_cast %scan3A_74 : i32 to index
        %swap3A_139 = arith.constant 64 : index
        %swap3A_140 = tpu.vector_load %arg11[%swap3A_138, %swap3A_139] {strides = array<i32>} : memref<200x128xf32, #tpu.memory_space<vmem>>, vector<1x16xf32>,
        %swap3A_141 = vector.shape_cast %swap3A_140 : vector<1x16xf32> to vector<16xf32>
        %swap3A_142 = vector.shape_cast %add3A_137 : vector<16xf32> to vector<1x16xf32>
        tpu.vector_store %arg11[%swap3A_138, %swap3A_139], %swap3A_142 {strides = array<i32>} : memref<200x128xf32, #tpu.memory_space<vmem>>, vector<1x16xf32>,
        %get3A_143 = arith.index_cast %scan3A_74 : i32 to index
        %get3A_144 = arith.constant 80 : index
        %get3A_145 = tpu.vector_load %arg11[%get3A_143, %get3A_144] {strides = array<i32>} : memref<200x128xf32, #tpu.memory_space<vmem>>, vector<1x16xf32>,
        %get3A_146 = vector.shape_cast %get3A_145 : vector<1x16xf32> to vector<16xf32>
        %get3A_147 = arith.index_cast %scan3A_74 : i32 to index
        %get3A_148 = arith.constant 80 : index
        %get3A_149 = tpu.vector_load %arg12[%get3A_147, %get3A_148] {strides = array<i32>} : memref<200x128xf32, #tpu.memory_space<vmem>>, vector<1x16xf32>,
        %get3A_150 = vector.shape_cast %get3A_149 : vector<1x16xf32> to vector<16xf32>
        %add3A_151 = arith.addf %get3A_146, %get3A_150 : vector<16xf32>
        %swap3A_152 = arith.index_cast %scan3A_74 : i32 to index
        %swap3A_153 = arith.constant 80 : index
        %swap3A_154 = tpu.vector_load %arg11[%swap3A_152, %swap3A_153] {strides = array<i32>} : memref<200x128xf32, #tpu.memory_space<vmem>>, vector<1x16xf32>,
        %swap3A_155 = vector.shape_cast %swap3A_154 : vector<1x16xf32> to vector<16xf32>
        %swap3A_156 = vector.shape_cast %add3A_151 : vector<16xf32> to vector<1x16xf32>
        tpu.vector_store %arg11[%swap3A_152, %swap3A_153], %swap3A_156 {strides = array<i32>} : memref<200x128xf32, #tpu.memory_space<vmem>>, vector<1x16xf32>,
        %get3A_157 = arith.index_cast %scan3A_74 : i32 to index
        %get3A_158 = arith.constant 96 : index
        %get3A_159 = tpu.vector_load %arg11[%get3A_157, %get3A_158] {strides = array<i32>} : memref<200x128xf32, #tpu.memory_space<vmem>>, vector<1x16xf32>,
        %get3A_160 = vector.shape_cast %get3A_159 : vector<1x16xf32> to vector<16xf32>
        %get3A_161 = arith.index_cast %scan3A_74 : i32 to index
        %get3A_162 = arith.constant 96 : index
        %get3A_163 = tpu.vector_load %arg12[%get3A_161, %get3A_162] {strides = array<i32>} : memref<200x128xf32, #tpu.memory_space<vmem>>, vector<1x16xf32>,
        %get3A_164 = vector.shape_cast %get3A_163 : vector<1x16xf32> to vector<16xf32>
        %add3A_165 = arith.addf %get3A_160, %get3A_164 : vector<16xf32>
        %swap3A_166 = arith.index_cast %scan3A_74 : i32 to index
        %swap3A_167 = arith.constant 96 : index
        %swap3A_168 = tpu.vector_load %arg11[%swap3A_166, %swap3A_167] {strides = array<i32>} : memref<200x128xf32, #tpu.memory_space<vmem>>, vector<1x16xf32>,
        %swap3A_169 = vector.shape_cast %swap3A_168 : vector<1x16xf32> to vector<16xf32>
        %swap3A_170 = vector.shape_cast %add3A_165 : vector<16xf32> to vector<1x16xf32>
        tpu.vector_store %arg11[%swap3A_166, %swap3A_167], %swap3A_170 {strides = array<i32>} : memref<200x128xf32, #tpu.memory_space<vmem>>, vector<1x16xf32>,
        %get3A_171 = arith.index_cast %scan3A_74 : i32 to index
        %get3A_172 = arith.constant 112 : index
        %get3A_173 = tpu.vector_load %arg11[%get3A_171, %get3A_172] {strides = array<i32>} : memref<200x128xf32, #tpu.memory_space<vmem>>, vector<1x16xf32>,
        %get3A_174 = vector.shape_cast %get3A_173 : vector<1x16xf32> to vector<16xf32>
        %get3A_175 = arith.index_cast %scan3A_74 : i32 to index
        %get3A_176 = arith.constant 112 : index
        %get3A_177 = tpu.vector_load %arg12[%get3A_175, %get3A_176] {strides = array<i32>} : memref<200x128xf32, #tpu.memory_space<vmem>>, vector<1x16xf32>,
        %get3A_178 = vector.shape_cast %get3A_177 : vector<1x16xf32> to vector<16xf32>
        %add3A_179 = arith.addf %get3A_174, %get3A_178 : vector<16xf32>
        %swap3A_180 = arith.index_cast %scan3A_74 : i32 to index
        %swap3A_181 = arith.constant 112 : index
        %swap3A_182 = tpu.vector_load %arg11[%swap3A_180, %swap3A_181] {strides = array<i32>} : memref<200x128xf32, #tpu.memory_space<vmem>>, vector<1x16xf32>,
        %swap3A_183 = vector.shape_cast %swap3A_182 : vector<1x16xf32> to vector<16xf32>
        %swap3A_184 = vector.shape_cast %add3A_179 : vector<16xf32> to vector<1x16xf32>
        tpu.vector_store %arg11[%swap3A_180, %swap3A_181], %swap3A_184 {strides = array<i32>} : memref<200x128xf32, #tpu.memory_space<vmem>>, vector<1x16xf32>,
      }
      %scan3A_70 = arith.constant 200 : i32
      %mul3A_71 = arith.constant 200 : i32
      %mul3A_72 = arith.muli %add3A_47, %mul3A_71 : i32
      %add3A_73 = arith.addi %mul3A_2, %mul3A_72 : i32
      "tpu.region"() ({
        %run_scoped3A = tpu.sem_alloc : memref<!tpu.dma_semaphore, #tpu.memory_space<semaphore_mem>>
        %dma_start3A_74 = arith.constant 0 : i32
        %dma_start3A_75 = tpu.memref_slice %arg6[%add3A_73, %dma_start3A_74] : memref<320000x128xf32, #tpu.memory_space<hbm>> -> memref<200x128xf32, #tpu.memory_space<hbm>>
        %dma_start3A_76 = arith.constant 0 : i32
        %dma_start3A_77 = tpu.memref_slice %arg6[%add3A_73, %dma_start3A_76] : memref<320000x128xf32, #tpu.memory_space<hbm>> -> memref<200x128xf32, #tpu.memory_space<hbm>>
        tpu.enqueue_dma source(%arg11 : memref<200x128xf32, #tpu.memory_space<vmem>>) target(%dma_start3A_77 : memref<200x128xf32, #tpu.memory_space<hbm>>) target_semaphore(%run_scoped3A : memref<!tpu.dma_semaphore, #tpu.memory_space<semaphore_mem>>)
        %dma_wait3A_78 = arith.constant 0 : i32
        %dma_wait3A_79 = tpu.memref_slice %arg6[%add3A_73, %dma_wait3A_78] : memref<320000x128xf32, #tpu.memory_space<hbm>> -> memref<200x128xf32, #tpu.memory_space<hbm>>
        %dma_wait3A_80 = arith.constant 0 : i32
        %dma_wait3A_81 = tpu.memref_slice %arg6[%add3A_73, %dma_wait3A_80] : memref<320000x128xf32, #tpu.memory_space<hbm>> -> memref<200x128xf32, #tpu.memory_space<hbm>>
        tpu.wait_dma2 semaphore(%run_scoped3A : memref<!tpu.dma_semaphore, #tpu.memory_space<semaphore_mem>>) src(%arg11 : memref<200x128xf32, #tpu.memory_space<vmem>>) dst(%dma_wait3A_81 : memref<200x128xf32, #tpu.memory_space<hbm>>)
        tpu.yield
      }) : () -> ()
    }
    %scan3A_16 = arith.constant 25 : i32
    return
  }
}

module attributes {stable_mosaic.version = 14 : i64} {
  func.func @_node_tables_body(%arg0: i32, %arg1: memref<400x128xf32, #tpu.memory_space<vmem>>, %arg2: memref<128x128xf32, #tpu.memory_space<vmem>>, %arg3: memref<128x128xf32, #tpu.memory_space<vmem>>, %arg4: memref<128x128xf32, #tpu.memory_space<vmem>>, %arg5: memref<1x128xf32, #tpu.memory_space<vmem>>, %arg6: memref<400x128xf32, #tpu.memory_space<vmem>>, %arg7: memref<400x128xf32, #tpu.memory_space<vmem>>, %arg8: memref<400x128xf32, #tpu.memory_space<vmem>>) attributes {dimension_semantics = [#tpu.dimension_semantics<arbitrary>], iteration_bounds = array<i64: 25>, scalar_prefetch = 0 : i64, scratch_operands = 0 : i64, tpu.core_type = #tpu.core_type<tc>, window_params = [{transform_indices = @transform_0, window_bounds = array<i64: 400, 128>}, {pipeline_mode = #tpu.pipeline_mode<synchronous>, transform_indices = @transform_1, window_bounds = array<i64: 128, 128>}, {pipeline_mode = #tpu.pipeline_mode<synchronous>, transform_indices = @transform_2, window_bounds = array<i64: 128, 128>}, {pipeline_mode = #tpu.pipeline_mode<synchronous>, transform_indices = @transform_3, window_bounds = array<i64: 128, 128>}, {pipeline_mode = #tpu.pipeline_mode<synchronous>, transform_indices = @transform_4, window_bounds = array<i64: 1, 128>}, {transform_indices = @transform_5, window_bounds = array<i64: 400, 128>}, {transform_indices = @transform_6, window_bounds = array<i64: 400, 128>}, {transform_indices = @transform_7, window_bounds = array<i64: 400, 128>}]} {
    %get3A = arith.constant 0 : index
    %get3A_0 = arith.constant 0 : index
    %get3A_1 = vector.load %arg1[%get3A, %get3A_0] : memref<400x128xf32, #tpu.memory_space<vmem>>, vector<400x128xf32>
    %get3A_2 = arith.constant 0 : index
    %get3A_3 = arith.constant 0 : index
    %get3A_4 = vector.load %arg2[%get3A_2, %get3A_3] : memref<128x128xf32, #tpu.memory_space<vmem>>, vector<128x128xf32>
    %dot_general3A = arith.constant dense<0.000000e+00> : vector<400x128xf32>
    %dot_general3A_5 = tpu.matmul %get3A_1, %get3A_4, %dot_general3A {dimension_numbers = #tpu.dot_dimension_numbers<[1], [0], [0], [1], [0, 0, 1, 1], [], []>, precision = #tpu.contract_precision<fp32>, transpose_lhs_hint = false} : vector<400x128xf32>, vector<128x128xf32>, vector<400x128xf32> -> vector<400x128xf32>
    %swap3A = arith.constant 0 : index
    %swap3A_6 = arith.constant 0 : index
    %swap3A_7 = vector.load %arg6[%swap3A, %swap3A_6] : memref<400x128xf32, #tpu.memory_space<vmem>>, vector<400x128xf32>
    tpu.vector_store %arg6[%swap3A, %swap3A_6], %dot_general3A_5 {strides = array<i32>} : memref<400x128xf32, #tpu.memory_space<vmem>>, vector<400x128xf32>,
    %get3A_8 = arith.constant 0 : index
    %get3A_9 = arith.constant 0 : index
    %get3A_10 = vector.load %arg3[%get3A_8, %get3A_9] : memref<128x128xf32, #tpu.memory_space<vmem>>, vector<128x128xf32>
    %dot_general3A_11 = arith.constant dense<0.000000e+00> : vector<400x128xf32>
    %dot_general3A_12 = tpu.matmul %get3A_1, %get3A_10, %dot_general3A_11 {dimension_numbers = #tpu.dot_dimension_numbers<[1], [0], [0], [1], [0, 0, 1, 1], [], []>, precision = #tpu.contract_precision<fp32>, transpose_lhs_hint = false} : vector<400x128xf32>, vector<128x128xf32>, vector<400x128xf32> -> vector<400x128xf32>
    %swap3A_13 = arith.constant 0 : index
    %swap3A_14 = arith.constant 0 : index
    %swap3A_15 = vector.load %arg7[%swap3A_13, %swap3A_14] : memref<400x128xf32, #tpu.memory_space<vmem>>, vector<400x128xf32>
    tpu.vector_store %arg7[%swap3A_13, %swap3A_14], %dot_general3A_12 {strides = array<i32>} : memref<400x128xf32, #tpu.memory_space<vmem>>, vector<400x128xf32>,
    %get3A_16 = arith.constant 0 : index
    %get3A_17 = arith.constant 0 : index
    %get3A_18 = vector.load %arg4[%get3A_16, %get3A_17] : memref<128x128xf32, #tpu.memory_space<vmem>>, vector<128x128xf32>
    %dot_general3A_19 = arith.constant dense<0.000000e+00> : vector<400x128xf32>
    %dot_general3A_20 = tpu.matmul %get3A_1, %get3A_18, %dot_general3A_19 {dimension_numbers = #tpu.dot_dimension_numbers<[1], [0], [0], [1], [0, 0, 1, 1], [], []>, precision = #tpu.contract_precision<fp32>, transpose_lhs_hint = false} : vector<400x128xf32>, vector<128x128xf32>, vector<400x128xf32> -> vector<400x128xf32>
    %get3A_21 = arith.constant 0 : index
    %get3A_22 = arith.constant 0 : index
    %get3A_23 = vector.load %arg5[%get3A_21, %get3A_22] : memref<1x128xf32, #tpu.memory_space<vmem>>, vector<1x128xf32>
    %add3A = vector.broadcast %get3A_23 : vector<1x128xf32> to vector<400x128xf32>
    %add3A_24 = arith.addf %dot_general3A_20, %add3A : vector<400x128xf32>
    %swap3A_25 = arith.constant 0 : index
    %swap3A_26 = arith.constant 0 : index
    %swap3A_27 = vector.load %arg8[%swap3A_25, %swap3A_26] : memref<400x128xf32, #tpu.memory_space<vmem>>, vector<400x128xf32>
    tpu.vector_store %arg8[%swap3A_25, %swap3A_26], %add3A_24 {strides = array<i32>} : memref<400x128xf32, #tpu.memory_space<vmem>>, vector<400x128xf32>,
    return
  }
  func.func @transform_0(%arg0: i32) -> (i32, i32) {
    %c0_i32 = arith.constant 0 : i32
    %c0_i32_0 = arith.constant 0 : i32
    return %arg0, %c0_i32 : i32, i32
  }
  func.func @transform_1(%arg0: i32) -> (i32, i32) {
    %c0_i32 = arith.constant 0 : i32
    %c0_i32_0 = arith.constant 0 : i32
    %c0_i32_1 = arith.constant 0 : i32
    return %c0_i32, %c0_i32_0 : i32, i32
  }
  func.func @transform_2(%arg0: i32) -> (i32, i32) {
    %c0_i32 = arith.constant 0 : i32
    %c0_i32_0 = arith.constant 0 : i32
    %c0_i32_1 = arith.constant 0 : i32
    return %c0_i32, %c0_i32_0 : i32, i32
  }
  func.func @transform_3(%arg0: i32) -> (i32, i32) {
    %c0_i32 = arith.constant 0 : i32
    %c0_i32_0 = arith.constant 0 : i32
    %c0_i32_1 = arith.constant 0 : i32
    return %c0_i32, %c0_i32_0 : i32, i32
  }
  func.func @transform_4(%arg0: i32) -> (i32, i32) {
    %c0_i32 = arith.constant 0 : i32
    %c0_i32_0 = arith.constant 0 : i32
    %c0_i32_1 = arith.constant 0 : i32
    return %c0_i32, %c0_i32_0 : i32, i32
  }
  func.func @transform_5(%arg0: i32) -> (i32, i32) {
    %c0_i32 = arith.constant 0 : i32
    %c0_i32_0 = arith.constant 0 : i32
    return %arg0, %c0_i32 : i32, i32
  }
  func.func @transform_6(%arg0: i32) -> (i32, i32) {
    %c0_i32 = arith.constant 0 : i32
    %c0_i32_0 = arith.constant 0 : i32
    return %arg0, %c0_i32 : i32, i32
  }
  func.func @transform_7(%arg0: i32) -> (i32, i32) {
    %c0_i32 = arith.constant 0 : i32
    %c0_i32_0 = arith.constant 0 : i32
    return %arg0, %c0_i32 : i32, i32
  }
}

module attributes {stable_mosaic.version = 14 : i64} {
  func.func @_scores_body(%arg0: i32, %arg1: memref<12800x128xf32, #tpu.memory_space<vmem>>, %arg2: memref<12800x16xf32, #tpu.memory_space<vmem>>, %arg3: memref<16x128xf32, #tpu.memory_space<vmem>>, %arg4: memref<1x128xf32, #tpu.memory_space<vmem>>, %arg5: memref<8x128xf32, #tpu.memory_space<vmem>>, %arg6: memref<8x128xf32, #tpu.memory_space<vmem>>, %arg7: memref<1x1x12800xf32, #tpu.memory_space<vmem>>, %arg8: memref<1x1xf32, #tpu.memory_space<smem>>, %arg9: memref<2xf32, #tpu.memory_space<smem>>) attributes {dimension_semantics = [#tpu.dimension_semantics<arbitrary>], iteration_bounds = array<i64: 25>, scalar_prefetch = 0 : i64, scratch_operands = 1 : i64, tpu.core_type = #tpu.core_type<tc>, window_params = [{transform_indices = @transform_0, window_bounds = array<i64: 12800, 128>}, {transform_indices = @transform_1, window_bounds = array<i64: 12800, 16>}, {pipeline_mode = #tpu.pipeline_mode<synchronous>, transform_indices = @transform_2, window_bounds = array<i64: 16, 128>}, {pipeline_mode = #tpu.pipeline_mode<synchronous>, transform_indices = @transform_3, window_bounds = array<i64: 1, 128>}, {pipeline_mode = #tpu.pipeline_mode<synchronous>, transform_indices = @transform_4, window_bounds = array<i64: 8, 128>}, {pipeline_mode = #tpu.pipeline_mode<synchronous>, transform_indices = @transform_5, window_bounds = array<i64: 8, 128>}, {transform_indices = @transform_6, window_bounds = array<i64: 1, 1, 12800>}, {transform_indices = @transform_7, window_bounds = array<i64: 1, 1>}]} {
    %get3A = arith.constant 0 : index
    %get3A_0 = arith.constant 0 : index
    %get3A_1 = vector.load %arg1[%get3A, %get3A_0] : memref<12800x128xf32, #tpu.memory_space<vmem>>, vector<12800x128xf32>
    %get3A_2 = arith.constant 0 : index
    %get3A_3 = arith.constant 0 : index
    %get3A_4 = vector.load %arg2[%get3A_2, %get3A_3] : memref<12800x16xf32, #tpu.memory_space<vmem>>, vector<12800x16xf32>
    %get3A_5 = arith.constant 0 : index
    %get3A_6 = arith.constant 0 : index
    %get3A_7 = vector.load %arg3[%get3A_5, %get3A_6] : memref<16x128xf32, #tpu.memory_space<vmem>>, vector<16x128xf32>
    %dot_general3A = arith.constant dense<0.000000e+00> : vector<12800x128xf32>
    %dot_general3A_8 = tpu.matmul %get3A_4, %get3A_7, %dot_general3A {dimension_numbers = #tpu.dot_dimension_numbers<[1], [0], [0], [1], [0, 0, 1, 1], [], []>, transpose_lhs_hint = false} : vector<12800x16xf32>, vector<16x128xf32>, vector<12800x128xf32> -> vector<12800x128xf32>
    %add3A = arith.addf %get3A_1, %dot_general3A_8 : vector<12800x128xf32>
    %get3A_9 = arith.constant 0 : index
    %get3A_10 = arith.constant 0 : index
    %get3A_11 = vector.load %arg4[%get3A_9, %get3A_10] : memref<1x128xf32, #tpu.memory_space<vmem>>, vector<1x128xf32>
    %add3A_12 = vector.broadcast %get3A_11 : vector<1x128xf32> to vector<12800x128xf32>
    %add3A_13 = arith.addf %add3A, %add3A_12 : vector<12800x128xf32>
    %mul3A = arith.constant 2.000000e-01 : f32
    %mul3A_14 = vector.broadcast %mul3A : f32 to vector<12800x128xf32>
    %mul3A_15 = arith.mulf %mul3A_14, %add3A_13 : vector<12800x128xf32>
    %max3A = arith.maximumf %add3A_13, %mul3A_15 : vector<12800x128xf32>
    %get3A_16 = arith.constant 0 : index
    %get3A_17 = arith.constant 0 : index
    %get3A_18 = vector.load %arg5[%get3A_16, %get3A_17] : memref<8x128xf32, #tpu.memory_space<vmem>>, vector<8x128xf32>
    %dot_general3A_19 = arith.constant dense<0.000000e+00> : vector<8x12800xf32>
    %dot_general3A_20 = tpu.matmul %get3A_18, %max3A, %dot_general3A_19 {dimension_numbers = #tpu.dot_dimension_numbers<[1], [1], [0], [0], [0, 0, 1, 0], [], []>, transpose_lhs_hint = false} : vector<8x128xf32>, vector<12800x128xf32>, vector<8x12800xf32> -> vector<8x12800xf32>
    %get3A_21 = arith.constant 0 : index
    %get3A_22 = arith.constant 0 : index
    %get3A_23 = vector.load %arg6[%get3A_21, %get3A_22] : memref<8x128xf32, #tpu.memory_space<vmem>>, vector<8x1xf32>
    %broadcast_in_dim3A = vector.shape_cast %get3A_23 : vector<8x1xf32> to vector<8x1xf32>
    %broadcast_in_dim3A_24 = vector.broadcast %broadcast_in_dim3A : vector<8x1xf32> to vector<8x12800xf32>
    %add3A_25 = arith.addf %dot_general3A_20, %broadcast_in_dim3A_24 : vector<8x12800xf32>
    %mul3A_26 = arith.constant 2.000000e-01 : f32
    %mul3A_27 = vector.broadcast %mul3A_26 : f32 to vector<8x12800xf32>
    %mul3A_28 = arith.mulf %mul3A_27, %add3A_25 : vector<8x12800xf32>
    %max3A_29 = arith.maximumf %add3A_25, %mul3A_28 : vector<8x12800xf32>
    %reduce_sum3A = arith.constant dense<0.000000e+00> : vector<12800xf32>
    %reduce_sum3A_30 = vector.multi_reduction <add>, %max3A_29, %reduce_sum3A [0] : vector<8x12800xf32> to vector<12800xf32>
    %broadcast_in_dim3A_31 = vector.shape_cast %reduce_sum3A_30 : vector<12800xf32> to vector<1x12800xf32>
    %div3A = arith.constant 8.000000e+00 : f32
    %div3A_32 = vector.broadcast %div3A : f32 to vector<1x12800xf32>
    %div3A_33 = arith.divf %broadcast_in_dim3A_31, %div3A_32 : vector<1x12800xf32>
    %broadcast_in_dim3A_34 = vector.shape_cast %div3A_33 : vector<1x12800xf32> to vector<1x1x12800xf32>
    %swap3A = arith.constant 0 : index
    %swap3A_35 = arith.constant 0 : index
    %swap3A_36 = arith.constant 0 : index
    %swap3A_37 = vector.load %arg7[%swap3A, %swap3A_35, %swap3A_36] : memref<1x1x12800xf32, #tpu.memory_space<vmem>>, vector<1x1x12800xf32>
    tpu.vector_store %arg7[%swap3A, %swap3A_35, %swap3A_36], %broadcast_in_dim3A_34 {strides = array<i32>} : memref<1x1x12800xf32, #tpu.memory_space<vmem>>, vector<1x1x12800xf32>,
    %eq3A = arith.constant 0 : i32
    %eq3A_38 = arith.cmpi eq, %arg0, %eq3A : i32
    %get3A_39 = arith.constant 0 : index
    %get3A_40 = memref.load %arg9[%get3A_39] : memref<2xf32, #tpu.memory_space<smem>>
    %jit3A = arith.constant -1.000000e+30 : f32
    %select_n3A = arith.select %eq3A_38, %jit3A, %get3A_40 : f32
    %eq3A_41 = arith.constant 0 : i32
    %eq3A_42 = arith.cmpi eq, %arg0, %eq3A_41 : i32
    %get3A_43 = arith.constant 1 : index
    %get3A_44 = memref.load %arg9[%get3A_43] : memref<2xf32, #tpu.memory_space<smem>>
    %jit3A_45 = arith.constant 0.000000e+00 : f32
    %select_n3A_46 = arith.select %eq3A_42, %jit3A_45, %get3A_44 : f32
    %reduce_max3A = vector.shape_cast %div3A_33 : vector<1x12800xf32> to vector<1x1x12800xf32>
    %reduce_max3A_47 = arith.constant dense<0xFF800000> : vector<1xf32>
    %reduce_max3A_48 = vector.multi_reduction <maximumf>, %reduce_max3A, %reduce_max3A_47 [1, 2] : vector<1x1x12800xf32> to vector<1xf32>
    %reduce_max3A_49 = vector.shape_cast %reduce_max3A_48 : vector<1xf32> to vector<1x1x1xf32>
    %reduce_max3A_50 = vector.extract %reduce_max3A_49[0, 0, 0] : f32 from vector<1x1x1xf32>
    %max3A_51 = arith.maximumf %select_n3A, %reduce_max3A_50 : f32
    %sub3A = arith.subf %select_n3A, %max3A_51 : f32
    %exp3A = math.exp %sub3A : f32
    %mul3A_52 = arith.mulf %select_n3A_46, %exp3A : f32
    %sub3A_53 = vector.broadcast %max3A_51 : f32 to vector<1x12800xf32>
    %sub3A_54 = arith.subf %div3A_33, %sub3A_53 : vector<1x12800xf32>
    %exp3A_55 = math.exp %sub3A_54 : vector<1x12800xf32>
    %reduce_sum3A_56 = vector.shape_cast %exp3A_55 : vector<1x12800xf32> to vector<1x1x12800xf32>
    %reduce_sum3A_57 = arith.constant dense<0.000000e+00> : vector<1xf32>
    %reduce_sum3A_58 = vector.multi_reduction <add>, %reduce_sum3A_56, %reduce_sum3A_57 [1, 2] : vector<1x1x12800xf32> to vector<1xf32>
    %reduce_sum3A_59 = vector.shape_cast %reduce_sum3A_58 : vector<1xf32> to vector<1x1x1xf32>
    %reduce_sum3A_60 = vector.extract %reduce_sum3A_59[0, 0, 0] : f32 from vector<1x1x1xf32>
    %add3A_61 = arith.addf %mul3A_52, %reduce_sum3A_60 : f32
    %swap3A_62 = arith.constant 0 : index
    %swap3A_63 = memref.load %arg9[%swap3A_62] : memref<2xf32, #tpu.memory_space<smem>>
    memref.store %max3A_51, %arg9[%swap3A_62] : memref<2xf32, #tpu.memory_space<smem>>
    %swap3A_64 = arith.constant 1 : index
    %swap3A_65 = memref.load %arg9[%swap3A_64] : memref<2xf32, #tpu.memory_space<smem>>
    memref.store %add3A_61, %arg9[%swap3A_64] : memref<2xf32, #tpu.memory_space<smem>>
    %eq3A_66 = arith.constant 24 : i32
    %eq3A_67 = arith.cmpi eq, %arg0, %eq3A_66 : i32
    %convert_element_type3A = arith.extui %eq3A_67 : i1 to i32
    %cond3A = arith.constant 0 : i32
    %cond3A_68 = arith.cmpi ne, %convert_element_type3A, %cond3A : i32
    scf.if %cond3A_68 {
      %log3A = math.log %add3A_61 : f32
      %add3A_69 = arith.addf %max3A_51, %log3A : f32
      %swap3A_70 = arith.constant 0 : index
      %swap3A_71 = arith.constant 0 : index
      %swap3A_72 = memref.load %arg8[%swap3A_70, %swap3A_71] : memref<1x1xf32, #tpu.memory_space<smem>>
      memref.store %add3A_69, %arg8[%swap3A_70, %swap3A_71] : memref<1x1xf32, #tpu.memory_space<smem>>
    } else {
    }
    return
  }
  func.func @transform_0(%arg0: i32) -> (i32, i32) {
    %c0_i32 = arith.constant 0 : i32
    %c0_i32_0 = arith.constant 0 : i32
    return %arg0, %c0_i32 : i32, i32
  }
  func.func @transform_1(%arg0: i32) -> (i32, i32) {
    %c0_i32 = arith.constant 0 : i32
    %c0_i32_0 = arith.constant 0 : i32
    return %arg0, %c0_i32 : i32, i32
  }
  func.func @transform_2(%arg0: i32) -> (i32, i32) {
    %c0_i32 = arith.constant 0 : i32
    %c0_i32_0 = arith.constant 0 : i32
    %c0_i32_1 = arith.constant 0 : i32
    return %c0_i32, %c0_i32_0 : i32, i32
  }
  func.func @transform_3(%arg0: i32) -> (i32, i32) {
    %c0_i32 = arith.constant 0 : i32
    %c0_i32_0 = arith.constant 0 : i32
    %c0_i32_1 = arith.constant 0 : i32
    return %c0_i32, %c0_i32_0 : i32, i32
  }
  func.func @transform_4(%arg0: i32) -> (i32, i32) {
    %c0_i32 = arith.constant 0 : i32
    %c0_i32_0 = arith.constant 0 : i32
    %c0_i32_1 = arith.constant 0 : i32
    return %c0_i32, %c0_i32_0 : i32, i32
  }
  func.func @transform_5(%arg0: i32) -> (i32, i32) {
    %c0_i32 = arith.constant 0 : i32
    %c0_i32_0 = arith.constant 0 : i32
    %c0_i32_1 = arith.constant 0 : i32
    return %c0_i32, %c0_i32_0 : i32, i32
  }
  func.func @transform_6(%arg0: i32) -> (i32, i32, i32) {
    %c0_i32 = arith.constant 0 : i32
    %c0_i32_0 = arith.constant 0 : i32
    %c0_i32_1 = arith.constant 0 : i32
    return %arg0, %c0_i32, %c0_i32_0 : i32, i32, i32
  }
  func.func @transform_7(%arg0: i32) -> (i32, i32) {
    %c0_i32 = arith.constant 0 : i32
    %c0_i32_0 = arith.constant 0 : i32
    %c0_i32_1 = arith.constant 0 : i32
    return %c0_i32, %c0_i32_0 : i32, i32
  }
}

module attributes {stable_mosaic.version = 14 : i64} {
  func.func @_weights_body(%arg0: i32, %arg1: memref<1x1x12800xf32, #tpu.memory_space<vmem>>, %arg2: memref<1x1xf32, #tpu.memory_space<smem>>, %arg3: memref<12800x16xf32, #tpu.memory_space<vmem>>) attributes {dimension_semantics = [#tpu.dimension_semantics<arbitrary>], iteration_bounds = array<i64: 25>, scalar_prefetch = 0 : i64, scratch_operands = 0 : i64, tpu.core_type = #tpu.core_type<tc>, window_params = [{transform_indices = @transform_0, window_bounds = array<i64: 1, 1, 12800>}, {transform_indices = @transform_1, window_bounds = array<i64: 1, 1>}, {transform_indices = @transform_2, window_bounds = array<i64: 12800, 16>}]} {
    %get3A = arith.constant 0 : index
    %get3A_0 = arith.constant 0 : index
    %get3A_1 = arith.constant 0 : index
    %get3A_2 = vector.load %arg1[%get3A, %get3A_0, %get3A_1] : memref<1x1x12800xf32, #tpu.memory_space<vmem>>, vector<1x1x12800xf32>
    %get3A_3 = vector.shape_cast %get3A_2 : vector<1x1x12800xf32> to vector<1x12800xf32>
    %get3A_4 = arith.constant 0 : index
    %get3A_5 = arith.constant 0 : index
    %get3A_6 = memref.load %arg2[%get3A_4, %get3A_5] : memref<1x1xf32, #tpu.memory_space<smem>>
    %sub3A = vector.broadcast %get3A_6 : f32 to vector<1x12800xf32>
    %sub3A_7 = arith.subf %get3A_3, %sub3A : vector<1x12800xf32>
    %exp3A = math.exp %sub3A_7 : vector<1x12800xf32>
    %broadcast_in_dim3A = vector.shape_cast %exp3A : vector<1x12800xf32> to vector<1x12800xf32>
    %broadcast_in_dim3A_8 = vector.broadcast %broadcast_in_dim3A : vector<1x12800xf32> to vector<8x12800xf32>
    %transpose3A = tpu.transpose %broadcast_in_dim3A_8, [1, 0] : vector<8x12800xf32> -> vector<12800x8xf32>
    %concatenate3A = tpu.concatenate %transpose3A, %transpose3A in 1 : vector<12800x8xf32>, vector<12800x8xf32> -> vector<12800x16xf32>
    %swap3A = arith.constant 0 : index
    %swap3A_9 = arith.constant 0 : index
    %swap3A_10 = vector.load %arg3[%swap3A, %swap3A_9] : memref<12800x16xf32, #tpu.memory_space<vmem>>, vector<12800x16xf32>
    tpu.vector_store %arg3[%swap3A, %swap3A_9], %concatenate3A {strides = array<i32>} : memref<12800x16xf32, #tpu.memory_space<vmem>>, vector<12800x16xf32>,
    return
  }
  func.func @transform_0(%arg0: i32) -> (i32, i32, i32) {
    %c0_i32 = arith.constant 0 : i32
    %c0_i32_0 = arith.constant 0 : i32
    %c0_i32_1 = arith.constant 0 : i32
    return %arg0, %c0_i32, %c0_i32_0 : i32, i32, i32
  }
  func.func @transform_1(%arg0: i32) -> (i32, i32) {
    %c0_i32 = arith.constant 0 : i32
    %c0_i32_0 = arith.constant 0 : i32
    %c0_i32_1 = arith.constant 0 : i32
    return %c0_i32, %c0_i32_0 : i32, i32
  }
  func.func @transform_2(%arg0: i32) -> (i32, i32) {
    %c0_i32 = arith.constant 0 : i32
    %c0_i32_0 = arith.constant 0 : i32
    return %arg0, %c0_i32 : i32, i32
  }
}

module attributes {stable_mosaic.version = 14 : i64} {
  func.func @_final_body(%arg0: i32, %arg1: memref<400x128xf32, #tpu.memory_space<vmem>>, %arg2: memref<2x400x128xf32, #tpu.memory_space<vmem>>, %arg3: memref<128x128xf32, #tpu.memory_space<vmem>>, %arg4: memref<1x128xf32, #tpu.memory_space<vmem>>, %arg5: memref<1x128xf32, #tpu.memory_space<vmem>>, %arg6: memref<1x128xf32, #tpu.memory_space<vmem>>, %arg7: memref<400x128xf32, #tpu.memory_space<vmem>>) attributes {dimension_semantics = [#tpu.dimension_semantics<arbitrary>], iteration_bounds = array<i64: 25>, scalar_prefetch = 0 : i64, scratch_operands = 0 : i64, tpu.core_type = #tpu.core_type<tc>, window_params = [{transform_indices = @transform_0, window_bounds = array<i64: 400, 128>}, {transform_indices = @transform_1, window_bounds = array<i64: 2, 400, 128>}, {pipeline_mode = #tpu.pipeline_mode<synchronous>, transform_indices = @transform_2, window_bounds = array<i64: 128, 128>}, {pipeline_mode = #tpu.pipeline_mode<synchronous>, transform_indices = @transform_3, window_bounds = array<i64: 1, 128>}, {pipeline_mode = #tpu.pipeline_mode<synchronous>, transform_indices = @transform_4, window_bounds = array<i64: 1, 128>}, {pipeline_mode = #tpu.pipeline_mode<synchronous>, transform_indices = @transform_5, window_bounds = array<i64: 1, 128>}, {transform_indices = @transform_6, window_bounds = array<i64: 400, 128>}]} {
    %get3A = arith.constant 0 : index
    %get3A_0 = arith.constant 0 : index
    %get3A_1 = vector.load %arg1[%get3A, %get3A_0] : memref<400x128xf32, #tpu.memory_space<vmem>>, vector<400x128xf32>
    %get3A_2 = arith.constant 0 : index
    %get3A_3 = arith.constant 0 : index
    %get3A_4 = vector.load %arg3[%get3A_2, %get3A_3] : memref<128x128xf32, #tpu.memory_space<vmem>>, vector<128x128xf32>
    %dot_general3A = arith.constant dense<0.000000e+00> : vector<400x128xf32>
    %dot_general3A_5 = tpu.matmul %get3A_1, %get3A_4, %dot_general3A {dimension_numbers = #tpu.dot_dimension_numbers<[1], [0], [0], [1], [0, 0, 1, 1], [], []>, precision = #tpu.contract_precision<fp32>, transpose_lhs_hint = false} : vector<400x128xf32>, vector<128x128xf32>, vector<400x128xf32> -> vector<400x128xf32>
    %get3A_6 = arith.constant 0 : index
    %get3A_7 = arith.constant 0 : index
    %get3A_8 = vector.load %arg4[%get3A_6, %get3A_7] : memref<1x128xf32, #tpu.memory_space<vmem>>, vector<1x128xf32>
    %add3A = vector.broadcast %get3A_8 : vector<1x128xf32> to vector<400x128xf32>
    %add3A_9 = arith.addf %dot_general3A_5, %add3A : vector<400x128xf32>
    %get3A_10 = arith.constant 0 : index
    %get3A_11 = arith.constant 0 : index
    %get3A_12 = arith.constant 0 : index
    %get3A_13 = vector.load %arg2[%get3A_10, %get3A_11, %get3A_12] : memref<2x400x128xf32, #tpu.memory_space<vmem>>, vector<1x400x128xf32>
    %get3A_14 = vector.shape_cast %get3A_13 : vector<1x400x128xf32> to vector<400x128xf32>
    %add3A_15 = arith.addf %add3A_9, %get3A_14 : vector<400x128xf32>
    %get3A_16 = arith.constant 1 : index
    %get3A_17 = arith.constant 0 : index
    %get3A_18 = arith.constant 0 : index
    %get3A_19 = vector.load %arg2[%get3A_16, %get3A_17, %get3A_18] : memref<2x400x128xf32, #tpu.memory_space<vmem>>, vector<1x400x128xf32>
    %get3A_20 = vector.shape_cast %get3A_19 : vector<1x400x128xf32> to vector<400x128xf32>
    %add3A_21 = arith.addf %add3A_15, %get3A_20 : vector<400x128xf32>
    %reduce_sum3A = arith.constant dense<0.000000e+00> : vector<400xf32>
    %reduce_sum3A_22 = vector.multi_reduction <add>, %add3A_21, %reduce_sum3A [1] : vector<400x128xf32> to vector<400xf32>
    %broadcast_in_dim3A = vector.shape_cast %reduce_sum3A_22 : vector<400xf32> to vector<400x1xf32>
    %div3A = arith.constant 1.280000e+02 : f32
    %div3A_23 = vector.broadcast %div3A : f32 to vector<400x1xf32>
    %div3A_24 = arith.divf %broadcast_in_dim3A, %div3A_23 : vector<400x1xf32>
    %sub3A = vector.broadcast %div3A_24 : vector<400x1xf32> to vector<400x128xf32>
    %sub3A_25 = arith.subf %add3A_21, %sub3A : vector<400x128xf32>
    %mul3A = arith.mulf %sub3A_25, %sub3A_25 : vector<400x128xf32>
    %reduce_sum3A_26 = arith.constant dense<0.000000e+00> : vector<400xf32>
    %reduce_sum3A_27 = vector.multi_reduction <add>, %mul3A, %reduce_sum3A_26 [1] : vector<400x128xf32> to vector<400xf32>
    %broadcast_in_dim3A_28 = vector.shape_cast %reduce_sum3A_27 : vector<400xf32> to vector<400x1xf32>
    %div3A_29 = arith.constant 1.280000e+02 : f32
    %div3A_30 = vector.broadcast %div3A_29 : f32 to vector<400x1xf32>
    %div3A_31 = arith.divf %broadcast_in_dim3A_28, %div3A_30 : vector<400x1xf32>
    %add3A_32 = arith.constant 9.99999974E-6 : f32
    %add3A_33 = vector.broadcast %add3A_32 : f32 to vector<400x1xf32>
    %add3A_34 = arith.addf %div3A_31, %add3A_33 : vector<400x1xf32>
    %rsqrt3A = math.rsqrt %add3A_34 : vector<400x1xf32>
    %mul3A_35 = vector.broadcast %rsqrt3A : vector<400x1xf32> to vector<400x128xf32>
    %mul3A_36 = arith.mulf %sub3A_25, %mul3A_35 : vector<400x128xf32>
    %get3A_37 = arith.constant 0 : index
    %get3A_38 = arith.constant 0 : index
    %get3A_39 = vector.load %arg5[%get3A_37, %get3A_38] : memref<1x128xf32, #tpu.memory_space<vmem>>, vector<1x128xf32>
    %mul3A_40 = vector.broadcast %get3A_39 : vector<1x128xf32> to vector<400x128xf32>
    %mul3A_41 = arith.mulf %mul3A_36, %mul3A_40 : vector<400x128xf32>
    %get3A_42 = arith.constant 0 : index
    %get3A_43 = arith.constant 0 : index
    %get3A_44 = vector.load %arg6[%get3A_42, %get3A_43] : memref<1x128xf32, #tpu.memory_space<vmem>>, vector<1x128xf32>
    %add3A_45 = vector.broadcast %get3A_44 : vector<1x128xf32> to vector<400x128xf32>
    %add3A_46 = arith.addf %mul3A_41, %add3A_45 : vector<400x128xf32>
    %swap3A = arith.constant 0 : index
    %swap3A_47 = arith.constant 0 : index
    %swap3A_48 = vector.load %arg7[%swap3A, %swap3A_47] : memref<400x128xf32, #tpu.memory_space<vmem>>, vector<400x128xf32>
    tpu.vector_store %arg7[%swap3A, %swap3A_47], %add3A_46 {strides = array<i32>} : memref<400x128xf32, #tpu.memory_space<vmem>>, vector<400x128xf32>,
    return
  }
  func.func @transform_0(%arg0: i32) -> (i32, i32) {
    %c0_i32 = arith.constant 0 : i32
    %c0_i32_0 = arith.constant 0 : i32
    return %arg0, %c0_i32 : i32, i32
  }
  func.func @transform_1(%arg0: i32) -> (i32, i32, i32) {
    %c0_i32 = arith.constant 0 : i32
    %c0_i32_0 = arith.constant 0 : i32
    %c0_i32_1 = arith.constant 0 : i32
    return %c0_i32, %arg0, %c0_i32_0 : i32, i32, i32
  }
  func.func @transform_2(%arg0: i32) -> (i32, i32) {
    %c0_i32 = arith.constant 0 : i32
    %c0_i32_0 = arith.constant 0 : i32
    %c0_i32_1 = arith.constant 0 : i32
    return %c0_i32, %c0_i32_0 : i32, i32
  }
  func.func @transform_3(%arg0: i32) -> (i32, i32) {
    %c0_i32 = arith.constant 0 : i32
    %c0_i32_0 = arith.constant 0 : i32
    %c0_i32_1 = arith.constant 0 : i32
    return %c0_i32, %c0_i32_0 : i32, i32
  }
  func.func @transform_4(%arg0: i32) -> (i32, i32) {
    %c0_i32 = arith.constant 0 : i32
    %c0_i32_0 = arith.constant 0 : i32
    %c0_i32_1 = arith.constant 0 : i32
    return %c0_i32, %c0_i32_0 : i32, i32
  }
  func.func @transform_5(%arg0: i32) -> (i32, i32) {
    %c0_i32 = arith.constant 0 : i32
    %c0_i32_0 = arith.constant 0 : i32
    %c0_i32_1 = arith.constant 0 : i32
    return %c0_i32, %c0_i32_0 : i32, i32
  }
  func.func @transform_6(%arg0: i32) -> (i32, i32) {
    %c0_i32 = arith.constant 0 : i32
    %c0_i32_0 = arith.constant 0 : i32
    return %arg0, %c0_i32 : i32, i32
  }
}

</mosaic_0001>

<sc_bundles>
// kernel: kernel.11.cloned.1.call-start
scs
__scs_entry_jumppad:
0x0: {  	(pc) =	sbr.rel $0x88, $3  }
0x1: {  	(tag) =	ssettag $0x0;
	lr =	simm.s32 $0x1  }
0x2: {  	[smem:$0x3F8E] =	sst lr;
	_ =	strace $0xD0000000  }
0x3: {  	_ = 	snop  }
0x4: {  	_ = 	snop  }
0x5: {  	_ = 	snop  }
0x6: {  	_ = 	snop  }
0x7: {  	_ = 	snop  }
__scs_overlays_trampoline_lowered:
0x8: {  	[smem:$0x3F9D] =	sst s0  }
0x9: {  	[smem:$0x3F9E] =	sst s1  }
0xa: {  	[smem:$0x3F9F] =	sst s2  }
0xb: {  	[smem:$0x3FA0] =	sst s3  }
0xc: {  	[smem:$0x3FA1] =	sst s4  }
0xd: {  	[smem:$0x3FA2] =	sst s5  }
0xe: {  	[smem:$0x3FA3] =	sst s6  }
0xf: {  	[smem:$0x3FA4] =	sst s7  }
0x10: {  	[smem:$0x3FA5] =	sst s8  }
0x11: {  	[smem:$0x3FA6] =	sst s9;
	s0 =	simm.s32 @!p0 $0x0  }
0x12: {  	s1 =	sld [smem:$0x3F8C];
	s0 =	simm.s32 @p0 $0x1  }
0x13: {  	[smem:$0x3FA7] =	sst s0;
	s0 =	simm.s32 @!p1 $0x0  }
0x14: {  	s2 =	sld [smem:$0x3F8B];
	s0 =	simm.s32 @p1 $0x1  }
0x15: {  	[smem:$0x3FA8] =	sst s0;
	s0 =	simm.s32 @!p2 $0x0  }
0x16: {  	s3 =	sld [smem:$0x3FDB];
	s0 =	simm.s32 @p2 $0x1  }
0x17: {  	s4 =	simm.s32 $0x1BF5;
	[smem:$0x3FAA] =	sst s0  }
0x18: {  	s0 =	sld [smem:$0x3F8D];
	_ =	swait.ge [sflag:s4], $0x0  }
0x19: {  	s7 =	sld [smem:$0x3F8E]  }
0x1a: {  	s8 =	sadd.s32 $0xFFFFE003, lr  }
0x1b: {  	s9 =	sadd.s32 $0xFFFFFEF7, lr;
	s5 =	simm.s32 $0xFFFFFFFF;
	p2 =	slt.u32 s8, $0xFFFFF086  }
0x1c: {  	p1 =	slt.u32 s9, $0xF7A;
	s5 =	simm.s32 @!p2 $0x0  }
0x1d: {  	s5 =	simm.s32 @p1 $0x1;
	p0 =	seq.s32 s7, s2  }
0x1e: {  	s7 =	smul.u32 @!p0 $0xF7A, s2;
	p2 =	seq.s32 @!p0 s5, $0x0  }
0x1f: {  	s9 =	smul.u32 $0xF7A, s1;
	s8 =	simm.s32 @!p0 $0x1BF5;
	p2 =	por !p2, p0  }
0x20: {  	[sflag:s8] =	ssyncset.s32 @!p0 $0xFFFFF086;
	s6 =	sadd.s32 @!p0 s3, s7;
	s7 =	simm.s32 @!p0 $0x108  }
0x21: {  	s3 =	sadd.s32 s3, s9;
	s6 =	sadd.s32 @!p0 $0x88, s6;
	s7 =	simm.s32 @p2 $0x1082  }
0x22: {  	[simem:s7], [sflag:s8] =	dma.local @!p0 [hbm:s6], $0xF7A  }
0x23: {  	s9 =	sor.u32 $0xD0000000, s2;
	s6 =	simm.s32 $0x108;
	_ =	swait.ge @!p0 [sflag:s8], $0x0  }
0x24: {  	s3 =	sadd.s32 $0x88, s3;
	s6 =	simm.s32 @!p1 $0x1082;
	[sflag:s4] =	ssyncset.s32 $0xFFFFF086  }
0x25: {  	[simem:s6], [sflag:s4] =	dma.local [hbm:s3], $0xF7A  }
0x26: {  	[smem:$0x3F8E] =	sst s1;
	(tag) =	ssettag s2;
	_ =	strace s9  }
0x27: {  	s1 =	sld [smem:$0x3F9E]  }
0x28: {  	s2 =	sld [smem:$0x3F9F]  }
0x29: {  	s4 =	sld [smem:$0x3FA1]  }
0x2a: {  	p0 =	seq.s32 s5, $0x0;
	s5 =	sld [smem:$0x3FA2]  }
0x2b: {  	s6 =	sld [smem:$0x3FA3]  }
0x2c: {  	s7 =	sld [smem:$0x3FA4]  }
0x2d: {  	s3 =	simm.s32 $0x108;
	s8 =	sld [smem:$0x3FA5]  }
0x2e: {  	s3 =	simm.s32 @!p0 $0x1082;
	s9 =	sld [smem:$0x3FA6]  }
0x2f: {  	lr =	sadd.s32 s0, s3;
	s0 =	sld [smem:$0x3F9D]  }
0x30: {  	s3 =	sld [smem:$0x3FA0]  }
0x31: {  	[smem:$0x3FA9] =	sst s10  }
0x32: {  	s10 =	sld [smem:$0x3FA7];
	_ =	sdelay $0x3  }
0x33: {  	p0 =	seq.s32 s10, $0x1;
	s10 =	sld [smem:$0x3FA9];
	_ =	sdelay $0x3  }
0x34: {  	[smem:$0x3FA9] =	sst s10  }
0x35: {  	s10 =	sld [smem:$0x3FA8];
	_ =	sdelay $0x3  }
0x36: {  	p1 =	seq.s32 s10, $0x1;
	s10 =	sld [smem:$0x3FA9];
	_ =	sdelay $0x3  }
0x37: {  	[smem:$0x3FA9] =	sst s10  }
0x38: {  	s10 =	sld [smem:$0x3FAA]  }
0x39: {  	_ = 	snop;
	(pc) =	sbr.ind lr, $3  }
0x3a: {  	_ = 	snop  }
0x3b: {  	_ = 	snop  }
0x3c: {  	p2 =	seq.s32 s10, $0x1;
	s10 =	sld [smem:$0x3FA9]  }
0x3d: {  	_ =	shalt  }
0x3e: {  	_ =	shalt  }
0x3f: {  	_ =	shalt  }
0x40: {  	_ =	shalt  }
0x41: {  	_ =	shalt  }
0x42: {  	_ =	shalt  }
0x43: {  	_ =	shalt  }
0x44: {  	_ =	shalt  }
0x45: {  	_ =	shalt  }
0x46: {  	_ =	shalt  }
0x47: {  	_ =	shalt  }
0x48: {  	_ =	shalt  }
0x49: {  	_ =	shalt  }
0x4a: {  	_ =	shalt  }
0x4b: {  	_ =	shalt  }
0x4c: {  	_ =	shalt  }
0x4d: {  	_ =	shalt  }
0x4e: {  	_ =	shalt  }
0x4f: {  	_ =	shalt  }
0x50: {  	_ =	shalt  }
0x51: {  	_ =	shalt  }
0x52: {  	_ =	shalt  }
0x53: {  	_ =	shalt  }
0x54: {  	_ =	shalt  }
0x55: {  	_ =	shalt  }
0x56: {  	_ =	shalt  }
0x57: {  	_ =	shalt  }
0x58: {  	_ =	shalt  }
0x59: {  	_ =	shalt  }
0x5a: {  	_ =	shalt  }
0x5b: {  	_ =	shalt  }
0x5c: {  	_ =	shalt  }
0x5d: {  	_ =	shalt  }
0x5e: {  	_ =	shalt  }
0x5f: {  	_ =	shalt  }
0x60: {  	_ =	shalt  }
0x61: {  	_ =	shalt  }
0x62: {  	_ =	shalt  }
0x63: {  	_ =	shalt  }
0x64: {  	_ =	shalt  }
0x65: {  	_ =	shalt  }
0x66: {  	_ =	shalt  }
0x67: {  	_ =	shalt  }
0x68: {  	_ =	shalt  }
0x69: {  	_ =	shalt  }
0x6a: {  	_ =	shalt  }
0x6b: {  	_ =	shalt  }
0x6c: {  	_ =	shalt  }
0x6d: {  	_ =	shalt  }
0x6e: {  	_ =	shalt  }
0x6f: {  	_ =	shalt  }
0x70: {  	_ =	shalt  }
0x71: {  	_ =	shalt  }
0x72: {  	_ =	shalt  }
0x73: {  	_ =	shalt  }
0x74: {  	_ =	shalt  }
0x75: {  	_ =	shalt  }
0x76: {  	_ =	shalt  }
0x77: {  	_ =	shalt  }
0x78: {  	_ =	shalt  }
0x79: {  	_ =	shalt  }
0x7a: {  	_ =	shalt  }
0x7b: {  	_ =	shalt  }
0x7c: {  	_ =	shalt  }
0x7d: {  	_ =	shalt  }
0x7e: {  	_ =	shalt  }
0x7f: {  	_ =	shalt  }
0x80: {  	_ =	shalt  }
0x81: {  	_ =	shalt  }
0x82: {  	_ =	shalt  }
0x83: {  	_ =	shalt  }
0x84: {  	_ =	shalt  }
0x85: {  	_ =	shalt  }
0x86: {  	_ =	shalt  }
0x87: {  	_ =	shalt  }
.Lfunc_end0:
.L_simem_size_0:
called_computation.1_lowered:
.L_overlay_start_0:
0x88: {  	s2 =	sld [smem:$0x3FD9]  }
0x89: {  	s3 =	sld [smem:$0x3FFE];
	_ =	sdelay $0x1  }
0x8a: {  	s1 =	srdreg.scid  }
0x8b: {  	s0 =	sand.u32 $0x1, s1  }
0x8c: {  	s16 =	sshll.u32 s0, $0xA;
	s2 =	sadd.s32 s3, s2  }
0x8d: {  	s2 =	sadd.s32 s2, s16  }
0x8e: {  	[smem:$0x3FB5] =	sst s2  }
0x8f: {  	_ = 	snop  }
0x90: {  	(tm) =	ssettm $0x1  }
0x91: {  	s17 =	sld [smem:$0x3FFB];
	_ =	sdelay $0x3  }
0x92: {  	_ =	strace s17  }
0x93: {  	s2 =	sld [smem:$0x3FFC];
	_ =	sdelay $0x3  }
0x94: {  	_ =	strace s2  }
0x95: {  	s2 =	sld [smem:$0x3FFD];
	_ =	sdelay $0x3  }
0x96: {  	_ =	strace s2  }
0x97: {  	_ =	strace $0x8FFFFFFF  }
0x98: {  	s18 =	sld [smem:$0x3FDB];
	_ =	sdelay $0x1  }
0x99: {  	s19 =	simm.s32 $_scs_section_size  }
0x9a: {  	s4 =	simm.s32 $_size__tile_overlayer_lowered;
	s5 =	simm.s32 $_tile_overlayer_lowered  }
0x9b: {  	s22 =	simm.s32 $0x1BFF;
	s21 =	sshll.u32 s5, $0x1;
	s2 =	sadd.s32 s19, s18  }
0x9c: {  	s6 =	simm.s32 $0x0;
	s20 =	sshll.u32 s4, $0x1;
	s4 =	sadd.s32 s21, s2  }
0x9d: {  	[timem:s6], [sflag:s22] =	dma.local [hbm:s4], s20  }
0x9e: {  	_ =	swait.ge [sflag:s22], s20  }
0x9f: {  	s3 =	ssub.s32 $0x0, s20;
	[sflag:s22] =	ssyncset.done $0x0  }
0xa0: {  	[sflag:s22] =	ssyncadd.s32 s3;
	_ =	sdelay $0x1  }
0xa1: {  	s23 =	simm.s32 $0x1B8B  }
0xa2: {  	_ =	swait.ge [sflag:s23], $0x1  }
0xa3: {  	[sflag:s23] =	ssyncset.done $0x0  }
0xa4: {  	s25 =	simm.s32 $0x1B8E;
	s24 =	sld [smem:$0x3FFE];
	[sflag:s23] =	ssyncadd.s32 $0xFFFFFFFF  }
0xa5: {  	s26 =	simm.s32 $execute0_lowered;
	[smem:$0x3FD2] =	sst s25  }
0xa6: {  	s4 =	sshll.u32 s26, $0x1;
	_ =	strace $0x80000049;
	[dreg:$0x1] =	wrdreg $0xFFFFFFFF  }
0xa7: {  	s28 =	simm.s32 $_size_execute0_lowered;
	s2 =	sadd.s32 s2, s4;
	[dreg:$0x0] =	wrdreg $0x0  }
0xa8: {  	s4 =	sshll.u32 s28, $0x1;
	[dreg:$0x2] =	wrdreg s2  }
0xa9: {  	[dreg:$0x3] =	wrdreg s4  }
0xaa: {  	[dreg:$0x4] =	wrdreg $0xC0  }
0xab: {  	_ =	task [dreg:s6], $0x5FFFF  }
0xac: {  	[dreg:$0x1] =	wrdreg $0xFFFFFFFF  }
0xad: {  	[dreg:$0x0] =	wrdreg $0x60  }
0xae: {  	[dreg:$0x2] =	wrdreg s24  }
0xaf: {  	[dreg:$0x3] =	wrdreg $0xAA000  }
0xb0: {  	[dreg:$0x4] =	wrdreg $0x9  }
0xb1: {  	_ =	task.clear_ibuf [dreg:s6], $0x5FFFF;
	_ =	strace $0x90000049  }
0xb2: {  	s29 =	simm.s32 $0x9;
	_ =	strace $0x8000004B  }
0xb3: {  	_ =	swait.ge [sflag:s29], $0x1  }
0xb4: {  	[sflag:s29] =	ssyncadd.s32 $0xFFFFFFFF  }
0xb5: {  	_ =	strace $0x9000004B  }
0xb6: {  	_ =	sfence  }
0xb7: {  	s30 =	sld [smem:$0x0];
	_ =	sdelay $0x2  }
0xb8: {  	s31 =	sshll.u32 s1, $0xD;
	s1 =	sshrl.u32 s1, $0x2  }
0xb9: {  	s3 =	sand.u32 $0x4000, s31;
	s1 =	sadd.s32 s1, s30  }
0xba: {  	s0 =	sor.u32 s3, s0;
	s1 =	sshll.u32 s1, $0x11  }
0xbb: {  	s0 =	sor.u32 s1, s0  }
0xbc: {  	s0 =	sadd.s32 $0x8F2B, s0  }
0xbd: {  	[sflag:s0] =	ssyncadd.remote.s32 $0x1  }
0xbe: {  	_ =	sfence.sel $0xFFFF  }
0xbf: {  	[dreg:$0x0] =	wrdreg $0xFFFFFFFF;
	(pc) =	sbr.abs _section_cstart, $3  }
0xc0: {  	[dreg:$0x1] =	wrdreg $0xFFFFFFFF  }
0xc1: {  	_ =	task.clear_ibuf [dreg:s6], $0x2FFFF;
	_ =	strace $0x9FFFFFFF  }
0xc2: {  	(tm) =	ssettm $0x7FFFFFFF  }
0xc3: {  	_ =	shalt  }
tec
execute0_lowered:
.L_overlay_start_1:
0x0: {  	(tag) =	ssettag $0x1  }
0x1: {  	s0 =	rddreg [dreg:$0x0]  }
0x2: {  	s1 =	rddreg [dreg:$0x1];
	s2 =	srdreg.scid  }
0x3: {  	s4 =	simm.s32 $0x0;
	s3 =	stileid.u32;
	s2 =	sand.u32 $0x1, s2  }
0x4: {  	[smem:$0x7FF] =	sst s4;
	s7 =	smul.u32 $0x14000, s3;
	s4 =	sadd.s32 $0xCA00, s0  }
0x5: {  	s5 =	sadd.s32 $0x64C00, s0;
	s8 =	smul.u32 $0x50000, s3;
	s9 =	sshll.u32 s3, $0x1  }
0x6: {  	s6 =	smul.u32 $0x140000, s2;
	s26 =	ssub.s32 $0x2, s2;
	s2 =	sor.u32 s2, s9  }
0x7: {  	_ =	strace $0x8000004A;
	s8 =	sshrl.u32 s8, $0x2;
	s9 =	smul.u32 $0x2710, s2  }
0x8: {  	s10 =	sshrl.u32 s26, $0x1;
	s2 =	smul.u32 $0x27100, s2;
	s15 =	sadd.s32 s8, s1  }
0x9: {  	s7 =	sadd.s32 s7, s6;
	s8 =	sadd.s32 $0x800, s15;
	[dreg:$0x3] =	wrdreg s15  }
0xa: {  	s6 =	sadd.s32 $0x3DA00, s0;
	s11 =	sadd.s32 $0x1800, s15;
	[dreg:$0x4] =	wrdreg s8  }
0xb: {  	s7 =	sshrl.u32 s7, $0x3;
	s12 =	sadd.s32 $0x2000, s15;
	[dreg:$0x6] =	wrdreg s11  }
0xc: {  	s13 =	sshrl.u32 s9, $0x3;
	s2 =	sadd.s32 s5, s2;
	[dreg:$0x7] =	wrdreg s12  }
0xd: {  	s3 =	sadd.s32 $0x3800, s15;
	s0 =	sadd.s32 s7, s0;
	[dreg:$0x9] =	wrdreg s2  }
0xe: {  	s7 =	ssub.s32 s26, s10;
	s10 =	sadd.s32 $0x1000, s15;
	[dreg:$0x14] =	wrdreg s3  }
0xf: {  	s14 =	sadd.s32 s4, s13;
	[dreg:$0x5] =	wrdreg s10  }
0x10: {  	s16 =	sadd.s32 $0x28, s9;
	s26 =	sadd.s32 $0x2800, s15;
	[dreg:$0x8] =	wrdreg s14  }
0x11: {  	s18 =	sadd.s32 $0x50, s9;
	s11 =	sadd.s32 $0x6000, s15;
	[dreg:$0x12] =	wrdreg s26  }
0x12: {  	s17 =	sshrl.u32 s16, $0x3;
	s12 =	sadd.s32 $0x6800, s15;
	[dreg:$0x19] =	wrdreg s11  }
0x13: {  	s2 =	sshll.u32 s16, $0x4;
	s13 =	sadd.s32 $0x7000, s15;
	[dreg:$0x1a] =	wrdreg s12  }
0x14: {  	s20 =	sshrl.u32 s18, $0x3;
	s16 =	sadd.s32 $0x8000, s15;
	[dreg:$0x1b] =	wrdreg s13  }
0x15: {  	s21 =	sshll.u32 s18, $0x4;
	s18 =	sadd.s32 $0x9000, s15;
	[dreg:$0x1d] =	wrdreg s16  }
0x16: {  	s3 =	sadd.s32 $0xC000, s15;
	[dreg:$0x1f] =	wrdreg s18  }
0x17: {  	s22 =	sadd.s32 $0x78, s9;
	s19 =	sadd.s32 s4, s17;
	[smem:$0x7EE] =	sst s3  }
0x18: {  	s8 =	sshll.u32 s22, $0x4;
	s2 =	sadd.s32 s5, s2;
	[dreg:$0xa] =	wrdreg s19  }
0x19: {  	s24 =	sadd.s32 s5, s8;
	[dreg:$0xb] =	wrdreg s2  }
0x1a: {  	s0 =	sadd.s32 $0x546C00, s0;
	[dreg:$0xf] =	wrdreg s24  }
0x1b: {  	s25 =	smax.u32 s7, $0x1;
	[dreg:$0x10] =	wrdreg s0  }
0x1c: {  	s7 =	sadd.s32 $0x4000, s15;
	[dreg:$0x11] =	wrdreg s25  }
0x1d: {  	s8 =	sadd.s32 $0x4800, s15;
	[dreg:$0x15] =	wrdreg s7  }
0x1e: {  	s10 =	sadd.s32 $0x5800, s15;
	[dreg:$0x16] =	wrdreg s8  }
0x1f: {  	s14 =	sadd.s32 $0x7800, s15;
	[dreg:$0x18] =	wrdreg s10  }
0x20: {  	s17 =	sadd.s32 $0x8800, s15;
	[dreg:$0x1c] =	wrdreg s14  }
0x21: {  	s26 =	sadd.s32 $0xB000, s15;
	[dreg:$0x1e] =	wrdreg s17  }
0x22: {  	s11 =	sadd.s32 $0xE800, s15;
	[smem:$0x7EC] =	sst s26  }
0x23: {  	s12 =	sadd.s32 $0xF000, s15;
	[smem:$0x7F3] =	sst s11  }
0x24: {  	s13 =	sadd.s32 $0xF800, s15;
	[smem:$0x7F4] =	sst s12  }
0x25: {  	s28 =	simm.s32 $0x100;
	s16 =	sadd.s32 $0x10800, s15;
	[smem:$0x7F5] =	sst s13  }
0x26: {  	s29 =	simm.s32 $0x2;
	s18 =	sadd.s32 $0x11800, s15;
	[smem:$0x7F7] =	sst s16  }
0x27: {  	s30 =	simm.s32 $0x6600;
	s2 =	sadd.s32 s4, s20;
	[smem:$0x7F9] =	sst s18  }
0x28: {  	s31 =	simm.s32 $0x180;
	s19 =	sadd.s32 $0x9800, s15;
	[dreg:$0xc] =	wrdreg s2  }
0x29: {  	s23 =	sshrl.u32 s22, $0x3;
	s24 =	sadd.s32 $0xA000, s15;
	[smem:$0x7E9] =	sst s19  }
0x2a: {  	s22 =	sadd.s32 $0xF0, s9;
	s25 =	sadd.s32 $0xA800, s15;
	[smem:$0x7EA] =	sst s24  }
0x2b: {  	s3 =	simm.s32 $0x0;
	s7 =	sadd.s32 $0xC800, s15;
	[smem:$0x7EB] =	sst s25  }
0x2c: {  	s20 =	sadd.s32 $0xA0, s9;
	s8 =	sadd.s32 $0xD000, s15;
	[smem:$0x7EF] =	sst s7  }
0x2d: {  	s10 =	sadd.s32 $0xE000, s15;
	s14 =	sadd.s32 $0x10000, s15;
	[smem:$0x7F0] =	sst s8  }
0x2e: {  	s17 =	sadd.s32 $0x11000, s15;
	s26 =	sadd.s32 $0x13800, s15;
	[smem:$0x7F2] =	sst s10  }
0x2f: {  	s16 =	simm.s32 $0x9;
	s18 =	simm.s32 $0x80;
	[smem:$0x7F6] =	sst s14  }
0x30: {  	s11 =	simm.s32 $0x4;
	s12 =	simm.s32 $0x8E00;
	[smem:$0x7F8] =	sst s17  }
0x31: {  	s13 =	simm.s32 $0x7;
	s2 =	sadd.s32 s5, s21;
	[smem:$0x7FD] =	sst s26  }
0x32: {  	s21 =	sadd.s32 $0xC8, s9;
	s19 =	sadd.s32 $0x12000, s15;
	[dreg:$0xd] =	wrdreg s2  }
0x33: {  	s24 =	sadd.s32 $0x12800, s15;
	s25 =	sadd.s32 $0x13000, s15;
	[smem:$0x7FA] =	sst s19  }
0x34: {  	s26 =	simm.s32 $0x5200;
	s8 =	simm.s32 $0x3;
	[smem:$0x7FB] =	sst s24  }
0x35: {  	s10 =	simm.s32 $0x6;
	s2 =	sadd.s32 s4, s23;
	[smem:$0x7FC] =	sst s25  }
0x36: {  	s23 =	sadd.s32 $0x118, s9;
	s9 =	sadd.s32 $0x5000, s15;
	[dreg:$0xe] =	wrdreg s2  }
0x37: {  	s14 =	simm.s32 $0x8;
	s2 =	sadd.s32 $0x3000, s15;
	[dreg:$0x17] =	wrdreg s9  }
0x38: {  	s24 =	simm.s32 $0x1;
	s9 =	sadd.s32 $0xD800, s15;
	[dreg:$0x13] =	wrdreg s2  }
0x39: {  	s25 =	simm.s32 $0x28;
	s2 =	sadd.s32 $0xB800, s15;
	[smem:$0x7F1] =	sst s9  }
0x3a: {  	v0 =	vimm.f32 $0.0e+00;
	s9 =	simm.s32 $0x7A00;
	[smem:$0x7ED] =	sst s2;
	s2 =	simm.s32 $0x5  }
.LBB2_1:
0x3b: {  	[smem:$0x7E8] =	sst s3;
	s0 =	simm.s32 $0x0;
	s7 =	simm.s32 $0x200  }
.LBB2_2:
0x3c: {  	p0 =	sne.s32 s7, $0x1E00;
	[tilespmem:s0+$0xA270] =	vst v0  }
0x3d: {  	[tilespmem:s0+$0xA200] =	vst v0  }
0x3e: {  	[tilespmem:s0+$0xA210] =	vst v0  }
.Ltmp0:
0x3f: {  	[tilespmem:s0+$0xA220] =	vst v0;
	(pc) =	sbr.rel @p0 .LBB2_2-.Ltmp0, $4  }
0x40: {  	[tilespmem:s0+$0xA230] =	vst v0  }
0x41: {  	[tilespmem:s0+$0xA240] =	vst v0  }
0x42: {  	[tilespmem:s0+$0xA250] =	vst v0  }
0x43: {  	[tilespmem:s0+$0xA260] =	vst v0;
	s0 =	sshra.s32 s7, $0x2;
	s7 =	sadd.s32 $0x200, s7  }
0x44: {  	[tilespmem:s0+$0xA270] =	vst v0  }
0x45: {  	[tilespmem:s0+$0xA200] =	vst v0  }
0x46: {  	[tilespmem:s0+$0xA210] =	vst v0  }
0x47: {  	[tilespmem:s0+$0xA220] =	vst v0  }
0x48: {  	[tilespmem:s0+$0xA230] =	vst v0  }
0x49: {  	[tilespmem:s0+$0xA240] =	vst v0  }
0x4a: {  	[tilespmem:s0+$0xA250] =	vst v0  }
0x4b: {  	[tilespmem:s0+$0xA260] =	vst v0;
	s3 =	simm.s32 $0xA200  }
0x4c: {  	[spmem:s15] =	stream.linear.scatter [tilespmem:s3], [sflag:$0x9], $0x800, $0x38;
	[tilespmem:$0x1EA00] =	vst v63  }
0x4d: {  	_ =	swait.ge [sflag:s16], $0x800  }
0x4e: {  	[sflag:s16] =	ssyncset.done $0x0  }
0x4f: {  	s17 =	rddreg [dreg:$0x4];
	[sflag:s16] =	ssyncadd.s32 $0xFFFFF800  }
0x50: {  	[spmem:s17] =	stream.linear.scatter [tilespmem:s3], [sflag:$0x9], $0x800, $0x38;
	[tilespmem:$0x1EA00] =	vst v63  }
0x51: {  	_ =	swait.ge [sflag:s16], $0x800  }
0x52: {  	[sflag:s16] =	ssyncset.done $0x0  }
0x53: {  	s19 =	rddreg [dreg:$0x5];
	[sflag:s16] =	ssyncadd.s32 $0xFFFFF800  }
0x54: {  	[spmem:s19] =	stream.linear.scatter [tilespmem:s3], [sflag:$0x9], $0x800, $0x38;
	[tilespmem:$0x1EA00] =	vst v63  }
0x55: {  	_ =	swait.ge [sflag:s16], $0x800  }
0x56: {  	[sflag:s16] =	ssyncset.done $0x0  }
0x57: {  	s7 =	rddreg [dreg:$0x6];
	[sflag:s16] =	ssyncadd.s32 $0xFFFFF800  }
0x58: {  	[spmem:s7] =	stream.linear.scatter [tilespmem:s3], [sflag:$0x9], $0x800, $0x38;
	[tilespmem:$0x1EA00] =	vst v63  }
0x59: {  	_ =	swait.ge [sflag:s16], $0x800  }
0x5a: {  	[sflag:s16] =	ssyncset.done $0x0  }
0x5b: {  	s15 =	rddreg [dreg:$0x7];
	[sflag:s16] =	ssyncadd.s32 $0xFFFFF800  }
0x5c: {  	[spmem:s15] =	stream.linear.scatter [tilespmem:s3], [sflag:$0x9], $0x800, $0x38;
	[tilespmem:$0x1EA00] =	vst v63  }
0x5d: {  	_ =	swait.ge [sflag:s16], $0x800  }
0x5e: {  	[sflag:s16] =	ssyncset.done $0x0  }
0x5f: {  	s17 =	rddreg [dreg:$0x12];
	[sflag:s16] =	ssyncadd.s32 $0xFFFFF800  }
0x60: {  	[spmem:s17] =	stream.linear.scatter [tilespmem:s3], [sflag:$0x9], $0x800, $0x38;
	[tilespmem:$0x1EA00] =	vst v63  }
0x61: {  	_ =	swait.ge [sflag:s16], $0x800  }
0x62: {  	[sflag:s16] =	ssyncset.done $0x0  }
0x63: {  	s19 =	rddreg [dreg:$0x13];
	[sflag:s16] =	ssyncadd.s32 $0xFFFFF800  }
0x64: {  	[spmem:s19] =	stream.linear.scatter [tilespmem:s3], [sflag:$0x9], $0x800, $0x38;
	[tilespmem:$0x1EA00] =	vst v63  }
0x65: {  	_ =	swait.ge [sflag:s16], $0x800  }
0x66: {  	[sflag:s16] =	ssyncset.done $0x0  }
0x67: {  	s7 =	rddreg [dreg:$0x14];
	[sflag:s16] =	ssyncadd.s32 $0xFFFFF800  }
0x68: {  	[spmem:s7] =	stream.linear.scatter [tilespmem:s3], [sflag:$0x9], $0x800, $0x38;
	[tilespmem:$0x1EA00] =	vst v63  }
0x69: {  	_ =	swait.ge [sflag:s16], $0x800  }
0x6a: {  	[sflag:s16] =	ssyncset.done $0x0  }
0x6b: {  	s15 =	rddreg [dreg:$0x15];
	[sflag:s16] =	ssyncadd.s32 $0xFFFFF800  }
0x6c: {  	[spmem:s15] =	stream.linear.scatter [tilespmem:s3], [sflag:$0x9], $0x800, $0x38;
	[tilespmem:$0x1EA00] =	vst v63  }
0x6d: {  	_ =	swait.ge [sflag:s16], $0x800  }
0x6e: {  	[sflag:s16] =	ssyncset.done $0x0  }
0x6f: {  	s17 =	rddreg [dreg:$0x16];
	[sflag:s16] =	ssyncadd.s32 $0xFFFFF800  }
0x70: {  	[spmem:s17] =	stream.linear.scatter [tilespmem:s3], [sflag:$0x9], $0x800, $0x38;
	[tilespmem:$0x1EA00] =	vst v63  }
0x71: {  	_ =	swait.ge [sflag:s16], $0x800  }
0x72: {  	[sflag:s16] =	ssyncset.done $0x0  }
0x73: {  	s19 =	rddreg [dreg:$0x17];
	[sflag:s16] =	ssyncadd.s32 $0xFFFFF800  }
0x74: {  	[spmem:s19] =	stream.linear.scatter [tilespmem:s3], [sflag:$0x9], $0x800, $0x38;
	[tilespmem:$0x1EA00] =	vst v63  }
0x75: {  	_ =	swait.ge [sflag:s16], $0x800  }
0x76: {  	[sflag:s16] =	ssyncset.done $0x0  }
0x77: {  	s7 =	rddreg [dreg:$0x18];
	[sflag:s16] =	ssyncadd.s32 $0xFFFFF800  }
0x78: {  	[spmem:s7] =	stream.linear.scatter [tilespmem:s3], [sflag:$0x9], $0x800, $0x38;
	[tilespmem:$0x1EA00] =	vst v63  }
0x79: {  	_ =	swait.ge [sflag:s16], $0x800  }
0x7a: {  	[sflag:s16] =	ssyncset.done $0x0  }
0x7b: {  	s15 =	rddreg [dreg:$0x19];
	[sflag:s16] =	ssyncadd.s32 $0xFFFFF800  }
0x7c: {  	[spmem:s15] =	stream.linear.scatter [tilespmem:s3], [sflag:$0x9], $0x800, $0x38;
	[tilespmem:$0x1EA00] =	vst v63  }
0x7d: {  	_ =	swait.ge [sflag:s16], $0x800  }
0x7e: {  	[sflag:s16] =	ssyncset.done $0x0  }
0x7f: {  	s17 =	rddreg [dreg:$0x1a];
	[sflag:s16] =	ssyncadd.s32 $0xFFFFF800  }
0x80: {  	[spmem:s17] =	stream.linear.scatter [tilespmem:s3], [sflag:$0x9], $0x800, $0x38;
	[tilespmem:$0x1EA00] =	vst v63  }
0x81: {  	_ =	swait.ge [sflag:s16], $0x800  }
0x82: {  	[sflag:s16] =	ssyncset.done $0x0  }
0x83: {  	s19 =	rddreg [dreg:$0x1b];
	[sflag:s16] =	ssyncadd.s32 $0xFFFFF800  }
0x84: {  	[spmem:s19] =	stream.linear.scatter [tilespmem:s3], [sflag:$0x9], $0x800, $0x38;
	[tilespmem:$0x1EA00] =	vst v63  }
0x85: {  	_ =	swait.ge [sflag:s16], $0x800  }
0x86: {  	[sflag:s16] =	ssyncset.done $0x0  }
0x87: {  	s7 =	rddreg [dreg:$0x1c];
	[sflag:s16] =	ssyncadd.s32 $0xFFFFF800  }
0x88: {  	[spmem:s7] =	stream.linear.scatter [tilespmem:s3], [sflag:$0x9], $0x800, $0x38;
	[tilespmem:$0x1EA00] =	vst v63  }
0x89: {  	_ =	swait.ge [sflag:s16], $0x800  }
0x8a: {  	[sflag:s16] =	ssyncset.done $0x0  }
0x8b: {  	s15 =	rddreg [dreg:$0x1d];
	[sflag:s16] =	ssyncadd.s32 $0xFFFFF800  }
0x8c: {  	[spmem:s15] =	stream.linear.scatter [tilespmem:s3], [sflag:$0x9], $0x800, $0x38;
	[tilespmem:$0x1EA00] =	vst v63  }
0x8d: {  	_ =	swait.ge [sflag:s16], $0x800  }
0x8e: {  	[sflag:s16] =	ssyncset.done $0x0  }
0x8f: {  	s17 =	rddreg [dreg:$0x1e];
	[sflag:s16] =	ssyncadd.s32 $0xFFFFF800  }
0x90: {  	[spmem:s17] =	stream.linear.scatter [tilespmem:s3], [sflag:$0x9], $0x800, $0x38;
	[tilespmem:$0x1EA00] =	vst v63  }
0x91: {  	_ =	swait.ge [sflag:s16], $0x800  }
0x92: {  	[sflag:s16] =	ssyncset.done $0x0  }
0x93: {  	s19 =	rddreg [dreg:$0x1f];
	[sflag:s16] =	ssyncadd.s32 $0xFFFFF800  }
0x94: {  	[spmem:s19] =	stream.linear.scatter [tilespmem:s3], [sflag:$0x9], $0x800, $0x38;
	[tilespmem:$0x1EA00] =	vst v63  }
0x95: {  	_ =	swait.ge [sflag:s16], $0x800  }
0x96: {  	s7 =	sld [smem:$0x7E9]  }
0x97: {  	[sflag:s16] =	ssyncset.done $0x0  }
0x98: {  	[sflag:s16] =	ssyncadd.s32 $0xFFFFF800  }
0x99: {  	[spmem:s7] =	stream.linear.scatter [tilespmem:s3], [sflag:$0x9], $0x800, $0x38;
	[tilespmem:$0x1EA00] =	vst v63  }
0x9a: {  	_ =	swait.ge [sflag:s16], $0x800  }
0x9b: {  	s15 =	sld [smem:$0x7EA]  }
0x9c: {  	[sflag:s16] =	ssyncset.done $0x0  }
0x9d: {  	[sflag:s16] =	ssyncadd.s32 $0xFFFFF800  }
0x9e: {  	[spmem:s15] =	stream.linear.scatter [tilespmem:s3], [sflag:$0x9], $0x800, $0x38;
	[tilespmem:$0x1EA00] =	vst v63  }
0x9f: {  	_ =	swait.ge [sflag:s16], $0x800  }
0xa0: {  	s17 =	sld [smem:$0x7EB]  }
0xa1: {  	[sflag:s16] =	ssyncset.done $0x0  }
0xa2: {  	[sflag:s16] =	ssyncadd.s32 $0xFFFFF800  }
0xa3: {  	[spmem:s17] =	stream.linear.scatter [tilespmem:s3], [sflag:$0x9], $0x800, $0x38;
	[tilespmem:$0x1EA00] =	vst v63  }
0xa4: {  	_ =	swait.ge [sflag:s16], $0x800  }
0xa5: {  	s19 =	sld [smem:$0x7EC]  }
0xa6: {  	[sflag:s16] =	ssyncset.done $0x0  }
0xa7: {  	[sflag:s16] =	ssyncadd.s32 $0xFFFFF800  }
0xa8: {  	[spmem:s19] =	stream.linear.scatter [tilespmem:s3], [sflag:$0x9], $0x800, $0x38;
	[tilespmem:$0x1EA00] =	vst v63  }
0xa9: {  	_ =	swait.ge [sflag:s16], $0x800  }
0xaa: {  	s7 =	sld [smem:$0x7ED]  }
0xab: {  	[sflag:s16] =	ssyncset.done $0x0  }
0xac: {  	[sflag:s16] =	ssyncadd.s32 $0xFFFFF800  }
0xad: {  	[spmem:s7] =	stream.linear.scatter [tilespmem:s3], [sflag:$0x9], $0x800, $0x38;
	[tilespmem:$0x1EA00] =	vst v63  }
0xae: {  	_ =	swait.ge [sflag:s16], $0x800  }
0xaf: {  	s15 =	sld [smem:$0x7EE]  }
0xb0: {  	[sflag:s16] =	ssyncset.done $0x0  }
0xb1: {  	[sflag:s16] =	ssyncadd.s32 $0xFFFFF800  }
0xb2: {  	[spmem:s15] =	stream.linear.scatter [tilespmem:s3], [sflag:$0x9], $0x800, $0x38;
	[tilespmem:$0x1EA00] =	vst v63  }
0xb3: {  	_ =	swait.ge [sflag:s16], $0x800  }
0xb4: {  	s17 =	sld [smem:$0x7EF]  }
0xb5: {  	[sflag:s16] =	ssyncset.done $0x0  }
0xb6: {  	[sflag:s16] =	ssyncadd.s32 $0xFFFFF800  }
0xb7: {  	[spmem:s17] =	stream.linear.scatter [tilespmem:s3], [sflag:$0x9], $0x800, $0x38;
	[tilespmem:$0x1EA00] =	vst v63  }
0xb8: {  	_ =	swait.ge [sflag:s16], $0x800  }
0xb9: {  	s19 =	sld [smem:$0x7F0]  }
0xba: {  	[sflag:s16] =	ssyncset.done $0x0  }
0xbb: {  	[sflag:s16] =	ssyncadd.s32 $0xFFFFF800  }
0xbc: {  	[spmem:s19] =	stream.linear.scatter [tilespmem:s3], [sflag:$0x9], $0x800, $0x38;
	[tilespmem:$0x1EA00] =	vst v63  }
0xbd: {  	_ =	swait.ge [sflag:s16], $0x800  }
0xbe: {  	s7 =	sld [smem:$0x7F1]  }
0xbf: {  	[sflag:s16] =	ssyncset.done $0x0  }
0xc0: {  	[sflag:s16] =	ssyncadd.s32 $0xFFFFF800  }
0xc1: {  	[spmem:s7] =	stream.linear.scatter [tilespmem:s3], [sflag:$0x9], $0x800, $0x38;
	[tilespmem:$0x1EA00] =	vst v63  }
0xc2: {  	_ =	swait.ge [sflag:s16], $0x800  }
0xc3: {  	s15 =	sld [smem:$0x7F2]  }
0xc4: {  	[sflag:s16] =	ssyncset.done $0x0  }
0xc5: {  	[sflag:s16] =	ssyncadd.s32 $0xFFFFF800  }
0xc6: {  	[spmem:s15] =	stream.linear.scatter [tilespmem:s3], [sflag:$0x9], $0x800, $0x38;
	[tilespmem:$0x1EA00] =	vst v63  }
0xc7: {  	_ =	swait.ge [sflag:s16], $0x800  }
0xc8: {  	s17 =	sld [smem:$0x7F3]  }
0xc9: {  	[sflag:s16] =	ssyncset.done $0x0  }
0xca: {  	[sflag:s16] =	ssyncadd.s32 $0xFFFFF800  }
0xcb: {  	[spmem:s17] =	stream.linear.scatter [tilespmem:s3], [sflag:$0x9], $0x800, $0x38;
	[tilespmem:$0x1EA00] =	vst v63  }
0xcc: {  	_ =	swait.ge [sflag:s16], $0x800  }
0xcd: {  	s19 =	sld [smem:$0x7F4]  }
0xce: {  	[sflag:s16] =	ssyncset.done $0x0  }
0xcf: {  	[sflag:s16] =	ssyncadd.s32 $0xFFFFF800  }
0xd0: {  	[spmem:s19] =	stream.linear.scatter [tilespmem:s3], [sflag:$0x9], $0x800, $0x38;
	[tilespmem:$0x1EA00] =	vst v63  }
0xd1: {  	_ =	swait.ge [sflag:s16], $0x800  }
0xd2: {  	s7 =	sld [smem:$0x7F5]  }
0xd3: {  	[sflag:s16] =	ssyncset.done $0x0  }
0xd4: {  	[sflag:s16] =	ssyncadd.s32 $0xFFFFF800  }
0xd5: {  	[spmem:s7] =	stream.linear.scatter [tilespmem:s3], [sflag:$0x9], $0x800, $0x38;
	[tilespmem:$0x1EA00] =	vst v63  }
0xd6: {  	_ =	swait.ge [sflag:s16], $0x800  }
0xd7: {  	s15 =	sld [smem:$0x7F6]  }
0xd8: {  	[sflag:s16] =	ssyncset.done $0x0  }
0xd9: {  	[sflag:s16] =	ssyncadd.s32 $0xFFFFF800  }
0xda: {  	[spmem:s15] =	stream.linear.scatter [tilespmem:s3], [sflag:$0x9], $0x800, $0x38;
	[tilespmem:$0x1EA00] =	vst v63  }
0xdb: {  	_ =	swait.ge [sflag:s16], $0x800  }
0xdc: {  	s17 =	sld [smem:$0x7F7]  }
0xdd: {  	[sflag:s16] =	ssyncset.done $0x0  }
0xde: {  	[sflag:s16] =	ssyncadd.s32 $0xFFFFF800  }
0xdf: {  	[spmem:s17] =	stream.linear.scatter [tilespmem:s3], [sflag:$0x9], $0x800, $0x38;
	[tilespmem:$0x1EA00] =	vst v63  }
0xe0: {  	_ =	swait.ge [sflag:s16], $0x800  }
0xe1: {  	s19 =	sld [smem:$0x7F8]  }
0xe2: {  	[sflag:s16] =	ssyncset.done $0x0  }
0xe3: {  	[sflag:s16] =	ssyncadd.s32 $0xFFFFF800  }
0xe4: {  	[spmem:s19] =	stream.linear.scatter [tilespmem:s3], [sflag:$0x9], $0x800, $0x38;
	[tilespmem:$0x1EA00] =	vst v63  }
0xe5: {  	_ =	swait.ge [sflag:s16], $0x800  }
0xe6: {  	s7 =	sld [smem:$0x7F9]  }
0xe7: {  	[sflag:s16] =	ssyncset.done $0x0  }
0xe8: {  	[sflag:s16] =	ssyncadd.s32 $0xFFFFF800  }
0xe9: {  	[spmem:s7] =	stream.linear.scatter [tilespmem:s3], [sflag:$0x9], $0x800, $0x38;
	[tilespmem:$0x1EA00] =	vst v63  }
0xea: {  	_ =	swait.ge [sflag:s16], $0x800  }
0xeb: {  	s15 =	sld [smem:$0x7FA]  }
0xec: {  	[sflag:s16] =	ssyncset.done $0x0  }
0xed: {  	[sflag:s16] =	ssyncadd.s32 $0xFFFFF800  }
0xee: {  	[spmem:s15] =	stream.linear.scatter [tilespmem:s3], [sflag:$0x9], $0x800, $0x38;
	[tilespmem:$0x1EA00] =	vst v63  }
0xef: {  	_ =	swait.ge [sflag:s16], $0x800  }
0xf0: {  	s17 =	sld [smem:$0x7FB]  }
0xf1: {  	[sflag:s16] =	ssyncset.done $0x0  }
0xf2: {  	[sflag:s16] =	ssyncadd.s32 $0xFFFFF800  }
0xf3: {  	[spmem:s17] =	stream.linear.scatter [tilespmem:s3], [sflag:$0x9], $0x800, $0x38;
	[tilespmem:$0x1EA00] =	vst v63  }
0xf4: {  	_ =	swait.ge [sflag:s16], $0x800  }
0xf5: {  	s19 =	sld [smem:$0x7FC]  }
0xf6: {  	[sflag:s16] =	ssyncset.done $0x0  }
0xf7: {  	[sflag:s16] =	ssyncadd.s32 $0xFFFFF800  }
0xf8: {  	[spmem:s19] =	stream.linear.scatter [tilespmem:s3], [sflag:$0x9], $0x800, $0x38;
	[tilespmem:$0x1EA00] =	vst v63  }
0xf9: {  	_ =	swait.ge [sflag:s16], $0x800  }
0xfa: {  	s7 =	sld [smem:$0x7FD]  }
0xfb: {  	[sflag:s16] =	ssyncset.done $0x0  }
0xfc: {  	[sflag:s16] =	ssyncadd.s32 $0xFFFFF800  }
0xfd: {  	[spmem:s7] =	stream.linear.scatter [tilespmem:s3], [sflag:$0x9], $0x800, $0x38;
	[tilespmem:$0x1EA00] =	vst v63  }
0xfe: {  	_ =	swait.ge [sflag:s16], $0x800  }
0xff: {  	[sflag:s16] =	ssyncset.done $0x0  }
0x100: {  	[sflag:s16] =	ssyncadd.s32 $0xFFFFF800  }
0x101: {  	[bflag:$0x0] =	sbarrier.arrive $0xFFFF  }
0x102: {  	s7 =	simm.s32 $0x0;
	s15 =	rddreg [dreg:$0x8]  }
0x103: {  	[tilespmem:s7], [sflag:$0x1] =	stream.linear.gather [hbm4b:s15+s7], $0x28, $0x38;
	[tilespmem:$0x1EA00] =	vst v63  }
0x104: {  	s19 =	simm.s32 $0x200;
	s17 =	rddreg [dreg:$0x9]  }
0x105: {  	[tilespmem:s19], [sflag:$0x1] =	stream.linear.gather [hbm4b:s17+s7], $0x1400, $0x38;
	[tilespmem:$0x1EA00] =	vst v63  }
0x106: {  	s15 =	rddreg [dreg:$0xa]  }
0x107: {  	[tilespmem:s18], [sflag:$0x2] =	stream.linear.gather [hbm4b:s15+s7], $0x28, $0x38;
	[tilespmem:$0x1EA00] =	vst v63  }
0x108: {  	s17 =	rddreg [dreg:$0xb];
	s19 =	simm.s32 $0x1600  }
0x109: {  	[tilespmem:s19], [sflag:$0x2] =	stream.linear.gather [hbm4b:s17+s7], $0x1400, $0x38;
	[tilespmem:$0x1EA00] =	vst v63  }
0x10a: {  	_ =	swait.ge [sflag:s24], $0x28  }
0x10b: {  	[sflag:s24] =	ssyncset.done $0x0  }
0x10c: {  	[sflag:s24] =	ssyncadd.s32 $0xFFFFFFD8  }
0x10d: {  	_ =	swait.ge [sflag:s24], $0x1400  }
0x10e: {  	[sflag:s24] =	ssyncset.done $0x0  }
0x10f: {  	[sflag:s24] =	ssyncadd.s32 $0xFFFFEC00  }
0x110: {  	[tilespmem:s26], [sflag:$0x5] =	stream.indirect.gather [hbm4b:s6+s25], $0x80, s7, s25, $0xb8;
	[tilespmem:$0x1EA00] =	vst v63  }
0x111: {  	s15 =	rddreg [dreg:$0xc]  }
0x112: {  	[tilespmem:s28], [sflag:$0x3] =	stream.linear.gather [hbm4b:s15+s7], $0x28, $0x38;
	[tilespmem:$0x1EA00] =	vst v63  }
0x113: {  	s19 =	simm.s32 $0x2A00;
	s17 =	rddreg [dreg:$0xd]  }
0x114: {  	[tilespmem:s19], [sflag:$0x3] =	stream.linear.gather [hbm4b:s17+s7], $0x1400, $0x38;
	[tilespmem:$0x1EA00] =	vst v63  }
0x115: {  	_ =	swait.ge [sflag:s29], $0x28  }
0x116: {  	[sflag:s29] =	ssyncset.done $0x0  }
0x117: {  	[sflag:s29] =	ssyncadd.s32 $0xFFFFFFD8  }
0x118: {  	_ =	swait.ge [sflag:s29], $0x1400  }
0x119: {  	[sflag:s29] =	ssyncset.done $0x0  }
0x11a: {  	[sflag:s29] =	ssyncadd.s32 $0xFFFFEC00  }
0x11b: {  	[tilespmem:s30], [sflag:$0x6] =	stream.indirect.gather [hbm4b:s6+s25], $0x80, s18, s25, $0xb8;
	[tilespmem:$0x1EA00] =	vst v63  }
0x11c: {  	s15 =	rddreg [dreg:$0xe]  }
0x11d: {  	[tilespmem:s31], [sflag:$0x4] =	stream.linear.gather [hbm4b:s15+s7], $0x28, $0x38;
	[tilespmem:$0x1EA00] =	vst v63  }
0x11e: {  	s19 =	simm.s32 $0x3E00;
	s17 =	rddreg [dreg:$0xf]  }
0x11f: {  	[tilespmem:s19], [sflag:$0x4] =	stream.linear.gather [hbm4b:s17+s7], $0x1400, $0x38;
	[tilespmem:$0x1EA00] =	vst v63  }
.LBB2_4:
0x120: {  	_ =	swait.ge [sflag:s2], $0x1400  }
0x121: {  	[sflag:s2] =	ssyncset.done $0x0  }
0x122: {  	[sflag:s2] =	ssyncadd.s32 $0xFFFFEC00  }
0x123: {  	_ =	swait.ge [sflag:s8], $0x28  }
0x124: {  	[sflag:s8] =	ssyncset.done $0x0  }
0x125: {  	[sflag:s8] =	ssyncadd.s32 $0xFFFFFFD8  }
0x126: {  	_ =	swait.ge [sflag:s8], $0x1400  }
0x127: {  	[sflag:s8] =	ssyncset.done $0x0  }
0x128: {  	s0 =	simm.s32 $0x0;
	[sflag:s8] =	ssyncadd.s32 $0xFFFFEC00  }
0x129: {  	[tilespmem:s9], [sflag:$0x7] =	stream.indirect.gather [hbm4b:s6+s25], $0x80, s28, s25, $0xb8;
	[tilespmem:$0x1EA00] =	vst v63  }
0x12a: {  	v1 =	vld [tilespmem:s0+$0x200]  }
0x12b: {  	v5 =	vld [tilespmem:s0+$0x5200]  }
0x12c: {  	v7 =	vld [tilespmem:s0+$0x5210]  }
0x12d: {  	v6 =	vld [tilespmem:s0+$0x5220]  }
0x12e: {  	v4 =	vld [tilespmem:s0+$0x5230]  }
0x12f: {  	v2 =	vld [tilespmem:s0+$0x5240]  }
0x130: {  	v3 =	vld [tilespmem:s0+$0x5250];
	v8 =	vmul.f32 v5, v1  }
0x131: {  	s17 =	simm.s32 $0x200;
	v7 =	vmul.f32 v7, v1;
	v5 =	vld [tilespmem:s0+$0x5260]  }
.LBB2_5:
0x132: {  	s19 =	sshra.s32 s17, $0x2;
	p0 =	sne.s32 s17, $0x4E00;
	[tilespmem:s0+$0x5200] =	vst v8;
	v6 =	vmul.f32 v6, v1;
	v8 =	vld [tilespmem:s0+$0x5270]  }
0x133: {  	v9 =	vld [tilespmem:s19+$0x200];
	[tilespmem:s0+$0x5210] =	vst v7;
	v4 =	vmul.f32 v4, v1  }
0x134: {  	v7 =	vld [tilespmem:s19+$0x5200];
	[tilespmem:s0+$0x5220] =	vst v6;
	v2 =	vmul.f32 v2, v1  }
0x135: {  	v10 =	vld [tilespmem:s19+$0x5210];
	[tilespmem:s0+$0x5230] =	vst v4;
	v3 =	vmul.f32 v3, v1  }
.Ltmp1:
0x136: {  	v6 =	vld [tilespmem:s19+$0x5220];
	[tilespmem:s0+$0x5240] =	vst v2;
	v5 =	vmul.f32 v5, v1;
	(pc) =	sbr.rel @p0 .LBB2_5-.Ltmp1, $4  }
0x137: {  	v4 =	vld [tilespmem:s19+$0x5230];
	[tilespmem:s0+$0x5250] =	vst v3;
	v11 =	vmul.f32 v8, v1  }
0x138: {  	v2 =	vld [tilespmem:s19+$0x5240];
	[tilespmem:s0+$0x5260] =	vst v5;
	v1 =	vmov v9  }
0x139: {  	v8 =	vmul.f32 v7, v1;
	v3 =	vld [tilespmem:s19+$0x5250];
	[tilespmem:s0+$0x5270] =	vst v11;
	s0 =	smov.u32 s19  }
0x13a: {  	s17 =	sadd.s32 $0x200, s17;
	v7 =	vmul.f32 v10, v1;
	v5 =	vld [tilespmem:s0+$0x5260]  }
0x13b: {  	[tilespmem:s0+$0x5200] =	vst v8;
	v6 =	vmul.f32 v6, v1;
	v8 =	vld [tilespmem:s0+$0x5270]  }
0x13c: {  	[tilespmem:s0+$0x5210] =	vst v7;
	v4 =	vmul.f32 v4, v1  }
0x13d: {  	[tilespmem:s0+$0x5220] =	vst v6;
	v2 =	vmul.f32 v2, v1  }
0x13e: {  	[tilespmem:s0+$0x5230] =	vst v4;
	v3 =	vmul.f32 v3, v1  }
0x13f: {  	[tilespmem:s0+$0x5240] =	vst v2;
	v2 =	vmul.f32 v5, v1  }
0x140: {  	[tilespmem:s0+$0x5250] =	vst v3;
	v1 =	vmul.f32 v8, v1  }
0x141: {  	[tilespmem:s0+$0x5260] =	vst v2  }
0x142: {  	s17 =	simm.s32 $0x0;
	[tilespmem:s0+$0x5270] =	vst v1;
	s0 =	smul.u32 $0xA0, s7  }
0x143: {  	[spmem:s1] =	stream.indirect.scatter.add.f32 [tilespmem:s26], [sflag:$0x9], $0x80, s17, s25, $0xb8;
	[tilespmem:$0x1EA00] =	vst v63  }
0x144: {  	_ =	swait.ge [sflag:s16], $0x1400;
	s19 =	sadd.s32 s0, s20  }
0x145: {  	[sflag:s16] =	ssyncset.done $0x0;
	s15 =	sshrl.u32 s19, $0x3  }
0x146: {  	s19 =	sshll.u32 s19, $0x4;
	[sflag:s16] =	ssyncadd.s32 $0xFFFFEC00;
	s15 =	sadd.s32 s4, s15  }
0x147: {  	[tilespmem:s17], [sflag:$0x1] =	stream.linear.gather [hbm4b:s15+s17], $0x28, $0x38;
	[tilespmem:$0x1EA00] =	vst v63  }
0x148: {  	s3 =	simm.s32 $0x200;
	s15 =	sadd.s32 s5, s19  }
0x149: {  	[tilespmem:s3], [sflag:$0x1] =	stream.linear.gather [hbm4b:s15+s17], $0x1400, $0x38;
	[tilespmem:$0x1EA00] =	vst v63  }
0x14a: {  	_ =	swait.ge [sflag:s10], $0x1400  }
0x14b: {  	[sflag:s10] =	ssyncset.done $0x0  }
0x14c: {  	[sflag:s10] =	ssyncadd.s32 $0xFFFFEC00  }
0x14d: {  	_ =	swait.ge [sflag:s11], $0x28  }
0x14e: {  	[sflag:s11] =	ssyncset.done $0x0  }
0x14f: {  	[sflag:s11] =	ssyncadd.s32 $0xFFFFFFD8  }
0x150: {  	_ =	swait.ge [sflag:s11], $0x1400  }
0x151: {  	[sflag:s11] =	ssyncset.done $0x0  }
0x152: {  	s17 =	simm.s32 $0x0;
	[sflag:s11] =	ssyncadd.s32 $0xFFFFEC00  }
0x153: {  	[tilespmem:s12], [sflag:$0x8] =	stream.indirect.gather [hbm4b:s6+s25], $0x80, s31, s25, $0xb8;
	[tilespmem:$0x1EA00] =	vst v63  }
0x154: {  	v1 =	vld [tilespmem:s17+$0x1600]  }
0x155: {  	v5 =	vld [tilespmem:s17+$0x6600]  }
0x156: {  	v7 =	vld [tilespmem:s17+$0x6610]  }
0x157: {  	v6 =	vld [tilespmem:s17+$0x6620]  }
0x158: {  	v4 =	vld [tilespmem:s17+$0x6630]  }
0x159: {  	v2 =	vld [tilespmem:s17+$0x6640]  }
0x15a: {  	v3 =	vld [tilespmem:s17+$0x6650];
	v8 =	vmul.f32 v5, v1  }
0x15b: {  	s19 =	simm.s32 $0x200;
	v7 =	vmul.f32 v7, v1;
	v5 =	vld [tilespmem:s17+$0x6660]  }
.LBB2_7:
0x15c: {  	s15 =	sshra.s32 s19, $0x2;
	p0 =	sne.s32 s19, $0x4E00;
	[tilespmem:s17+$0x6600] =	vst v8;
	v6 =	vmul.f32 v6, v1;
	v8 =	vld [tilespmem:s17+$0x6670]  }
0x15d: {  	v9 =	vld [tilespmem:s15+$0x1600];
	[tilespmem:s17+$0x6610] =	vst v7;
	v4 =	vmul.f32 v4, v1  }
0x15e: {  	v7 =	vld [tilespmem:s15+$0x6600];
	[tilespmem:s17+$0x6620] =	vst v6;
	v2 =	vmul.f32 v2, v1  }
0x15f: {  	v10 =	vld [tilespmem:s15+$0x6610];
	[tilespmem:s17+$0x6630] =	vst v4;
	v3 =	vmul.f32 v3, v1  }
.Ltmp2:
0x160: {  	v6 =	vld [tilespmem:s15+$0x6620];
	[tilespmem:s17+$0x6640] =	vst v2;
	v5 =	vmul.f32 v5, v1;
	(pc) =	sbr.rel @p0 .LBB2_7-.Ltmp2, $4  }
0x161: {  	v4 =	vld [tilespmem:s15+$0x6630];
	[tilespmem:s17+$0x6650] =	vst v3;
	v11 =	vmul.f32 v8, v1  }
0x162: {  	v2 =	vld [tilespmem:s15+$0x6640];
	[tilespmem:s17+$0x6660] =	vst v5;
	v1 =	vmov v9  }
0x163: {  	v8 =	vmul.f32 v7, v1;
	v3 =	vld [tilespmem:s15+$0x6650];
	[tilespmem:s17+$0x6670] =	vst v11;
	s17 =	smov.u32 s15  }
0x164: {  	s19 =	sadd.s32 $0x200, s19;
	v7 =	vmul.f32 v10, v1;
	v5 =	vld [tilespmem:s17+$0x6660]  }
0x165: {  	[tilespmem:s17+$0x6600] =	vst v8;
	v6 =	vmul.f32 v6, v1;
	v8 =	vld [tilespmem:s17+$0x6670]  }
0x166: {  	[tilespmem:s17+$0x6610] =	vst v7;
	v4 =	vmul.f32 v4, v1  }
0x167: {  	[tilespmem:s17+$0x6620] =	vst v6;
	v2 =	vmul.f32 v2, v1  }
0x168: {  	[tilespmem:s17+$0x6630] =	vst v4;
	v3 =	vmul.f32 v3, v1  }
0x169: {  	[tilespmem:s17+$0x6640] =	vst v2;
	v2 =	vmul.f32 v5, v1  }
0x16a: {  	[tilespmem:s17+$0x6650] =	vst v3;
	v1 =	vmul.f32 v8, v1  }
0x16b: {  	[tilespmem:s17+$0x6660] =	vst v2  }
0x16c: {  	[tilespmem:s17+$0x6670] =	vst v1  }
0x16d: {  	[spmem:s1] =	stream.indirect.scatter.add.f32 [tilespmem:s30], [sflag:$0x9], $0x80, s18, s25, $0xb8;
	[tilespmem:$0x1EA00] =	vst v63  }
0x16e: {  	s15 =	sadd.s32 s0, s21;
	_ =	swait.ge [sflag:s16], $0x1400  }
0x16f: {  	s19 =	sshrl.u32 s15, $0x3;
	s15 =	sshll.u32 s15, $0x4;
	[sflag:s16] =	ssyncset.done $0x0  }
0x170: {  	s17 =	sadd.s32 s4, s19;
	s19 =	simm.s32 $0x0;
	[sflag:s16] =	ssyncadd.s32 $0xFFFFEC00  }
0x171: {  	[tilespmem:s18], [sflag:$0x2] =	stream.linear.gather [hbm4b:s17+s19], $0x28, $0x38;
	[tilespmem:$0x1EA00] =	vst v63  }
0x172: {  	s3 =	simm.s32 $0x1600;
	s15 =	sadd.s32 s5, s15  }
0x173: {  	[tilespmem:s3], [sflag:$0x2] =	stream.linear.gather [hbm4b:s15+s19], $0x1400, $0x38;
	[tilespmem:$0x1EA00] =	vst v63  }
0x174: {  	_ =	swait.ge [sflag:s13], $0x1400  }
0x175: {  	[sflag:s13] =	ssyncset.done $0x0  }
0x176: {  	[sflag:s13] =	ssyncadd.s32 $0xFFFFEC00  }
0x177: {  	_ =	swait.ge [sflag:s24], $0x28  }
0x178: {  	[sflag:s24] =	ssyncset.done $0x0  }
0x179: {  	[sflag:s24] =	ssyncadd.s32 $0xFFFFFFD8  }
0x17a: {  	_ =	swait.ge [sflag:s24], $0x1400  }
0x17b: {  	[sflag:s24] =	ssyncset.done $0x0  }
0x17c: {  	s17 =	simm.s32 $0x0;
	[sflag:s24] =	ssyncadd.s32 $0xFFFFEC00  }
0x17d: {  	[tilespmem:s26], [sflag:$0x5] =	stream.indirect.gather [hbm4b:s6+s25], $0x80, s19, s25, $0xb8;
	[tilespmem:$0x1EA00] =	vst v63  }
0x17e: {  	v1 =	vld [tilespmem:s17+$0x2A00]  }
0x17f: {  	v5 =	vld [tilespmem:s17+$0x7A00]  }
0x180: {  	v7 =	vld [tilespmem:s17+$0x7A10]  }
0x181: {  	v6 =	vld [tilespmem:s17+$0x7A20]  }
0x182: {  	v4 =	vld [tilespmem:s17+$0x7A30]  }
0x183: {  	v2 =	vld [tilespmem:s17+$0x7A40]  }
0x184: {  	v3 =	vld [tilespmem:s17+$0x7A50];
	v8 =	vmul.f32 v5, v1  }
0x185: {  	s19 =	simm.s32 $0x200;
	v7 =	vmul.f32 v7, v1;
	v5 =	vld [tilespmem:s17+$0x7A60]  }
.LBB2_9:
0x186: {  	s15 =	sshra.s32 s19, $0x2;
	p0 =	sne.s32 s19, $0x4E00;
	[tilespmem:s17+$0x7A00] =	vst v8;
	v6 =	vmul.f32 v6, v1;
	v8 =	vld [tilespmem:s17+$0x7A70]  }
0x187: {  	v9 =	vld [tilespmem:s15+$0x2A00];
	[tilespmem:s17+$0x7A10] =	vst v7;
	v4 =	vmul.f32 v4, v1  }
0x188: {  	v7 =	vld [tilespmem:s15+$0x7A00];
	[tilespmem:s17+$0x7A20] =	vst v6;
	v2 =	vmul.f32 v2, v1  }
0x189: {  	v10 =	vld [tilespmem:s15+$0x7A10];
	[tilespmem:s17+$0x7A30] =	vst v4;
	v3 =	vmul.f32 v3, v1  }
.Ltmp3:
0x18a: {  	v6 =	vld [tilespmem:s15+$0x7A20];
	[tilespmem:s17+$0x7A40] =	vst v2;
	v5 =	vmul.f32 v5, v1;
	(pc) =	sbr.rel @p0 .LBB2_9-.Ltmp3, $4  }
0x18b: {  	v4 =	vld [tilespmem:s15+$0x7A30];
	[tilespmem:s17+$0x7A50] =	vst v3;
	v11 =	vmul.f32 v8, v1  }
0x18c: {  	v2 =	vld [tilespmem:s15+$0x7A40];
	[tilespmem:s17+$0x7A60] =	vst v5;
	v1 =	vmov v9  }
0x18d: {  	v8 =	vmul.f32 v7, v1;
	v3 =	vld [tilespmem:s15+$0x7A50];
	[tilespmem:s17+$0x7A70] =	vst v11;
	s17 =	smov.u32 s15  }
0x18e: {  	s19 =	sadd.s32 $0x200, s19;
	v7 =	vmul.f32 v10, v1;
	v5 =	vld [tilespmem:s17+$0x7A60]  }
0x18f: {  	[tilespmem:s17+$0x7A00] =	vst v8;
	v6 =	vmul.f32 v6, v1;
	v8 =	vld [tilespmem:s17+$0x7A70]  }
0x190: {  	[tilespmem:s17+$0x7A10] =	vst v7;
	v4 =	vmul.f32 v4, v1  }
0x191: {  	[tilespmem:s17+$0x7A20] =	vst v6;
	v2 =	vmul.f32 v2, v1  }
0x192: {  	[tilespmem:s17+$0x7A30] =	vst v4;
	v3 =	vmul.f32 v3, v1  }
0x193: {  	[tilespmem:s17+$0x7A40] =	vst v2;
	v2 =	vmul.f32 v5, v1  }
0x194: {  	[tilespmem:s17+$0x7A50] =	vst v3;
	v1 =	vmul.f32 v8, v1  }
0x195: {  	[tilespmem:s17+$0x7A60] =	vst v2  }
0x196: {  	p0 =	seq.s32 s7, $0x3D;
	[tilespmem:s17+$0x7A70] =	vst v1  }
0x197: {  	[spmem:s1] =	stream.indirect.scatter.add.f32 [tilespmem:s9], [sflag:$0x9], $0x80, s28, s25, $0xb8;
	[tilespmem:$0x1EA00] =	vst v63  }
0x198: {  	s15 =	sadd.s32 @!p0 s0, s22;
	_ =	swait.ge [sflag:s16], $0x1400  }
0x199: {  	s19 =	simm.s32 @!p0 $0x0;
	s17 =	sshrl.u32 @!p0 s15, $0x3;
	[sflag:s16] =	ssyncset.done $0x0  }
0x19a: {  	s3 =	simm.s32 @!p0 $0x100;
	s17 =	sadd.s32 @!p0 s4, s17;
	[sflag:s16] =	ssyncadd.s32 $0xFFFFEC00  }
0x19b: {  	[tilespmem:s3], [sflag:$0x3] =	stream.linear.gather @!p0 [hbm4b:s17+s19], $0x28, $0x38;
	[tilespmem:$0x1EA00] =	vst v63  }
0x19c: {  	s3 =	sshll.u32 @!p0 s15, $0x4  }
0x19d: {  	s15 =	simm.s32 @!p0 $0x2A00;
	s3 =	sadd.s32 @!p0 s5, s3  }
0x19e: {  	[tilespmem:s15], [sflag:$0x3] =	stream.linear.gather @!p0 [hbm4b:s3+s19], $0x1400, $0x38;
	[tilespmem:$0x1EA00] =	vst v63  }
0x19f: {  	_ =	swait.ge [sflag:s14], $0x1400  }
0x1a0: {  	[sflag:s14] =	ssyncset.done $0x0  }
0x1a1: {  	[sflag:s14] =	ssyncadd.s32 $0xFFFFEC00  }
0x1a2: {  	_ =	swait.ge [sflag:s29], $0x28  }
0x1a3: {  	[sflag:s29] =	ssyncset.done $0x0  }
0x1a4: {  	[sflag:s29] =	ssyncadd.s32 $0xFFFFFFD8  }
0x1a5: {  	_ =	swait.ge [sflag:s29], $0x1400  }
0x1a6: {  	[sflag:s29] =	ssyncset.done $0x0  }
0x1a7: {  	s17 =	simm.s32 $0x0;
	[sflag:s29] =	ssyncadd.s32 $0xFFFFEC00  }
0x1a8: {  	[tilespmem:s30], [sflag:$0x6] =	stream.indirect.gather [hbm4b:s6+s25], $0x80, s18, s25, $0xb8;
	[tilespmem:$0x1EA00] =	vst v63  }
0x1a9: {  	v1 =	vld [tilespmem:s17+$0x3E00]  }
0x1aa: {  	v5 =	vld [tilespmem:s17+$0x8E00]  }
0x1ab: {  	v7 =	vld [tilespmem:s17+$0x8E10]  }
0x1ac: {  	v6 =	vld [tilespmem:s17+$0x8E20]  }
0x1ad: {  	v4 =	vld [tilespmem:s17+$0x8E30]  }
0x1ae: {  	v2 =	vld [tilespmem:s17+$0x8E40]  }
0x1af: {  	v3 =	vld [tilespmem:s17+$0x8E50];
	v8 =	vmul.f32 v5, v1  }
0x1b0: {  	s19 =	simm.s32 $0x200;
	v7 =	vmul.f32 v7, v1;
	v5 =	vld [tilespmem:s17+$0x8E60]  }
.LBB2_11:
0x1b1: {  	s3 =	sshra.s32 s19, $0x2;
	p1 =	sne.s32 s19, $0x4E00;
	[tilespmem:s17+$0x8E00] =	vst v8;
	v6 =	vmul.f32 v6, v1;
	v8 =	vld [tilespmem:s17+$0x8E70]  }
0x1b2: {  	v9 =	vld [tilespmem:s3+$0x3E00];
	[tilespmem:s17+$0x8E10] =	vst v7;
	v4 =	vmul.f32 v4, v1  }
0x1b3: {  	v7 =	vld [tilespmem:s3+$0x8E00];
	[tilespmem:s17+$0x8E20] =	vst v6;
	v2 =	vmul.f32 v2, v1  }
0x1b4: {  	v10 =	vld [tilespmem:s3+$0x8E10];
	[tilespmem:s17+$0x8E30] =	vst v4;
	v3 =	vmul.f32 v3, v1  }
.Ltmp4:
0x1b5: {  	v6 =	vld [tilespmem:s3+$0x8E20];
	[tilespmem:s17+$0x8E40] =	vst v2;
	v5 =	vmul.f32 v5, v1;
	(pc) =	sbr.rel @p1 .LBB2_11-.Ltmp4, $4  }
0x1b6: {  	v4 =	vld [tilespmem:s3+$0x8E30];
	[tilespmem:s17+$0x8E50] =	vst v3;
	v11 =	vmul.f32 v8, v1  }
0x1b7: {  	v2 =	vld [tilespmem:s3+$0x8E40];
	[tilespmem:s17+$0x8E60] =	vst v5;
	v1 =	vmov v9  }
0x1b8: {  	v8 =	vmul.f32 v7, v1;
	v3 =	vld [tilespmem:s3+$0x8E50];
	[tilespmem:s17+$0x8E70] =	vst v11;
	s17 =	smov.u32 s3  }
0x1b9: {  	s19 =	sadd.s32 $0x200, s19;
	v7 =	vmul.f32 v10, v1;
	v5 =	vld [tilespmem:s17+$0x8E60]  }
0x1ba: {  	[tilespmem:s17+$0x8E00] =	vst v8;
	v6 =	vmul.f32 v6, v1;
	v63 =	vld [tilespmem:s17+$0x8E70]  }
0x1bb: {  	[tilespmem:s17+$0x8E10] =	vst v7;
	v4 =	vmul.f32 v4, v1  }
0x1bc: {  	[tilespmem:s17+$0x8E20] =	vst v6;
	v2 =	vmul.f32 v2, v1  }
0x1bd: {  	[tilespmem:s17+$0x8E30] =	vst v4;
	v3 =	vmul.f32 v3, v1  }
0x1be: {  	[tilespmem:s17+$0x8E40] =	vst v2;
	v2 =	vmul.f32 v5, v1  }
0x1bf: {  	[tilespmem:s17+$0x8E50] =	vst v3;
	v1 =	vmul.f32 v63, v1  }
0x1c0: {  	[tilespmem:s17+$0x8E60] =	vst v2  }
.Ltmp5:
0x1c1: {  	[tilespmem:s17+$0x8E70] =	vst v1;
	(pc) =	sbr.rel @p0 .LBB2_14-.Ltmp5, $4  }
0x1c2: {  	[spmem:s1] =	stream.indirect.scatter.add.f32 [tilespmem:s12], [sflag:$0x9], $0x80, s31, s25, $0xb8;
	[tilespmem:$0x1EA00] =	vst v63  }
0x1c3: {  	_ =	swait.ge [sflag:s16], $0x1400  }
0x1c4: {  	[sflag:s16] =	ssyncset.done $0x0  }
0x1c5: {  	[sflag:s16] =	ssyncadd.s32 $0xFFFFEC00  }
0x1c6: {  	s0 =	sadd.s32 s0, s23  }
.Ltmp6:
0x1c7: {  	s3 =	sshrl.u32 s0, $0x3;
	(pc) =	sbr.rel .LBB2_4-.Ltmp6, $4  }
0x1c8: {  	s15 =	simm.s32 $0x0;
	s0 =	sshll.u32 s0, $0x4;
	s3 =	sadd.s32 s4, s3  }
0x1c9: {  	[tilespmem:s31], [sflag:$0x4] =	stream.linear.gather [hbm4b:s3+s15], $0x28, $0x38;
	[tilespmem:$0x1EA00] =	vst v63  }
0x1ca: {  	s19 =	simm.s32 $0x3E00;
	s7 =	sadd.s32 $0x1, s7;
	s0 =	sadd.s32 s5, s0  }
0x1cb: {  	[tilespmem:s19], [sflag:$0x4] =	stream.linear.gather [hbm4b:s0+s15], $0x1400, $0x38;
	[tilespmem:$0x1EA00] =	vst v63  }
.LBB2_14:
0x1cc: {  	_ =	swait.ge [sflag:s2], $0x1400  }
0x1cd: {  	[sflag:s2] =	ssyncset.done $0x0  }
0x1ce: {  	s0 =	simm.s32 $0x0;
	[sflag:s2] =	ssyncadd.s32 $0xFFFFEC00  }
0x1cf: {  	v1 =	vld [tilespmem:s0+$0x200]  }
0x1d0: {  	v5 =	vld [tilespmem:s0+$0x5200]  }
0x1d1: {  	v7 =	vld [tilespmem:s0+$0x5210]  }
0x1d2: {  	v6 =	vld [tilespmem:s0+$0x5220]  }
0x1d3: {  	v4 =	vld [tilespmem:s0+$0x5230]  }
0x1d4: {  	v2 =	vld [tilespmem:s0+$0x5240]  }
0x1d5: {  	v3 =	vld [tilespmem:s0+$0x5250];
	v8 =	vmul.f32 v5, v1  }
0x1d6: {  	s7 =	simm.s32 $0x200;
	v7 =	vmul.f32 v7, v1;
	v5 =	vld [tilespmem:s0+$0x5260]  }
.LBB2_15:
0x1d7: {  	s3 =	sshra.s32 s7, $0x2;
	p0 =	sne.s32 s7, $0x4E00;
	[tilespmem:s0+$0x5200] =	vst v8;
	v6 =	vmul.f32 v6, v1;
	v8 =	vld [tilespmem:s0+$0x5270]  }
0x1d8: {  	v9 =	vld [tilespmem:s3+$0x200];
	[tilespmem:s0+$0x5210] =	vst v7;
	v4 =	vmul.f32 v4, v1  }
0x1d9: {  	v7 =	vld [tilespmem:s3+$0x5200];
	[tilespmem:s0+$0x5220] =	vst v6;
	v2 =	vmul.f32 v2, v1  }
0x1da: {  	v10 =	vld [tilespmem:s3+$0x5210];
	[tilespmem:s0+$0x5230] =	vst v4;
	v3 =	vmul.f32 v3, v1  }
.Ltmp7:
0x1db: {  	v6 =	vld [tilespmem:s3+$0x5220];
	[tilespmem:s0+$0x5240] =	vst v2;
	v5 =	vmul.f32 v5, v1;
	(pc) =	sbr.rel @p0 .LBB2_15-.Ltmp7, $4  }
0x1dc: {  	v4 =	vld [tilespmem:s3+$0x5230];
	[tilespmem:s0+$0x5250] =	vst v3;
	v11 =	vmul.f32 v8, v1  }
0x1dd: {  	v2 =	vld [tilespmem:s3+$0x5240];
	[tilespmem:s0+$0x5260] =	vst v5;
	v1 =	vmov v9  }
0x1de: {  	v8 =	vmul.f32 v7, v1;
	v3 =	vld [tilespmem:s3+$0x5250];
	[tilespmem:s0+$0x5270] =	vst v11;
	s0 =	smov.u32 s3  }
0x1df: {  	s7 =	sadd.s32 $0x200, s7;
	v7 =	vmul.f32 v10, v1;
	v5 =	vld [tilespmem:s0+$0x5260]  }
0x1e0: {  	[tilespmem:s0+$0x5200] =	vst v8;
	v6 =	vmul.f32 v6, v1;
	v8 =	vld [tilespmem:s0+$0x5270]  }
0x1e1: {  	[tilespmem:s0+$0x5210] =	vst v7;
	v4 =	vmul.f32 v4, v1  }
0x1e2: {  	[tilespmem:s0+$0x5220] =	vst v6;
	v2 =	vmul.f32 v2, v1  }
0x1e3: {  	[tilespmem:s0+$0x5230] =	vst v4;
	v3 =	vmul.f32 v3, v1  }
0x1e4: {  	[tilespmem:s0+$0x5240] =	vst v2;
	v2 =	vmul.f32 v5, v1  }
0x1e5: {  	[tilespmem:s0+$0x5250] =	vst v3;
	v1 =	vmul.f32 v8, v1  }
0x1e6: {  	[tilespmem:s0+$0x5260] =	vst v2  }
0x1e7: {  	s19 =	simm.s32 $0x0;
	[tilespmem:s0+$0x5270] =	vst v1  }
0x1e8: {  	[spmem:s1] =	stream.indirect.scatter.add.f32 [tilespmem:s26], [sflag:$0x9], $0x80, s19, s25, $0xb8;
	[tilespmem:$0x1EA00] =	vst v63  }
0x1e9: {  	_ =	swait.ge [sflag:s16], $0x1400  }
0x1ea: {  	[sflag:s16] =	ssyncset.done $0x0  }
0x1eb: {  	[sflag:s16] =	ssyncadd.s32 $0xFFFFEC00  }
0x1ec: {  	_ =	swait.ge [sflag:s10], $0x1400  }
0x1ed: {  	[sflag:s10] =	ssyncset.done $0x0  }
0x1ee: {  	s0 =	simm.s32 $0x0;
	[sflag:s10] =	ssyncadd.s32 $0xFFFFEC00  }
0x1ef: {  	v1 =	vld [tilespmem:s0+$0x1600]  }
0x1f0: {  	v5 =	vld [tilespmem:s0+$0x6600]  }
0x1f1: {  	v7 =	vld [tilespmem:s0+$0x6610]  }
0x1f2: {  	v6 =	vld [tilespmem:s0+$0x6620]  }
0x1f3: {  	v4 =	vld [tilespmem:s0+$0x6630]  }
0x1f4: {  	v2 =	vld [tilespmem:s0+$0x6640]  }
0x1f5: {  	v3 =	vld [tilespmem:s0+$0x6650];
	v8 =	vmul.f32 v5, v1  }
0x1f6: {  	s7 =	simm.s32 $0x200;
	s15 =	rddreg [dreg:$0x3];
	v7 =	vmul.f32 v7, v1;
	v5 =	vld [tilespmem:s0+$0x6660]  }
.LBB2_17:
0x1f7: {  	s3 =	sshra.s32 s7, $0x2;
	p0 =	sne.s32 s7, $0x4E00;
	[tilespmem:s0+$0x6600] =	vst v8;
	v6 =	vmul.f32 v6, v1;
	v8 =	vld [tilespmem:s0+$0x6670]  }
0x1f8: {  	v9 =	vld [tilespmem:s3+$0x1600];
	[tilespmem:s0+$0x6610] =	vst v7;
	v4 =	vmul.f32 v4, v1  }
0x1f9: {  	v7 =	vld [tilespmem:s3+$0x6600];
	[tilespmem:s0+$0x6620] =	vst v6;
	v2 =	vmul.f32 v2, v1  }
0x1fa: {  	v10 =	vld [tilespmem:s3+$0x6610];
	[tilespmem:s0+$0x6630] =	vst v4;
	v3 =	vmul.f32 v3, v1  }
.Ltmp8:
0x1fb: {  	v6 =	vld [tilespmem:s3+$0x6620];
	[tilespmem:s0+$0x6640] =	vst v2;
	v5 =	vmul.f32 v5, v1;
	(pc) =	sbr.rel @p0 .LBB2_17-.Ltmp8, $4  }
0x1fc: {  	v4 =	vld [tilespmem:s3+$0x6630];
	[tilespmem:s0+$0x6650] =	vst v3;
	v11 =	vmul.f32 v8, v1  }
0x1fd: {  	v2 =	vld [tilespmem:s3+$0x6640];
	[tilespmem:s0+$0x6660] =	vst v5;
	v1 =	vmov v9  }
0x1fe: {  	v8 =	vmul.f32 v7, v1;
	v3 =	vld [tilespmem:s3+$0x6650];
	[tilespmem:s0+$0x6670] =	vst v11;
	s0 =	smov.u32 s3  }
0x1ff: {  	s7 =	sadd.s32 $0x200, s7;
	v7 =	vmul.f32 v10, v1;
	v5 =	vld [tilespmem:s0+$0x6660]  }
0x200: {  	[tilespmem:s0+$0x6600] =	vst v8;
	v6 =	vmul.f32 v6, v1;
	v63 =	vld [tilespmem:s0+$0x6670]  }
0x201: {  	[tilespmem:s0+$0x6610] =	vst v7;
	v4 =	vmul.f32 v4, v1  }
0x202: {  	[tilespmem:s0+$0x6620] =	vst v6;
	v2 =	vmul.f32 v2, v1  }
0x203: {  	[tilespmem:s0+$0x6630] =	vst v4;
	v3 =	vmul.f32 v3, v1  }
0x204: {  	[tilespmem:s0+$0x6640] =	vst v2;
	v2 =	vmul.f32 v5, v1  }
0x205: {  	[tilespmem:s0+$0x6650] =	vst v3;
	v1 =	vmul.f32 v63, v1  }
0x206: {  	[tilespmem:s0+$0x6660] =	vst v2  }
0x207: {  	[tilespmem:s0+$0x6670] =	vst v1  }
0x208: {  	[spmem:s1] =	stream.indirect.scatter.add.f32 [tilespmem:s30], [sflag:$0x9], $0x80, s18, s25, $0xb8;
	[tilespmem:$0x1EA00] =	vst v63  }
0x209: {  	_ =	swait.ge [sflag:s16], $0x1400  }
0x20a: {  	[sflag:s16] =	ssyncset.done $0x0  }
0x20b: {  	s7 =	stileid.u32;
	[sflag:s16] =	ssyncadd.s32 $0xFFFFEC00  }
0x20c: {  	s0 =	sshll.u32 s7, $0x6;
	[bflag:$0x0] =	sbarrier.arrive $0xFFFF  }
0x20d: {  	s3 =	sshrl.u32 s15, $0x3;
	s0 =	sor.u32 $0x1C09, s0;
	s7 =	rddreg [dreg:$0x10]  }
0x20e: {  	[hbm:s7], [sflag:s0] =	dma.local [spmem:s3], $0x2800  }
0x20f: {  	_ =	swait.ge [sflag:s16], $0x2800  }
0x210: {  	s17 =	sld [smem:$0x7E8];
	_ =	sdelay $0x2  }
0x211: {  	s19 =	rddreg [dreg:$0x11];
	s3 =	sadd.s32 $0x1, s17  }
0x212: {  	p0 =	sne.s32 s3, s19  }
.Ltmp9:
0x213: {  	_ = 	snop;
	(pc) =	sbr.rel @p0 .LBB2_1-.Ltmp9, $3  }
0x214: {  	_ =	sdelay $0x1  }
0x215: {  	[sflag:s16] =	ssyncset.done $0x0  }
0x216: {  	[sflag:s16] =	ssyncadd.s32 $0xFFFFD800  }
0x217: {  	_ =	sfence.sel $0x180000  }
0x218: {  	[bflag:$0x0] =	sbarrier.arrive $0xFFFF  }
0x219: {  	_ =	strace $0x9000004A  }
0x21a: {  	s0 =	stileid.u32;
	[bflag:$0x2] =	sbarrier.arrive $0xFFFF  }
0x21b: {  	p0 =	sne.s32 s0, $0x0;
	s0 =	rddreg [dreg:$0x2]  }
0x21c: {  	s0 =	sadd.s32 @!p0 $0x100000, s0  }
0x21d: {  	[sflag:s0] =	ssyncadd.tile.s32 @!p0 $0x1;
	_ =	shalt  }
.Lfunc_end2:
_tile_overlayer_lowered:
.L_overlay_start_2:
0x21e: {  	(tag) =	ssettag $0x2  }
0x21f: {  	s0 =	rddreg [dreg:$0x0];
	s2 =	stileid.u32  }
0x220: {  	s1 =	rddreg [dreg:$0x1];
	p0 =	sne.s32 s2, $0x0  }
0x221: {  	s3 =	rddreg [dreg:$0x2];
	[bflag:$0x3] =	sbarrier.arrive $0xFFFF;
	s2 =	simm.s32 @!p0 $0x1C09  }
0x222: {  	[timem:s3], [sflag:s2] =	dma.local @!p0 [hbm:s0], s1  }
0x223: {  	s0 =	simm.s32 @!p0 $0x9  }
0x224: {  	_ =	swait.ge @!p0 [sflag:s0], s1  }
0x225: {  	s1 =	ssub.s32 @!p0 $0x0, s1;
	[sflag:s0] =	ssyncset.done @!p0 $0x0  }
0x226: {  	[sflag:s0] =	ssyncadd.s32 @!p0 s1  }
0x227: {  	[bflag:$0x3] =	sbarrier.arrive $0xFFFF  }
0x228: {  	_ =	shalt  }

// kernel: kernel.8.cloned.1.call-start
scs
__scs_entry_jumppad:
0x0: {  	(pc) =	sbr.rel $0x88, $3  }
0x1: {  	(tag) =	ssettag $0x0;
	lr =	simm.s32 $0x1  }
0x2: {  	[smem:$0x3F8E] =	sst lr;
	_ =	strace $0xD0000000  }
0x3: {  	_ = 	snop  }
0x4: {  	_ = 	snop  }
0x5: {  	_ = 	snop  }
0x6: {  	_ = 	snop  }
0x7: {  	_ = 	snop  }
__scs_overlays_trampoline_lowered:
0x8: {  	[smem:$0x3F9D] =	sst s0  }
0x9: {  	[smem:$0x3F9E] =	sst s1  }
0xa: {  	[smem:$0x3F9F] =	sst s2  }
0xb: {  	[smem:$0x3FA0] =	sst s3  }
0xc: {  	[smem:$0x3FA1] =	sst s4  }
0xd: {  	[smem:$0x3FA2] =	sst s5  }
0xe: {  	[smem:$0x3FA3] =	sst s6  }
0xf: {  	[smem:$0x3FA4] =	sst s7  }
0x10: {  	[smem:$0x3FA5] =	sst s8  }
0x11: {  	[smem:$0x3FA6] =	sst s9;
	s0 =	simm.s32 @!p0 $0x0  }
0x12: {  	s1 =	sld [smem:$0x3F8C];
	s0 =	simm.s32 @p0 $0x1  }
0x13: {  	[smem:$0x3FA7] =	sst s0;
	s0 =	simm.s32 @!p1 $0x0  }
0x14: {  	s2 =	sld [smem:$0x3F8B];
	s0 =	simm.s32 @p1 $0x1  }
0x15: {  	[smem:$0x3FA8] =	sst s0;
	s0 =	simm.s32 @!p2 $0x0  }
0x16: {  	s3 =	sld [smem:$0x3FDB];
	s0 =	simm.s32 @p2 $0x1  }
0x17: {  	s4 =	simm.s32 $0x1BF5;
	[smem:$0x3FAA] =	sst s0  }
0x18: {  	s0 =	sld [smem:$0x3F8D];
	_ =	swait.ge [sflag:s4], $0x0  }
0x19: {  	s7 =	sld [smem:$0x3F8E]  }
0x1a: {  	s8 =	sadd.s32 $0xFFFFE003, lr  }
0x1b: {  	s9 =	sadd.s32 $0xFFFFFEF7, lr;
	s5 =	simm.s32 $0xFFFFFFFF;
	p2 =	slt.u32 s8, $0xFFFFF086  }
0x1c: {  	p1 =	slt.u32 s9, $0xF7A;
	s5 =	simm.s32 @!p2 $0x0  }
0x1d: {  	s5 =	simm.s32 @p1 $0x1;
	p0 =	seq.s32 s7, s2  }
0x1e: {  	s7 =	smul.u32 @!p0 $0xF7A, s2;
	p2 =	seq.s32 @!p0 s5, $0x0  }
0x1f: {  	s9 =	smul.u32 $0xF7A, s1;
	s8 =	simm.s32 @!p0 $0x1BF5;
	p2 =	por !p2, p0  }
0x20: {  	[sflag:s8] =	ssyncset.s32 @!p0 $0xFFFFF086;
	s6 =	sadd.s32 @!p0 s3, s7;
	s7 =	simm.s32 @!p0 $0x108  }
0x21: {  	s3 =	sadd.s32 s3, s9;
	s6 =	sadd.s32 @!p0 $0x88, s6;
	s7 =	simm.s32 @p2 $0x1082  }
0x22: {  	[simem:s7], [sflag:s8] =	dma.local @!p0 [hbm:s6], $0xF7A  }
0x23: {  	s9 =	sor.u32 $0xD0000000, s2;
	s6 =	simm.s32 $0x108;
	_ =	swait.ge @!p0 [sflag:s8], $0x0  }
0x24: {  	s3 =	sadd.s32 $0x88, s3;
	s6 =	simm.s32 @!p1 $0x1082;
	[sflag:s4] =	ssyncset.s32 $0xFFFFF086  }
0x25: {  	[simem:s6], [sflag:s4] =	dma.local [hbm:s3], $0xF7A  }
0x26: {  	[smem:$0x3F8E] =	sst s1;
	(tag) =	ssettag s2;
	_ =	strace s9  }
0x27: {  	s1 =	sld [smem:$0x3F9E]  }
0x28: {  	s2 =	sld [smem:$0x3F9F]  }
0x29: {  	s4 =	sld [smem:$0x3FA1]  }
0x2a: {  	p0 =	seq.s32 s5, $0x0;
	s5 =	sld [smem:$0x3FA2]  }
0x2b: {  	s6 =	sld [smem:$0x3FA3]  }
0x2c: {  	s7 =	sld [smem:$0x3FA4]  }
0x2d: {  	s3 =	simm.s32 $0x108;
	s8 =	sld [smem:$0x3FA5]  }
0x2e: {  	s3 =	simm.s32 @!p0 $0x1082;
	s9 =	sld [smem:$0x3FA6]  }
0x2f: {  	lr =	sadd.s32 s0, s3;
	s0 =	sld [smem:$0x3F9D]  }
0x30: {  	s3 =	sld [smem:$0x3FA0]  }
0x31: {  	[smem:$0x3FA9] =	sst s10  }
0x32: {  	s10 =	sld [smem:$0x3FA7];
	_ =	sdelay $0x3  }
0x33: {  	p0 =	seq.s32 s10, $0x1;
	s10 =	sld [smem:$0x3FA9];
	_ =	sdelay $0x3  }
0x34: {  	[smem:$0x3FA9] =	sst s10  }
0x35: {  	s10 =	sld [smem:$0x3FA8];
	_ =	sdelay $0x3  }
0x36: {  	p1 =	seq.s32 s10, $0x1;
	s10 =	sld [smem:$0x3FA9];
	_ =	sdelay $0x3  }
0x37: {  	[smem:$0x3FA9] =	sst s10  }
0x38: {  	s10 =	sld [smem:$0x3FAA]  }
0x39: {  	_ = 	snop;
	(pc) =	sbr.ind lr, $3  }
0x3a: {  	_ = 	snop  }
0x3b: {  	_ = 	snop  }
0x3c: {  	p2 =	seq.s32 s10, $0x1;
	s10 =	sld [smem:$0x3FA9]  }
0x3d: {  	_ =	shalt  }
0x3e: {  	_ =	shalt  }
0x3f: {  	_ =	shalt  }
0x40: {  	_ =	shalt  }
0x41: {  	_ =	shalt  }
0x42: {  	_ =	shalt  }
0x43: {  	_ =	shalt  }
0x44: {  	_ =	shalt  }
0x45: {  	_ =	shalt  }
0x46: {  	_ =	shalt  }
0x47: {  	_ =	shalt  }
0x48: {  	_ =	shalt  }
0x49: {  	_ =	shalt  }
0x4a: {  	_ =	shalt  }
0x4b: {  	_ =	shalt  }
0x4c: {  	_ =	shalt  }
0x4d: {  	_ =	shalt  }
0x4e: {  	_ =	shalt  }
0x4f: {  	_ =	shalt  }
0x50: {  	_ =	shalt  }
0x51: {  	_ =	shalt  }
0x52: {  	_ =	shalt  }
0x53: {  	_ =	shalt  }
0x54: {  	_ =	shalt  }
0x55: {  	_ =	shalt  }
0x56: {  	_ =	shalt  }
0x57: {  	_ =	shalt  }
0x58: {  	_ =	shalt  }
0x59: {  	_ =	shalt  }
0x5a: {  	_ =	shalt  }
0x5b: {  	_ =	shalt  }
0x5c: {  	_ =	shalt  }
0x5d: {  	_ =	shalt  }
0x5e: {  	_ =	shalt  }
0x5f: {  	_ =	shalt  }
0x60: {  	_ =	shalt  }
0x61: {  	_ =	shalt  }
0x62: {  	_ =	shalt  }
0x63: {  	_ =	shalt  }
0x64: {  	_ =	shalt  }
0x65: {  	_ =	shalt  }
0x66: {  	_ =	shalt  }
0x67: {  	_ =	shalt  }
0x68: {  	_ =	shalt  }
0x69: {  	_ =	shalt  }
0x6a: {  	_ =	shalt  }
0x6b: {  	_ =	shalt  }
0x6c: {  	_ =	shalt  }
0x6d: {  	_ =	shalt  }
0x6e: {  	_ =	shalt  }
0x6f: {  	_ =	shalt  }
0x70: {  	_ =	shalt  }
0x71: {  	_ =	shalt  }
0x72: {  	_ =	shalt  }
0x73: {  	_ =	shalt  }
0x74: {  	_ =	shalt  }
0x75: {  	_ =	shalt  }
0x76: {  	_ =	shalt  }
0x77: {  	_ =	shalt  }
0x78: {  	_ =	shalt  }
0x79: {  	_ =	shalt  }
0x7a: {  	_ =	shalt  }
0x7b: {  	_ =	shalt  }
0x7c: {  	_ =	shalt  }
0x7d: {  	_ =	shalt  }
0x7e: {  	_ =	shalt  }
0x7f: {  	_ =	shalt  }
0x80: {  	_ =	shalt  }
0x81: {  	_ =	shalt  }
0x82: {  	_ =	shalt  }
0x83: {  	_ =	shalt  }
0x84: {  	_ =	shalt  }
0x85: {  	_ =	shalt  }
0x86: {  	_ =	shalt  }
0x87: {  	_ =	shalt  }
.Lfunc_end0:
.L_simem_size_0:
called_computation_lowered:
.L_overlay_start_0:
0x88: {  	s2 =	sld [smem:$0x3FD9]  }
0x89: {  	s3 =	sld [smem:$0x3FFE];
	_ =	sdelay $0x1  }
0x8a: {  	s1 =	srdreg.scid  }
0x8b: {  	s0 =	sand.u32 $0x1, s1  }
0x8c: {  	s17 =	sshll.u32 s0, $0xA;
	s2 =	sadd.s32 s3, s2  }
0x8d: {  	s2 =	sadd.s32 s2, s17  }
0x8e: {  	[smem:$0x3FB5] =	sst s2  }
0x8f: {  	_ = 	snop  }
0x90: {  	s2 =	sld [smem:$0x3FD0];
	(tm) =	ssettm $0x1  }
0x91: {  	s18 =	sld [smem:$0x3FFB];
	_ =	sdelay $0x3  }
0x92: {  	_ =	strace s18  }
0x93: {  	s3 =	sld [smem:$0x3FFC];
	_ =	sdelay $0x3  }
0x94: {  	_ =	strace s3  }
0x95: {  	s3 =	sld [smem:$0x3FFD];
	_ =	sdelay $0x3  }
0x96: {  	_ =	strace s3  }
0x97: {  	_ =	strace $0x8FFFFFFF  }
0x98: {  	s19 =	sld [smem:$0x3FDB];
	_ =	sdelay $0x1  }
0x99: {  	s4 =	simm.s32 $_scs_section_size  }
0x9a: {  	s5 =	simm.s32 $_size__tile_overlayer_lowered;
	s6 =	simm.s32 $_tile_overlayer_lowered  }
0x9b: {  	s22 =	simm.s32 $0x1BFF;
	s21 =	sshll.u32 s6, $0x1;
	s3 =	sadd.s32 s4, s19  }
0x9c: {  	s7 =	simm.s32 $0x0;
	s20 =	sshll.u32 s5, $0x1;
	s5 =	sadd.s32 s21, s3  }
0x9d: {  	[timem:s7], [sflag:s22] =	dma.local [hbm:s5], s20  }
0x9e: {  	_ =	swait.ge [sflag:s22], s20  }
0x9f: {  	s4 =	ssub.s32 $0x0, s20;
	[sflag:s22] =	ssyncset.done $0x0  }
0xa0: {  	[sflag:s22] =	ssyncadd.s32 s4;
	_ =	sdelay $0x1  }
0xa1: {  	s23 =	simm.s32 $0x1B8B  }
0xa2: {  	_ =	swait.ge [sflag:s23], $0x1  }
0xa3: {  	[sflag:s23] =	ssyncset.done $0x0  }
0xa4: {  	s25 =	simm.s32 $0x1B8E;
	s24 =	sld [smem:$0x3FFE];
	[sflag:s23] =	ssyncadd.s32 $0xFFFFFFFF  }
0xa5: {  	s26 =	simm.s32 $execute0_lowered;
	[smem:$0x3FD2] =	sst s25  }
0xa6: {  	s5 =	sshll.u32 s26, $0x1;
	_ =	strace $0x80000046;
	[dreg:$0x1] =	wrdreg $0xFFFFFFFF  }
0xa7: {  	s28 =	simm.s32 $_size_execute0_lowered;
	s3 =	sadd.s32 s3, s5;
	[dreg:$0x0] =	wrdreg $0x0  }
0xa8: {  	s5 =	sshll.u32 s28, $0x1;
	[dreg:$0x2] =	wrdreg s3  }
0xa9: {  	[dreg:$0x3] =	wrdreg s5  }
0xaa: {  	[dreg:$0x4] =	wrdreg $0xC0  }
0xab: {  	_ =	task [dreg:s7], $0x5FFFF  }
0xac: {  	[dreg:$0x1] =	wrdreg $0xFFFFFFFF  }
0xad: {  	[dreg:$0x0] =	wrdreg $0x60  }
0xae: {  	[dreg:$0x2] =	wrdreg s24  }
0xaf: {  	[dreg:$0x3] =	wrdreg s2  }
0xb0: {  	[dreg:$0x4] =	wrdreg $0x9  }
0xb1: {  	_ =	task.clear_ibuf [dreg:s7], $0x5FFFF;
	_ =	strace $0x90000046  }
0xb2: {  	s29 =	simm.s32 $0x9;
	_ =	strace $0x80000048  }
0xb3: {  	_ =	swait.ge [sflag:s29], $0x1  }
0xb4: {  	[sflag:s29] =	ssyncadd.s32 $0xFFFFFFFF  }
0xb5: {  	_ =	strace $0x90000048  }
0xb6: {  	_ =	sfence  }
0xb7: {  	s30 =	sld [smem:$0x0];
	_ =	sdelay $0x2  }
0xb8: {  	s31 =	sshll.u32 s1, $0xD;
	s1 =	sshrl.u32 s1, $0x2  }
0xb9: {  	s3 =	sand.u32 $0x4000, s31;
	s1 =	sadd.s32 s1, s30  }
0xba: {  	s0 =	sor.u32 s3, s0;
	s1 =	sshll.u32 s1, $0x11  }
0xbb: {  	s0 =	sor.u32 s1, s0  }
0xbc: {  	s0 =	sadd.s32 $0x8F2B, s0  }
0xbd: {  	[sflag:s0] =	ssyncadd.remote.s32 $0x1  }
0xbe: {  	_ =	sfence.sel $0xFFFF  }
0xbf: {  	[dreg:$0x0] =	wrdreg $0xFFFFFFFF;
	(pc) =	sbr.abs _section_cstart, $3  }
0xc0: {  	[dreg:$0x1] =	wrdreg $0xFFFFFFFF  }
0xc1: {  	_ =	task.clear_ibuf [dreg:s7], $0x2FFFF;
	_ =	strace $0x9FFFFFFF  }
0xc2: {  	(tm) =	ssettm $0x7FFFFFFF  }
0xc3: {  	_ =	shalt  }
tec
execute0_lowered:
.L_overlay_start_1:
0x0: {  	(tag) =	ssettag $0x1  }
0x1: {  	s1 =	srdreg.scid;
	s6 =	rddreg [dreg:$0x0]  }
0x2: {  	s0 =	stileid.u32;
	s2 =	rddreg [dreg:$0x1]  }
0x3: {  	s4 =	simm.s32 $0x0;
	s11 =	simm.s32 $0x2780;
	s12 =	simm.s32 $0xC8  }
0x4: {  	s13 =	simm.s32 $0x4F00;
	s14 =	simm.s32 $0xB300;
	s15 =	simm.s32 $0x11700  }
0x5: {  	s16 =	simm.s32 $0x17B00;
	s5 =	sand.u32 $0x1, s1;
	s30 =	sshll.u32 s0, $0x1  }
0x6: {  	s17 =	simm.s32 $0x1;
	s18 =	simm.s32 $0x3;
	s1 =	sor.u32 s5, s30  }
0x7: {  	s19 =	simm.s32 $0x2;
	s20 =	simm.s32 $0x4;
	s3 =	smul.u32 $0x2710, s1  }
0x8: {  	s21 =	simm.s32 $0x0;
	[smem:$0x7FF] =	sst s4;
	s8 =	ssub.s32 $0x2, s5  }
0x9: {  	s5 =	sadd.s32 $0x16800, s6;
	s1 =	rddreg [dreg:$0x2];
	s7 =	sshrl.u32 s3, $0x3  }
0xa: {  	_ =	strace $0x80000047;
	s31 =	sshrl.u32 s8, $0x1;
	s9 =	sadd.s32 s7, s6  }
0xb: {  	s10 =	ssub.s32 s8, s31;
	s6 =	sadd.s32 $0x64C00, s6;
	s7 =	sadd.s32 $0xCA00, s9  }
0xc: {  	s8 =	sadd.s32 $0x2C00, s9;
	s9 =	smax.u32 s10, $0x1;
	s10 =	simm.s32 $0x5  }
.LBB2_1:
0xd: {  	[tilespmem:s4], [sflag:$0x5] =	stream.linear.gather [hbm4b:s7+s4], $0x2710, $0x38;
	[tilespmem:$0x1DF00] =	vst v63  }
0xe: {  	_ =	swait.ge [sflag:s10], $0x2710  }
0xf: {  	[sflag:s10] =	ssyncset.done $0x0  }
0x10: {  	[sflag:s10] =	ssyncadd.s32 $0xFFFFD8F0  }
0x11: {  	[tilespmem:s11], [sflag:$0x5] =	stream.linear.gather [hbm4b:s8+s4], $0x2710, $0x38;
	[tilespmem:$0x1DF00] =	vst v63  }
0x12: {  	_ =	swait.ge [sflag:s10], $0x2710  }
0x13: {  	[sflag:s10] =	ssyncset.done $0x0  }
0x14: {  	[sflag:s10] =	ssyncadd.s32 $0xFFFFD8F0  }
0x15: {  	[tilespmem:s13], [sflag:$0x1] =	stream.indirect.gather [hbm4b:s2+s12], $0x80, s4, s12, $0xb8;
	[tilespmem:$0x1DF00] =	vst v63  }
0x16: {  	s22 =	simm.s32 $0x0  }
0x17: {  	[tilespmem:s14], [sflag:$0x3] =	stream.indirect.gather [hbm4b:s5+s12], $0x80, s11, s12, $0xb8;
	[tilespmem:$0x1DF00] =	vst v63  }
.LBB2_2:
0x18: {  	s24 =	smul.u32 $0x190, s22;
	_ =	sdelay $0x1  }
0x19: {  	s23 =	sadd.s32 $0xC8, s24  }
0x1a: {  	[tilespmem:s15], [sflag:$0x2] =	stream.indirect.gather [hbm4b:s2+s12], $0x80, s23, s12, $0xb8;
	[tilespmem:$0x1DF00] =	vst v63  }
0x1b: {  	s25 =	sadd.s32 $0x2848, s24  }
0x1c: {  	[tilespmem:s16], [sflag:$0x4] =	stream.indirect.gather [hbm4b:s5+s12], $0x80, s25, s12, $0xb8;
	[tilespmem:$0x1DF00] =	vst v63  }
0x1d: {  	_ =	swait.ge [sflag:s17], $0x6400  }
0x1e: {  	[sflag:s17] =	ssyncset.done $0x0  }
0x1f: {  	[sflag:s17] =	ssyncadd.s32 $0xFFFF9C00  }
0x20: {  	_ =	swait.ge [sflag:s18], $0x6400  }
0x21: {  	[sflag:s18] =	ssyncset.done $0x0  }
0x22: {  	s25 =	simm.s32 $0x0;
	[sflag:s18] =	ssyncadd.s32 $0xFFFF9C00  }
0x23: {  	v7 =	vld [tilespmem:s25+$0xB300]  }
0x24: {  	v11 =	vld [tilespmem:s25+$0xB310]  }
0x25: {  	v5 =	vld [tilespmem:s25+$0xB320]  }
0x26: {  	v4 =	vld [tilespmem:s25+$0xB330]  }
0x27: {  	v3 =	vld [tilespmem:s25+$0xB340]  }
0x28: {  	v2 =	vld [tilespmem:s25+$0xB350]  }
0x29: {  	v1 =	vld [tilespmem:s25+$0xB360]  }
0x2a: {  	v0 =	vld [tilespmem:s25+$0xB370]  }
0x2b: {  	v12 =	vld [tilespmem:s25+$0x4F00]  }
0x2c: {  	v13 =	vld [tilespmem:s25+$0x4F10]  }
0x2d: {  	v10 =	vld [tilespmem:s25+$0x4F20]  }
0x2e: {  	v9 =	vld [tilespmem:s25+$0x4F30]  }
0x2f: {  	v8 =	vld [tilespmem:s25+$0x4F40]  }
0x30: {  	v6 =	vld [tilespmem:s25+$0x4F50];
	v12 =	vadd.f32 v7, v12  }
0x31: {  	s26 =	simm.s32 $0x200;
	v11 =	vadd.f32 v11, v13;
	v7 =	vld [tilespmem:s25+$0x4F60]  }
.LBB2_3:
0x32: {  	s28 =	sshra.s32 s26, $0x2;
	p0 =	sne.s32 s26, $0x18E00;
	[tilespmem:s25+$0x4F00] =	vst v12;
	v5 =	vadd.f32 v5, v10;
	v10 =	vld [tilespmem:s25+$0x4F70]  }
0x33: {  	v12 =	vld [tilespmem:s28+$0xB300];
	[tilespmem:s25+$0x4F10] =	vst v11;
	v4 =	vadd.f32 v4, v9  }
0x34: {  	v11 =	vld [tilespmem:s28+$0xB310];
	[tilespmem:s25+$0x4F20] =	vst v5;
	v3 =	vadd.f32 v3, v8  }
0x35: {  	v5 =	vld [tilespmem:s28+$0xB320];
	[tilespmem:s25+$0x4F30] =	vst v4;
	v2 =	vadd.f32 v2, v6  }
0x36: {  	v4 =	vld [tilespmem:s28+$0xB330];
	[tilespmem:s25+$0x4F40] =	vst v3;
	v1 =	vadd.f32 v1, v7  }
0x37: {  	v3 =	vld [tilespmem:s28+$0xB340];
	[tilespmem:s25+$0x4F50] =	vst v2;
	v0 =	vadd.f32 v0, v10  }
0x38: {  	v2 =	vld [tilespmem:s28+$0xB350];
	[tilespmem:s25+$0x4F60] =	vst v1  }
0x39: {  	v1 =	vld [tilespmem:s28+$0xB360];
	[tilespmem:s25+$0x4F70] =	vst v0;
	s25 =	smov.u32 s28  }
0x3a: {  	v0 =	vld [tilespmem:s25+$0xB370]  }
0x3b: {  	v6 =	vld [tilespmem:s25+$0x4F00]  }
0x3c: {  	v7 =	vld [tilespmem:s25+$0x4F10]  }
.Ltmp0:
0x3d: {  	v10 =	vld [tilespmem:s25+$0x4F20];
	(pc) =	sbr.rel @p0 .LBB2_3-.Ltmp0, $4  }
0x3e: {  	v9 =	vld [tilespmem:s25+$0x4F30]  }
0x3f: {  	v8 =	vld [tilespmem:s25+$0x4F40]  }
0x40: {  	v12 =	vadd.f32 v12, v6;
	v6 =	vld [tilespmem:s25+$0x4F50]  }
0x41: {  	s26 =	sadd.s32 $0x200, s26;
	v11 =	vadd.f32 v11, v7;
	v7 =	vld [tilespmem:s25+$0x4F60]  }
0x42: {  	[tilespmem:s25+$0x4F00] =	vst v12;
	v5 =	vadd.f32 v5, v10;
	v10 =	vld [tilespmem:s25+$0x4F70]  }
0x43: {  	[tilespmem:s25+$0x4F10] =	vst v11;
	v4 =	vadd.f32 v4, v9  }
0x44: {  	[tilespmem:s25+$0x4F20] =	vst v5;
	v3 =	vadd.f32 v3, v8  }
0x45: {  	[tilespmem:s25+$0x4F30] =	vst v4;
	v2 =	vadd.f32 v2, v6  }
0x46: {  	[tilespmem:s25+$0x4F40] =	vst v3;
	v1 =	vadd.f32 v1, v7  }
0x47: {  	s26 =	sadd.s32 s3, s24;
	[tilespmem:s25+$0x4F50] =	vst v2;
	v0 =	vadd.f32 v0, v10  }
0x48: {  	s26 =	sshll.u32 s26, $0x4;
	[tilespmem:s25+$0x4F60] =	vst v1  }
0x49: {  	s31 =	sadd.s32 s6, s26;
	[tilespmem:s25+$0x4F70] =	vst v0  }
0x4a: {  	[hbm4b:s31+s4] =	stream.linear.scatter [tilespmem:s13], [sflag:$0x5], $0x6400, $0x38;
	[tilespmem:$0x1DF00] =	vst v63  }
0x4b: {  	p0 =	seq.s32 s22, $0x18;
	_ =	swait.ge [sflag:s10], $0x6400  }
0x4c: {  	s28 =	simm.s32 @!p0 $0x4F00;
	[sflag:s10] =	ssyncset.done $0x0  }
0x4d: {  	s26 =	simm.s32 @!p0 $0xC8;
	s25 =	sadd.s32 @!p0 $0x190, s24;
	[sflag:s10] =	ssyncadd.s32 $0xFFFF9C00  }
0x4e: {  	[tilespmem:s28], [sflag:$0x1] =	stream.indirect.gather @!p0 [hbm4b:s2+s26], $0x80, s25, s26, $0xb8;
	[tilespmem:$0x1DF00] =	vst v63  }
0x4f: {  	s24 =	sadd.s32 @!p0 $0x2910, s24;
	s25 =	simm.s32 @!p0 $0xB300  }
0x50: {  	[tilespmem:s25], [sflag:$0x3] =	stream.indirect.gather @!p0 [hbm4b:s5+s26], $0x80, s24, s26, $0xb8;
	[tilespmem:$0x1DF00] =	vst v63  }
0x51: {  	_ =	swait.ge [sflag:s19], $0x6400  }
0x52: {  	[sflag:s19] =	ssyncset.done $0x0  }
0x53: {  	[sflag:s19] =	ssyncadd.s32 $0xFFFF9C00  }
0x54: {  	_ =	swait.ge [sflag:s20], $0x6400  }
0x55: {  	[sflag:s20] =	ssyncset.done $0x0  }
0x56: {  	s24 =	simm.s32 $0x0;
	[sflag:s20] =	ssyncadd.s32 $0xFFFF9C00  }
0x57: {  	v7 =	vld [tilespmem:s24+$0x17B00]  }
0x58: {  	v11 =	vld [tilespmem:s24+$0x17B10]  }
0x59: {  	v5 =	vld [tilespmem:s24+$0x17B20]  }
0x5a: {  	v4 =	vld [tilespmem:s24+$0x17B30]  }
0x5b: {  	v3 =	vld [tilespmem:s24+$0x17B40]  }
0x5c: {  	v2 =	vld [tilespmem:s24+$0x17B50]  }
0x5d: {  	v1 =	vld [tilespmem:s24+$0x17B60]  }
0x5e: {  	v0 =	vld [tilespmem:s24+$0x17B70]  }
0x5f: {  	v12 =	vld [tilespmem:s24+$0x11700]  }
0x60: {  	v13 =	vld [tilespmem:s24+$0x11710]  }
0x61: {  	v10 =	vld [tilespmem:s24+$0x11720]  }
0x62: {  	v9 =	vld [tilespmem:s24+$0x11730]  }
0x63: {  	v8 =	vld [tilespmem:s24+$0x11740]  }
0x64: {  	v6 =	vld [tilespmem:s24+$0x11750];
	v12 =	vadd.f32 v7, v12  }
0x65: {  	s25 =	simm.s32 $0x200;
	v11 =	vadd.f32 v11, v13;
	v7 =	vld [tilespmem:s24+$0x11760]  }
.LBB2_5:
0x66: {  	s26 =	sshra.s32 s25, $0x2;
	p0 =	sne.s32 s25, $0x18E00;
	[tilespmem:s24+$0x11700] =	vst v12;
	v5 =	vadd.f32 v5, v10;
	v10 =	vld [tilespmem:s24+$0x11770]  }
0x67: {  	v12 =	vld [tilespmem:s26+$0x17B00];
	[tilespmem:s24+$0x11710] =	vst v11;
	v4 =	vadd.f32 v4, v9  }
0x68: {  	v11 =	vld [tilespmem:s26+$0x17B10];
	[tilespmem:s24+$0x11720] =	vst v5;
	v3 =	vadd.f32 v3, v8  }
0x69: {  	v5 =	vld [tilespmem:s26+$0x17B20];
	[tilespmem:s24+$0x11730] =	vst v4;
	v2 =	vadd.f32 v2, v6  }
0x6a: {  	v4 =	vld [tilespmem:s26+$0x17B30];
	[tilespmem:s24+$0x11740] =	vst v3;
	v1 =	vadd.f32 v1, v7  }
0x6b: {  	v3 =	vld [tilespmem:s26+$0x17B40];
	[tilespmem:s24+$0x11750] =	vst v2;
	v0 =	vadd.f32 v0, v10  }
0x6c: {  	v2 =	vld [tilespmem:s26+$0x17B50];
	[tilespmem:s24+$0x11760] =	vst v1  }
0x6d: {  	v1 =	vld [tilespmem:s26+$0x17B60];
	[tilespmem:s24+$0x11770] =	vst v0;
	s24 =	smov.u32 s26  }
0x6e: {  	v0 =	vld [tilespmem:s24+$0x17B70]  }
0x6f: {  	v6 =	vld [tilespmem:s24+$0x11700]  }
0x70: {  	v7 =	vld [tilespmem:s24+$0x11710]  }
.Ltmp1:
0x71: {  	v10 =	vld [tilespmem:s24+$0x11720];
	(pc) =	sbr.rel @p0 .LBB2_5-.Ltmp1, $4  }
0x72: {  	v9 =	vld [tilespmem:s24+$0x11730]  }
0x73: {  	v8 =	vld [tilespmem:s24+$0x11740]  }
0x74: {  	v12 =	vadd.f32 v12, v6;
	v6 =	vld [tilespmem:s24+$0x11750]  }
0x75: {  	s25 =	sadd.s32 $0x200, s25;
	v11 =	vadd.f32 v11, v7;
	v7 =	vld [tilespmem:s24+$0x11760]  }
0x76: {  	[tilespmem:s24+$0x11700] =	vst v12;
	v5 =	vadd.f32 v5, v10;
	v63 =	vld [tilespmem:s24+$0x11770]  }
0x77: {  	[tilespmem:s24+$0x11710] =	vst v11;
	v4 =	vadd.f32 v4, v9  }
0x78: {  	[tilespmem:s24+$0x11720] =	vst v5;
	v3 =	vadd.f32 v3, v8  }
0x79: {  	[tilespmem:s24+$0x11730] =	vst v4;
	v2 =	vadd.f32 v2, v6  }
0x7a: {  	[tilespmem:s24+$0x11740] =	vst v3;
	v1 =	vadd.f32 v1, v7  }
0x7b: {  	s23 =	sadd.s32 s3, s23;
	s22 =	sadd.s32 $0x1, s22;
	[tilespmem:s24+$0x11750] =	vst v2;
	v0 =	vadd.f32 v0, v63  }
0x7c: {  	s23 =	sshll.u32 s23, $0x4;
	p0 =	sne.s32 s22, $0x19;
	[tilespmem:s24+$0x11760] =	vst v1  }
.Ltmp2:
0x7d: {  	s23 =	sadd.s32 s6, s23;
	[tilespmem:s24+$0x11770] =	vst v0;
	(pc) =	sbr.rel @p0 .LBB2_2-.Ltmp2, $4  }
0x7e: {  	[hbm4b:s23+s4] =	stream.linear.scatter [tilespmem:s15], [sflag:$0x5], $0x6400, $0x38;
	[tilespmem:$0x1DF00] =	vst v63  }
0x7f: {  	_ =	swait.ge [sflag:s10], $0x6400  }
0x80: {  	[sflag:s10] =	ssyncset.done $0x0  }
0x81: {  	[sflag:s10] =	ssyncadd.s32 $0xFFFF9C00  }
0x82: {  	s21 =	sadd.s32 $0x1, s21  }
0x83: {  	p0 =	sne.s32 s21, s9  }
.Ltmp3:
0x84: {  	_ = 	snop;
	(pc) =	sbr.rel @p0 .LBB2_1-.Ltmp3, $1  }
0x85: {  	_ =	sdelay $0x3  }
0x86: {  	_ =	sfence.sel $0x180000  }
0x87: {  	[bflag:$0x0] =	sbarrier.arrive $0xFFFF  }
0x88: {  	p0 =	sne.s32 s0, $0x0;
	_ =	strace $0x90000047  }
0x89: {  	s0 =	sadd.s32 @!p0 $0x100000, s1;
	[bflag:$0x2] =	sbarrier.arrive $0xFFFF  }
0x8a: {  	[sflag:s0] =	ssyncadd.tile.s32 @!p0 $0x1;
	_ =	shalt  }
.Lfunc_end2:
_tile_overlayer_lowered:
.L_overlay_start_2:
0x8b: {  	(tag) =	ssettag $0x2  }
0x8c: {  	s0 =	rddreg [dreg:$0x0];
	s2 =	stileid.u32  }
0x8d: {  	s1 =	rddreg [dreg:$0x1];
	p0 =	sne.s32 s2, $0x0  }
0x8e: {  	s3 =	rddreg [dreg:$0x2];
	[bflag:$0x3] =	sbarrier.arrive $0xFFFF;
	s2 =	simm.s32 @!p0 $0x1C05  }
0x8f: {  	[timem:s3], [sflag:s2] =	dma.local @!p0 [hbm:s0], s1  }
0x90: {  	s0 =	simm.s32 @!p0 $0x5  }
0x91: {  	_ =	swait.ge @!p0 [sflag:s0], s1  }
0x92: {  	s1 =	ssub.s32 @!p0 $0x0, s1;
	[sflag:s0] =	ssyncset.done @!p0 $0x0  }
0x93: {  	[sflag:s0] =	ssyncadd.s32 @!p0 s1  }
0x94: {  	[bflag:$0x3] =	sbarrier.arrive $0xFFFF  }
0x95: {  	_ =	shalt  }

</sc_bundles>
